<compile_context>
chip_gen: v7x
topology: tpu7x:2x2x1
jax: 0.10.2.dev20260603
libtpu: 0.0.44.dev20260713+nightly
codegen_flags: <defaults>
</compile_context>

<pallas_src>
import functools

import jax
import jax.numpy as jnp
from jax import lax
from jax.experimental import pallas as pl
from jax.experimental.pallas import tpu as pltpu
from jax.experimental.pallas import tpu_sc as plsc

_NSC = 2
_NSUB = 16
_NW = _NSC * _NSUB
_CW = 125
_ROW_BLK = 2000

_mesh = plsc.VectorSubcoreMesh(core_axis_name="c", subcore_axis_name="s")
_SC_PARAMS = pltpu.CompilerParams(use_tc_tiling_on_sc=False)


_HW = 16


def _sc_degrees(nidx, hidx, ones_col, z1):
    nw, nch, cw = nidx.shape
    n = z1.shape[0]
    rps = (n // _NSUB) & ~7
    tail = n - rps * _NSUB

    @functools.partial(
        pl.kernel,
        out_type=(jax.ShapeDtypeStruct((_NSC, n, _HW), jnp.float32),
                  jax.ShapeDtypeStruct((_NSC, n, _HW), jnp.float32)),
        mesh=_mesh,
        scratch_types=[
            pltpu.VMEM((nch, cw), jnp.int32),
            pltpu.VMEM((nch, cw), jnp.int32),
            pltpu.VMEM((cw, _HW), jnp.float32),
            pltpu.VMEM_SHARED((n, _HW), jnp.float32),
            pltpu.VMEM_SHARED((n, _HW), jnp.float32),
        ],
        compiler_params=_SC_PARAMS,
    )
    def run(n_hbm, h_hbm, ones_hbm, z_hbm, dv_hbm, de_hbm,
            n_v, h_v, ones_v, dv_acc, de_acc):
        c = lax.axis_index("c")
        s = lax.axis_index("s")
        w = c * _NSUB + s
        pltpu.sync_copy(n_hbm.at[w], n_v)
        pltpu.sync_copy(h_hbm.at[w], h_v)
        pltpu.sync_copy(ones_hbm, ones_v)
        sl = pl.ds(s * rps, rps)
        pltpu.sync_copy(z_hbm.at[sl], dv_acc.at[sl])
        pltpu.sync_copy(z_hbm.at[sl], de_acc.at[sl])
        if tail:
            tl = pl.ds(rps * _NSUB, tail)

            @pl.when(s == 0)
            def _():
                pltpu.sync_copy(z_hbm.at[tl], dv_acc.at[tl])
                pltpu.sync_copy(z_hbm.at[tl], de_acc.at[tl])
        plsc.subcore_barrier()

        @pl.loop(0, nch)
        def _(j):
            pltpu.sync_copy(ones_v, dv_acc.at[n_v.at[j]], add=True)
            pltpu.sync_copy(ones_v, de_acc.at[h_v.at[j]], add=True)

        plsc.subcore_barrier()
        pltpu.sync_copy(dv_acc.at[sl], dv_hbm.at[c, sl])
        pltpu.sync_copy(de_acc.at[sl], de_hbm.at[c, sl])
        if tail:
            tl2 = pl.ds(rps * _NSUB, tail)

            @pl.when(s == 0)
            def _():
                pltpu.sync_copy(dv_acc.at[tl2], dv_hbm.at[c, tl2])
                pltpu.sync_copy(de_acc.at[tl2], de_hbm.at[c, tl2])

    return run(nidx, hidx, ones_col, z1)


def _sc_scatter_pass(tab, gidx, sidx, zeros):
    n, d = tab.shape
    nw, nch, cw = gidx.shape
    rps = (n // _NSUB) & ~7
    tail = n - rps * _NSUB
    nbuf = 2 if d > 64 else 4
    nhalves = 2 if d > 64 else 1
    nh = nch // nhalves
    assert nh * nhalves == nch and nh % nbuf == 0

    @functools.partial(
        pl.kernel,
        out_type=jax.ShapeDtypeStruct((_NSC, n, d), jnp.float32),
        mesh=_mesh,
        scratch_types=(
            [pltpu.VMEM((nh, cw), jnp.int32),
             pltpu.VMEM((nh, cw), jnp.int32)]
            + [pltpu.VMEM((cw, d), jnp.float32) for _ in range(nbuf)]
            + [pltpu.VMEM_SHARED((n, d), jnp.float32)]
            + [pltpu.SemaphoreType.DMA for _ in range(nbuf)]
        ),
        compiler_params=_SC_PARAMS,
    )
    def run(tab_hbm, g_hbm, s_hbm, z_hbm, out_hbm, g_v, s_v, *rest):
        bufs = rest[:nbuf]
        acc = rest[nbuf]
        sems = rest[nbuf + 1:]
        c = lax.axis_index("c")
        s = lax.axis_index("s")
        w = c * _NSUB + s
        sl = pl.ds(s * rps, rps)
        pltpu.sync_copy(z_hbm.at[sl], acc.at[sl])
        if tail:
            tl = pl.ds(rps * _NSUB, tail)

            @pl.when(s == 0)
            def _():
                pltpu.sync_copy(z_hbm.at[tl], acc.at[tl])
        plsc.subcore_barrier()

        for h in range(nhalves):
            pltpu.sync_copy(g_hbm.at[w, pl.ds(h * nh, nh)], g_v)
            pltpu.sync_copy(s_hbm.at[w, pl.ds(h * nh, nh)], s_v)
            for b in range(nbuf):
                pltpu.async_copy(tab_hbm.at[g_v.at[b]], bufs[b], sems[b])

            @pl.loop(0, nh, step=nbuf)
            def _(j):
                for b in range(nbuf):
                    pltpu.make_async_copy(tab_hbm.at[pl.ds(0, cw)], bufs[b],
                                          sems[b]).wait()
                    pltpu.sync_copy(bufs[b], acc.at[s_v.at[j + b]], add=True)

                    @pl.when(j + nbuf + b < nh)
                    def _(b=b):
                        pltpu.async_copy(tab_hbm.at[g_v.at[j + nbuf + b]],
                                         bufs[b], sems[b])

        plsc.subcore_barrier()
        pltpu.sync_copy(acc.at[sl], out_hbm.at[c, sl])
        if tail:
            tl2 = pl.ds(rps * _NSUB, tail)

            @pl.when(s == 0)
            def _():
                pltpu.sync_copy(acc.at[tl2], out_hbm.at[c, tl2])

    return run(tab, gidx, sidx, zeros)


def _lin1_body(x_ref, w_ref, b_ref, dv_ref, de_ref,
               h_ref, dvis_ref, dei_ref):
    dv = dv_ref[0, :, :1] + dv_ref[1, :, :1]
    dvis = jnp.where(dv > 0, lax.rsqrt(jnp.maximum(dv, 1e-12)), 0.0)
    de = de_ref[0, :, :1] + de_ref[1, :, :1]
    dei = jnp.where(de > 0, 1.0 / jnp.maximum(de, 1e-12), 0.0)
    dvis_ref[...] = dvis
    dei_ref[...] = dei
    m = (jnp.dot(x_ref[...], w_ref[...],
                 preferred_element_type=jnp.float32) + b_ref[...])
    h_ref[...] = m * dvis


def _tc_linear1_scale(x, w, b, dv_p, de_p):
    n, din = x.shape
    dh = w.shape[1]
    col = lambda i: (i, 0)
    pspec = pl.BlockSpec((_NSC, _ROW_BLK, _HW), lambda i: (0, i, 0))
    cspec = pl.BlockSpec((_ROW_BLK, 1), col)
    return pl.pallas_call(
        _lin1_body,
        grid=(n // _ROW_BLK,),
        in_specs=[pl.BlockSpec((_ROW_BLK, din), col),
                  pl.BlockSpec((din, dh), lambda i: (0, 0)),
                  pl.BlockSpec((1, dh), lambda i: (0, 0)),
                  pspec, pspec],
        out_specs=[pl.BlockSpec((_ROW_BLK, dh), col), cspec, cspec],
        out_shape=[jax.ShapeDtypeStruct((n, dh), jnp.float32),
                   jax.ShapeDtypeStruct((n, 1), jnp.float32),
                   jax.ShapeDtypeStruct((n, 1), jnp.float32)],
    )(x, w, b, dv_p, de_p)


def _comb_body(p_ref, sc_ref, o_ref):
    o_ref[...] = (p_ref[0] + p_ref[1]) * sc_ref[...]


def _tc_combine(p, scale, dout=None):
    _, n, d = p.shape
    do = d if dout is None else dout
    col = lambda i: (i, 0)

    def body(p_ref, sc_ref, o_ref):
        o_ref[...] = ((p_ref[0] + p_ref[1]) * sc_ref[...])[:, :do]

    return pl.pallas_call(
        body,
        grid=(n // _ROW_BLK,),
        in_specs=[pl.BlockSpec((_NSC, _ROW_BLK, d), lambda i: (0, i, 0)),
                  pl.BlockSpec((_ROW_BLK, 1), col)],
        out_specs=pl.BlockSpec((_ROW_BLK, do), col),
        out_shape=jax.ShapeDtypeStruct((n, do), jnp.float32),
    )(p, scale)


def _layer2_body(p_ref, dvis_ref, w_ref, b_ref, o_ref):
    t = jax.nn.relu((p_ref[0] + p_ref[1]) * dvis_ref[...])
    o_ref[...] = (jnp.dot(t, w_ref[...], preferred_element_type=jnp.float32)
                  + b_ref[...]) * dvis_ref[...]


def _tc_layer2(p, dvis, w2p, b2p):
    _, n, dh = p.shape
    d2 = w2p.shape[1]
    col = lambda i: (i, 0)
    return pl.pallas_call(
        _layer2_body,
        grid=(n // _ROW_BLK,),
        in_specs=[pl.BlockSpec((_NSC, _ROW_BLK, dh), lambda i: (0, i, 0)),
                  pl.BlockSpec((_ROW_BLK, 1), col),
                  pl.BlockSpec((dh, d2), lambda i: (0, 0)),
                  pl.BlockSpec((1, d2), lambda i: (0, 0))],
        out_specs=pl.BlockSpec((_ROW_BLK, d2), col),
        out_shape=jax.ShapeDtypeStruct((n, d2), jnp.float32),
    )(p, dvis, w2p, b2p)


def kernel(x, hyperedge_index, W1, b1, W2, b2):
    n, din = x.shape
    dh = W1.shape[1]
    nc = W2.shape[1]
    e = hyperedge_index.shape[1]
    per = e // _NW
    nch = per // _CW
    assert per * _NW == e and nch * _CW == per and nch % 2 == 0

    node_rs = hyperedge_index[0].reshape(_NW, nch, _CW)
    he_rs = hyperedge_index[1].reshape(_NW, nch, _CW)

    d2 = 48
    z128 = jnp.zeros((n, dh), jnp.float32)
    z48 = jnp.zeros((n, d2), jnp.float32)
    z1 = jnp.zeros((n, _HW), jnp.float32)
    ones_col = jnp.ones((_CW, _HW), jnp.float32)
    w2p = jnp.pad(W2, ((0, 0), (0, d2 - nc)))
    b2p = jnp.pad(b2, (0, d2 - nc)).reshape(1, d2)

    dv_p, de_p = _sc_degrees(node_rs, he_rs, ones_col, z1)
    h1s, dvis, dei = _tc_linear1_scale(x, W1, b1.reshape(1, dh), dv_p, de_p)

    he_a = _sc_scatter_pass(h1s, node_rs, he_rs, z128)
    he1 = _tc_combine(he_a, dei)
    nb = _sc_scatter_pass(he1, he_rs, node_rs, z128)

    h2s = _tc_layer2(nb, dvis, w2p, b2p)

    he_a2 = _sc_scatter_pass(h2s, node_rs, he_rs, z48)
    he2 = _tc_combine(he_a2, dei)
    nb2 = _sc_scatter_pass(he2, he_rs, node_rs, z48)
    return _tc_combine(nb2, dvis, dout=nc)

# --- scband reference (transcript-rebuilt; emitter-appended) ---
"""Pipeline reference for scband-hgnn-88931592831096 (READ-ONLY COPY).

The authoritative reference and input builder live on the scoring server;
editing this copy changes nothing except your own understanding.
"""

import jax, jax.numpy as jnp
import numpy as np

N = 10000      # num_nodes
E = 320000     # num incidences
NHE = 10000    # num hyperedges
DIN = 128
DH = 128
NC = 40


def setup_inputs(seed: int = 0) -> dict:
    key = jax.random.key(seed)
    k1, k2, k3, k4, k5, k6 = jax.random.split(key, 6)
    x = jax.random.normal(k1, (N, DIN), dtype=jnp.float32)
    hyperedge_index = jax.random.randint(k2, (2, E), 0, N, dtype=jnp.int32)
    W1 = jax.random.normal(k3, (DIN, DH), dtype=jnp.float32) * 0.05
    b1 = jnp.zeros((DH,), dtype=jnp.float32)
    W2 = jax.random.normal(k4, (DH, NC), dtype=jnp.float32) * 0.05
    b2 = jnp.zeros((NC,), dtype=jnp.float32)
    return {"x": x, "hyperedge_index": hyperedge_index, "W1": W1, "b1": b1, "W2": W2, "b2": b2}


def _hgnn_smoothing(x, node_idx, he_idx):
    # Applies L = D_v^{-1/2} H D_e^{-1} H^T D_v^{-1/2} to x via two-hop scatter.
    ones = jnp.ones(node_idx.shape[0], dtype=jnp.float32)
    dv = jax.ops.segment_sum(ones, node_idx, num_segments=N)
    de = jax.ops.segment_sum(ones, he_idx, num_segments=NHE)
    dv_inv_sqrt = jnp.where(dv > 0, 1.0 / jnp.sqrt(jnp.maximum(dv, 1e-12)), 0.0)
    de_inv = jnp.where(de > 0, 1.0 / jnp.maximum(de, 1e-12), 0.0)
    h = x * dv_inv_sqrt[:, None]
    # nodes -> hyperedges
    msg = jnp.take(h, node_idx, axis=0)
    he_feat = jax.ops.segment_sum(msg, he_idx, num_segments=NHE)
    he_feat = he_feat * de_inv[:, None]
    # hyperedges -> nodes
    msg2 = jnp.take(he_feat, he_idx, axis=0)
    out = jax.ops.segment_sum(msg2, node_idx, num_segments=N)
    out = out * dv_inv_sqrt[:, None]
    return out


def reference(x, hyperedge_index, W1, b1, W2, b2):
    node_idx = hyperedge_index[0]
    he_idx = hyperedge_index[1]
    # Layer 1: HGNNConv (theta, smoothing, relu; dropout disabled in eval, no BN)
    h = x @ W1 + b1
    h = _hgnn_smoothing(h, node_idx, he_idx)
    h = jax.nn.relu(h)
    # Layer 2: HGNNConv (output layer, is_last=True -> no activation)
    h = h @ W2 + b2
    h = _hgnn_smoothing(h, node_idx, he_idx)
    return h

if __name__ == "__main__":
    import jax
    _d = setup_inputs()
    print(jax.jit(kernel)(*tuple(_d.values())))

</pallas_src>

<mosaic_0001>
#map = affine_map<(d0, d1) -> (0, 0, 0)>
#map1 = affine_map<(d0, d1) -> (0, 0)>
module attributes {stable_mosaic.version = 14 : i64} {
  func.func @run(%arg0: i32, %arg1: i32, %arg2: memref<32x80x125xi32, #tpu.memory_space<hbm>>, %arg3: memref<32x80x125xi32, #tpu.memory_space<hbm>>, %arg4: memref<125x16xf32, #tpu.memory_space<hbm>>, %arg5: memref<10000x16xf32, #tpu.memory_space<hbm>>, %arg6: memref<2x10000x16xf32, #tpu.memory_space<hbm>>, %arg7: memref<2x10000x16xf32, #tpu.memory_space<hbm>>, %arg8: memref<80x125xi32, #tpu.memory_space<vmem>>, %arg9: memref<80x125xi32, #tpu.memory_space<vmem>>, %arg10: memref<125x16xf32, #tpu.memory_space<vmem>>, %arg11: memref<10000x16xf32, #tpu.memory_space<vmem_shared>>, %arg12: memref<10000x16xf32, #tpu.memory_space<vmem_shared>>) attributes {dimension_semantics = [#tpu.dimension_semantics<core_parallel>, #tpu.dimension_semantics<subcore_parallel>], iteration_bounds = array<i64: 2, 16>, scalar_prefetch = 0 : i64, scratch_operands = 5 : i64, tpu.core_type = #tpu.core_type<sc_vector_subcore>, window_params = [{transform_indices = #map}, {transform_indices = #map}, {transform_indices = #map1}, {transform_indices = #map1}, {transform_indices = #map}, {transform_indices = #map}]} {
    %mul3A = arith.constant 16 : i32
    %mul3A_0 = arith.muli %arg0, %mul3A : i32
    %add3A = arith.addi %mul3A_0, %arg1 : i32
    "tpu.region"() ({
      %run_scoped3A = tpu.sem_alloc : memref<!tpu.dma_semaphore, #tpu.memory_space<semaphore_mem>>
      %dma_start3A = arith.constant 0 : i32
      %dma_start3A_15 = arith.constant 0 : i32
      %dma_start3A_16 = tpu.memref_slice %arg2[%add3A, %dma_start3A, %dma_start3A_15] : memref<32x80x125xi32, #tpu.memory_space<hbm>> -> memref<1x80x125xi32, #tpu.memory_space<hbm>>
      %dma_start3A_17 = tpu.memref_squeeze %dma_start3A_16 : memref<1x80x125xi32, #tpu.memory_space<hbm>> -> memref<80x125xi32, #tpu.memory_space<hbm>>
      %dma_start3A_18 = arith.constant 0 : i32
      %dma_start3A_19 = arith.constant 0 : i32
      %dma_start3A_20 = tpu.memref_slice %arg2[%add3A, %dma_start3A_18, %dma_start3A_19] : memref<32x80x125xi32, #tpu.memory_space<hbm>> -> memref<1x80x125xi32, #tpu.memory_space<hbm>>
      %dma_start3A_21 = tpu.memref_squeeze %dma_start3A_20 : memref<1x80x125xi32, #tpu.memory_space<hbm>> -> memref<80x125xi32, #tpu.memory_space<hbm>>
      tpu.enqueue_dma source(%dma_start3A_21 : memref<80x125xi32, #tpu.memory_space<hbm>>) target(%arg8 : memref<80x125xi32, #tpu.memory_space<vmem>>) target_semaphore(%run_scoped3A : memref<!tpu.dma_semaphore, #tpu.memory_space<semaphore_mem>>)
      %dma_wait3A = arith.constant 0 : i32
      %dma_wait3A_22 = arith.constant 0 : i32
      %dma_wait3A_23 = tpu.memref_slice %arg2[%add3A, %dma_wait3A, %dma_wait3A_22] : memref<32x80x125xi32, #tpu.memory_space<hbm>> -> memref<1x80x125xi32, #tpu.memory_space<hbm>>
      %dma_wait3A_24 = tpu.memref_squeeze %dma_wait3A_23 : memref<1x80x125xi32, #tpu.memory_space<hbm>> -> memref<80x125xi32, #tpu.memory_space<hbm>>
      %dma_wait3A_25 = arith.constant 0 : i32
      %dma_wait3A_26 = arith.constant 0 : i32
      %dma_wait3A_27 = tpu.memref_slice %arg2[%add3A, %dma_wait3A_25, %dma_wait3A_26] : memref<32x80x125xi32, #tpu.memory_space<hbm>> -> memref<1x80x125xi32, #tpu.memory_space<hbm>>
      %dma_wait3A_28 = tpu.memref_squeeze %dma_wait3A_27 : memref<1x80x125xi32, #tpu.memory_space<hbm>> -> memref<80x125xi32, #tpu.memory_space<hbm>>
      tpu.wait_dma2 semaphore(%run_scoped3A : memref<!tpu.dma_semaphore, #tpu.memory_space<semaphore_mem>>) src(%dma_wait3A_28 : memref<80x125xi32, #tpu.memory_space<hbm>>) dst(%arg8 : memref<80x125xi32, #tpu.memory_space<vmem>>)
      tpu.yield
    }) : () -> ()
    "tpu.region"() ({
      %run_scoped3A = tpu.sem_alloc : memref<!tpu.dma_semaphore, #tpu.memory_space<semaphore_mem>>
      %dma_start3A = arith.constant 0 : i32
      %dma_start3A_15 = arith.constant 0 : i32
      %dma_start3A_16 = tpu.memref_slice %arg3[%add3A, %dma_start3A, %dma_start3A_15] : memref<32x80x125xi32, #tpu.memory_space<hbm>> -> memref<1x80x125xi32, #tpu.memory_space<hbm>>
      %dma_start3A_17 = tpu.memref_squeeze %dma_start3A_16 : memref<1x80x125xi32, #tpu.memory_space<hbm>> -> memref<80x125xi32, #tpu.memory_space<hbm>>
      %dma_start3A_18 = arith.constant 0 : i32
      %dma_start3A_19 = arith.constant 0 : i32
      %dma_start3A_20 = tpu.memref_slice %arg3[%add3A, %dma_start3A_18, %dma_start3A_19] : memref<32x80x125xi32, #tpu.memory_space<hbm>> -> memref<1x80x125xi32, #tpu.memory_space<hbm>>
      %dma_start3A_21 = tpu.memref_squeeze %dma_start3A_20 : memref<1x80x125xi32, #tpu.memory_space<hbm>> -> memref<80x125xi32, #tpu.memory_space<hbm>>
      tpu.enqueue_dma source(%dma_start3A_21 : memref<80x125xi32, #tpu.memory_space<hbm>>) target(%arg9 : memref<80x125xi32, #tpu.memory_space<vmem>>) target_semaphore(%run_scoped3A : memref<!tpu.dma_semaphore, #tpu.memory_space<semaphore_mem>>)
      %dma_wait3A = arith.constant 0 : i32
      %dma_wait3A_22 = arith.constant 0 : i32
      %dma_wait3A_23 = tpu.memref_slice %arg3[%add3A, %dma_wait3A, %dma_wait3A_22] : memref<32x80x125xi32, #tpu.memory_space<hbm>> -> memref<1x80x125xi32, #tpu.memory_space<hbm>>
      %dma_wait3A_24 = tpu.memref_squeeze %dma_wait3A_23 : memref<1x80x125xi32, #tpu.memory_space<hbm>> -> memref<80x125xi32, #tpu.memory_space<hbm>>
      %dma_wait3A_25 = arith.constant 0 : i32
      %dma_wait3A_26 = arith.constant 0 : i32
      %dma_wait3A_27 = tpu.memref_slice %arg3[%add3A, %dma_wait3A_25, %dma_wait3A_26] : memref<32x80x125xi32, #tpu.memory_space<hbm>> -> memref<1x80x125xi32, #tpu.memory_space<hbm>>
      %dma_wait3A_28 = tpu.memref_squeeze %dma_wait3A_27 : memref<1x80x125xi32, #tpu.memory_space<hbm>> -> memref<80x125xi32, #tpu.memory_space<hbm>>
      tpu.wait_dma2 semaphore(%run_scoped3A : memref<!tpu.dma_semaphore, #tpu.memory_space<semaphore_mem>>) src(%dma_wait3A_28 : memref<80x125xi32, #tpu.memory_space<hbm>>) dst(%arg9 : memref<80x125xi32, #tpu.memory_space<vmem>>)
      tpu.yield
    }) : () -> ()
    "tpu.region"() ({
      %run_scoped3A = tpu.sem_alloc : memref<!tpu.dma_semaphore, #tpu.memory_space<semaphore_mem>>
      tpu.enqueue_dma source(%arg4 : memref<125x16xf32, #tpu.memory_space<hbm>>) target(%arg10 : memref<125x16xf32, #tpu.memory_space<vmem>>) target_semaphore(%run_scoped3A : memref<!tpu.dma_semaphore, #tpu.memory_space<semaphore_mem>>)
      tpu.wait_dma2 semaphore(%run_scoped3A : memref<!tpu.dma_semaphore, #tpu.memory_space<semaphore_mem>>) src(%arg4 : memref<125x16xf32, #tpu.memory_space<hbm>>) dst(%arg10 : memref<125x16xf32, #tpu.memory_space<vmem>>)
      tpu.yield
    }) : () -> ()
    %mul3A_1 = arith.constant 624 : i32
    %mul3A_2 = arith.muli %arg1, %mul3A_1 : i32
    "tpu.region"() ({
      %run_scoped3A = tpu.sem_alloc : memref<!tpu.dma_semaphore, #tpu.memory_space<semaphore_mem>>
      %dma_start3A = arith.constant 0 : i32
      %dma_start3A_15 = tpu.memref_slice %arg11[%mul3A_2, %dma_start3A] : memref<10000x16xf32, #tpu.memory_space<vmem_shared>> -> memref<624x16xf32, #tpu.memory_space<vmem_shared>>
      %dma_start3A_16 = arith.constant 0 : i32
      %dma_start3A_17 = tpu.memref_slice %arg5[%mul3A_2, %dma_start3A_16] : memref<10000x16xf32, #tpu.memory_space<hbm>> -> memref<624x16xf32, #tpu.memory_space<hbm>>
      tpu.enqueue_dma source(%dma_start3A_17 : memref<624x16xf32, #tpu.memory_space<hbm>>) target(%dma_start3A_15 : memref<624x16xf32, #tpu.memory_space<vmem_shared>>) target_semaphore(%run_scoped3A : memref<!tpu.dma_semaphore, #tpu.memory_space<semaphore_mem>>)
      %dma_wait3A = arith.constant 0 : i32
      %dma_wait3A_18 = tpu.memref_slice %arg11[%mul3A_2, %dma_wait3A] : memref<10000x16xf32, #tpu.memory_space<vmem_shared>> -> memref<624x16xf32, #tpu.memory_space<vmem_shared>>
      %dma_wait3A_19 = arith.constant 0 : i32
      %dma_wait3A_20 = tpu.memref_slice %arg5[%mul3A_2, %dma_wait3A_19] : memref<10000x16xf32, #tpu.memory_space<hbm>> -> memref<624x16xf32, #tpu.memory_space<hbm>>
      tpu.wait_dma2 semaphore(%run_scoped3A : memref<!tpu.dma_semaphore, #tpu.memory_space<semaphore_mem>>) src(%dma_wait3A_20 : memref<624x16xf32, #tpu.memory_space<hbm>>) dst(%dma_wait3A_18 : memref<624x16xf32, #tpu.memory_space<vmem_shared>>)
      tpu.yield
    }) : () -> ()
    "tpu.region"() ({
      %run_scoped3A = tpu.sem_alloc : memref<!tpu.dma_semaphore, #tpu.memory_space<semaphore_mem>>
      %dma_start3A = arith.constant 0 : i32
      %dma_start3A_15 = tpu.memref_slice %arg12[%mul3A_2, %dma_start3A] : memref<10000x16xf32, #tpu.memory_space<vmem_shared>> -> memref<624x16xf32, #tpu.memory_space<vmem_shared>>
      %dma_start3A_16 = arith.constant 0 : i32
      %dma_start3A_17 = tpu.memref_slice %arg5[%mul3A_2, %dma_start3A_16] : memref<10000x16xf32, #tpu.memory_space<hbm>> -> memref<624x16xf32, #tpu.memory_space<hbm>>
      tpu.enqueue_dma source(%dma_start3A_17 : memref<624x16xf32, #tpu.memory_space<hbm>>) target(%dma_start3A_15 : memref<624x16xf32, #tpu.memory_space<vmem_shared>>) target_semaphore(%run_scoped3A : memref<!tpu.dma_semaphore, #tpu.memory_space<semaphore_mem>>)
      %dma_wait3A = arith.constant 0 : i32
      %dma_wait3A_18 = tpu.memref_slice %arg12[%mul3A_2, %dma_wait3A] : memref<10000x16xf32, #tpu.memory_space<vmem_shared>> -> memref<624x16xf32, #tpu.memory_space<vmem_shared>>
      %dma_wait3A_19 = arith.constant 0 : i32
      %dma_wait3A_20 = tpu.memref_slice %arg5[%mul3A_2, %dma_wait3A_19] : memref<10000x16xf32, #tpu.memory_space<hbm>> -> memref<624x16xf32, #tpu.memory_space<hbm>>
      tpu.wait_dma2 semaphore(%run_scoped3A : memref<!tpu.dma_semaphore, #tpu.memory_space<semaphore_mem>>) src(%dma_wait3A_20 : memref<624x16xf32, #tpu.memory_space<hbm>>) dst(%dma_wait3A_18 : memref<624x16xf32, #tpu.memory_space<vmem_shared>>)
      tpu.yield
    }) : () -> ()
    %eq3A = arith.constant 0 : i32
    %eq3A_3 = arith.cmpi eq, %arg1, %eq3A : i32
    %convert_element_type3A = arith.extui %eq3A_3 : i1 to i32
    %cond3A = arith.constant 0 : i32
    %cond3A_4 = arith.cmpi ne, %convert_element_type3A, %cond3A : i32
    scf.if %cond3A_4 {
      "tpu.region"() ({
        %run_scoped3A = tpu.sem_alloc : memref<!tpu.dma_semaphore, #tpu.memory_space<semaphore_mem>>
        %dma_start3A = arith.constant 9984 : i32
        %dma_start3A_15 = arith.constant 0 : i32
        %dma_start3A_16 = tpu.memref_slice %arg11[%dma_start3A, %dma_start3A_15] : memref<10000x16xf32, #tpu.memory_space<vmem_shared>> -> memref<16x16xf32, #tpu.memory_space<vmem_shared>>
        %dma_start3A_17 = arith.constant 9984 : i32
        %dma_start3A_18 = arith.constant 0 : i32
        %dma_start3A_19 = tpu.memref_slice %arg5[%dma_start3A_17, %dma_start3A_18] : memref<10000x16xf32, #tpu.memory_space<hbm>> -> memref<16x16xf32, #tpu.memory_space<hbm>>
        tpu.enqueue_dma source(%dma_start3A_19 : memref<16x16xf32, #tpu.memory_space<hbm>>) target(%dma_start3A_16 : memref<16x16xf32, #tpu.memory_space<vmem_shared>>) target_semaphore(%run_scoped3A : memref<!tpu.dma_semaphore, #tpu.memory_space<semaphore_mem>>)
        %dma_wait3A = arith.constant 9984 : i32
        %dma_wait3A_20 = arith.constant 0 : i32
        %dma_wait3A_21 = tpu.memref_slice %arg11[%dma_wait3A, %dma_wait3A_20] : memref<10000x16xf32, #tpu.memory_space<vmem_shared>> -> memref<16x16xf32, #tpu.memory_space<vmem_shared>>
        %dma_wait3A_22 = arith.constant 9984 : i32
        %dma_wait3A_23 = arith.constant 0 : i32
        %dma_wait3A_24 = tpu.memref_slice %arg5[%dma_wait3A_22, %dma_wait3A_23] : memref<10000x16xf32, #tpu.memory_space<hbm>> -> memref<16x16xf32, #tpu.memory_space<hbm>>
        tpu.wait_dma2 semaphore(%run_scoped3A : memref<!tpu.dma_semaphore, #tpu.memory_space<semaphore_mem>>) src(%dma_wait3A_24 : memref<16x16xf32, #tpu.memory_space<hbm>>) dst(%dma_wait3A_21 : memref<16x16xf32, #tpu.memory_space<vmem_shared>>)
        tpu.yield
      }) : () -> ()
      "tpu.region"() ({
        %run_scoped3A = tpu.sem_alloc : memref<!tpu.dma_semaphore, #tpu.memory_space<semaphore_mem>>
        %dma_start3A = arith.constant 9984 : i32
        %dma_start3A_15 = arith.constant 0 : i32
        %dma_start3A_16 = tpu.memref_slice %arg12[%dma_start3A, %dma_start3A_15] : memref<10000x16xf32, #tpu.memory_space<vmem_shared>> -> memref<16x16xf32, #tpu.memory_space<vmem_shared>>
        %dma_start3A_17 = arith.constant 9984 : i32
        %dma_start3A_18 = arith.constant 0 : i32
        %dma_start3A_19 = tpu.memref_slice %arg5[%dma_start3A_17, %dma_start3A_18] : memref<10000x16xf32, #tpu.memory_space<hbm>> -> memref<16x16xf32, #tpu.memory_space<hbm>>
        tpu.enqueue_dma source(%dma_start3A_19 : memref<16x16xf32, #tpu.memory_space<hbm>>) target(%dma_start3A_16 : memref<16x16xf32, #tpu.memory_space<vmem_shared>>) target_semaphore(%run_scoped3A : memref<!tpu.dma_semaphore, #tpu.memory_space<semaphore_mem>>)
        %dma_wait3A = arith.constant 9984 : i32
        %dma_wait3A_20 = arith.constant 0 : i32
        %dma_wait3A_21 = tpu.memref_slice %arg12[%dma_wait3A, %dma_wait3A_20] : memref<10000x16xf32, #tpu.memory_space<vmem_shared>> -> memref<16x16xf32, #tpu.memory_space<vmem_shared>>
        %dma_wait3A_22 = arith.constant 9984 : i32
        %dma_wait3A_23 = arith.constant 0 : i32
        %dma_wait3A_24 = tpu.memref_slice %arg5[%dma_wait3A_22, %dma_wait3A_23] : memref<10000x16xf32, #tpu.memory_space<hbm>> -> memref<16x16xf32, #tpu.memory_space<hbm>>
        tpu.wait_dma2 semaphore(%run_scoped3A : memref<!tpu.dma_semaphore, #tpu.memory_space<semaphore_mem>>) src(%dma_wait3A_24 : memref<16x16xf32, #tpu.memory_space<hbm>>) dst(%dma_wait3A_21 : memref<16x16xf32, #tpu.memory_space<vmem_shared>>)
        tpu.yield
      }) : () -> ()
    } else {
    }
    %barrier3A = arith.constant 0 : index
    tpu.barrier barrier_id(%barrier3A)
    %scan3A = arith.constant 0 : i32
    %scan3A_5 = arith.constant 80 : i32
    %scan3A_6 = arith.addi %scan3A, %scan3A_5 : i32
    %scan3A_7 = arith.constant 1 : i32
    scf.for %scan3A_15 = %scan3A to %scan3A_6 step %scan3A_7  : i32 {
      %mul3A_16 = arith.constant 1 : i32
      %mul3A_17 = arith.muli %scan3A_15, %mul3A_16 : i32
      %add3A_18 = arith.constant 0 : i32
      %add3A_19 = arith.addi %add3A_18, %mul3A_17 : i32
      "tpu.region"() ({
        %run_scoped3A = tpu.sem_alloc : memref<!tpu.dma_semaphore, #tpu.memory_space<semaphore_mem>>
        %dma_start3A = arith.constant 0 : i32
        %dma_start3A_20 = tpu.memref_slice %arg8[%add3A_19, %dma_start3A] : memref<80x125xi32, #tpu.memory_space<vmem>> -> memref<1x125xi32, #tpu.memory_space<vmem>>
        %dma_start3A_21 = tpu.memref_squeeze %dma_start3A_20 : memref<1x125xi32, #tpu.memory_space<vmem>> -> memref<125xi32, #tpu.memory_space<vmem>>
        %dma_start3A_22 = arith.constant 0 : i32
        %dma_start3A_23 = arith.constant 0 : i32
        %dma_start3A_24 = tpu.memref_slice %arg11[%dma_start3A_22, %dma_start3A_23] : memref<10000x16xf32, #tpu.memory_space<vmem_shared>> -> memref<10000x16xf32, #tpu.memory_space<vmem_shared>>
        tpu.enqueue_indirect_dma source(%arg10 : memref<125x16xf32, #tpu.memory_space<vmem>>) target(%dma_start3A_24 : memref<10000x16xf32, #tpu.memory_space<vmem_shared>>) offsets(%dma_start3A_21 : memref<125xi32, #tpu.memory_space<vmem>>) semaphore(%run_scoped3A : memref<!tpu.dma_semaphore, #tpu.memory_space<semaphore_mem>>) {add = true}
        %dma_wait3A = arith.constant 0 : i32
        %dma_wait3A_25 = tpu.memref_slice %arg8[%add3A_19, %dma_wait3A] : memref<80x125xi32, #tpu.memory_space<vmem>> -> memref<1x125xi32, #tpu.memory_space<vmem>>
        %dma_wait3A_26 = tpu.memref_squeeze %dma_wait3A_25 : memref<1x125xi32, #tpu.memory_space<vmem>> -> memref<125xi32, #tpu.memory_space<vmem>>
        %dma_wait3A_27 = arith.constant 0 : i32
        %dma_wait3A_28 = arith.constant 0 : i32
        %dma_wait3A_29 = tpu.memref_slice %arg11[%dma_wait3A_27, %dma_wait3A_28] : memref<10000x16xf32, #tpu.memory_space<vmem_shared>> -> memref<10000x16xf32, #tpu.memory_space<vmem_shared>>
        tpu.wait_indirect_dma semaphore(%run_scoped3A : memref<!tpu.dma_semaphore, #tpu.memory_space<semaphore_mem>>) src(%arg10 : memref<125x16xf32, #tpu.memory_space<vmem>>) dst(%dma_wait3A_29 : memref<10000x16xf32, #tpu.memory_space<vmem_shared>>)
        tpu.yield
      }) : () -> ()
      "tpu.region"() ({
        %run_scoped3A = tpu.sem_alloc : memref<!tpu.dma_semaphore, #tpu.memory_space<semaphore_mem>>
        %dma_start3A = arith.constant 0 : i32
        %dma_start3A_20 = tpu.memref_slice %arg9[%add3A_19, %dma_start3A] : memref<80x125xi32, #tpu.memory_space<vmem>> -> memref<1x125xi32, #tpu.memory_space<vmem>>
        %dma_start3A_21 = tpu.memref_squeeze %dma_start3A_20 : memref<1x125xi32, #tpu.memory_space<vmem>> -> memref<125xi32, #tpu.memory_space<vmem>>
        %dma_start3A_22 = arith.constant 0 : i32
        %dma_start3A_23 = arith.constant 0 : i32
        %dma_start3A_24 = tpu.memref_slice %arg12[%dma_start3A_22, %dma_start3A_23] : memref<10000x16xf32, #tpu.memory_space<vmem_shared>> -> memref<10000x16xf32, #tpu.memory_space<vmem_shared>>
        tpu.enqueue_indirect_dma source(%arg10 : memref<125x16xf32, #tpu.memory_space<vmem>>) target(%dma_start3A_24 : memref<10000x16xf32, #tpu.memory_space<vmem_shared>>) offsets(%dma_start3A_21 : memref<125xi32, #tpu.memory_space<vmem>>) semaphore(%run_scoped3A : memref<!tpu.dma_semaphore, #tpu.memory_space<semaphore_mem>>) {add = true}
        %dma_wait3A = arith.constant 0 : i32
        %dma_wait3A_25 = tpu.memref_slice %arg9[%add3A_19, %dma_wait3A] : memref<80x125xi32, #tpu.memory_space<vmem>> -> memref<1x125xi32, #tpu.memory_space<vmem>>
        %dma_wait3A_26 = tpu.memref_squeeze %dma_wait3A_25 : memref<1x125xi32, #tpu.memory_space<vmem>> -> memref<125xi32, #tpu.memory_space<vmem>>
        %dma_wait3A_27 = arith.constant 0 : i32
        %dma_wait3A_28 = arith.constant 0 : i32
        %dma_wait3A_29 = tpu.memref_slice %arg12[%dma_wait3A_27, %dma_wait3A_28] : memref<10000x16xf32, #tpu.memory_space<vmem_shared>> -> memref<10000x16xf32, #tpu.memory_space<vmem_shared>>
        tpu.wait_indirect_dma semaphore(%run_scoped3A : memref<!tpu.dma_semaphore, #tpu.memory_space<semaphore_mem>>) src(%arg10 : memref<125x16xf32, #tpu.memory_space<vmem>>) dst(%dma_wait3A_29 : memref<10000x16xf32, #tpu.memory_space<vmem_shared>>)
        tpu.yield
      }) : () -> ()
    }
    %scan3A_8 = arith.constant 80 : i32
    %barrier3A_9 = arith.constant 0 : index
    tpu.barrier barrier_id(%barrier3A_9)
    "tpu.region"() ({
      %run_scoped3A = tpu.sem_alloc : memref<!tpu.dma_semaphore, #tpu.memory_space<semaphore_mem>>
      %dma_start3A = arith.constant 0 : i32
      %dma_start3A_15 = tpu.memref_slice %arg6[%arg0, %mul3A_2, %dma_start3A] : memref<2x10000x16xf32, #tpu.memory_space<hbm>> -> memref<1x624x16xf32, #tpu.memory_space<hbm>>
      %dma_start3A_16 = tpu.memref_squeeze %dma_start3A_15 : memref<1x624x16xf32, #tpu.memory_space<hbm>> -> memref<624x16xf32, #tpu.memory_space<hbm>>
      %dma_start3A_17 = arith.constant 0 : i32
      %dma_start3A_18 = tpu.memref_slice %arg11[%mul3A_2, %dma_start3A_17] : memref<10000x16xf32, #tpu.memory_space<vmem_shared>> -> memref<624x16xf32, #tpu.memory_space<vmem_shared>>
      tpu.enqueue_dma source(%dma_start3A_18 : memref<624x16xf32, #tpu.memory_space<vmem_shared>>) target(%dma_start3A_16 : memref<624x16xf32, #tpu.memory_space<hbm>>) target_semaphore(%run_scoped3A : memref<!tpu.dma_semaphore, #tpu.memory_space<semaphore_mem>>)
      %dma_wait3A = arith.constant 0 : i32
      %dma_wait3A_19 = tpu.memref_slice %arg6[%arg0, %mul3A_2, %dma_wait3A] : memref<2x10000x16xf32, #tpu.memory_space<hbm>> -> memref<1x624x16xf32, #tpu.memory_space<hbm>>
      %dma_wait3A_20 = tpu.memref_squeeze %dma_wait3A_19 : memref<1x624x16xf32, #tpu.memory_space<hbm>> -> memref<624x16xf32, #tpu.memory_space<hbm>>
      %dma_wait3A_21 = arith.constant 0 : i32
      %dma_wait3A_22 = tpu.memref_slice %arg11[%mul3A_2, %dma_wait3A_21] : memref<10000x16xf32, #tpu.memory_space<vmem_shared>> -> memref<624x16xf32, #tpu.memory_space<vmem_shared>>
      tpu.wait_dma2 semaphore(%run_scoped3A : memref<!tpu.dma_semaphore, #tpu.memory_space<semaphore_mem>>) src(%dma_wait3A_22 : memref<624x16xf32, #tpu.memory_space<vmem_shared>>) dst(%dma_wait3A_20 : memref<624x16xf32, #tpu.memory_space<hbm>>)
      tpu.yield
    }) : () -> ()
    "tpu.region"() ({
      %run_scoped3A = tpu.sem_alloc : memref<!tpu.dma_semaphore, #tpu.memory_space<semaphore_mem>>
      %dma_start3A = arith.constant 0 : i32
      %dma_start3A_15 = tpu.memref_slice %arg7[%arg0, %mul3A_2, %dma_start3A] : memref<2x10000x16xf32, #tpu.memory_space<hbm>> -> memref<1x624x16xf32, #tpu.memory_space<hbm>>
      %dma_start3A_16 = tpu.memref_squeeze %dma_start3A_15 : memref<1x624x16xf32, #tpu.memory_space<hbm>> -> memref<624x16xf32, #tpu.memory_space<hbm>>
      %dma_start3A_17 = arith.constant 0 : i32
      %dma_start3A_18 = tpu.memref_slice %arg12[%mul3A_2, %dma_start3A_17] : memref<10000x16xf32, #tpu.memory_space<vmem_shared>> -> memref<624x16xf32, #tpu.memory_space<vmem_shared>>
      tpu.enqueue_dma source(%dma_start3A_18 : memref<624x16xf32, #tpu.memory_space<vmem_shared>>) target(%dma_start3A_16 : memref<624x16xf32, #tpu.memory_space<hbm>>) target_semaphore(%run_scoped3A : memref<!tpu.dma_semaphore, #tpu.memory_space<semaphore_mem>>)
      %dma_wait3A = arith.constant 0 : i32
      %dma_wait3A_19 = tpu.memref_slice %arg7[%arg0, %mul3A_2, %dma_wait3A] : memref<2x10000x16xf32, #tpu.memory_space<hbm>> -> memref<1x624x16xf32, #tpu.memory_space<hbm>>
      %dma_wait3A_20 = tpu.memref_squeeze %dma_wait3A_19 : memref<1x624x16xf32, #tpu.memory_space<hbm>> -> memref<624x16xf32, #tpu.memory_space<hbm>>
      %dma_wait3A_21 = arith.constant 0 : i32
      %dma_wait3A_22 = tpu.memref_slice %arg12[%mul3A_2, %dma_wait3A_21] : memref<10000x16xf32, #tpu.memory_space<vmem_shared>> -> memref<624x16xf32, #tpu.memory_space<vmem_shared>>
      tpu.wait_dma2 semaphore(%run_scoped3A : memref<!tpu.dma_semaphore, #tpu.memory_space<semaphore_mem>>) src(%dma_wait3A_22 : memref<624x16xf32, #tpu.memory_space<vmem_shared>>) dst(%dma_wait3A_20 : memref<624x16xf32, #tpu.memory_space<hbm>>)
      tpu.yield
    }) : () -> ()
    %eq3A_10 = arith.constant 0 : i32
    %eq3A_11 = arith.cmpi eq, %arg1, %eq3A_10 : i32
    %convert_element_type3A_12 = arith.extui %eq3A_11 : i1 to i32
    %cond3A_13 = arith.constant 0 : i32
    %cond3A_14 = arith.cmpi ne, %convert_element_type3A_12, %cond3A_13 : i32
    scf.if %cond3A_14 {
      "tpu.region"() ({
        %run_scoped3A = tpu.sem_alloc : memref<!tpu.dma_semaphore, #tpu.memory_space<semaphore_mem>>
        %dma_start3A = arith.constant 9984 : i32
        %dma_start3A_15 = arith.constant 0 : i32
        %dma_start3A_16 = tpu.memref_slice %arg6[%arg0, %dma_start3A, %dma_start3A_15] : memref<2x10000x16xf32, #tpu.memory_space<hbm>> -> memref<1x16x16xf32, #tpu.memory_space<hbm>>
        %dma_start3A_17 = tpu.memref_squeeze %dma_start3A_16 : memref<1x16x16xf32, #tpu.memory_space<hbm>> -> memref<16x16xf32, #tpu.memory_space<hbm>>
        %dma_start3A_18 = arith.constant 9984 : i32
        %dma_start3A_19 = arith.constant 0 : i32
        %dma_start3A_20 = tpu.memref_slice %arg11[%dma_start3A_18, %dma_start3A_19] : memref<10000x16xf32, #tpu.memory_space<vmem_shared>> -> memref<16x16xf32, #tpu.memory_space<vmem_shared>>
        tpu.enqueue_dma source(%dma_start3A_20 : memref<16x16xf32, #tpu.memory_space<vmem_shared>>) target(%dma_start3A_17 : memref<16x16xf32, #tpu.memory_space<hbm>>) target_semaphore(%run_scoped3A : memref<!tpu.dma_semaphore, #tpu.memory_space<semaphore_mem>>)
        %dma_wait3A = arith.constant 9984 : i32
        %dma_wait3A_21 = arith.constant 0 : i32
        %dma_wait3A_22 = tpu.memref_slice %arg6[%arg0, %dma_wait3A, %dma_wait3A_21] : memref<2x10000x16xf32, #tpu.memory_space<hbm>> -> memref<1x16x16xf32, #tpu.memory_space<hbm>>
        %dma_wait3A_23 = tpu.memref_squeeze %dma_wait3A_22 : memref<1x16x16xf32, #tpu.memory_space<hbm>> -> memref<16x16xf32, #tpu.memory_space<hbm>>
        %dma_wait3A_24 = arith.constant 9984 : i32
        %dma_wait3A_25 = arith.constant 0 : i32
        %dma_wait3A_26 = tpu.memref_slice %arg11[%dma_wait3A_24, %dma_wait3A_25] : memref<10000x16xf32, #tpu.memory_space<vmem_shared>> -> memref<16x16xf32, #tpu.memory_space<vmem_shared>>
        tpu.wait_dma2 semaphore(%run_scoped3A : memref<!tpu.dma_semaphore, #tpu.memory_space<semaphore_mem>>) src(%dma_wait3A_26 : memref<16x16xf32, #tpu.memory_space<vmem_shared>>) dst(%dma_wait3A_23 : memref<16x16xf32, #tpu.memory_space<hbm>>)
        tpu.yield
      }) : () -> ()
      "tpu.region"() ({
        %run_scoped3A = tpu.sem_alloc : memref<!tpu.dma_semaphore, #tpu.memory_space<semaphore_mem>>
        %dma_start3A = arith.constant 9984 : i32
        %dma_start3A_15 = arith.constant 0 : i32
        %dma_start3A_16 = tpu.memref_slice %arg7[%arg0, %dma_start3A, %dma_start3A_15] : memref<2x10000x16xf32, #tpu.memory_space<hbm>> -> memref<1x16x16xf32, #tpu.memory_space<hbm>>
        %dma_start3A_17 = tpu.memref_squeeze %dma_start3A_16 : memref<1x16x16xf32, #tpu.memory_space<hbm>> -> memref<16x16xf32, #tpu.memory_space<hbm>>
        %dma_start3A_18 = arith.constant 9984 : i32
        %dma_start3A_19 = arith.constant 0 : i32
        %dma_start3A_20 = tpu.memref_slice %arg12[%dma_start3A_18, %dma_start3A_19] : memref<10000x16xf32, #tpu.memory_space<vmem_shared>> -> memref<16x16xf32, #tpu.memory_space<vmem_shared>>
        tpu.enqueue_dma source(%dma_start3A_20 : memref<16x16xf32, #tpu.memory_space<vmem_shared>>) target(%dma_start3A_17 : memref<16x16xf32, #tpu.memory_space<hbm>>) target_semaphore(%run_scoped3A : memref<!tpu.dma_semaphore, #tpu.memory_space<semaphore_mem>>)
        %dma_wait3A = arith.constant 9984 : i32
        %dma_wait3A_21 = arith.constant 0 : i32
        %dma_wait3A_22 = tpu.memref_slice %arg7[%arg0, %dma_wait3A, %dma_wait3A_21] : memref<2x10000x16xf32, #tpu.memory_space<hbm>> -> memref<1x16x16xf32, #tpu.memory_space<hbm>>
        %dma_wait3A_23 = tpu.memref_squeeze %dma_wait3A_22 : memref<1x16x16xf32, #tpu.memory_space<hbm>> -> memref<16x16xf32, #tpu.memory_space<hbm>>
        %dma_wait3A_24 = arith.constant 9984 : i32
        %dma_wait3A_25 = arith.constant 0 : i32
        %dma_wait3A_26 = tpu.memref_slice %arg12[%dma_wait3A_24, %dma_wait3A_25] : memref<10000x16xf32, #tpu.memory_space<vmem_shared>> -> memref<16x16xf32, #tpu.memory_space<vmem_shared>>
        tpu.wait_dma2 semaphore(%run_scoped3A : memref<!tpu.dma_semaphore, #tpu.memory_space<semaphore_mem>>) src(%dma_wait3A_26 : memref<16x16xf32, #tpu.memory_space<vmem_shared>>) dst(%dma_wait3A_23 : memref<16x16xf32, #tpu.memory_space<hbm>>)
        tpu.yield
      }) : () -> ()
    } else {
    }
    return
  }
}

#map = affine_map<(d0, d1) -> (0, 0)>
#map1 = affine_map<(d0, d1) -> (0, 0, 0)>
module attributes {stable_mosaic.version = 14 : i64} {
  func.func @run(%arg0: i32, %arg1: i32, %arg2: memref<10000x48xf32, #tpu.memory_space<hbm>>, %arg3: memref<32x80x125xi32, #tpu.memory_space<hbm>>, %arg4: memref<32x80x125xi32, #tpu.memory_space<hbm>>, %arg5: memref<10000x48xf32, #tpu.memory_space<hbm>>, %arg6: memref<2x10000x48xf32, #tpu.memory_space<hbm>>, %arg7: memref<80x125xi32, #tpu.memory_space<vmem>>, %arg8: memref<80x125xi32, #tpu.memory_space<vmem>>, %arg9: memref<125x48xf32, #tpu.memory_space<vmem>>, %arg10: memref<125x48xf32, #tpu.memory_space<vmem>>, %arg11: memref<125x48xf32, #tpu.memory_space<vmem>>, %arg12: memref<125x48xf32, #tpu.memory_space<vmem>>, %arg13: memref<10000x48xf32, #tpu.memory_space<vmem_shared>>, %arg14: memref<!tpu.dma_semaphore, #tpu.memory_space<semaphore_mem>>, %arg15: memref<!tpu.dma_semaphore, #tpu.memory_space<semaphore_mem>>, %arg16: memref<!tpu.dma_semaphore, #tpu.memory_space<semaphore_mem>>, %arg17: memref<!tpu.dma_semaphore, #tpu.memory_space<semaphore_mem>>) attributes {dimension_semantics = [#tpu.dimension_semantics<core_parallel>, #tpu.dimension_semantics<subcore_parallel>], iteration_bounds = array<i64: 2, 16>, scalar_prefetch = 0 : i64, scratch_operands = 11 : i64, tpu.core_type = #tpu.core_type<sc_vector_subcore>, window_params = [{transform_indices = #map}, {transform_indices = #map1}, {transform_indices = #map1}, {transform_indices = #map}, {transform_indices = #map1}]} {
    %mul3A = arith.constant 16 : i32
    %mul3A_0 = arith.muli %arg0, %mul3A : i32
    %add3A = arith.addi %mul3A_0, %arg1 : i32
    %mul3A_1 = arith.constant 624 : i32
    %mul3A_2 = arith.muli %arg1, %mul3A_1 : i32
    "tpu.region"() ({
      %run_scoped3A = tpu.sem_alloc : memref<!tpu.dma_semaphore, #tpu.memory_space<semaphore_mem>>
      %dma_start3A_42 = arith.constant 0 : i32
      %dma_start3A_43 = tpu.memref_slice %arg13[%mul3A_2, %dma_start3A_42] : memref<10000x48xf32, #tpu.memory_space<vmem_shared>> -> memref<624x48xf32, #tpu.memory_space<vmem_shared>>
      %dma_start3A_44 = arith.constant 0 : i32
      %dma_start3A_45 = tpu.memref_slice %arg5[%mul3A_2, %dma_start3A_44] : memref<10000x48xf32, #tpu.memory_space<hbm>> -> memref<624x48xf32, #tpu.memory_space<hbm>>
      tpu.enqueue_dma source(%dma_start3A_45 : memref<624x48xf32, #tpu.memory_space<hbm>>) target(%dma_start3A_43 : memref<624x48xf32, #tpu.memory_space<vmem_shared>>) target_semaphore(%run_scoped3A : memref<!tpu.dma_semaphore, #tpu.memory_space<semaphore_mem>>)
      %dma_wait3A = arith.constant 0 : i32
      %dma_wait3A_46 = tpu.memref_slice %arg13[%mul3A_2, %dma_wait3A] : memref<10000x48xf32, #tpu.memory_space<vmem_shared>> -> memref<624x48xf32, #tpu.memory_space<vmem_shared>>
      %dma_wait3A_47 = arith.constant 0 : i32
      %dma_wait3A_48 = tpu.memref_slice %arg5[%mul3A_2, %dma_wait3A_47] : memref<10000x48xf32, #tpu.memory_space<hbm>> -> memref<624x48xf32, #tpu.memory_space<hbm>>
      tpu.wait_dma2 semaphore(%run_scoped3A : memref<!tpu.dma_semaphore, #tpu.memory_space<semaphore_mem>>) src(%dma_wait3A_48 : memref<624x48xf32, #tpu.memory_space<hbm>>) dst(%dma_wait3A_46 : memref<624x48xf32, #tpu.memory_space<vmem_shared>>)
      tpu.yield
    }) : () -> ()
    %eq3A = arith.constant 0 : i32
    %eq3A_3 = arith.cmpi eq, %arg1, %eq3A : i32
    %convert_element_type3A = arith.extui %eq3A_3 : i1 to i32
    %cond3A = arith.constant 0 : i32
    %cond3A_4 = arith.cmpi ne, %convert_element_type3A, %cond3A : i32
    scf.if %cond3A_4 {
      "tpu.region"() ({
        %run_scoped3A = tpu.sem_alloc : memref<!tpu.dma_semaphore, #tpu.memory_space<semaphore_mem>>
        %dma_start3A_42 = arith.constant 9984 : i32
        %dma_start3A_43 = arith.constant 0 : i32
        %dma_start3A_44 = tpu.memref_slice %arg13[%dma_start3A_42, %dma_start3A_43] : memref<10000x48xf32, #tpu.memory_space<vmem_shared>> -> memref<16x48xf32, #tpu.memory_space<vmem_shared>>
        %dma_start3A_45 = arith.constant 9984 : i32
        %dma_start3A_46 = arith.constant 0 : i32
        %dma_start3A_47 = tpu.memref_slice %arg5[%dma_start3A_45, %dma_start3A_46] : memref<10000x48xf32, #tpu.memory_space<hbm>> -> memref<16x48xf32, #tpu.memory_space<hbm>>
        tpu.enqueue_dma source(%dma_start3A_47 : memref<16x48xf32, #tpu.memory_space<hbm>>) target(%dma_start3A_44 : memref<16x48xf32, #tpu.memory_space<vmem_shared>>) target_semaphore(%run_scoped3A : memref<!tpu.dma_semaphore, #tpu.memory_space<semaphore_mem>>)
        %dma_wait3A = arith.constant 9984 : i32
        %dma_wait3A_48 = arith.constant 0 : i32
        %dma_wait3A_49 = tpu.memref_slice %arg13[%dma_wait3A, %dma_wait3A_48] : memref<10000x48xf32, #tpu.memory_space<vmem_shared>> -> memref<16x48xf32, #tpu.memory_space<vmem_shared>>
        %dma_wait3A_50 = arith.constant 9984 : i32
        %dma_wait3A_51 = arith.constant 0 : i32
        %dma_wait3A_52 = tpu.memref_slice %arg5[%dma_wait3A_50, %dma_wait3A_51] : memref<10000x48xf32, #tpu.memory_space<hbm>> -> memref<16x48xf32, #tpu.memory_space<hbm>>
        tpu.wait_dma2 semaphore(%run_scoped3A : memref<!tpu.dma_semaphore, #tpu.memory_space<semaphore_mem>>) src(%dma_wait3A_52 : memref<16x48xf32, #tpu.memory_space<hbm>>) dst(%dma_wait3A_49 : memref<16x48xf32, #tpu.memory_space<vmem_shared>>)
        tpu.yield
      }) : () -> ()
    } else {
    }
    %barrier3A = arith.constant 0 : index
    tpu.barrier barrier_id(%barrier3A)
    "tpu.region"() ({
      %run_scoped3A = tpu.sem_alloc : memref<!tpu.dma_semaphore, #tpu.memory_space<semaphore_mem>>
      %dma_start3A_42 = arith.constant 0 : i32
      %dma_start3A_43 = arith.constant 0 : i32
      %dma_start3A_44 = tpu.memref_slice %arg3[%add3A, %dma_start3A_42, %dma_start3A_43] : memref<32x80x125xi32, #tpu.memory_space<hbm>> -> memref<1x80x125xi32, #tpu.memory_space<hbm>>
      %dma_start3A_45 = tpu.memref_squeeze %dma_start3A_44 : memref<1x80x125xi32, #tpu.memory_space<hbm>> -> memref<80x125xi32, #tpu.memory_space<hbm>>
      %dma_start3A_46 = arith.constant 0 : i32
      %dma_start3A_47 = arith.constant 0 : i32
      %dma_start3A_48 = tpu.memref_slice %arg3[%add3A, %dma_start3A_46, %dma_start3A_47] : memref<32x80x125xi32, #tpu.memory_space<hbm>> -> memref<1x80x125xi32, #tpu.memory_space<hbm>>
      %dma_start3A_49 = tpu.memref_squeeze %dma_start3A_48 : memref<1x80x125xi32, #tpu.memory_space<hbm>> -> memref<80x125xi32, #tpu.memory_space<hbm>>
      tpu.enqueue_dma source(%dma_start3A_49 : memref<80x125xi32, #tpu.memory_space<hbm>>) target(%arg7 : memref<80x125xi32, #tpu.memory_space<vmem>>) target_semaphore(%run_scoped3A : memref<!tpu.dma_semaphore, #tpu.memory_space<semaphore_mem>>)
      %dma_wait3A = arith.constant 0 : i32
      %dma_wait3A_50 = arith.constant 0 : i32
      %dma_wait3A_51 = tpu.memref_slice %arg3[%add3A, %dma_wait3A, %dma_wait3A_50] : memref<32x80x125xi32, #tpu.memory_space<hbm>> -> memref<1x80x125xi32, #tpu.memory_space<hbm>>
      %dma_wait3A_52 = tpu.memref_squeeze %dma_wait3A_51 : memref<1x80x125xi32, #tpu.memory_space<hbm>> -> memref<80x125xi32, #tpu.memory_space<hbm>>
      %dma_wait3A_53 = arith.constant 0 : i32
      %dma_wait3A_54 = arith.constant 0 : i32
      %dma_wait3A_55 = tpu.memref_slice %arg3[%add3A, %dma_wait3A_53, %dma_wait3A_54] : memref<32x80x125xi32, #tpu.memory_space<hbm>> -> memref<1x80x125xi32, #tpu.memory_space<hbm>>
      %dma_wait3A_56 = tpu.memref_squeeze %dma_wait3A_55 : memref<1x80x125xi32, #tpu.memory_space<hbm>> -> memref<80x125xi32, #tpu.memory_space<hbm>>
      tpu.wait_dma2 semaphore(%run_scoped3A : memref<!tpu.dma_semaphore, #tpu.memory_space<semaphore_mem>>) src(%dma_wait3A_56 : memref<80x125xi32, #tpu.memory_space<hbm>>) dst(%arg7 : memref<80x125xi32, #tpu.memory_space<vmem>>)
      tpu.yield
    }) : () -> ()
    "tpu.region"() ({
      %run_scoped3A = tpu.sem_alloc : memref<!tpu.dma_semaphore, #tpu.memory_space<semaphore_mem>>
      %dma_start3A_42 = arith.constant 0 : i32
      %dma_start3A_43 = arith.constant 0 : i32
      %dma_start3A_44 = tpu.memref_slice %arg4[%add3A, %dma_start3A_42, %dma_start3A_43] : memref<32x80x125xi32, #tpu.memory_space<hbm>> -> memref<1x80x125xi32, #tpu.memory_space<hbm>>
      %dma_start3A_45 = tpu.memref_squeeze %dma_start3A_44 : memref<1x80x125xi32, #tpu.memory_space<hbm>> -> memref<80x125xi32, #tpu.memory_space<hbm>>
      %dma_start3A_46 = arith.constant 0 : i32
      %dma_start3A_47 = arith.constant 0 : i32
      %dma_start3A_48 = tpu.memref_slice %arg4[%add3A, %dma_start3A_46, %dma_start3A_47] : memref<32x80x125xi32, #tpu.memory_space<hbm>> -> memref<1x80x125xi32, #tpu.memory_space<hbm>>
      %dma_start3A_49 = tpu.memref_squeeze %dma_start3A_48 : memref<1x80x125xi32, #tpu.memory_space<hbm>> -> memref<80x125xi32, #tpu.memory_space<hbm>>
      tpu.enqueue_dma source(%dma_start3A_49 : memref<80x125xi32, #tpu.memory_space<hbm>>) target(%arg8 : memref<80x125xi32, #tpu.memory_space<vmem>>) target_semaphore(%run_scoped3A : memref<!tpu.dma_semaphore, #tpu.memory_space<semaphore_mem>>)
      %dma_wait3A = arith.constant 0 : i32
      %dma_wait3A_50 = arith.constant 0 : i32
      %dma_wait3A_51 = tpu.memref_slice %arg4[%add3A, %dma_wait3A, %dma_wait3A_50] : memref<32x80x125xi32, #tpu.memory_space<hbm>> -> memref<1x80x125xi32, #tpu.memory_space<hbm>>
      %dma_wait3A_52 = tpu.memref_squeeze %dma_wait3A_51 : memref<1x80x125xi32, #tpu.memory_space<hbm>> -> memref<80x125xi32, #tpu.memory_space<hbm>>
      %dma_wait3A_53 = arith.constant 0 : i32
      %dma_wait3A_54 = arith.constant 0 : i32
      %dma_wait3A_55 = tpu.memref_slice %arg4[%add3A, %dma_wait3A_53, %dma_wait3A_54] : memref<32x80x125xi32, #tpu.memory_space<hbm>> -> memref<1x80x125xi32, #tpu.memory_space<hbm>>
      %dma_wait3A_56 = tpu.memref_squeeze %dma_wait3A_55 : memref<1x80x125xi32, #tpu.memory_space<hbm>> -> memref<80x125xi32, #tpu.memory_space<hbm>>
      tpu.wait_dma2 semaphore(%run_scoped3A : memref<!tpu.dma_semaphore, #tpu.memory_space<semaphore_mem>>) src(%dma_wait3A_56 : memref<80x125xi32, #tpu.memory_space<hbm>>) dst(%arg8 : memref<80x125xi32, #tpu.memory_space<vmem>>)
      tpu.yield
    }) : () -> ()
    %dma_start3A = arith.constant 0 : i32
    %dma_start3A_5 = arith.constant 0 : i32
    %dma_start3A_6 = tpu.memref_slice %arg7[%dma_start3A, %dma_start3A_5] : memref<80x125xi32, #tpu.memory_space<vmem>> -> memref<1x125xi32, #tpu.memory_space<vmem>>
    %dma_start3A_7 = tpu.memref_squeeze %dma_start3A_6 : memref<1x125xi32, #tpu.memory_space<vmem>> -> memref<125xi32, #tpu.memory_space<vmem>>
    %dma_start3A_8 = arith.constant 0 : i32
    %dma_start3A_9 = arith.constant 0 : i32
    %dma_start3A_10 = tpu.memref_slice %arg2[%dma_start3A_8, %dma_start3A_9] : memref<10000x48xf32, #tpu.memory_space<hbm>> -> memref<10000x48xf32, #tpu.memory_space<hbm>>
    tpu.enqueue_indirect_dma source(%dma_start3A_10 : memref<10000x48xf32, #tpu.memory_space<hbm>>) target(%arg9 : memref<125x48xf32, #tpu.memory_space<vmem>>) offsets(%dma_start3A_7 : memref<125xi32, #tpu.memory_space<vmem>>) semaphore(%arg14 : memref<!tpu.dma_semaphore, #tpu.memory_space<semaphore_mem>>)
    %dma_start3A_11 = arith.constant 1 : i32
    %dma_start3A_12 = arith.constant 0 : i32
    %dma_start3A_13 = tpu.memref_slice %arg7[%dma_start3A_11, %dma_start3A_12] : memref<80x125xi32, #tpu.memory_space<vmem>> -> memref<1x125xi32, #tpu.memory_space<vmem>>
    %dma_start3A_14 = tpu.memref_squeeze %dma_start3A_13 : memref<1x125xi32, #tpu.memory_space<vmem>> -> memref<125xi32, #tpu.memory_space<vmem>>
    %dma_start3A_15 = arith.constant 0 : i32
    %dma_start3A_16 = arith.constant 0 : i32
    %dma_start3A_17 = tpu.memref_slice %arg2[%dma_start3A_15, %dma_start3A_16] : memref<10000x48xf32, #tpu.memory_space<hbm>> -> memref<10000x48xf32, #tpu.memory_space<hbm>>
    tpu.enqueue_indirect_dma source(%dma_start3A_17 : memref<10000x48xf32, #tpu.memory_space<hbm>>) target(%arg10 : memref<125x48xf32, #tpu.memory_space<vmem>>) offsets(%dma_start3A_14 : memref<125xi32, #tpu.memory_space<vmem>>) semaphore(%arg15 : memref<!tpu.dma_semaphore, #tpu.memory_space<semaphore_mem>>)
    %dma_start3A_18 = arith.constant 2 : i32
    %dma_start3A_19 = arith.constant 0 : i32
    %dma_start3A_20 = tpu.memref_slice %arg7[%dma_start3A_18, %dma_start3A_19] : memref<80x125xi32, #tpu.memory_space<vmem>> -> memref<1x125xi32, #tpu.memory_space<vmem>>
    %dma_start3A_21 = tpu.memref_squeeze %dma_start3A_20 : memref<1x125xi32, #tpu.memory_space<vmem>> -> memref<125xi32, #tpu.memory_space<vmem>>
    %dma_start3A_22 = arith.constant 0 : i32
    %dma_start3A_23 = arith.constant 0 : i32
    %dma_start3A_24 = tpu.memref_slice %arg2[%dma_start3A_22, %dma_start3A_23] : memref<10000x48xf32, #tpu.memory_space<hbm>> -> memref<10000x48xf32, #tpu.memory_space<hbm>>
    tpu.enqueue_indirect_dma source(%dma_start3A_24 : memref<10000x48xf32, #tpu.memory_space<hbm>>) target(%arg11 : memref<125x48xf32, #tpu.memory_space<vmem>>) offsets(%dma_start3A_21 : memref<125xi32, #tpu.memory_space<vmem>>) semaphore(%arg16 : memref<!tpu.dma_semaphore, #tpu.memory_space<semaphore_mem>>)
    %dma_start3A_25 = arith.constant 3 : i32
    %dma_start3A_26 = arith.constant 0 : i32
    %dma_start3A_27 = tpu.memref_slice %arg7[%dma_start3A_25, %dma_start3A_26] : memref<80x125xi32, #tpu.memory_space<vmem>> -> memref<1x125xi32, #tpu.memory_space<vmem>>
    %dma_start3A_28 = tpu.memref_squeeze %dma_start3A_27 : memref<1x125xi32, #tpu.memory_space<vmem>> -> memref<125xi32, #tpu.memory_space<vmem>>
    %dma_start3A_29 = arith.constant 0 : i32
    %dma_start3A_30 = arith.constant 0 : i32
    %dma_start3A_31 = tpu.memref_slice %arg2[%dma_start3A_29, %dma_start3A_30] : memref<10000x48xf32, #tpu.memory_space<hbm>> -> memref<10000x48xf32, #tpu.memory_space<hbm>>
    tpu.enqueue_indirect_dma source(%dma_start3A_31 : memref<10000x48xf32, #tpu.memory_space<hbm>>) target(%arg12 : memref<125x48xf32, #tpu.memory_space<vmem>>) offsets(%dma_start3A_28 : memref<125xi32, #tpu.memory_space<vmem>>) semaphore(%arg17 : memref<!tpu.dma_semaphore, #tpu.memory_space<semaphore_mem>>)
    %scan3A = arith.constant 0 : i32
    %scan3A_32 = arith.constant 20 : i32
    %scan3A_33 = arith.addi %scan3A, %scan3A_32 : i32
    %scan3A_34 = arith.constant 1 : i32
    scf.for %scan3A_42 = %scan3A to %scan3A_33 step %scan3A_34  : i32 {
      %mul3A_43 = arith.constant 4 : i32
      %mul3A_44 = arith.muli %scan3A_42, %mul3A_43 : i32
      %add3A_45 = arith.constant 0 : i32
      %add3A_46 = arith.addi %add3A_45, %mul3A_44 : i32
      %dma_wait3A = arith.constant 0 : i32
      %dma_wait3A_47 = arith.constant 0 : i32
      %dma_wait3A_48 = tpu.memref_slice %arg2[%dma_wait3A, %dma_wait3A_47] : memref<10000x48xf32, #tpu.memory_space<hbm>> -> memref<125x48xf32, #tpu.memory_space<hbm>>
      %dma_wait3A_49 = arith.constant 0 : i32
      %dma_wait3A_50 = arith.constant 0 : i32
      %dma_wait3A_51 = tpu.memref_slice %arg2[%dma_wait3A_49, %dma_wait3A_50] : memref<10000x48xf32, #tpu.memory_space<hbm>> -> memref<125x48xf32, #tpu.memory_space<hbm>>
      tpu.wait_dma2 semaphore(%arg14 : memref<!tpu.dma_semaphore, #tpu.memory_space<semaphore_mem>>) src(%dma_wait3A_51 : memref<125x48xf32, #tpu.memory_space<hbm>>) dst(%arg9 : memref<125x48xf32, #tpu.memory_space<vmem>>)
      %add3A_52 = arith.constant 0 : i32
      %add3A_53 = arith.addi %add3A_46, %add3A_52 : i32
      "tpu.region"() ({
        %run_scoped3A = tpu.sem_alloc : memref<!tpu.dma_semaphore, #tpu.memory_space<semaphore_mem>>
        %dma_start3A_113 = arith.constant 0 : i32
        %dma_start3A_114 = tpu.memref_slice %arg8[%add3A_53, %dma_start3A_113] : memref<80x125xi32, #tpu.memory_space<vmem>> -> memref<1x125xi32, #tpu.memory_space<vmem>>
        %dma_start3A_115 = tpu.memref_squeeze %dma_start3A_114 : memref<1x125xi32, #tpu.memory_space<vmem>> -> memref<125xi32, #tpu.memory_space<vmem>>
        %dma_start3A_116 = arith.constant 0 : i32
        %dma_start3A_117 = arith.constant 0 : i32
        %dma_start3A_118 = tpu.memref_slice %arg13[%dma_start3A_116, %dma_start3A_117] : memref<10000x48xf32, #tpu.memory_space<vmem_shared>> -> memref<10000x48xf32, #tpu.memory_space<vmem_shared>>
        tpu.enqueue_indirect_dma source(%arg9 : memref<125x48xf32, #tpu.memory_space<vmem>>) target(%dma_start3A_118 : memref<10000x48xf32, #tpu.memory_space<vmem_shared>>) offsets(%dma_start3A_115 : memref<125xi32, #tpu.memory_space<vmem>>) semaphore(%run_scoped3A : memref<!tpu.dma_semaphore, #tpu.memory_space<semaphore_mem>>) {add = true}
        %dma_wait3A_119 = arith.constant 0 : i32
        %dma_wait3A_120 = tpu.memref_slice %arg8[%add3A_53, %dma_wait3A_119] : memref<80x125xi32, #tpu.memory_space<vmem>> -> memref<1x125xi32, #tpu.memory_space<vmem>>
        %dma_wait3A_121 = tpu.memref_squeeze %dma_wait3A_120 : memref<1x125xi32, #tpu.memory_space<vmem>> -> memref<125xi32, #tpu.memory_space<vmem>>
        %dma_wait3A_122 = arith.constant 0 : i32
        %dma_wait3A_123 = arith.constant 0 : i32
        %dma_wait3A_124 = tpu.memref_slice %arg13[%dma_wait3A_122, %dma_wait3A_123] : memref<10000x48xf32, #tpu.memory_space<vmem_shared>> -> memref<10000x48xf32, #tpu.memory_space<vmem_shared>>
        tpu.wait_indirect_dma semaphore(%run_scoped3A : memref<!tpu.dma_semaphore, #tpu.memory_space<semaphore_mem>>) src(%arg9 : memref<125x48xf32, #tpu.memory_space<vmem>>) dst(%dma_wait3A_124 : memref<10000x48xf32, #tpu.memory_space<vmem_shared>>)
        tpu.yield
      }) : () -> ()
      %add3A_54 = arith.constant 4 : i32
      %add3A_55 = arith.addi %add3A_46, %add3A_54 : i32
      %add3A_56 = arith.constant 0 : i32
      %add3A_57 = arith.addi %add3A_55, %add3A_56 : i32
      %lt3A = arith.constant 80 : i32
      %lt3A_58 = arith.cmpi slt, %add3A_57, %lt3A : i32
      %convert_element_type3A_59 = arith.extui %lt3A_58 : i1 to i32
      %cond3A_60 = arith.constant 0 : i32
      %cond3A_61 = arith.cmpi ne, %convert_element_type3A_59, %cond3A_60 : i32
      scf.if %cond3A_61 {
        %add3A_113 = arith.constant 4 : i32
        %add3A_114 = arith.addi %add3A_46, %add3A_113 : i32
        %add3A_115 = arith.constant 0 : i32
        %add3A_116 = arith.addi %add3A_114, %add3A_115 : i32
        %dma_start3A_117 = arith.constant 0 : i32
        %dma_start3A_118 = tpu.memref_slice %arg7[%add3A_116, %dma_start3A_117] : memref<80x125xi32, #tpu.memory_space<vmem>> -> memref<1x125xi32, #tpu.memory_space<vmem>>
        %dma_start3A_119 = tpu.memref_squeeze %dma_start3A_118 : memref<1x125xi32, #tpu.memory_space<vmem>> -> memref<125xi32, #tpu.memory_space<vmem>>
        %dma_start3A_120 = arith.constant 0 : i32
        %dma_start3A_121 = arith.constant 0 : i32
        %dma_start3A_122 = tpu.memref_slice %arg2[%dma_start3A_120, %dma_start3A_121] : memref<10000x48xf32, #tpu.memory_space<hbm>> -> memref<10000x48xf32, #tpu.memory_space<hbm>>
        tpu.enqueue_indirect_dma source(%dma_start3A_122 : memref<10000x48xf32, #tpu.memory_space<hbm>>) target(%arg9 : memref<125x48xf32, #tpu.memory_space<vmem>>) offsets(%dma_start3A_119 : memref<125xi32, #tpu.memory_space<vmem>>) semaphore(%arg14 : memref<!tpu.dma_semaphore, #tpu.memory_space<semaphore_mem>>)
      } else {
      }
      %dma_wait3A_62 = arith.constant 0 : i32
      %dma_wait3A_63 = arith.constant 0 : i32
      %dma_wait3A_64 = tpu.memref_slice %arg2[%dma_wait3A_62, %dma_wait3A_63] : memref<10000x48xf32, #tpu.memory_space<hbm>> -> memref<125x48xf32, #tpu.memory_space<hbm>>
      %dma_wait3A_65 = arith.constant 0 : i32
      %dma_wait3A_66 = arith.constant 0 : i32
      %dma_wait3A_67 = tpu.memref_slice %arg2[%dma_wait3A_65, %dma_wait3A_66] : memref<10000x48xf32, #tpu.memory_space<hbm>> -> memref<125x48xf32, #tpu.memory_space<hbm>>
      tpu.wait_dma2 semaphore(%arg15 : memref<!tpu.dma_semaphore, #tpu.memory_space<semaphore_mem>>) src(%dma_wait3A_67 : memref<125x48xf32, #tpu.memory_space<hbm>>) dst(%arg10 : memref<125x48xf32, #tpu.memory_space<vmem>>)
      %add3A_68 = arith.constant 1 : i32
      %add3A_69 = arith.addi %add3A_46, %add3A_68 : i32
      "tpu.region"() ({
        %run_scoped3A = tpu.sem_alloc : memref<!tpu.dma_semaphore, #tpu.memory_space<semaphore_mem>>
        %dma_start3A_113 = arith.constant 0 : i32
        %dma_start3A_114 = tpu.memref_slice %arg8[%add3A_69, %dma_start3A_113] : memref<80x125xi32, #tpu.memory_space<vmem>> -> memref<1x125xi32, #tpu.memory_space<vmem>>
        %dma_start3A_115 = tpu.memref_squeeze %dma_start3A_114 : memref<1x125xi32, #tpu.memory_space<vmem>> -> memref<125xi32, #tpu.memory_space<vmem>>
        %dma_start3A_116 = arith.constant 0 : i32
        %dma_start3A_117 = arith.constant 0 : i32
        %dma_start3A_118 = tpu.memref_slice %arg13[%dma_start3A_116, %dma_start3A_117] : memref<10000x48xf32, #tpu.memory_space<vmem_shared>> -> memref<10000x48xf32, #tpu.memory_space<vmem_shared>>
        tpu.enqueue_indirect_dma source(%arg10 : memref<125x48xf32, #tpu.memory_space<vmem>>) target(%dma_start3A_118 : memref<10000x48xf32, #tpu.memory_space<vmem_shared>>) offsets(%dma_start3A_115 : memref<125xi32, #tpu.memory_space<vmem>>) semaphore(%run_scoped3A : memref<!tpu.dma_semaphore, #tpu.memory_space<semaphore_mem>>) {add = true}
        %dma_wait3A_119 = arith.constant 0 : i32
        %dma_wait3A_120 = tpu.memref_slice %arg8[%add3A_69, %dma_wait3A_119] : memref<80x125xi32, #tpu.memory_space<vmem>> -> memref<1x125xi32, #tpu.memory_space<vmem>>
        %dma_wait3A_121 = tpu.memref_squeeze %dma_wait3A_120 : memref<1x125xi32, #tpu.memory_space<vmem>> -> memref<125xi32, #tpu.memory_space<vmem>>
        %dma_wait3A_122 = arith.constant 0 : i32
        %dma_wait3A_123 = arith.constant 0 : i32
        %dma_wait3A_124 = tpu.memref_slice %arg13[%dma_wait3A_122, %dma_wait3A_123] : memref<10000x48xf32, #tpu.memory_space<vmem_shared>> -> memref<10000x48xf32, #tpu.memory_space<vmem_shared>>
        tpu.wait_indirect_dma semaphore(%run_scoped3A : memref<!tpu.dma_semaphore, #tpu.memory_space<semaphore_mem>>) src(%arg10 : memref<125x48xf32, #tpu.memory_space<vmem>>) dst(%dma_wait3A_124 : memref<10000x48xf32, #tpu.memory_space<vmem_shared>>)
        tpu.yield
      }) : () -> ()
      %add3A_70 = arith.constant 4 : i32
      %add3A_71 = arith.addi %add3A_46, %add3A_70 : i32
      %add3A_72 = arith.constant 1 : i32
      %add3A_73 = arith.addi %add3A_71, %add3A_72 : i32
      %lt3A_74 = arith.constant 80 : i32
      %lt3A_75 = arith.cmpi slt, %add3A_73, %lt3A_74 : i32
      %convert_element_type3A_76 = arith.extui %lt3A_75 : i1 to i32
      %cond3A_77 = arith.constant 0 : i32
      %cond3A_78 = arith.cmpi ne, %convert_element_type3A_76, %cond3A_77 : i32
      scf.if %cond3A_78 {
        %add3A_113 = arith.constant 4 : i32
        %add3A_114 = arith.addi %add3A_46, %add3A_113 : i32
        %add3A_115 = arith.constant 1 : i32
        %add3A_116 = arith.addi %add3A_114, %add3A_115 : i32
        %dma_start3A_117 = arith.constant 0 : i32
        %dma_start3A_118 = tpu.memref_slice %arg7[%add3A_116, %dma_start3A_117] : memref<80x125xi32, #tpu.memory_space<vmem>> -> memref<1x125xi32, #tpu.memory_space<vmem>>
        %dma_start3A_119 = tpu.memref_squeeze %dma_start3A_118 : memref<1x125xi32, #tpu.memory_space<vmem>> -> memref<125xi32, #tpu.memory_space<vmem>>
        %dma_start3A_120 = arith.constant 0 : i32
        %dma_start3A_121 = arith.constant 0 : i32
        %dma_start3A_122 = tpu.memref_slice %arg2[%dma_start3A_120, %dma_start3A_121] : memref<10000x48xf32, #tpu.memory_space<hbm>> -> memref<10000x48xf32, #tpu.memory_space<hbm>>
        tpu.enqueue_indirect_dma source(%dma_start3A_122 : memref<10000x48xf32, #tpu.memory_space<hbm>>) target(%arg10 : memref<125x48xf32, #tpu.memory_space<vmem>>) offsets(%dma_start3A_119 : memref<125xi32, #tpu.memory_space<vmem>>) semaphore(%arg15 : memref<!tpu.dma_semaphore, #tpu.memory_space<semaphore_mem>>)
      } else {
      }
      %dma_wait3A_79 = arith.constant 0 : i32
      %dma_wait3A_80 = arith.constant 0 : i32
      %dma_wait3A_81 = tpu.memref_slice %arg2[%dma_wait3A_79, %dma_wait3A_80] : memref<10000x48xf32, #tpu.memory_space<hbm>> -> memref<125x48xf32, #tpu.memory_space<hbm>>
      %dma_wait3A_82 = arith.constant 0 : i32
      %dma_wait3A_83 = arith.constant 0 : i32
      %dma_wait3A_84 = tpu.memref_slice %arg2[%dma_wait3A_82, %dma_wait3A_83] : memref<10000x48xf32, #tpu.memory_space<hbm>> -> memref<125x48xf32, #tpu.memory_space<hbm>>
      tpu.wait_dma2 semaphore(%arg16 : memref<!tpu.dma_semaphore, #tpu.memory_space<semaphore_mem>>) src(%dma_wait3A_84 : memref<125x48xf32, #tpu.memory_space<hbm>>) dst(%arg11 : memref<125x48xf32, #tpu.memory_space<vmem>>)
      %add3A_85 = arith.constant 2 : i32
      %add3A_86 = arith.addi %add3A_46, %add3A_85 : i32
      "tpu.region"() ({
        %run_scoped3A = tpu.sem_alloc : memref<!tpu.dma_semaphore, #tpu.memory_space<semaphore_mem>>
        %dma_start3A_113 = arith.constant 0 : i32
        %dma_start3A_114 = tpu.memref_slice %arg8[%add3A_86, %dma_start3A_113] : memref<80x125xi32, #tpu.memory_space<vmem>> -> memref<1x125xi32, #tpu.memory_space<vmem>>
        %dma_start3A_115 = tpu.memref_squeeze %dma_start3A_114 : memref<1x125xi32, #tpu.memory_space<vmem>> -> memref<125xi32, #tpu.memory_space<vmem>>
        %dma_start3A_116 = arith.constant 0 : i32
        %dma_start3A_117 = arith.constant 0 : i32
        %dma_start3A_118 = tpu.memref_slice %arg13[%dma_start3A_116, %dma_start3A_117] : memref<10000x48xf32, #tpu.memory_space<vmem_shared>> -> memref<10000x48xf32, #tpu.memory_space<vmem_shared>>
        tpu.enqueue_indirect_dma source(%arg11 : memref<125x48xf32, #tpu.memory_space<vmem>>) target(%dma_start3A_118 : memref<10000x48xf32, #tpu.memory_space<vmem_shared>>) offsets(%dma_start3A_115 : memref<125xi32, #tpu.memory_space<vmem>>) semaphore(%run_scoped3A : memref<!tpu.dma_semaphore, #tpu.memory_space<semaphore_mem>>) {add = true}
        %dma_wait3A_119 = arith.constant 0 : i32
        %dma_wait3A_120 = tpu.memref_slice %arg8[%add3A_86, %dma_wait3A_119] : memref<80x125xi32, #tpu.memory_space<vmem>> -> memref<1x125xi32, #tpu.memory_space<vmem>>
        %dma_wait3A_121 = tpu.memref_squeeze %dma_wait3A_120 : memref<1x125xi32, #tpu.memory_space<vmem>> -> memref<125xi32, #tpu.memory_space<vmem>>
        %dma_wait3A_122 = arith.constant 0 : i32
        %dma_wait3A_123 = arith.constant 0 : i32
        %dma_wait3A_124 = tpu.memref_slice %arg13[%dma_wait3A_122, %dma_wait3A_123] : memref<10000x48xf32, #tpu.memory_space<vmem_shared>> -> memref<10000x48xf32, #tpu.memory_space<vmem_shared>>
        tpu.wait_indirect_dma semaphore(%run_scoped3A : memref<!tpu.dma_semaphore, #tpu.memory_space<semaphore_mem>>) src(%arg11 : memref<125x48xf32, #tpu.memory_space<vmem>>) dst(%dma_wait3A_124 : memref<10000x48xf32, #tpu.memory_space<vmem_shared>>)
        tpu.yield
      }) : () -> ()
      %add3A_87 = arith.constant 4 : i32
      %add3A_88 = arith.addi %add3A_46, %add3A_87 : i32
      %add3A_89 = arith.constant 2 : i32
      %add3A_90 = arith.addi %add3A_88, %add3A_89 : i32
      %lt3A_91 = arith.constant 80 : i32
      %lt3A_92 = arith.cmpi slt, %add3A_90, %lt3A_91 : i32
      %convert_element_type3A_93 = arith.extui %lt3A_92 : i1 to i32
      %cond3A_94 = arith.constant 0 : i32
      %cond3A_95 = arith.cmpi ne, %convert_element_type3A_93, %cond3A_94 : i32
      scf.if %cond3A_95 {
        %add3A_113 = arith.constant 4 : i32
        %add3A_114 = arith.addi %add3A_46, %add3A_113 : i32
        %add3A_115 = arith.constant 2 : i32
        %add3A_116 = arith.addi %add3A_114, %add3A_115 : i32
        %dma_start3A_117 = arith.constant 0 : i32
        %dma_start3A_118 = tpu.memref_slice %arg7[%add3A_116, %dma_start3A_117] : memref<80x125xi32, #tpu.memory_space<vmem>> -> memref<1x125xi32, #tpu.memory_space<vmem>>
        %dma_start3A_119 = tpu.memref_squeeze %dma_start3A_118 : memref<1x125xi32, #tpu.memory_space<vmem>> -> memref<125xi32, #tpu.memory_space<vmem>>
        %dma_start3A_120 = arith.constant 0 : i32
        %dma_start3A_121 = arith.constant 0 : i32
        %dma_start3A_122 = tpu.memref_slice %arg2[%dma_start3A_120, %dma_start3A_121] : memref<10000x48xf32, #tpu.memory_space<hbm>> -> memref<10000x48xf32, #tpu.memory_space<hbm>>
        tpu.enqueue_indirect_dma source(%dma_start3A_122 : memref<10000x48xf32, #tpu.memory_space<hbm>>) target(%arg11 : memref<125x48xf32, #tpu.memory_space<vmem>>) offsets(%dma_start3A_119 : memref<125xi32, #tpu.memory_space<vmem>>) semaphore(%arg16 : memref<!tpu.dma_semaphore, #tpu.memory_space<semaphore_mem>>)
      } else {
      }
      %dma_wait3A_96 = arith.constant 0 : i32
      %dma_wait3A_97 = arith.constant 0 : i32
      %dma_wait3A_98 = tpu.memref_slice %arg2[%dma_wait3A_96, %dma_wait3A_97] : memref<10000x48xf32, #tpu.memory_space<hbm>> -> memref<125x48xf32, #tpu.memory_space<hbm>>
      %dma_wait3A_99 = arith.constant 0 : i32
      %dma_wait3A_100 = arith.constant 0 : i32
      %dma_wait3A_101 = tpu.memref_slice %arg2[%dma_wait3A_99, %dma_wait3A_100] : memref<10000x48xf32, #tpu.memory_space<hbm>> -> memref<125x48xf32, #tpu.memory_space<hbm>>
      tpu.wait_dma2 semaphore(%arg17 : memref<!tpu.dma_semaphore, #tpu.memory_space<semaphore_mem>>) src(%dma_wait3A_101 : memref<125x48xf32, #tpu.memory_space<hbm>>) dst(%arg12 : memref<125x48xf32, #tpu.memory_space<vmem>>)
      %add3A_102 = arith.constant 3 : i32
      %add3A_103 = arith.addi %add3A_46, %add3A_102 : i32
      "tpu.region"() ({
        %run_scoped3A = tpu.sem_alloc : memref<!tpu.dma_semaphore, #tpu.memory_space<semaphore_mem>>
        %dma_start3A_113 = arith.constant 0 : i32
        %dma_start3A_114 = tpu.memref_slice %arg8[%add3A_103, %dma_start3A_113] : memref<80x125xi32, #tpu.memory_space<vmem>> -> memref<1x125xi32, #tpu.memory_space<vmem>>
        %dma_start3A_115 = tpu.memref_squeeze %dma_start3A_114 : memref<1x125xi32, #tpu.memory_space<vmem>> -> memref<125xi32, #tpu.memory_space<vmem>>
        %dma_start3A_116 = arith.constant 0 : i32
        %dma_start3A_117 = arith.constant 0 : i32
        %dma_start3A_118 = tpu.memref_slice %arg13[%dma_start3A_116, %dma_start3A_117] : memref<10000x48xf32, #tpu.memory_space<vmem_shared>> -> memref<10000x48xf32, #tpu.memory_space<vmem_shared>>
        tpu.enqueue_indirect_dma source(%arg12 : memref<125x48xf32, #tpu.memory_space<vmem>>) target(%dma_start3A_118 : memref<10000x48xf32, #tpu.memory_space<vmem_shared>>) offsets(%dma_start3A_115 : memref<125xi32, #tpu.memory_space<vmem>>) semaphore(%run_scoped3A : memref<!tpu.dma_semaphore, #tpu.memory_space<semaphore_mem>>) {add = true}
        %dma_wait3A_119 = arith.constant 0 : i32
        %dma_wait3A_120 = tpu.memref_slice %arg8[%add3A_103, %dma_wait3A_119] : memref<80x125xi32, #tpu.memory_space<vmem>> -> memref<1x125xi32, #tpu.memory_space<vmem>>
        %dma_wait3A_121 = tpu.memref_squeeze %dma_wait3A_120 : memref<1x125xi32, #tpu.memory_space<vmem>> -> memref<125xi32, #tpu.memory_space<vmem>>
        %dma_wait3A_122 = arith.constant 0 : i32
        %dma_wait3A_123 = arith.constant 0 : i32
        %dma_wait3A_124 = tpu.memref_slice %arg13[%dma_wait3A_122, %dma_wait3A_123] : memref<10000x48xf32, #tpu.memory_space<vmem_shared>> -> memref<10000x48xf32, #tpu.memory_space<vmem_shared>>
        tpu.wait_indirect_dma semaphore(%run_scoped3A : memref<!tpu.dma_semaphore, #tpu.memory_space<semaphore_mem>>) src(%arg12 : memref<125x48xf32, #tpu.memory_space<vmem>>) dst(%dma_wait3A_124 : memref<10000x48xf32, #tpu.memory_space<vmem_shared>>)
        tpu.yield
      }) : () -> ()
      %add3A_104 = arith.constant 4 : i32
      %add3A_105 = arith.addi %add3A_46, %add3A_104 : i32
      %add3A_106 = arith.constant 3 : i32
      %add3A_107 = arith.addi %add3A_105, %add3A_106 : i32
      %lt3A_108 = arith.constant 80 : i32
      %lt3A_109 = arith.cmpi slt, %add3A_107, %lt3A_108 : i32
      %convert_element_type3A_110 = arith.extui %lt3A_109 : i1 to i32
      %cond3A_111 = arith.constant 0 : i32
      %cond3A_112 = arith.cmpi ne, %convert_element_type3A_110, %cond3A_111 : i32
      scf.if %cond3A_112 {
        %add3A_113 = arith.constant 4 : i32
        %add3A_114 = arith.addi %add3A_46, %add3A_113 : i32
        %add3A_115 = arith.constant 3 : i32
        %add3A_116 = arith.addi %add3A_114, %add3A_115 : i32
        %dma_start3A_117 = arith.constant 0 : i32
        %dma_start3A_118 = tpu.memref_slice %arg7[%add3A_116, %dma_start3A_117] : memref<80x125xi32, #tpu.memory_space<vmem>> -> memref<1x125xi32, #tpu.memory_space<vmem>>
        %dma_start3A_119 = tpu.memref_squeeze %dma_start3A_118 : memref<1x125xi32, #tpu.memory_space<vmem>> -> memref<125xi32, #tpu.memory_space<vmem>>
        %dma_start3A_120 = arith.constant 0 : i32
        %dma_start3A_121 = arith.constant 0 : i32
        %dma_start3A_122 = tpu.memref_slice %arg2[%dma_start3A_120, %dma_start3A_121] : memref<10000x48xf32, #tpu.memory_space<hbm>> -> memref<10000x48xf32, #tpu.memory_space<hbm>>
        tpu.enqueue_indirect_dma source(%dma_start3A_122 : memref<10000x48xf32, #tpu.memory_space<hbm>>) target(%arg12 : memref<125x48xf32, #tpu.memory_space<vmem>>) offsets(%dma_start3A_119 : memref<125xi32, #tpu.memory_space<vmem>>) semaphore(%arg17 : memref<!tpu.dma_semaphore, #tpu.memory_space<semaphore_mem>>)
      } else {
      }
    }
    %scan3A_35 = arith.constant 20 : i32
    %barrier3A_36 = arith.constant 0 : index
    tpu.barrier barrier_id(%barrier3A_36)
    "tpu.region"() ({
      %run_scoped3A = tpu.sem_alloc : memref<!tpu.dma_semaphore, #tpu.memory_space<semaphore_mem>>
      %dma_start3A_42 = arith.constant 0 : i32
      %dma_start3A_43 = tpu.memref_slice %arg6[%arg0, %mul3A_2, %dma_start3A_42] : memref<2x10000x48xf32, #tpu.memory_space<hbm>> -> memref<1x624x48xf32, #tpu.memory_space<hbm>>
      %dma_start3A_44 = tpu.memref_squeeze %dma_start3A_43 : memref<1x624x48xf32, #tpu.memory_space<hbm>> -> memref<624x48xf32, #tpu.memory_space<hbm>>
      %dma_start3A_45 = arith.constant 0 : i32
      %dma_start3A_46 = tpu.memref_slice %arg13[%mul3A_2, %dma_start3A_45] : memref<10000x48xf32, #tpu.memory_space<vmem_shared>> -> memref<624x48xf32, #tpu.memory_space<vmem_shared>>
      tpu.enqueue_dma source(%dma_start3A_46 : memref<624x48xf32, #tpu.memory_space<vmem_shared>>) target(%dma_start3A_44 : memref<624x48xf32, #tpu.memory_space<hbm>>) target_semaphore(%run_scoped3A : memref<!tpu.dma_semaphore, #tpu.memory_space<semaphore_mem>>)
      %dma_wait3A = arith.constant 0 : i32
      %dma_wait3A_47 = tpu.memref_slice %arg6[%arg0, %mul3A_2, %dma_wait3A] : memref<2x10000x48xf32, #tpu.memory_space<hbm>> -> memref<1x624x48xf32, #tpu.memory_space<hbm>>
      %dma_wait3A_48 = tpu.memref_squeeze %dma_wait3A_47 : memref<1x624x48xf32, #tpu.memory_space<hbm>> -> memref<624x48xf32, #tpu.memory_space<hbm>>
      %dma_wait3A_49 = arith.constant 0 : i32
      %dma_wait3A_50 = tpu.memref_slice %arg13[%mul3A_2, %dma_wait3A_49] : memref<10000x48xf32, #tpu.memory_space<vmem_shared>> -> memref<624x48xf32, #tpu.memory_space<vmem_shared>>
      tpu.wait_dma2 semaphore(%run_scoped3A : memref<!tpu.dma_semaphore, #tpu.memory_space<semaphore_mem>>) src(%dma_wait3A_50 : memref<624x48xf32, #tpu.memory_space<vmem_shared>>) dst(%dma_wait3A_48 : memref<624x48xf32, #tpu.memory_space<hbm>>)
      tpu.yield
    }) : () -> ()
    %eq3A_37 = arith.constant 0 : i32
    %eq3A_38 = arith.cmpi eq, %arg1, %eq3A_37 : i32
    %convert_element_type3A_39 = arith.extui %eq3A_38 : i1 to i32
    %cond3A_40 = arith.constant 0 : i32
    %cond3A_41 = arith.cmpi ne, %convert_element_type3A_39, %cond3A_40 : i32
    scf.if %cond3A_41 {
      "tpu.region"() ({
        %run_scoped3A = tpu.sem_alloc : memref<!tpu.dma_semaphore, #tpu.memory_space<semaphore_mem>>
        %dma_start3A_42 = arith.constant 9984 : i32
        %dma_start3A_43 = arith.constant 0 : i32
        %dma_start3A_44 = tpu.memref_slice %arg6[%arg0, %dma_start3A_42, %dma_start3A_43] : memref<2x10000x48xf32, #tpu.memory_space<hbm>> -> memref<1x16x48xf32, #tpu.memory_space<hbm>>
        %dma_start3A_45 = tpu.memref_squeeze %dma_start3A_44 : memref<1x16x48xf32, #tpu.memory_space<hbm>> -> memref<16x48xf32, #tpu.memory_space<hbm>>
        %dma_start3A_46 = arith.constant 9984 : i32
        %dma_start3A_47 = arith.constant 0 : i32
        %dma_start3A_48 = tpu.memref_slice %arg13[%dma_start3A_46, %dma_start3A_47] : memref<10000x48xf32, #tpu.memory_space<vmem_shared>> -> memref<16x48xf32, #tpu.memory_space<vmem_shared>>
        tpu.enqueue_dma source(%dma_start3A_48 : memref<16x48xf32, #tpu.memory_space<vmem_shared>>) target(%dma_start3A_45 : memref<16x48xf32, #tpu.memory_space<hbm>>) target_semaphore(%run_scoped3A : memref<!tpu.dma_semaphore, #tpu.memory_space<semaphore_mem>>)
        %dma_wait3A = arith.constant 9984 : i32
        %dma_wait3A_49 = arith.constant 0 : i32
        %dma_wait3A_50 = tpu.memref_slice %arg6[%arg0, %dma_wait3A, %dma_wait3A_49] : memref<2x10000x48xf32, #tpu.memory_space<hbm>> -> memref<1x16x48xf32, #tpu.memory_space<hbm>>
        %dma_wait3A_51 = tpu.memref_squeeze %dma_wait3A_50 : memref<1x16x48xf32, #tpu.memory_space<hbm>> -> memref<16x48xf32, #tpu.memory_space<hbm>>
        %dma_wait3A_52 = arith.constant 9984 : i32
        %dma_wait3A_53 = arith.constant 0 : i32
        %dma_wait3A_54 = tpu.memref_slice %arg13[%dma_wait3A_52, %dma_wait3A_53] : memref<10000x48xf32, #tpu.memory_space<vmem_shared>> -> memref<16x48xf32, #tpu.memory_space<vmem_shared>>
        tpu.wait_dma2 semaphore(%run_scoped3A : memref<!tpu.dma_semaphore, #tpu.memory_space<semaphore_mem>>) src(%dma_wait3A_54 : memref<16x48xf32, #tpu.memory_space<vmem_shared>>) dst(%dma_wait3A_51 : memref<16x48xf32, #tpu.memory_space<hbm>>)
        tpu.yield
      }) : () -> ()
    } else {
    }
    return
  }
}

#map = affine_map<(d0, d1) -> (0, 0)>
#map1 = affine_map<(d0, d1) -> (0, 0, 0)>
module attributes {stable_mosaic.version = 14 : i64} {
  func.func @run(%arg0: i32, %arg1: i32, %arg2: memref<10000x128xf32, #tpu.memory_space<hbm>>, %arg3: memref<32x80x125xi32, #tpu.memory_space<hbm>>, %arg4: memref<32x80x125xi32, #tpu.memory_space<hbm>>, %arg5: memref<10000x128xf32, #tpu.memory_space<hbm>>, %arg6: memref<2x10000x128xf32, #tpu.memory_space<hbm>>, %arg7: memref<40x125xi32, #tpu.memory_space<vmem>>, %arg8: memref<40x125xi32, #tpu.memory_space<vmem>>, %arg9: memref<125x128xf32, #tpu.memory_space<vmem>>, %arg10: memref<125x128xf32, #tpu.memory_space<vmem>>, %arg11: memref<10000x128xf32, #tpu.memory_space<vmem_shared>>, %arg12: memref<!tpu.dma_semaphore, #tpu.memory_space<semaphore_mem>>, %arg13: memref<!tpu.dma_semaphore, #tpu.memory_space<semaphore_mem>>) attributes {dimension_semantics = [#tpu.dimension_semantics<core_parallel>, #tpu.dimension_semantics<subcore_parallel>], iteration_bounds = array<i64: 2, 16>, scalar_prefetch = 0 : i64, scratch_operands = 7 : i64, tpu.core_type = #tpu.core_type<sc_vector_subcore>, window_params = [{transform_indices = #map}, {transform_indices = #map1}, {transform_indices = #map1}, {transform_indices = #map}, {transform_indices = #map1}]} {
    %mul3A = arith.constant 16 : i32
    %mul3A_0 = arith.muli %arg0, %mul3A : i32
    %add3A = arith.addi %mul3A_0, %arg1 : i32
    %mul3A_1 = arith.constant 624 : i32
    %mul3A_2 = arith.muli %arg1, %mul3A_1 : i32
    "tpu.region"() ({
      %run_scoped3A = tpu.sem_alloc : memref<!tpu.dma_semaphore, #tpu.memory_space<semaphore_mem>>
      %dma_start3A_47 = arith.constant 0 : i32
      %dma_start3A_48 = tpu.memref_slice %arg11[%mul3A_2, %dma_start3A_47] : memref<10000x128xf32, #tpu.memory_space<vmem_shared>> -> memref<624x128xf32, #tpu.memory_space<vmem_shared>>
      %dma_start3A_49 = arith.constant 0 : i32
      %dma_start3A_50 = tpu.memref_slice %arg5[%mul3A_2, %dma_start3A_49] : memref<10000x128xf32, #tpu.memory_space<hbm>> -> memref<624x128xf32, #tpu.memory_space<hbm>>
      tpu.enqueue_dma source(%dma_start3A_50 : memref<624x128xf32, #tpu.memory_space<hbm>>) target(%dma_start3A_48 : memref<624x128xf32, #tpu.memory_space<vmem_shared>>) target_semaphore(%run_scoped3A : memref<!tpu.dma_semaphore, #tpu.memory_space<semaphore_mem>>)
      %dma_wait3A = arith.constant 0 : i32
      %dma_wait3A_51 = tpu.memref_slice %arg11[%mul3A_2, %dma_wait3A] : memref<10000x128xf32, #tpu.memory_space<vmem_shared>> -> memref<624x128xf32, #tpu.memory_space<vmem_shared>>
      %dma_wait3A_52 = arith.constant 0 : i32
      %dma_wait3A_53 = tpu.memref_slice %arg5[%mul3A_2, %dma_wait3A_52] : memref<10000x128xf32, #tpu.memory_space<hbm>> -> memref<624x128xf32, #tpu.memory_space<hbm>>
      tpu.wait_dma2 semaphore(%run_scoped3A : memref<!tpu.dma_semaphore, #tpu.memory_space<semaphore_mem>>) src(%dma_wait3A_53 : memref<624x128xf32, #tpu.memory_space<hbm>>) dst(%dma_wait3A_51 : memref<624x128xf32, #tpu.memory_space<vmem_shared>>)
      tpu.yield
    }) : () -> ()
    %eq3A = arith.constant 0 : i32
    %eq3A_3 = arith.cmpi eq, %arg1, %eq3A : i32
    %convert_element_type3A = arith.extui %eq3A_3 : i1 to i32
    %cond3A = arith.constant 0 : i32
    %cond3A_4 = arith.cmpi ne, %convert_element_type3A, %cond3A : i32
    scf.if %cond3A_4 {
      "tpu.region"() ({
        %run_scoped3A = tpu.sem_alloc : memref<!tpu.dma_semaphore, #tpu.memory_space<semaphore_mem>>
        %dma_start3A_47 = arith.constant 9984 : i32
        %dma_start3A_48 = arith.constant 0 : i32
        %dma_start3A_49 = tpu.memref_slice %arg11[%dma_start3A_47, %dma_start3A_48] : memref<10000x128xf32, #tpu.memory_space<vmem_shared>> -> memref<16x128xf32, #tpu.memory_space<vmem_shared>>
        %dma_start3A_50 = arith.constant 9984 : i32
        %dma_start3A_51 = arith.constant 0 : i32
        %dma_start3A_52 = tpu.memref_slice %arg5[%dma_start3A_50, %dma_start3A_51] : memref<10000x128xf32, #tpu.memory_space<hbm>> -> memref<16x128xf32, #tpu.memory_space<hbm>>
        tpu.enqueue_dma source(%dma_start3A_52 : memref<16x128xf32, #tpu.memory_space<hbm>>) target(%dma_start3A_49 : memref<16x128xf32, #tpu.memory_space<vmem_shared>>) target_semaphore(%run_scoped3A : memref<!tpu.dma_semaphore, #tpu.memory_space<semaphore_mem>>)
        %dma_wait3A = arith.constant 9984 : i32
        %dma_wait3A_53 = arith.constant 0 : i32
        %dma_wait3A_54 = tpu.memref_slice %arg11[%dma_wait3A, %dma_wait3A_53] : memref<10000x128xf32, #tpu.memory_space<vmem_shared>> -> memref<16x128xf32, #tpu.memory_space<vmem_shared>>
        %dma_wait3A_55 = arith.constant 9984 : i32
        %dma_wait3A_56 = arith.constant 0 : i32
        %dma_wait3A_57 = tpu.memref_slice %arg5[%dma_wait3A_55, %dma_wait3A_56] : memref<10000x128xf32, #tpu.memory_space<hbm>> -> memref<16x128xf32, #tpu.memory_space<hbm>>
        tpu.wait_dma2 semaphore(%run_scoped3A : memref<!tpu.dma_semaphore, #tpu.memory_space<semaphore_mem>>) src(%dma_wait3A_57 : memref<16x128xf32, #tpu.memory_space<hbm>>) dst(%dma_wait3A_54 : memref<16x128xf32, #tpu.memory_space<vmem_shared>>)
        tpu.yield
      }) : () -> ()
    } else {
    }
    %barrier3A = arith.constant 0 : index
    tpu.barrier barrier_id(%barrier3A)
    "tpu.region"() ({
      %run_scoped3A = tpu.sem_alloc : memref<!tpu.dma_semaphore, #tpu.memory_space<semaphore_mem>>
      %dma_start3A_47 = arith.constant 0 : i32
      %dma_start3A_48 = arith.constant 0 : i32
      %dma_start3A_49 = tpu.memref_slice %arg3[%add3A, %dma_start3A_47, %dma_start3A_48] : memref<32x80x125xi32, #tpu.memory_space<hbm>> -> memref<1x40x125xi32, #tpu.memory_space<hbm>>
      %dma_start3A_50 = tpu.memref_squeeze %dma_start3A_49 : memref<1x40x125xi32, #tpu.memory_space<hbm>> -> memref<40x125xi32, #tpu.memory_space<hbm>>
      %dma_start3A_51 = arith.constant 0 : i32
      %dma_start3A_52 = arith.constant 0 : i32
      %dma_start3A_53 = tpu.memref_slice %arg3[%add3A, %dma_start3A_51, %dma_start3A_52] : memref<32x80x125xi32, #tpu.memory_space<hbm>> -> memref<1x40x125xi32, #tpu.memory_space<hbm>>
      %dma_start3A_54 = tpu.memref_squeeze %dma_start3A_53 : memref<1x40x125xi32, #tpu.memory_space<hbm>> -> memref<40x125xi32, #tpu.memory_space<hbm>>
      tpu.enqueue_dma source(%dma_start3A_54 : memref<40x125xi32, #tpu.memory_space<hbm>>) target(%arg7 : memref<40x125xi32, #tpu.memory_space<vmem>>) target_semaphore(%run_scoped3A : memref<!tpu.dma_semaphore, #tpu.memory_space<semaphore_mem>>)
      %dma_wait3A = arith.constant 0 : i32
      %dma_wait3A_55 = arith.constant 0 : i32
      %dma_wait3A_56 = tpu.memref_slice %arg3[%add3A, %dma_wait3A, %dma_wait3A_55] : memref<32x80x125xi32, #tpu.memory_space<hbm>> -> memref<1x40x125xi32, #tpu.memory_space<hbm>>
      %dma_wait3A_57 = tpu.memref_squeeze %dma_wait3A_56 : memref<1x40x125xi32, #tpu.memory_space<hbm>> -> memref<40x125xi32, #tpu.memory_space<hbm>>
      %dma_wait3A_58 = arith.constant 0 : i32
      %dma_wait3A_59 = arith.constant 0 : i32
      %dma_wait3A_60 = tpu.memref_slice %arg3[%add3A, %dma_wait3A_58, %dma_wait3A_59] : memref<32x80x125xi32, #tpu.memory_space<hbm>> -> memref<1x40x125xi32, #tpu.memory_space<hbm>>
      %dma_wait3A_61 = tpu.memref_squeeze %dma_wait3A_60 : memref<1x40x125xi32, #tpu.memory_space<hbm>> -> memref<40x125xi32, #tpu.memory_space<hbm>>
      tpu.wait_dma2 semaphore(%run_scoped3A : memref<!tpu.dma_semaphore, #tpu.memory_space<semaphore_mem>>) src(%dma_wait3A_61 : memref<40x125xi32, #tpu.memory_space<hbm>>) dst(%arg7 : memref<40x125xi32, #tpu.memory_space<vmem>>)
      tpu.yield
    }) : () -> ()
    "tpu.region"() ({
      %run_scoped3A = tpu.sem_alloc : memref<!tpu.dma_semaphore, #tpu.memory_space<semaphore_mem>>
      %dma_start3A_47 = arith.constant 0 : i32
      %dma_start3A_48 = arith.constant 0 : i32
      %dma_start3A_49 = tpu.memref_slice %arg4[%add3A, %dma_start3A_47, %dma_start3A_48] : memref<32x80x125xi32, #tpu.memory_space<hbm>> -> memref<1x40x125xi32, #tpu.memory_space<hbm>>
      %dma_start3A_50 = tpu.memref_squeeze %dma_start3A_49 : memref<1x40x125xi32, #tpu.memory_space<hbm>> -> memref<40x125xi32, #tpu.memory_space<hbm>>
      %dma_start3A_51 = arith.constant 0 : i32
      %dma_start3A_52 = arith.constant 0 : i32
      %dma_start3A_53 = tpu.memref_slice %arg4[%add3A, %dma_start3A_51, %dma_start3A_52] : memref<32x80x125xi32, #tpu.memory_space<hbm>> -> memref<1x40x125xi32, #tpu.memory_space<hbm>>
      %dma_start3A_54 = tpu.memref_squeeze %dma_start3A_53 : memref<1x40x125xi32, #tpu.memory_space<hbm>> -> memref<40x125xi32, #tpu.memory_space<hbm>>
      tpu.enqueue_dma source(%dma_start3A_54 : memref<40x125xi32, #tpu.memory_space<hbm>>) target(%arg8 : memref<40x125xi32, #tpu.memory_space<vmem>>) target_semaphore(%run_scoped3A : memref<!tpu.dma_semaphore, #tpu.memory_space<semaphore_mem>>)
      %dma_wait3A = arith.constant 0 : i32
      %dma_wait3A_55 = arith.constant 0 : i32
      %dma_wait3A_56 = tpu.memref_slice %arg4[%add3A, %dma_wait3A, %dma_wait3A_55] : memref<32x80x125xi32, #tpu.memory_space<hbm>> -> memref<1x40x125xi32, #tpu.memory_space<hbm>>
      %dma_wait3A_57 = tpu.memref_squeeze %dma_wait3A_56 : memref<1x40x125xi32, #tpu.memory_space<hbm>> -> memref<40x125xi32, #tpu.memory_space<hbm>>
      %dma_wait3A_58 = arith.constant 0 : i32
      %dma_wait3A_59 = arith.constant 0 : i32
      %dma_wait3A_60 = tpu.memref_slice %arg4[%add3A, %dma_wait3A_58, %dma_wait3A_59] : memref<32x80x125xi32, #tpu.memory_space<hbm>> -> memref<1x40x125xi32, #tpu.memory_space<hbm>>
      %dma_wait3A_61 = tpu.memref_squeeze %dma_wait3A_60 : memref<1x40x125xi32, #tpu.memory_space<hbm>> -> memref<40x125xi32, #tpu.memory_space<hbm>>
      tpu.wait_dma2 semaphore(%run_scoped3A : memref<!tpu.dma_semaphore, #tpu.memory_space<semaphore_mem>>) src(%dma_wait3A_61 : memref<40x125xi32, #tpu.memory_space<hbm>>) dst(%arg8 : memref<40x125xi32, #tpu.memory_space<vmem>>)
      tpu.yield
    }) : () -> ()
    %dma_start3A = arith.constant 0 : i32
    %dma_start3A_5 = arith.constant 0 : i32
    %dma_start3A_6 = tpu.memref_slice %arg7[%dma_start3A, %dma_start3A_5] : memref<40x125xi32, #tpu.memory_space<vmem>> -> memref<1x125xi32, #tpu.memory_space<vmem>>
    %dma_start3A_7 = tpu.memref_squeeze %dma_start3A_6 : memref<1x125xi32, #tpu.memory_space<vmem>> -> memref<125xi32, #tpu.memory_space<vmem>>
    %dma_start3A_8 = arith.constant 0 : i32
    %dma_start3A_9 = arith.constant 0 : i32
    %dma_start3A_10 = tpu.memref_slice %arg2[%dma_start3A_8, %dma_start3A_9] : memref<10000x128xf32, #tpu.memory_space<hbm>> -> memref<10000x128xf32, #tpu.memory_space<hbm>>
    tpu.enqueue_indirect_dma source(%dma_start3A_10 : memref<10000x128xf32, #tpu.memory_space<hbm>>) target(%arg9 : memref<125x128xf32, #tpu.memory_space<vmem>>) offsets(%dma_start3A_7 : memref<125xi32, #tpu.memory_space<vmem>>) semaphore(%arg12 : memref<!tpu.dma_semaphore, #tpu.memory_space<semaphore_mem>>)
    %dma_start3A_11 = arith.constant 1 : i32
    %dma_start3A_12 = arith.constant 0 : i32
    %dma_start3A_13 = tpu.memref_slice %arg7[%dma_start3A_11, %dma_start3A_12] : memref<40x125xi32, #tpu.memory_space<vmem>> -> memref<1x125xi32, #tpu.memory_space<vmem>>
    %dma_start3A_14 = tpu.memref_squeeze %dma_start3A_13 : memref<1x125xi32, #tpu.memory_space<vmem>> -> memref<125xi32, #tpu.memory_space<vmem>>
    %dma_start3A_15 = arith.constant 0 : i32
    %dma_start3A_16 = arith.constant 0 : i32
    %dma_start3A_17 = tpu.memref_slice %arg2[%dma_start3A_15, %dma_start3A_16] : memref<10000x128xf32, #tpu.memory_space<hbm>> -> memref<10000x128xf32, #tpu.memory_space<hbm>>
    tpu.enqueue_indirect_dma source(%dma_start3A_17 : memref<10000x128xf32, #tpu.memory_space<hbm>>) target(%arg10 : memref<125x128xf32, #tpu.memory_space<vmem>>) offsets(%dma_start3A_14 : memref<125xi32, #tpu.memory_space<vmem>>) semaphore(%arg13 : memref<!tpu.dma_semaphore, #tpu.memory_space<semaphore_mem>>)
    %scan3A = arith.constant 0 : i32
    %scan3A_18 = arith.constant 20 : i32
    %scan3A_19 = arith.addi %scan3A, %scan3A_18 : i32
    %scan3A_20 = arith.constant 1 : i32
    scf.for %scan3A_47 = %scan3A to %scan3A_19 step %scan3A_20  : i32 {
      %mul3A_48 = arith.constant 2 : i32
      %mul3A_49 = arith.muli %scan3A_47, %mul3A_48 : i32
      %add3A_50 = arith.constant 0 : i32
      %add3A_51 = arith.addi %add3A_50, %mul3A_49 : i32
      %dma_wait3A = arith.constant 0 : i32
      %dma_wait3A_52 = arith.constant 0 : i32
      %dma_wait3A_53 = tpu.memref_slice %arg2[%dma_wait3A, %dma_wait3A_52] : memref<10000x128xf32, #tpu.memory_space<hbm>> -> memref<125x128xf32, #tpu.memory_space<hbm>>
      %dma_wait3A_54 = arith.constant 0 : i32
      %dma_wait3A_55 = arith.constant 0 : i32
      %dma_wait3A_56 = tpu.memref_slice %arg2[%dma_wait3A_54, %dma_wait3A_55] : memref<10000x128xf32, #tpu.memory_space<hbm>> -> memref<125x128xf32, #tpu.memory_space<hbm>>
      tpu.wait_dma2 semaphore(%arg12 : memref<!tpu.dma_semaphore, #tpu.memory_space<semaphore_mem>>) src(%dma_wait3A_56 : memref<125x128xf32, #tpu.memory_space<hbm>>) dst(%arg9 : memref<125x128xf32, #tpu.memory_space<vmem>>)
      %add3A_57 = arith.constant 0 : i32
      %add3A_58 = arith.addi %add3A_51, %add3A_57 : i32
      "tpu.region"() ({
        %run_scoped3A = tpu.sem_alloc : memref<!tpu.dma_semaphore, #tpu.memory_space<semaphore_mem>>
        %dma_start3A_84 = arith.constant 0 : i32
        %dma_start3A_85 = tpu.memref_slice %arg8[%add3A_58, %dma_start3A_84] : memref<40x125xi32, #tpu.memory_space<vmem>> -> memref<1x125xi32, #tpu.memory_space<vmem>>
        %dma_start3A_86 = tpu.memref_squeeze %dma_start3A_85 : memref<1x125xi32, #tpu.memory_space<vmem>> -> memref<125xi32, #tpu.memory_space<vmem>>
        %dma_start3A_87 = arith.constant 0 : i32
        %dma_start3A_88 = arith.constant 0 : i32
        %dma_start3A_89 = tpu.memref_slice %arg11[%dma_start3A_87, %dma_start3A_88] : memref<10000x128xf32, #tpu.memory_space<vmem_shared>> -> memref<10000x128xf32, #tpu.memory_space<vmem_shared>>
        tpu.enqueue_indirect_dma source(%arg9 : memref<125x128xf32, #tpu.memory_space<vmem>>) target(%dma_start3A_89 : memref<10000x128xf32, #tpu.memory_space<vmem_shared>>) offsets(%dma_start3A_86 : memref<125xi32, #tpu.memory_space<vmem>>) semaphore(%run_scoped3A : memref<!tpu.dma_semaphore, #tpu.memory_space<semaphore_mem>>) {add = true}
        %dma_wait3A_90 = arith.constant 0 : i32
        %dma_wait3A_91 = tpu.memref_slice %arg8[%add3A_58, %dma_wait3A_90] : memref<40x125xi32, #tpu.memory_space<vmem>> -> memref<1x125xi32, #tpu.memory_space<vmem>>
        %dma_wait3A_92 = tpu.memref_squeeze %dma_wait3A_91 : memref<1x125xi32, #tpu.memory_space<vmem>> -> memref<125xi32, #tpu.memory_space<vmem>>
        %dma_wait3A_93 = arith.constant 0 : i32
        %dma_wait3A_94 = arith.constant 0 : i32
        %dma_wait3A_95 = tpu.memref_slice %arg11[%dma_wait3A_93, %dma_wait3A_94] : memref<10000x128xf32, #tpu.memory_space<vmem_shared>> -> memref<10000x128xf32, #tpu.memory_space<vmem_shared>>
        tpu.wait_indirect_dma semaphore(%run_scoped3A : memref<!tpu.dma_semaphore, #tpu.memory_space<semaphore_mem>>) src(%arg9 : memref<125x128xf32, #tpu.memory_space<vmem>>) dst(%dma_wait3A_95 : memref<10000x128xf32, #tpu.memory_space<vmem_shared>>)
        tpu.yield
      }) : () -> ()
      %add3A_59 = arith.constant 2 : i32
      %add3A_60 = arith.addi %add3A_51, %add3A_59 : i32
      %add3A_61 = arith.constant 0 : i32
      %add3A_62 = arith.addi %add3A_60, %add3A_61 : i32
      %lt3A = arith.constant 40 : i32
      %lt3A_63 = arith.cmpi slt, %add3A_62, %lt3A : i32
      %convert_element_type3A_64 = arith.extui %lt3A_63 : i1 to i32
      %cond3A_65 = arith.constant 0 : i32
      %cond3A_66 = arith.cmpi ne, %convert_element_type3A_64, %cond3A_65 : i32
      scf.if %cond3A_66 {
        %add3A_84 = arith.constant 2 : i32
        %add3A_85 = arith.addi %add3A_51, %add3A_84 : i32
        %add3A_86 = arith.constant 0 : i32
        %add3A_87 = arith.addi %add3A_85, %add3A_86 : i32
        %dma_start3A_88 = arith.constant 0 : i32
        %dma_start3A_89 = tpu.memref_slice %arg7[%add3A_87, %dma_start3A_88] : memref<40x125xi32, #tpu.memory_space<vmem>> -> memref<1x125xi32, #tpu.memory_space<vmem>>
        %dma_start3A_90 = tpu.memref_squeeze %dma_start3A_89 : memref<1x125xi32, #tpu.memory_space<vmem>> -> memref<125xi32, #tpu.memory_space<vmem>>
        %dma_start3A_91 = arith.constant 0 : i32
        %dma_start3A_92 = arith.constant 0 : i32
        %dma_start3A_93 = tpu.memref_slice %arg2[%dma_start3A_91, %dma_start3A_92] : memref<10000x128xf32, #tpu.memory_space<hbm>> -> memref<10000x128xf32, #tpu.memory_space<hbm>>
        tpu.enqueue_indirect_dma source(%dma_start3A_93 : memref<10000x128xf32, #tpu.memory_space<hbm>>) target(%arg9 : memref<125x128xf32, #tpu.memory_space<vmem>>) offsets(%dma_start3A_90 : memref<125xi32, #tpu.memory_space<vmem>>) semaphore(%arg12 : memref<!tpu.dma_semaphore, #tpu.memory_space<semaphore_mem>>)
      } else {
      }
      %dma_wait3A_67 = arith.constant 0 : i32
      %dma_wait3A_68 = arith.constant 0 : i32
      %dma_wait3A_69 = tpu.memref_slice %arg2[%dma_wait3A_67, %dma_wait3A_68] : memref<10000x128xf32, #tpu.memory_space<hbm>> -> memref<125x128xf32, #tpu.memory_space<hbm>>
      %dma_wait3A_70 = arith.constant 0 : i32
      %dma_wait3A_71 = arith.constant 0 : i32
      %dma_wait3A_72 = tpu.memref_slice %arg2[%dma_wait3A_70, %dma_wait3A_71] : memref<10000x128xf32, #tpu.memory_space<hbm>> -> memref<125x128xf32, #tpu.memory_space<hbm>>
      tpu.wait_dma2 semaphore(%arg13 : memref<!tpu.dma_semaphore, #tpu.memory_space<semaphore_mem>>) src(%dma_wait3A_72 : memref<125x128xf32, #tpu.memory_space<hbm>>) dst(%arg10 : memref<125x128xf32, #tpu.memory_space<vmem>>)
      %add3A_73 = arith.constant 1 : i32
      %add3A_74 = arith.addi %add3A_51, %add3A_73 : i32
      "tpu.region"() ({
        %run_scoped3A = tpu.sem_alloc : memref<!tpu.dma_semaphore, #tpu.memory_space<semaphore_mem>>
        %dma_start3A_84 = arith.constant 0 : i32
        %dma_start3A_85 = tpu.memref_slice %arg8[%add3A_74, %dma_start3A_84] : memref<40x125xi32, #tpu.memory_space<vmem>> -> memref<1x125xi32, #tpu.memory_space<vmem>>
        %dma_start3A_86 = tpu.memref_squeeze %dma_start3A_85 : memref<1x125xi32, #tpu.memory_space<vmem>> -> memref<125xi32, #tpu.memory_space<vmem>>
        %dma_start3A_87 = arith.constant 0 : i32
        %dma_start3A_88 = arith.constant 0 : i32
        %dma_start3A_89 = tpu.memref_slice %arg11[%dma_start3A_87, %dma_start3A_88] : memref<10000x128xf32, #tpu.memory_space<vmem_shared>> -> memref<10000x128xf32, #tpu.memory_space<vmem_shared>>
        tpu.enqueue_indirect_dma source(%arg10 : memref<125x128xf32, #tpu.memory_space<vmem>>) target(%dma_start3A_89 : memref<10000x128xf32, #tpu.memory_space<vmem_shared>>) offsets(%dma_start3A_86 : memref<125xi32, #tpu.memory_space<vmem>>) semaphore(%run_scoped3A : memref<!tpu.dma_semaphore, #tpu.memory_space<semaphore_mem>>) {add = true}
        %dma_wait3A_90 = arith.constant 0 : i32
        %dma_wait3A_91 = tpu.memref_slice %arg8[%add3A_74, %dma_wait3A_90] : memref<40x125xi32, #tpu.memory_space<vmem>> -> memref<1x125xi32, #tpu.memory_space<vmem>>
        %dma_wait3A_92 = tpu.memref_squeeze %dma_wait3A_91 : memref<1x125xi32, #tpu.memory_space<vmem>> -> memref<125xi32, #tpu.memory_space<vmem>>
        %dma_wait3A_93 = arith.constant 0 : i32
        %dma_wait3A_94 = arith.constant 0 : i32
        %dma_wait3A_95 = tpu.memref_slice %arg11[%dma_wait3A_93, %dma_wait3A_94] : memref<10000x128xf32, #tpu.memory_space<vmem_shared>> -> memref<10000x128xf32, #tpu.memory_space<vmem_shared>>
        tpu.wait_indirect_dma semaphore(%run_scoped3A : memref<!tpu.dma_semaphore, #tpu.memory_space<semaphore_mem>>) src(%arg10 : memref<125x128xf32, #tpu.memory_space<vmem>>) dst(%dma_wait3A_95 : memref<10000x128xf32, #tpu.memory_space<vmem_shared>>)
        tpu.yield
      }) : () -> ()
      %add3A_75 = arith.constant 2 : i32
      %add3A_76 = arith.addi %add3A_51, %add3A_75 : i32
      %add3A_77 = arith.constant 1 : i32
      %add3A_78 = arith.addi %add3A_76, %add3A_77 : i32
      %lt3A_79 = arith.constant 40 : i32
      %lt3A_80 = arith.cmpi slt, %add3A_78, %lt3A_79 : i32
      %convert_element_type3A_81 = arith.extui %lt3A_80 : i1 to i32
      %cond3A_82 = arith.constant 0 : i32
      %cond3A_83 = arith.cmpi ne, %convert_element_type3A_81, %cond3A_82 : i32
      scf.if %cond3A_83 {
        %add3A_84 = arith.constant 2 : i32
        %add3A_85 = arith.addi %add3A_51, %add3A_84 : i32
        %add3A_86 = arith.constant 1 : i32
        %add3A_87 = arith.addi %add3A_85, %add3A_86 : i32
        %dma_start3A_88 = arith.constant 0 : i32
        %dma_start3A_89 = tpu.memref_slice %arg7[%add3A_87, %dma_start3A_88] : memref<40x125xi32, #tpu.memory_space<vmem>> -> memref<1x125xi32, #tpu.memory_space<vmem>>
        %dma_start3A_90 = tpu.memref_squeeze %dma_start3A_89 : memref<1x125xi32, #tpu.memory_space<vmem>> -> memref<125xi32, #tpu.memory_space<vmem>>
        %dma_start3A_91 = arith.constant 0 : i32
        %dma_start3A_92 = arith.constant 0 : i32
        %dma_start3A_93 = tpu.memref_slice %arg2[%dma_start3A_91, %dma_start3A_92] : memref<10000x128xf32, #tpu.memory_space<hbm>> -> memref<10000x128xf32, #tpu.memory_space<hbm>>
        tpu.enqueue_indirect_dma source(%dma_start3A_93 : memref<10000x128xf32, #tpu.memory_space<hbm>>) target(%arg10 : memref<125x128xf32, #tpu.memory_space<vmem>>) offsets(%dma_start3A_90 : memref<125xi32, #tpu.memory_space<vmem>>) semaphore(%arg13 : memref<!tpu.dma_semaphore, #tpu.memory_space<semaphore_mem>>)
      } else {
      }
    }
    %scan3A_21 = arith.constant 20 : i32
    "tpu.region"() ({
      %run_scoped3A = tpu.sem_alloc : memref<!tpu.dma_semaphore, #tpu.memory_space<semaphore_mem>>
      %dma_start3A_47 = arith.constant 40 : i32
      %dma_start3A_48 = arith.constant 0 : i32
      %dma_start3A_49 = tpu.memref_slice %arg3[%add3A, %dma_start3A_47, %dma_start3A_48] : memref<32x80x125xi32, #tpu.memory_space<hbm>> -> memref<1x40x125xi32, #tpu.memory_space<hbm>>
      %dma_start3A_50 = tpu.memref_squeeze %dma_start3A_49 : memref<1x40x125xi32, #tpu.memory_space<hbm>> -> memref<40x125xi32, #tpu.memory_space<hbm>>
      %dma_start3A_51 = arith.constant 40 : i32
      %dma_start3A_52 = arith.constant 0 : i32
      %dma_start3A_53 = tpu.memref_slice %arg3[%add3A, %dma_start3A_51, %dma_start3A_52] : memref<32x80x125xi32, #tpu.memory_space<hbm>> -> memref<1x40x125xi32, #tpu.memory_space<hbm>>
      %dma_start3A_54 = tpu.memref_squeeze %dma_start3A_53 : memref<1x40x125xi32, #tpu.memory_space<hbm>> -> memref<40x125xi32, #tpu.memory_space<hbm>>
      tpu.enqueue_dma source(%dma_start3A_54 : memref<40x125xi32, #tpu.memory_space<hbm>>) target(%arg7 : memref<40x125xi32, #tpu.memory_space<vmem>>) target_semaphore(%run_scoped3A : memref<!tpu.dma_semaphore, #tpu.memory_space<semaphore_mem>>)
      %dma_wait3A = arith.constant 40 : i32
      %dma_wait3A_55 = arith.constant 0 : i32
      %dma_wait3A_56 = tpu.memref_slice %arg3[%add3A, %dma_wait3A, %dma_wait3A_55] : memref<32x80x125xi32, #tpu.memory_space<hbm>> -> memref<1x40x125xi32, #tpu.memory_space<hbm>>
      %dma_wait3A_57 = tpu.memref_squeeze %dma_wait3A_56 : memref<1x40x125xi32, #tpu.memory_space<hbm>> -> memref<40x125xi32, #tpu.memory_space<hbm>>
      %dma_wait3A_58 = arith.constant 40 : i32
      %dma_wait3A_59 = arith.constant 0 : i32
      %dma_wait3A_60 = tpu.memref_slice %arg3[%add3A, %dma_wait3A_58, %dma_wait3A_59] : memref<32x80x125xi32, #tpu.memory_space<hbm>> -> memref<1x40x125xi32, #tpu.memory_space<hbm>>
      %dma_wait3A_61 = tpu.memref_squeeze %dma_wait3A_60 : memref<1x40x125xi32, #tpu.memory_space<hbm>> -> memref<40x125xi32, #tpu.memory_space<hbm>>
      tpu.wait_dma2 semaphore(%run_scoped3A : memref<!tpu.dma_semaphore, #tpu.memory_space<semaphore_mem>>) src(%dma_wait3A_61 : memref<40x125xi32, #tpu.memory_space<hbm>>) dst(%arg7 : memref<40x125xi32, #tpu.memory_space<vmem>>)
      tpu.yield
    }) : () -> ()
    "tpu.region"() ({
      %run_scoped3A = tpu.sem_alloc : memref<!tpu.dma_semaphore, #tpu.memory_space<semaphore_mem>>
      %dma_start3A_47 = arith.constant 40 : i32
      %dma_start3A_48 = arith.constant 0 : i32
      %dma_start3A_49 = tpu.memref_slice %arg4[%add3A, %dma_start3A_47, %dma_start3A_48] : memref<32x80x125xi32, #tpu.memory_space<hbm>> -> memref<1x40x125xi32, #tpu.memory_space<hbm>>
      %dma_start3A_50 = tpu.memref_squeeze %dma_start3A_49 : memref<1x40x125xi32, #tpu.memory_space<hbm>> -> memref<40x125xi32, #tpu.memory_space<hbm>>
      %dma_start3A_51 = arith.constant 40 : i32
      %dma_start3A_52 = arith.constant 0 : i32
      %dma_start3A_53 = tpu.memref_slice %arg4[%add3A, %dma_start3A_51, %dma_start3A_52] : memref<32x80x125xi32, #tpu.memory_space<hbm>> -> memref<1x40x125xi32, #tpu.memory_space<hbm>>
      %dma_start3A_54 = tpu.memref_squeeze %dma_start3A_53 : memref<1x40x125xi32, #tpu.memory_space<hbm>> -> memref<40x125xi32, #tpu.memory_space<hbm>>
      tpu.enqueue_dma source(%dma_start3A_54 : memref<40x125xi32, #tpu.memory_space<hbm>>) target(%arg8 : memref<40x125xi32, #tpu.memory_space<vmem>>) target_semaphore(%run_scoped3A : memref<!tpu.dma_semaphore, #tpu.memory_space<semaphore_mem>>)
      %dma_wait3A = arith.constant 40 : i32
      %dma_wait3A_55 = arith.constant 0 : i32
      %dma_wait3A_56 = tpu.memref_slice %arg4[%add3A, %dma_wait3A, %dma_wait3A_55] : memref<32x80x125xi32, #tpu.memory_space<hbm>> -> memref<1x40x125xi32, #tpu.memory_space<hbm>>
      %dma_wait3A_57 = tpu.memref_squeeze %dma_wait3A_56 : memref<1x40x125xi32, #tpu.memory_space<hbm>> -> memref<40x125xi32, #tpu.memory_space<hbm>>
      %dma_wait3A_58 = arith.constant 40 : i32
      %dma_wait3A_59 = arith.constant 0 : i32
      %dma_wait3A_60 = tpu.memref_slice %arg4[%add3A, %dma_wait3A_58, %dma_wait3A_59] : memref<32x80x125xi32, #tpu.memory_space<hbm>> -> memref<1x40x125xi32, #tpu.memory_space<hbm>>
      %dma_wait3A_61 = tpu.memref_squeeze %dma_wait3A_60 : memref<1x40x125xi32, #tpu.memory_space<hbm>> -> memref<40x125xi32, #tpu.memory_space<hbm>>
      tpu.wait_dma2 semaphore(%run_scoped3A : memref<!tpu.dma_semaphore, #tpu.memory_space<semaphore_mem>>) src(%dma_wait3A_61 : memref<40x125xi32, #tpu.memory_space<hbm>>) dst(%arg8 : memref<40x125xi32, #tpu.memory_space<vmem>>)
      tpu.yield
    }) : () -> ()
    %dma_start3A_22 = arith.constant 0 : i32
    %dma_start3A_23 = arith.constant 0 : i32
    %dma_start3A_24 = tpu.memref_slice %arg7[%dma_start3A_22, %dma_start3A_23] : memref<40x125xi32, #tpu.memory_space<vmem>> -> memref<1x125xi32, #tpu.memory_space<vmem>>
    %dma_start3A_25 = tpu.memref_squeeze %dma_start3A_24 : memref<1x125xi32, #tpu.memory_space<vmem>> -> memref<125xi32, #tpu.memory_space<vmem>>
    %dma_start3A_26 = arith.constant 0 : i32
    %dma_start3A_27 = arith.constant 0 : i32
    %dma_start3A_28 = tpu.memref_slice %arg2[%dma_start3A_26, %dma_start3A_27] : memref<10000x128xf32, #tpu.memory_space<hbm>> -> memref<10000x128xf32, #tpu.memory_space<hbm>>
    tpu.enqueue_indirect_dma source(%dma_start3A_28 : memref<10000x128xf32, #tpu.memory_space<hbm>>) target(%arg9 : memref<125x128xf32, #tpu.memory_space<vmem>>) offsets(%dma_start3A_25 : memref<125xi32, #tpu.memory_space<vmem>>) semaphore(%arg12 : memref<!tpu.dma_semaphore, #tpu.memory_space<semaphore_mem>>)
    %dma_start3A_29 = arith.constant 1 : i32
    %dma_start3A_30 = arith.constant 0 : i32
    %dma_start3A_31 = tpu.memref_slice %arg7[%dma_start3A_29, %dma_start3A_30] : memref<40x125xi32, #tpu.memory_space<vmem>> -> memref<1x125xi32, #tpu.memory_space<vmem>>
    %dma_start3A_32 = tpu.memref_squeeze %dma_start3A_31 : memref<1x125xi32, #tpu.memory_space<vmem>> -> memref<125xi32, #tpu.memory_space<vmem>>
    %dma_start3A_33 = arith.constant 0 : i32
    %dma_start3A_34 = arith.constant 0 : i32
    %dma_start3A_35 = tpu.memref_slice %arg2[%dma_start3A_33, %dma_start3A_34] : memref<10000x128xf32, #tpu.memory_space<hbm>> -> memref<10000x128xf32, #tpu.memory_space<hbm>>
    tpu.enqueue_indirect_dma source(%dma_start3A_35 : memref<10000x128xf32, #tpu.memory_space<hbm>>) target(%arg10 : memref<125x128xf32, #tpu.memory_space<vmem>>) offsets(%dma_start3A_32 : memref<125xi32, #tpu.memory_space<vmem>>) semaphore(%arg13 : memref<!tpu.dma_semaphore, #tpu.memory_space<semaphore_mem>>)
    %scan3A_36 = arith.constant 0 : i32
    %scan3A_37 = arith.constant 20 : i32
    %scan3A_38 = arith.addi %scan3A_36, %scan3A_37 : i32
    %scan3A_39 = arith.constant 1 : i32
    scf.for %scan3A_47 = %scan3A_36 to %scan3A_38 step %scan3A_39  : i32 {
      %mul3A_48 = arith.constant 2 : i32
      %mul3A_49 = arith.muli %scan3A_47, %mul3A_48 : i32
      %add3A_50 = arith.constant 0 : i32
      %add3A_51 = arith.addi %add3A_50, %mul3A_49 : i32
      %dma_wait3A = arith.constant 0 : i32
      %dma_wait3A_52 = arith.constant 0 : i32
      %dma_wait3A_53 = tpu.memref_slice %arg2[%dma_wait3A, %dma_wait3A_52] : memref<10000x128xf32, #tpu.memory_space<hbm>> -> memref<125x128xf32, #tpu.memory_space<hbm>>
      %dma_wait3A_54 = arith.constant 0 : i32
      %dma_wait3A_55 = arith.constant 0 : i32
      %dma_wait3A_56 = tpu.memref_slice %arg2[%dma_wait3A_54, %dma_wait3A_55] : memref<10000x128xf32, #tpu.memory_space<hbm>> -> memref<125x128xf32, #tpu.memory_space<hbm>>
      tpu.wait_dma2 semaphore(%arg12 : memref<!tpu.dma_semaphore, #tpu.memory_space<semaphore_mem>>) src(%dma_wait3A_56 : memref<125x128xf32, #tpu.memory_space<hbm>>) dst(%arg9 : memref<125x128xf32, #tpu.memory_space<vmem>>)
      %add3A_57 = arith.constant 0 : i32
      %add3A_58 = arith.addi %add3A_51, %add3A_57 : i32
      "tpu.region"() ({
        %run_scoped3A = tpu.sem_alloc : memref<!tpu.dma_semaphore, #tpu.memory_space<semaphore_mem>>
        %dma_start3A_84 = arith.constant 0 : i32
        %dma_start3A_85 = tpu.memref_slice %arg8[%add3A_58, %dma_start3A_84] : memref<40x125xi32, #tpu.memory_space<vmem>> -> memref<1x125xi32, #tpu.memory_space<vmem>>
        %dma_start3A_86 = tpu.memref_squeeze %dma_start3A_85 : memref<1x125xi32, #tpu.memory_space<vmem>> -> memref<125xi32, #tpu.memory_space<vmem>>
        %dma_start3A_87 = arith.constant 0 : i32
        %dma_start3A_88 = arith.constant 0 : i32
        %dma_start3A_89 = tpu.memref_slice %arg11[%dma_start3A_87, %dma_start3A_88] : memref<10000x128xf32, #tpu.memory_space<vmem_shared>> -> memref<10000x128xf32, #tpu.memory_space<vmem_shared>>
        tpu.enqueue_indirect_dma source(%arg9 : memref<125x128xf32, #tpu.memory_space<vmem>>) target(%dma_start3A_89 : memref<10000x128xf32, #tpu.memory_space<vmem_shared>>) offsets(%dma_start3A_86 : memref<125xi32, #tpu.memory_space<vmem>>) semaphore(%run_scoped3A : memref<!tpu.dma_semaphore, #tpu.memory_space<semaphore_mem>>) {add = true}
        %dma_wait3A_90 = arith.constant 0 : i32
        %dma_wait3A_91 = tpu.memref_slice %arg8[%add3A_58, %dma_wait3A_90] : memref<40x125xi32, #tpu.memory_space<vmem>> -> memref<1x125xi32, #tpu.memory_space<vmem>>
        %dma_wait3A_92 = tpu.memref_squeeze %dma_wait3A_91 : memref<1x125xi32, #tpu.memory_space<vmem>> -> memref<125xi32, #tpu.memory_space<vmem>>
        %dma_wait3A_93 = arith.constant 0 : i32
        %dma_wait3A_94 = arith.constant 0 : i32
        %dma_wait3A_95 = tpu.memref_slice %arg11[%dma_wait3A_93, %dma_wait3A_94] : memref<10000x128xf32, #tpu.memory_space<vmem_shared>> -> memref<10000x128xf32, #tpu.memory_space<vmem_shared>>
        tpu.wait_indirect_dma semaphore(%run_scoped3A : memref<!tpu.dma_semaphore, #tpu.memory_space<semaphore_mem>>) src(%arg9 : memref<125x128xf32, #tpu.memory_space<vmem>>) dst(%dma_wait3A_95 : memref<10000x128xf32, #tpu.memory_space<vmem_shared>>)
        tpu.yield
      }) : () -> ()
      %add3A_59 = arith.constant 2 : i32
      %add3A_60 = arith.addi %add3A_51, %add3A_59 : i32
      %add3A_61 = arith.constant 0 : i32
      %add3A_62 = arith.addi %add3A_60, %add3A_61 : i32
      %lt3A = arith.constant 40 : i32
      %lt3A_63 = arith.cmpi slt, %add3A_62, %lt3A : i32
      %convert_element_type3A_64 = arith.extui %lt3A_63 : i1 to i32
      %cond3A_65 = arith.constant 0 : i32
      %cond3A_66 = arith.cmpi ne, %convert_element_type3A_64, %cond3A_65 : i32
      scf.if %cond3A_66 {
        %add3A_84 = arith.constant 2 : i32
        %add3A_85 = arith.addi %add3A_51, %add3A_84 : i32
        %add3A_86 = arith.constant 0 : i32
        %add3A_87 = arith.addi %add3A_85, %add3A_86 : i32
        %dma_start3A_88 = arith.constant 0 : i32
        %dma_start3A_89 = tpu.memref_slice %arg7[%add3A_87, %dma_start3A_88] : memref<40x125xi32, #tpu.memory_space<vmem>> -> memref<1x125xi32, #tpu.memory_space<vmem>>
        %dma_start3A_90 = tpu.memref_squeeze %dma_start3A_89 : memref<1x125xi32, #tpu.memory_space<vmem>> -> memref<125xi32, #tpu.memory_space<vmem>>
        %dma_start3A_91 = arith.constant 0 : i32
        %dma_start3A_92 = arith.constant 0 : i32
        %dma_start3A_93 = tpu.memref_slice %arg2[%dma_start3A_91, %dma_start3A_92] : memref<10000x128xf32, #tpu.memory_space<hbm>> -> memref<10000x128xf32, #tpu.memory_space<hbm>>
        tpu.enqueue_indirect_dma source(%dma_start3A_93 : memref<10000x128xf32, #tpu.memory_space<hbm>>) target(%arg9 : memref<125x128xf32, #tpu.memory_space<vmem>>) offsets(%dma_start3A_90 : memref<125xi32, #tpu.memory_space<vmem>>) semaphore(%arg12 : memref<!tpu.dma_semaphore, #tpu.memory_space<semaphore_mem>>)
      } else {
      }
      %dma_wait3A_67 = arith.constant 0 : i32
      %dma_wait3A_68 = arith.constant 0 : i32
      %dma_wait3A_69 = tpu.memref_slice %arg2[%dma_wait3A_67, %dma_wait3A_68] : memref<10000x128xf32, #tpu.memory_space<hbm>> -> memref<125x128xf32, #tpu.memory_space<hbm>>
      %dma_wait3A_70 = arith.constant 0 : i32
      %dma_wait3A_71 = arith.constant 0 : i32
      %dma_wait3A_72 = tpu.memref_slice %arg2[%dma_wait3A_70, %dma_wait3A_71] : memref<10000x128xf32, #tpu.memory_space<hbm>> -> memref<125x128xf32, #tpu.memory_space<hbm>>
      tpu.wait_dma2 semaphore(%arg13 : memref<!tpu.dma_semaphore, #tpu.memory_space<semaphore_mem>>) src(%dma_wait3A_72 : memref<125x128xf32, #tpu.memory_space<hbm>>) dst(%arg10 : memref<125x128xf32, #tpu.memory_space<vmem>>)
      %add3A_73 = arith.constant 1 : i32
      %add3A_74 = arith.addi %add3A_51, %add3A_73 : i32
      "tpu.region"() ({
        %run_scoped3A = tpu.sem_alloc : memref<!tpu.dma_semaphore, #tpu.memory_space<semaphore_mem>>
        %dma_start3A_84 = arith.constant 0 : i32
        %dma_start3A_85 = tpu.memref_slice %arg8[%add3A_74, %dma_start3A_84] : memref<40x125xi32, #tpu.memory_space<vmem>> -> memref<1x125xi32, #tpu.memory_space<vmem>>
        %dma_start3A_86 = tpu.memref_squeeze %dma_start3A_85 : memref<1x125xi32, #tpu.memory_space<vmem>> -> memref<125xi32, #tpu.memory_space<vmem>>
        %dma_start3A_87 = arith.constant 0 : i32
        %dma_start3A_88 = arith.constant 0 : i32
        %dma_start3A_89 = tpu.memref_slice %arg11[%dma_start3A_87, %dma_start3A_88] : memref<10000x128xf32, #tpu.memory_space<vmem_shared>> -> memref<10000x128xf32, #tpu.memory_space<vmem_shared>>
        tpu.enqueue_indirect_dma source(%arg10 : memref<125x128xf32, #tpu.memory_space<vmem>>) target(%dma_start3A_89 : memref<10000x128xf32, #tpu.memory_space<vmem_shared>>) offsets(%dma_start3A_86 : memref<125xi32, #tpu.memory_space<vmem>>) semaphore(%run_scoped3A : memref<!tpu.dma_semaphore, #tpu.memory_space<semaphore_mem>>) {add = true}
        %dma_wait3A_90 = arith.constant 0 : i32
        %dma_wait3A_91 = tpu.memref_slice %arg8[%add3A_74, %dma_wait3A_90] : memref<40x125xi32, #tpu.memory_space<vmem>> -> memref<1x125xi32, #tpu.memory_space<vmem>>
        %dma_wait3A_92 = tpu.memref_squeeze %dma_wait3A_91 : memref<1x125xi32, #tpu.memory_space<vmem>> -> memref<125xi32, #tpu.memory_space<vmem>>
        %dma_wait3A_93 = arith.constant 0 : i32
        %dma_wait3A_94 = arith.constant 0 : i32
        %dma_wait3A_95 = tpu.memref_slice %arg11[%dma_wait3A_93, %dma_wait3A_94] : memref<10000x128xf32, #tpu.memory_space<vmem_shared>> -> memref<10000x128xf32, #tpu.memory_space<vmem_shared>>
        tpu.wait_indirect_dma semaphore(%run_scoped3A : memref<!tpu.dma_semaphore, #tpu.memory_space<semaphore_mem>>) src(%arg10 : memref<125x128xf32, #tpu.memory_space<vmem>>) dst(%dma_wait3A_95 : memref<10000x128xf32, #tpu.memory_space<vmem_shared>>)
        tpu.yield
      }) : () -> ()
      %add3A_75 = arith.constant 2 : i32
      %add3A_76 = arith.addi %add3A_51, %add3A_75 : i32
      %add3A_77 = arith.constant 1 : i32
      %add3A_78 = arith.addi %add3A_76, %add3A_77 : i32
      %lt3A_79 = arith.constant 40 : i32
      %lt3A_80 = arith.cmpi slt, %add3A_78, %lt3A_79 : i32
      %convert_element_type3A_81 = arith.extui %lt3A_80 : i1 to i32
      %cond3A_82 = arith.constant 0 : i32
      %cond3A_83 = arith.cmpi ne, %convert_element_type3A_81, %cond3A_82 : i32
      scf.if %cond3A_83 {
        %add3A_84 = arith.constant 2 : i32
        %add3A_85 = arith.addi %add3A_51, %add3A_84 : i32
        %add3A_86 = arith.constant 1 : i32
        %add3A_87 = arith.addi %add3A_85, %add3A_86 : i32
        %dma_start3A_88 = arith.constant 0 : i32
        %dma_start3A_89 = tpu.memref_slice %arg7[%add3A_87, %dma_start3A_88] : memref<40x125xi32, #tpu.memory_space<vmem>> -> memref<1x125xi32, #tpu.memory_space<vmem>>
        %dma_start3A_90 = tpu.memref_squeeze %dma_start3A_89 : memref<1x125xi32, #tpu.memory_space<vmem>> -> memref<125xi32, #tpu.memory_space<vmem>>
        %dma_start3A_91 = arith.constant 0 : i32
        %dma_start3A_92 = arith.constant 0 : i32
        %dma_start3A_93 = tpu.memref_slice %arg2[%dma_start3A_91, %dma_start3A_92] : memref<10000x128xf32, #tpu.memory_space<hbm>> -> memref<10000x128xf32, #tpu.memory_space<hbm>>
        tpu.enqueue_indirect_dma source(%dma_start3A_93 : memref<10000x128xf32, #tpu.memory_space<hbm>>) target(%arg10 : memref<125x128xf32, #tpu.memory_space<vmem>>) offsets(%dma_start3A_90 : memref<125xi32, #tpu.memory_space<vmem>>) semaphore(%arg13 : memref<!tpu.dma_semaphore, #tpu.memory_space<semaphore_mem>>)
      } else {
      }
    }
    %scan3A_40 = arith.constant 20 : i32
    %barrier3A_41 = arith.constant 0 : index
    tpu.barrier barrier_id(%barrier3A_41)
    "tpu.region"() ({
      %run_scoped3A = tpu.sem_alloc : memref<!tpu.dma_semaphore, #tpu.memory_space<semaphore_mem>>
      %dma_start3A_47 = arith.constant 0 : i32
      %dma_start3A_48 = tpu.memref_slice %arg6[%arg0, %mul3A_2, %dma_start3A_47] : memref<2x10000x128xf32, #tpu.memory_space<hbm>> -> memref<1x624x128xf32, #tpu.memory_space<hbm>>
      %dma_start3A_49 = tpu.memref_squeeze %dma_start3A_48 : memref<1x624x128xf32, #tpu.memory_space<hbm>> -> memref<624x128xf32, #tpu.memory_space<hbm>>
      %dma_start3A_50 = arith.constant 0 : i32
      %dma_start3A_51 = tpu.memref_slice %arg11[%mul3A_2, %dma_start3A_50] : memref<10000x128xf32, #tpu.memory_space<vmem_shared>> -> memref<624x128xf32, #tpu.memory_space<vmem_shared>>
      tpu.enqueue_dma source(%dma_start3A_51 : memref<624x128xf32, #tpu.memory_space<vmem_shared>>) target(%dma_start3A_49 : memref<624x128xf32, #tpu.memory_space<hbm>>) target_semaphore(%run_scoped3A : memref<!tpu.dma_semaphore, #tpu.memory_space<semaphore_mem>>)
      %dma_wait3A = arith.constant 0 : i32
      %dma_wait3A_52 = tpu.memref_slice %arg6[%arg0, %mul3A_2, %dma_wait3A] : memref<2x10000x128xf32, #tpu.memory_space<hbm>> -> memref<1x624x128xf32, #tpu.memory_space<hbm>>
      %dma_wait3A_53 = tpu.memref_squeeze %dma_wait3A_52 : memref<1x624x128xf32, #tpu.memory_space<hbm>> -> memref<624x128xf32, #tpu.memory_space<hbm>>
      %dma_wait3A_54 = arith.constant 0 : i32
      %dma_wait3A_55 = tpu.memref_slice %arg11[%mul3A_2, %dma_wait3A_54] : memref<10000x128xf32, #tpu.memory_space<vmem_shared>> -> memref<624x128xf32, #tpu.memory_space<vmem_shared>>
      tpu.wait_dma2 semaphore(%run_scoped3A : memref<!tpu.dma_semaphore, #tpu.memory_space<semaphore_mem>>) src(%dma_wait3A_55 : memref<624x128xf32, #tpu.memory_space<vmem_shared>>) dst(%dma_wait3A_53 : memref<624x128xf32, #tpu.memory_space<hbm>>)
      tpu.yield
    }) : () -> ()
    %eq3A_42 = arith.constant 0 : i32
    %eq3A_43 = arith.cmpi eq, %arg1, %eq3A_42 : i32
    %convert_element_type3A_44 = arith.extui %eq3A_43 : i1 to i32
    %cond3A_45 = arith.constant 0 : i32
    %cond3A_46 = arith.cmpi ne, %convert_element_type3A_44, %cond3A_45 : i32
    scf.if %cond3A_46 {
      "tpu.region"() ({
        %run_scoped3A = tpu.sem_alloc : memref<!tpu.dma_semaphore, #tpu.memory_space<semaphore_mem>>
        %dma_start3A_47 = arith.constant 9984 : i32
        %dma_start3A_48 = arith.constant 0 : i32
        %dma_start3A_49 = tpu.memref_slice %arg6[%arg0, %dma_start3A_47, %dma_start3A_48] : memref<2x10000x128xf32, #tpu.memory_space<hbm>> -> memref<1x16x128xf32, #tpu.memory_space<hbm>>
        %dma_start3A_50 = tpu.memref_squeeze %dma_start3A_49 : memref<1x16x128xf32, #tpu.memory_space<hbm>> -> memref<16x128xf32, #tpu.memory_space<hbm>>
        %dma_start3A_51 = arith.constant 9984 : i32
        %dma_start3A_52 = arith.constant 0 : i32
        %dma_start3A_53 = tpu.memref_slice %arg11[%dma_start3A_51, %dma_start3A_52] : memref<10000x128xf32, #tpu.memory_space<vmem_shared>> -> memref<16x128xf32, #tpu.memory_space<vmem_shared>>
        tpu.enqueue_dma source(%dma_start3A_53 : memref<16x128xf32, #tpu.memory_space<vmem_shared>>) target(%dma_start3A_50 : memref<16x128xf32, #tpu.memory_space<hbm>>) target_semaphore(%run_scoped3A : memref<!tpu.dma_semaphore, #tpu.memory_space<semaphore_mem>>)
        %dma_wait3A = arith.constant 9984 : i32
        %dma_wait3A_54 = arith.constant 0 : i32
        %dma_wait3A_55 = tpu.memref_slice %arg6[%arg0, %dma_wait3A, %dma_wait3A_54] : memref<2x10000x128xf32, #tpu.memory_space<hbm>> -> memref<1x16x128xf32, #tpu.memory_space<hbm>>
        %dma_wait3A_56 = tpu.memref_squeeze %dma_wait3A_55 : memref<1x16x128xf32, #tpu.memory_space<hbm>> -> memref<16x128xf32, #tpu.memory_space<hbm>>
        %dma_wait3A_57 = arith.constant 9984 : i32
        %dma_wait3A_58 = arith.constant 0 : i32
        %dma_wait3A_59 = tpu.memref_slice %arg11[%dma_wait3A_57, %dma_wait3A_58] : memref<10000x128xf32, #tpu.memory_space<vmem_shared>> -> memref<16x128xf32, #tpu.memory_space<vmem_shared>>
        tpu.wait_dma2 semaphore(%run_scoped3A : memref<!tpu.dma_semaphore, #tpu.memory_space<semaphore_mem>>) src(%dma_wait3A_59 : memref<16x128xf32, #tpu.memory_space<vmem_shared>>) dst(%dma_wait3A_56 : memref<16x128xf32, #tpu.memory_space<hbm>>)
        tpu.yield
      }) : () -> ()
    } else {
    }
    return
  }
}

#map = affine_map<(d0, d1) -> (0, 0)>
#map1 = affine_map<(d0, d1) -> (0, 0, 0)>
module attributes {stable_mosaic.version = 14 : i64} {
  func.func @run(%arg0: i32, %arg1: i32, %arg2: memref<10000x128xf32, #tpu.memory_space<hbm>>, %arg3: memref<32x80x125xi32, #tpu.memory_space<hbm>>, %arg4: memref<32x80x125xi32, #tpu.memory_space<hbm>>, %arg5: memref<10000x128xf32, #tpu.memory_space<hbm>>, %arg6: memref<2x10000x128xf32, #tpu.memory_space<hbm>>, %arg7: memref<40x125xi32, #tpu.memory_space<vmem>>, %arg8: memref<40x125xi32, #tpu.memory_space<vmem>>, %arg9: memref<125x128xf32, #tpu.memory_space<vmem>>, %arg10: memref<125x128xf32, #tpu.memory_space<vmem>>, %arg11: memref<10000x128xf32, #tpu.memory_space<vmem_shared>>, %arg12: memref<!tpu.dma_semaphore, #tpu.memory_space<semaphore_mem>>, %arg13: memref<!tpu.dma_semaphore, #tpu.memory_space<semaphore_mem>>) attributes {dimension_semantics = [#tpu.dimension_semantics<core_parallel>, #tpu.dimension_semantics<subcore_parallel>], iteration_bounds = array<i64: 2, 16>, scalar_prefetch = 0 : i64, scratch_operands = 7 : i64, tpu.core_type = #tpu.core_type<sc_vector_subcore>, window_params = [{transform_indices = #map}, {transform_indices = #map1}, {transform_indices = #map1}, {transform_indices = #map}, {transform_indices = #map1}]} {
    %mul3A = arith.constant 16 : i32
    %mul3A_0 = arith.muli %arg0, %mul3A : i32
    %add3A = arith.addi %mul3A_0, %arg1 : i32
    %mul3A_1 = arith.constant 624 : i32
    %mul3A_2 = arith.muli %arg1, %mul3A_1 : i32
    "tpu.region"() ({
      %run_scoped3A = tpu.sem_alloc : memref<!tpu.dma_semaphore, #tpu.memory_space<semaphore_mem>>
      %dma_start3A_47 = arith.constant 0 : i32
      %dma_start3A_48 = tpu.memref_slice %arg11[%mul3A_2, %dma_start3A_47] : memref<10000x128xf32, #tpu.memory_space<vmem_shared>> -> memref<624x128xf32, #tpu.memory_space<vmem_shared>>
      %dma_start3A_49 = arith.constant 0 : i32
      %dma_start3A_50 = tpu.memref_slice %arg5[%mul3A_2, %dma_start3A_49] : memref<10000x128xf32, #tpu.memory_space<hbm>> -> memref<624x128xf32, #tpu.memory_space<hbm>>
      tpu.enqueue_dma source(%dma_start3A_50 : memref<624x128xf32, #tpu.memory_space<hbm>>) target(%dma_start3A_48 : memref<624x128xf32, #tpu.memory_space<vmem_shared>>) target_semaphore(%run_scoped3A : memref<!tpu.dma_semaphore, #tpu.memory_space<semaphore_mem>>)
      %dma_wait3A = arith.constant 0 : i32
      %dma_wait3A_51 = tpu.memref_slice %arg11[%mul3A_2, %dma_wait3A] : memref<10000x128xf32, #tpu.memory_space<vmem_shared>> -> memref<624x128xf32, #tpu.memory_space<vmem_shared>>
      %dma_wait3A_52 = arith.constant 0 : i32
      %dma_wait3A_53 = tpu.memref_slice %arg5[%mul3A_2, %dma_wait3A_52] : memref<10000x128xf32, #tpu.memory_space<hbm>> -> memref<624x128xf32, #tpu.memory_space<hbm>>
      tpu.wait_dma2 semaphore(%run_scoped3A : memref<!tpu.dma_semaphore, #tpu.memory_space<semaphore_mem>>) src(%dma_wait3A_53 : memref<624x128xf32, #tpu.memory_space<hbm>>) dst(%dma_wait3A_51 : memref<624x128xf32, #tpu.memory_space<vmem_shared>>)
      tpu.yield
    }) : () -> ()
    %eq3A = arith.constant 0 : i32
    %eq3A_3 = arith.cmpi eq, %arg1, %eq3A : i32
    %convert_element_type3A = arith.extui %eq3A_3 : i1 to i32
    %cond3A = arith.constant 0 : i32
    %cond3A_4 = arith.cmpi ne, %convert_element_type3A, %cond3A : i32
    scf.if %cond3A_4 {
      "tpu.region"() ({
        %run_scoped3A = tpu.sem_alloc : memref<!tpu.dma_semaphore, #tpu.memory_space<semaphore_mem>>
        %dma_start3A_47 = arith.constant 9984 : i32
        %dma_start3A_48 = arith.constant 0 : i32
        %dma_start3A_49 = tpu.memref_slice %arg11[%dma_start3A_47, %dma_start3A_48] : memref<10000x128xf32, #tpu.memory_space<vmem_shared>> -> memref<16x128xf32, #tpu.memory_space<vmem_shared>>
        %dma_start3A_50 = arith.constant 9984 : i32
        %dma_start3A_51 = arith.constant 0 : i32
        %dma_start3A_52 = tpu.memref_slice %arg5[%dma_start3A_50, %dma_start3A_51] : memref<10000x128xf32, #tpu.memory_space<hbm>> -> memref<16x128xf32, #tpu.memory_space<hbm>>
        tpu.enqueue_dma source(%dma_start3A_52 : memref<16x128xf32, #tpu.memory_space<hbm>>) target(%dma_start3A_49 : memref<16x128xf32, #tpu.memory_space<vmem_shared>>) target_semaphore(%run_scoped3A : memref<!tpu.dma_semaphore, #tpu.memory_space<semaphore_mem>>)
        %dma_wait3A = arith.constant 9984 : i32
        %dma_wait3A_53 = arith.constant 0 : i32
        %dma_wait3A_54 = tpu.memref_slice %arg11[%dma_wait3A, %dma_wait3A_53] : memref<10000x128xf32, #tpu.memory_space<vmem_shared>> -> memref<16x128xf32, #tpu.memory_space<vmem_shared>>
        %dma_wait3A_55 = arith.constant 9984 : i32
        %dma_wait3A_56 = arith.constant 0 : i32
        %dma_wait3A_57 = tpu.memref_slice %arg5[%dma_wait3A_55, %dma_wait3A_56] : memref<10000x128xf32, #tpu.memory_space<hbm>> -> memref<16x128xf32, #tpu.memory_space<hbm>>
        tpu.wait_dma2 semaphore(%run_scoped3A : memref<!tpu.dma_semaphore, #tpu.memory_space<semaphore_mem>>) src(%dma_wait3A_57 : memref<16x128xf32, #tpu.memory_space<hbm>>) dst(%dma_wait3A_54 : memref<16x128xf32, #tpu.memory_space<vmem_shared>>)
        tpu.yield
      }) : () -> ()
    } else {
    }
    %barrier3A = arith.constant 0 : index
    tpu.barrier barrier_id(%barrier3A)
    "tpu.region"() ({
      %run_scoped3A = tpu.sem_alloc : memref<!tpu.dma_semaphore, #tpu.memory_space<semaphore_mem>>
      %dma_start3A_47 = arith.constant 0 : i32
      %dma_start3A_48 = arith.constant 0 : i32
      %dma_start3A_49 = tpu.memref_slice %arg3[%add3A, %dma_start3A_47, %dma_start3A_48] : memref<32x80x125xi32, #tpu.memory_space<hbm>> -> memref<1x40x125xi32, #tpu.memory_space<hbm>>
      %dma_start3A_50 = tpu.memref_squeeze %dma_start3A_49 : memref<1x40x125xi32, #tpu.memory_space<hbm>> -> memref<40x125xi32, #tpu.memory_space<hbm>>
      %dma_start3A_51 = arith.constant 0 : i32
      %dma_start3A_52 = arith.constant 0 : i32
      %dma_start3A_53 = tpu.memref_slice %arg3[%add3A, %dma_start3A_51, %dma_start3A_52] : memref<32x80x125xi32, #tpu.memory_space<hbm>> -> memref<1x40x125xi32, #tpu.memory_space<hbm>>
      %dma_start3A_54 = tpu.memref_squeeze %dma_start3A_53 : memref<1x40x125xi32, #tpu.memory_space<hbm>> -> memref<40x125xi32, #tpu.memory_space<hbm>>
      tpu.enqueue_dma source(%dma_start3A_54 : memref<40x125xi32, #tpu.memory_space<hbm>>) target(%arg7 : memref<40x125xi32, #tpu.memory_space<vmem>>) target_semaphore(%run_scoped3A : memref<!tpu.dma_semaphore, #tpu.memory_space<semaphore_mem>>)
      %dma_wait3A = arith.constant 0 : i32
      %dma_wait3A_55 = arith.constant 0 : i32
      %dma_wait3A_56 = tpu.memref_slice %arg3[%add3A, %dma_wait3A, %dma_wait3A_55] : memref<32x80x125xi32, #tpu.memory_space<hbm>> -> memref<1x40x125xi32, #tpu.memory_space<hbm>>
      %dma_wait3A_57 = tpu.memref_squeeze %dma_wait3A_56 : memref<1x40x125xi32, #tpu.memory_space<hbm>> -> memref<40x125xi32, #tpu.memory_space<hbm>>
      %dma_wait3A_58 = arith.constant 0 : i32
      %dma_wait3A_59 = arith.constant 0 : i32
      %dma_wait3A_60 = tpu.memref_slice %arg3[%add3A, %dma_wait3A_58, %dma_wait3A_59] : memref<32x80x125xi32, #tpu.memory_space<hbm>> -> memref<1x40x125xi32, #tpu.memory_space<hbm>>
      %dma_wait3A_61 = tpu.memref_squeeze %dma_wait3A_60 : memref<1x40x125xi32, #tpu.memory_space<hbm>> -> memref<40x125xi32, #tpu.memory_space<hbm>>
      tpu.wait_dma2 semaphore(%run_scoped3A : memref<!tpu.dma_semaphore, #tpu.memory_space<semaphore_mem>>) src(%dma_wait3A_61 : memref<40x125xi32, #tpu.memory_space<hbm>>) dst(%arg7 : memref<40x125xi32, #tpu.memory_space<vmem>>)
      tpu.yield
    }) : () -> ()
    "tpu.region"() ({
      %run_scoped3A = tpu.sem_alloc : memref<!tpu.dma_semaphore, #tpu.memory_space<semaphore_mem>>
      %dma_start3A_47 = arith.constant 0 : i32
      %dma_start3A_48 = arith.constant 0 : i32
      %dma_start3A_49 = tpu.memref_slice %arg4[%add3A, %dma_start3A_47, %dma_start3A_48] : memref<32x80x125xi32, #tpu.memory_space<hbm>> -> memref<1x40x125xi32, #tpu.memory_space<hbm>>
      %dma_start3A_50 = tpu.memref_squeeze %dma_start3A_49 : memref<1x40x125xi32, #tpu.memory_space<hbm>> -> memref<40x125xi32, #tpu.memory_space<hbm>>
      %dma_start3A_51 = arith.constant 0 : i32
      %dma_start3A_52 = arith.constant 0 : i32
      %dma_start3A_53 = tpu.memref_slice %arg4[%add3A, %dma_start3A_51, %dma_start3A_52] : memref<32x80x125xi32, #tpu.memory_space<hbm>> -> memref<1x40x125xi32, #tpu.memory_space<hbm>>
      %dma_start3A_54 = tpu.memref_squeeze %dma_start3A_53 : memref<1x40x125xi32, #tpu.memory_space<hbm>> -> memref<40x125xi32, #tpu.memory_space<hbm>>
      tpu.enqueue_dma source(%dma_start3A_54 : memref<40x125xi32, #tpu.memory_space<hbm>>) target(%arg8 : memref<40x125xi32, #tpu.memory_space<vmem>>) target_semaphore(%run_scoped3A : memref<!tpu.dma_semaphore, #tpu.memory_space<semaphore_mem>>)
      %dma_wait3A = arith.constant 0 : i32
      %dma_wait3A_55 = arith.constant 0 : i32
      %dma_wait3A_56 = tpu.memref_slice %arg4[%add3A, %dma_wait3A, %dma_wait3A_55] : memref<32x80x125xi32, #tpu.memory_space<hbm>> -> memref<1x40x125xi32, #tpu.memory_space<hbm>>
      %dma_wait3A_57 = tpu.memref_squeeze %dma_wait3A_56 : memref<1x40x125xi32, #tpu.memory_space<hbm>> -> memref<40x125xi32, #tpu.memory_space<hbm>>
      %dma_wait3A_58 = arith.constant 0 : i32
      %dma_wait3A_59 = arith.constant 0 : i32
      %dma_wait3A_60 = tpu.memref_slice %arg4[%add3A, %dma_wait3A_58, %dma_wait3A_59] : memref<32x80x125xi32, #tpu.memory_space<hbm>> -> memref<1x40x125xi32, #tpu.memory_space<hbm>>
      %dma_wait3A_61 = tpu.memref_squeeze %dma_wait3A_60 : memref<1x40x125xi32, #tpu.memory_space<hbm>> -> memref<40x125xi32, #tpu.memory_space<hbm>>
      tpu.wait_dma2 semaphore(%run_scoped3A : memref<!tpu.dma_semaphore, #tpu.memory_space<semaphore_mem>>) src(%dma_wait3A_61 : memref<40x125xi32, #tpu.memory_space<hbm>>) dst(%arg8 : memref<40x125xi32, #tpu.memory_space<vmem>>)
      tpu.yield
    }) : () -> ()
    %dma_start3A = arith.constant 0 : i32
    %dma_start3A_5 = arith.constant 0 : i32
    %dma_start3A_6 = tpu.memref_slice %arg7[%dma_start3A, %dma_start3A_5] : memref<40x125xi32, #tpu.memory_space<vmem>> -> memref<1x125xi32, #tpu.memory_space<vmem>>
    %dma_start3A_7 = tpu.memref_squeeze %dma_start3A_6 : memref<1x125xi32, #tpu.memory_space<vmem>> -> memref<125xi32, #tpu.memory_space<vmem>>
    %dma_start3A_8 = arith.constant 0 : i32
    %dma_start3A_9 = arith.constant 0 : i32
    %dma_start3A_10 = tpu.memref_slice %arg2[%dma_start3A_8, %dma_start3A_9] : memref<10000x128xf32, #tpu.memory_space<hbm>> -> memref<10000x128xf32, #tpu.memory_space<hbm>>
    tpu.enqueue_indirect_dma source(%dma_start3A_10 : memref<10000x128xf32, #tpu.memory_space<hbm>>) target(%arg9 : memref<125x128xf32, #tpu.memory_space<vmem>>) offsets(%dma_start3A_7 : memref<125xi32, #tpu.memory_space<vmem>>) semaphore(%arg12 : memref<!tpu.dma_semaphore, #tpu.memory_space<semaphore_mem>>)
    %dma_start3A_11 = arith.constant 1 : i32
    %dma_start3A_12 = arith.constant 0 : i32
    %dma_start3A_13 = tpu.memref_slice %arg7[%dma_start3A_11, %dma_start3A_12] : memref<40x125xi32, #tpu.memory_space<vmem>> -> memref<1x125xi32, #tpu.memory_space<vmem>>
    %dma_start3A_14 = tpu.memref_squeeze %dma_start3A_13 : memref<1x125xi32, #tpu.memory_space<vmem>> -> memref<125xi32, #tpu.memory_space<vmem>>
    %dma_start3A_15 = arith.constant 0 : i32
    %dma_start3A_16 = arith.constant 0 : i32
    %dma_start3A_17 = tpu.memref_slice %arg2[%dma_start3A_15, %dma_start3A_16] : memref<10000x128xf32, #tpu.memory_space<hbm>> -> memref<10000x128xf32, #tpu.memory_space<hbm>>
    tpu.enqueue_indirect_dma source(%dma_start3A_17 : memref<10000x128xf32, #tpu.memory_space<hbm>>) target(%arg10 : memref<125x128xf32, #tpu.memory_space<vmem>>) offsets(%dma_start3A_14 : memref<125xi32, #tpu.memory_space<vmem>>) semaphore(%arg13 : memref<!tpu.dma_semaphore, #tpu.memory_space<semaphore_mem>>)
    %scan3A = arith.constant 0 : i32
    %scan3A_18 = arith.constant 20 : i32
    %scan3A_19 = arith.addi %scan3A, %scan3A_18 : i32
    %scan3A_20 = arith.constant 1 : i32
    scf.for %scan3A_47 = %scan3A to %scan3A_19 step %scan3A_20  : i32 {
      %mul3A_48 = arith.constant 2 : i32
      %mul3A_49 = arith.muli %scan3A_47, %mul3A_48 : i32
      %add3A_50 = arith.constant 0 : i32
      %add3A_51 = arith.addi %add3A_50, %mul3A_49 : i32
      %dma_wait3A = arith.constant 0 : i32
      %dma_wait3A_52 = arith.constant 0 : i32
      %dma_wait3A_53 = tpu.memref_slice %arg2[%dma_wait3A, %dma_wait3A_52] : memref<10000x128xf32, #tpu.memory_space<hbm>> -> memref<125x128xf32, #tpu.memory_space<hbm>>
      %dma_wait3A_54 = arith.constant 0 : i32
      %dma_wait3A_55 = arith.constant 0 : i32
      %dma_wait3A_56 = tpu.memref_slice %arg2[%dma_wait3A_54, %dma_wait3A_55] : memref<10000x128xf32, #tpu.memory_space<hbm>> -> memref<125x128xf32, #tpu.memory_space<hbm>>
      tpu.wait_dma2 semaphore(%arg12 : memref<!tpu.dma_semaphore, #tpu.memory_space<semaphore_mem>>) src(%dma_wait3A_56 : memref<125x128xf32, #tpu.memory_space<hbm>>) dst(%arg9 : memref<125x128xf32, #tpu.memory_space<vmem>>)
      %add3A_57 = arith.constant 0 : i32
      %add3A_58 = arith.addi %add3A_51, %add3A_57 : i32
      "tpu.region"() ({
        %run_scoped3A = tpu.sem_alloc : memref<!tpu.dma_semaphore, #tpu.memory_space<semaphore_mem>>
        %dma_start3A_84 = arith.constant 0 : i32
        %dma_start3A_85 = tpu.memref_slice %arg8[%add3A_58, %dma_start3A_84] : memref<40x125xi32, #tpu.memory_space<vmem>> -> memref<1x125xi32, #tpu.memory_space<vmem>>
        %dma_start3A_86 = tpu.memref_squeeze %dma_start3A_85 : memref<1x125xi32, #tpu.memory_space<vmem>> -> memref<125xi32, #tpu.memory_space<vmem>>
        %dma_start3A_87 = arith.constant 0 : i32
        %dma_start3A_88 = arith.constant 0 : i32
        %dma_start3A_89 = tpu.memref_slice %arg11[%dma_start3A_87, %dma_start3A_88] : memref<10000x128xf32, #tpu.memory_space<vmem_shared>> -> memref<10000x128xf32, #tpu.memory_space<vmem_shared>>
        tpu.enqueue_indirect_dma source(%arg9 : memref<125x128xf32, #tpu.memory_space<vmem>>) target(%dma_start3A_89 : memref<10000x128xf32, #tpu.memory_space<vmem_shared>>) offsets(%dma_start3A_86 : memref<125xi32, #tpu.memory_space<vmem>>) semaphore(%run_scoped3A : memref<!tpu.dma_semaphore, #tpu.memory_space<semaphore_mem>>) {add = true}
        %dma_wait3A_90 = arith.constant 0 : i32
        %dma_wait3A_91 = tpu.memref_slice %arg8[%add3A_58, %dma_wait3A_90] : memref<40x125xi32, #tpu.memory_space<vmem>> -> memref<1x125xi32, #tpu.memory_space<vmem>>
        %dma_wait3A_92 = tpu.memref_squeeze %dma_wait3A_91 : memref<1x125xi32, #tpu.memory_space<vmem>> -> memref<125xi32, #tpu.memory_space<vmem>>
        %dma_wait3A_93 = arith.constant 0 : i32
        %dma_wait3A_94 = arith.constant 0 : i32
        %dma_wait3A_95 = tpu.memref_slice %arg11[%dma_wait3A_93, %dma_wait3A_94] : memref<10000x128xf32, #tpu.memory_space<vmem_shared>> -> memref<10000x128xf32, #tpu.memory_space<vmem_shared>>
        tpu.wait_indirect_dma semaphore(%run_scoped3A : memref<!tpu.dma_semaphore, #tpu.memory_space<semaphore_mem>>) src(%arg9 : memref<125x128xf32, #tpu.memory_space<vmem>>) dst(%dma_wait3A_95 : memref<10000x128xf32, #tpu.memory_space<vmem_shared>>)
        tpu.yield
      }) : () -> ()
      %add3A_59 = arith.constant 2 : i32
      %add3A_60 = arith.addi %add3A_51, %add3A_59 : i32
      %add3A_61 = arith.constant 0 : i32
      %add3A_62 = arith.addi %add3A_60, %add3A_61 : i32
      %lt3A = arith.constant 40 : i32
      %lt3A_63 = arith.cmpi slt, %add3A_62, %lt3A : i32
      %convert_element_type3A_64 = arith.extui %lt3A_63 : i1 to i32
      %cond3A_65 = arith.constant 0 : i32
      %cond3A_66 = arith.cmpi ne, %convert_element_type3A_64, %cond3A_65 : i32
      scf.if %cond3A_66 {
        %add3A_84 = arith.constant 2 : i32
        %add3A_85 = arith.addi %add3A_51, %add3A_84 : i32
        %add3A_86 = arith.constant 0 : i32
        %add3A_87 = arith.addi %add3A_85, %add3A_86 : i32
        %dma_start3A_88 = arith.constant 0 : i32
        %dma_start3A_89 = tpu.memref_slice %arg7[%add3A_87, %dma_start3A_88] : memref<40x125xi32, #tpu.memory_space<vmem>> -> memref<1x125xi32, #tpu.memory_space<vmem>>
        %dma_start3A_90 = tpu.memref_squeeze %dma_start3A_89 : memref<1x125xi32, #tpu.memory_space<vmem>> -> memref<125xi32, #tpu.memory_space<vmem>>
        %dma_start3A_91 = arith.constant 0 : i32
        %dma_start3A_92 = arith.constant 0 : i32
        %dma_start3A_93 = tpu.memref_slice %arg2[%dma_start3A_91, %dma_start3A_92] : memref<10000x128xf32, #tpu.memory_space<hbm>> -> memref<10000x128xf32, #tpu.memory_space<hbm>>
        tpu.enqueue_indirect_dma source(%dma_start3A_93 : memref<10000x128xf32, #tpu.memory_space<hbm>>) target(%arg9 : memref<125x128xf32, #tpu.memory_space<vmem>>) offsets(%dma_start3A_90 : memref<125xi32, #tpu.memory_space<vmem>>) semaphore(%arg12 : memref<!tpu.dma_semaphore, #tpu.memory_space<semaphore_mem>>)
      } else {
      }
      %dma_wait3A_67 = arith.constant 0 : i32
      %dma_wait3A_68 = arith.constant 0 : i32
      %dma_wait3A_69 = tpu.memref_slice %arg2[%dma_wait3A_67, %dma_wait3A_68] : memref<10000x128xf32, #tpu.memory_space<hbm>> -> memref<125x128xf32, #tpu.memory_space<hbm>>
      %dma_wait3A_70 = arith.constant 0 : i32
      %dma_wait3A_71 = arith.constant 0 : i32
      %dma_wait3A_72 = tpu.memref_slice %arg2[%dma_wait3A_70, %dma_wait3A_71] : memref<10000x128xf32, #tpu.memory_space<hbm>> -> memref<125x128xf32, #tpu.memory_space<hbm>>
      tpu.wait_dma2 semaphore(%arg13 : memref<!tpu.dma_semaphore, #tpu.memory_space<semaphore_mem>>) src(%dma_wait3A_72 : memref<125x128xf32, #tpu.memory_space<hbm>>) dst(%arg10 : memref<125x128xf32, #tpu.memory_space<vmem>>)
      %add3A_73 = arith.constant 1 : i32
      %add3A_74 = arith.addi %add3A_51, %add3A_73 : i32
      "tpu.region"() ({
        %run_scoped3A = tpu.sem_alloc : memref<!tpu.dma_semaphore, #tpu.memory_space<semaphore_mem>>
        %dma_start3A_84 = arith.constant 0 : i32
        %dma_start3A_85 = tpu.memref_slice %arg8[%add3A_74, %dma_start3A_84] : memref<40x125xi32, #tpu.memory_space<vmem>> -> memref<1x125xi32, #tpu.memory_space<vmem>>
        %dma_start3A_86 = tpu.memref_squeeze %dma_start3A_85 : memref<1x125xi32, #tpu.memory_space<vmem>> -> memref<125xi32, #tpu.memory_space<vmem>>
        %dma_start3A_87 = arith.constant 0 : i32
        %dma_start3A_88 = arith.constant 0 : i32
        %dma_start3A_89 = tpu.memref_slice %arg11[%dma_start3A_87, %dma_start3A_88] : memref<10000x128xf32, #tpu.memory_space<vmem_shared>> -> memref<10000x128xf32, #tpu.memory_space<vmem_shared>>
        tpu.enqueue_indirect_dma source(%arg10 : memref<125x128xf32, #tpu.memory_space<vmem>>) target(%dma_start3A_89 : memref<10000x128xf32, #tpu.memory_space<vmem_shared>>) offsets(%dma_start3A_86 : memref<125xi32, #tpu.memory_space<vmem>>) semaphore(%run_scoped3A : memref<!tpu.dma_semaphore, #tpu.memory_space<semaphore_mem>>) {add = true}
        %dma_wait3A_90 = arith.constant 0 : i32
        %dma_wait3A_91 = tpu.memref_slice %arg8[%add3A_74, %dma_wait3A_90] : memref<40x125xi32, #tpu.memory_space<vmem>> -> memref<1x125xi32, #tpu.memory_space<vmem>>
        %dma_wait3A_92 = tpu.memref_squeeze %dma_wait3A_91 : memref<1x125xi32, #tpu.memory_space<vmem>> -> memref<125xi32, #tpu.memory_space<vmem>>
        %dma_wait3A_93 = arith.constant 0 : i32
        %dma_wait3A_94 = arith.constant 0 : i32
        %dma_wait3A_95 = tpu.memref_slice %arg11[%dma_wait3A_93, %dma_wait3A_94] : memref<10000x128xf32, #tpu.memory_space<vmem_shared>> -> memref<10000x128xf32, #tpu.memory_space<vmem_shared>>
        tpu.wait_indirect_dma semaphore(%run_scoped3A : memref<!tpu.dma_semaphore, #tpu.memory_space<semaphore_mem>>) src(%arg10 : memref<125x128xf32, #tpu.memory_space<vmem>>) dst(%dma_wait3A_95 : memref<10000x128xf32, #tpu.memory_space<vmem_shared>>)
        tpu.yield
      }) : () -> ()
      %add3A_75 = arith.constant 2 : i32
      %add3A_76 = arith.addi %add3A_51, %add3A_75 : i32
      %add3A_77 = arith.constant 1 : i32
      %add3A_78 = arith.addi %add3A_76, %add3A_77 : i32
      %lt3A_79 = arith.constant 40 : i32
      %lt3A_80 = arith.cmpi slt, %add3A_78, %lt3A_79 : i32
      %convert_element_type3A_81 = arith.extui %lt3A_80 : i1 to i32
      %cond3A_82 = arith.constant 0 : i32
      %cond3A_83 = arith.cmpi ne, %convert_element_type3A_81, %cond3A_82 : i32
      scf.if %cond3A_83 {
        %add3A_84 = arith.constant 2 : i32
        %add3A_85 = arith.addi %add3A_51, %add3A_84 : i32
        %add3A_86 = arith.constant 1 : i32
        %add3A_87 = arith.addi %add3A_85, %add3A_86 : i32
        %dma_start3A_88 = arith.constant 0 : i32
        %dma_start3A_89 = tpu.memref_slice %arg7[%add3A_87, %dma_start3A_88] : memref<40x125xi32, #tpu.memory_space<vmem>> -> memref<1x125xi32, #tpu.memory_space<vmem>>
        %dma_start3A_90 = tpu.memref_squeeze %dma_start3A_89 : memref<1x125xi32, #tpu.memory_space<vmem>> -> memref<125xi32, #tpu.memory_space<vmem>>
        %dma_start3A_91 = arith.constant 0 : i32
        %dma_start3A_92 = arith.constant 0 : i32
        %dma_start3A_93 = tpu.memref_slice %arg2[%dma_start3A_91, %dma_start3A_92] : memref<10000x128xf32, #tpu.memory_space<hbm>> -> memref<10000x128xf32, #tpu.memory_space<hbm>>
        tpu.enqueue_indirect_dma source(%dma_start3A_93 : memref<10000x128xf32, #tpu.memory_space<hbm>>) target(%arg10 : memref<125x128xf32, #tpu.memory_space<vmem>>) offsets(%dma_start3A_90 : memref<125xi32, #tpu.memory_space<vmem>>) semaphore(%arg13 : memref<!tpu.dma_semaphore, #tpu.memory_space<semaphore_mem>>)
      } else {
      }
    }
    %scan3A_21 = arith.constant 20 : i32
    "tpu.region"() ({
      %run_scoped3A = tpu.sem_alloc : memref<!tpu.dma_semaphore, #tpu.memory_space<semaphore_mem>>
      %dma_start3A_47 = arith.constant 40 : i32
      %dma_start3A_48 = arith.constant 0 : i32
      %dma_start3A_49 = tpu.memref_slice %arg3[%add3A, %dma_start3A_47, %dma_start3A_48] : memref<32x80x125xi32, #tpu.memory_space<hbm>> -> memref<1x40x125xi32, #tpu.memory_space<hbm>>
      %dma_start3A_50 = tpu.memref_squeeze %dma_start3A_49 : memref<1x40x125xi32, #tpu.memory_space<hbm>> -> memref<40x125xi32, #tpu.memory_space<hbm>>
      %dma_start3A_51 = arith.constant 40 : i32
      %dma_start3A_52 = arith.constant 0 : i32
      %dma_start3A_53 = tpu.memref_slice %arg3[%add3A, %dma_start3A_51, %dma_start3A_52] : memref<32x80x125xi32, #tpu.memory_space<hbm>> -> memref<1x40x125xi32, #tpu.memory_space<hbm>>
      %dma_start3A_54 = tpu.memref_squeeze %dma_start3A_53 : memref<1x40x125xi32, #tpu.memory_space<hbm>> -> memref<40x125xi32, #tpu.memory_space<hbm>>
      tpu.enqueue_dma source(%dma_start3A_54 : memref<40x125xi32, #tpu.memory_space<hbm>>) target(%arg7 : memref<40x125xi32, #tpu.memory_space<vmem>>) target_semaphore(%run_scoped3A : memref<!tpu.dma_semaphore, #tpu.memory_space<semaphore_mem>>)
      %dma_wait3A = arith.constant 40 : i32
      %dma_wait3A_55 = arith.constant 0 : i32
      %dma_wait3A_56 = tpu.memref_slice %arg3[%add3A, %dma_wait3A, %dma_wait3A_55] : memref<32x80x125xi32, #tpu.memory_space<hbm>> -> memref<1x40x125xi32, #tpu.memory_space<hbm>>
      %dma_wait3A_57 = tpu.memref_squeeze %dma_wait3A_56 : memref<1x40x125xi32, #tpu.memory_space<hbm>> -> memref<40x125xi32, #tpu.memory_space<hbm>>
      %dma_wait3A_58 = arith.constant 40 : i32
      %dma_wait3A_59 = arith.constant 0 : i32
      %dma_wait3A_60 = tpu.memref_slice %arg3[%add3A, %dma_wait3A_58, %dma_wait3A_59] : memref<32x80x125xi32, #tpu.memory_space<hbm>> -> memref<1x40x125xi32, #tpu.memory_space<hbm>>
      %dma_wait3A_61 = tpu.memref_squeeze %dma_wait3A_60 : memref<1x40x125xi32, #tpu.memory_space<hbm>> -> memref<40x125xi32, #tpu.memory_space<hbm>>
      tpu.wait_dma2 semaphore(%run_scoped3A : memref<!tpu.dma_semaphore, #tpu.memory_space<semaphore_mem>>) src(%dma_wait3A_61 : memref<40x125xi32, #tpu.memory_space<hbm>>) dst(%arg7 : memref<40x125xi32, #tpu.memory_space<vmem>>)
      tpu.yield
    }) : () -> ()
    "tpu.region"() ({
      %run_scoped3A = tpu.sem_alloc : memref<!tpu.dma_semaphore, #tpu.memory_space<semaphore_mem>>
      %dma_start3A_47 = arith.constant 40 : i32
      %dma_start3A_48 = arith.constant 0 : i32
      %dma_start3A_49 = tpu.memref_slice %arg4[%add3A, %dma_start3A_47, %dma_start3A_48] : memref<32x80x125xi32, #tpu.memory_space<hbm>> -> memref<1x40x125xi32, #tpu.memory_space<hbm>>
      %dma_start3A_50 = tpu.memref_squeeze %dma_start3A_49 : memref<1x40x125xi32, #tpu.memory_space<hbm>> -> memref<40x125xi32, #tpu.memory_space<hbm>>
      %dma_start3A_51 = arith.constant 40 : i32
      %dma_start3A_52 = arith.constant 0 : i32
      %dma_start3A_53 = tpu.memref_slice %arg4[%add3A, %dma_start3A_51, %dma_start3A_52] : memref<32x80x125xi32, #tpu.memory_space<hbm>> -> memref<1x40x125xi32, #tpu.memory_space<hbm>>
      %dma_start3A_54 = tpu.memref_squeeze %dma_start3A_53 : memref<1x40x125xi32, #tpu.memory_space<hbm>> -> memref<40x125xi32, #tpu.memory_space<hbm>>
      tpu.enqueue_dma source(%dma_start3A_54 : memref<40x125xi32, #tpu.memory_space<hbm>>) target(%arg8 : memref<40x125xi32, #tpu.memory_space<vmem>>) target_semaphore(%run_scoped3A : memref<!tpu.dma_semaphore, #tpu.memory_space<semaphore_mem>>)
      %dma_wait3A = arith.constant 40 : i32
      %dma_wait3A_55 = arith.constant 0 : i32
      %dma_wait3A_56 = tpu.memref_slice %arg4[%add3A, %dma_wait3A, %dma_wait3A_55] : memref<32x80x125xi32, #tpu.memory_space<hbm>> -> memref<1x40x125xi32, #tpu.memory_space<hbm>>
      %dma_wait3A_57 = tpu.memref_squeeze %dma_wait3A_56 : memref<1x40x125xi32, #tpu.memory_space<hbm>> -> memref<40x125xi32, #tpu.memory_space<hbm>>
      %dma_wait3A_58 = arith.constant 40 : i32
      %dma_wait3A_59 = arith.constant 0 : i32
      %dma_wait3A_60 = tpu.memref_slice %arg4[%add3A, %dma_wait3A_58, %dma_wait3A_59] : memref<32x80x125xi32, #tpu.memory_space<hbm>> -> memref<1x40x125xi32, #tpu.memory_space<hbm>>
      %dma_wait3A_61 = tpu.memref_squeeze %dma_wait3A_60 : memref<1x40x125xi32, #tpu.memory_space<hbm>> -> memref<40x125xi32, #tpu.memory_space<hbm>>
      tpu.wait_dma2 semaphore(%run_scoped3A : memref<!tpu.dma_semaphore, #tpu.memory_space<semaphore_mem>>) src(%dma_wait3A_61 : memref<40x125xi32, #tpu.memory_space<hbm>>) dst(%arg8 : memref<40x125xi32, #tpu.memory_space<vmem>>)
      tpu.yield
    }) : () -> ()
    %dma_start3A_22 = arith.constant 0 : i32
    %dma_start3A_23 = arith.constant 0 : i32
    %dma_start3A_24 = tpu.memref_slice %arg7[%dma_start3A_22, %dma_start3A_23] : memref<40x125xi32, #tpu.memory_space<vmem>> -> memref<1x125xi32, #tpu.memory_space<vmem>>
    %dma_start3A_25 = tpu.memref_squeeze %dma_start3A_24 : memref<1x125xi32, #tpu.memory_space<vmem>> -> memref<125xi32, #tpu.memory_space<vmem>>
    %dma_start3A_26 = arith.constant 0 : i32
    %dma_start3A_27 = arith.constant 0 : i32
    %dma_start3A_28 = tpu.memref_slice %arg2[%dma_start3A_26, %dma_start3A_27] : memref<10000x128xf32, #tpu.memory_space<hbm>> -> memref<10000x128xf32, #tpu.memory_space<hbm>>
    tpu.enqueue_indirect_dma source(%dma_start3A_28 : memref<10000x128xf32, #tpu.memory_space<hbm>>) target(%arg9 : memref<125x128xf32, #tpu.memory_space<vmem>>) offsets(%dma_start3A_25 : memref<125xi32, #tpu.memory_space<vmem>>) semaphore(%arg12 : memref<!tpu.dma_semaphore, #tpu.memory_space<semaphore_mem>>)
    %dma_start3A_29 = arith.constant 1 : i32
    %dma_start3A_30 = arith.constant 0 : i32
    %dma_start3A_31 = tpu.memref_slice %arg7[%dma_start3A_29, %dma_start3A_30] : memref<40x125xi32, #tpu.memory_space<vmem>> -> memref<1x125xi32, #tpu.memory_space<vmem>>
    %dma_start3A_32 = tpu.memref_squeeze %dma_start3A_31 : memref<1x125xi32, #tpu.memory_space<vmem>> -> memref<125xi32, #tpu.memory_space<vmem>>
    %dma_start3A_33 = arith.constant 0 : i32
    %dma_start3A_34 = arith.constant 0 : i32
    %dma_start3A_35 = tpu.memref_slice %arg2[%dma_start3A_33, %dma_start3A_34] : memref<10000x128xf32, #tpu.memory_space<hbm>> -> memref<10000x128xf32, #tpu.memory_space<hbm>>
    tpu.enqueue_indirect_dma source(%dma_start3A_35 : memref<10000x128xf32, #tpu.memory_space<hbm>>) target(%arg10 : memref<125x128xf32, #tpu.memory_space<vmem>>) offsets(%dma_start3A_32 : memref<125xi32, #tpu.memory_space<vmem>>) semaphore(%arg13 : memref<!tpu.dma_semaphore, #tpu.memory_space<semaphore_mem>>)
    %scan3A_36 = arith.constant 0 : i32
    %scan3A_37 = arith.constant 20 : i32
    %scan3A_38 = arith.addi %scan3A_36, %scan3A_37 : i32
    %scan3A_39 = arith.constant 1 : i32
    scf.for %scan3A_47 = %scan3A_36 to %scan3A_38 step %scan3A_39  : i32 {
      %mul3A_48 = arith.constant 2 : i32
      %mul3A_49 = arith.muli %scan3A_47, %mul3A_48 : i32
      %add3A_50 = arith.constant 0 : i32
      %add3A_51 = arith.addi %add3A_50, %mul3A_49 : i32
      %dma_wait3A = arith.constant 0 : i32
      %dma_wait3A_52 = arith.constant 0 : i32
      %dma_wait3A_53 = tpu.memref_slice %arg2[%dma_wait3A, %dma_wait3A_52] : memref<10000x128xf32, #tpu.memory_space<hbm>> -> memref<125x128xf32, #tpu.memory_space<hbm>>
      %dma_wait3A_54 = arith.constant 0 : i32
      %dma_wait3A_55 = arith.constant 0 : i32
      %dma_wait3A_56 = tpu.memref_slice %arg2[%dma_wait3A_54, %dma_wait3A_55] : memref<10000x128xf32, #tpu.memory_space<hbm>> -> memref<125x128xf32, #tpu.memory_space<hbm>>
      tpu.wait_dma2 semaphore(%arg12 : memref<!tpu.dma_semaphore, #tpu.memory_space<semaphore_mem>>) src(%dma_wait3A_56 : memref<125x128xf32, #tpu.memory_space<hbm>>) dst(%arg9 : memref<125x128xf32, #tpu.memory_space<vmem>>)
      %add3A_57 = arith.constant 0 : i32
      %add3A_58 = arith.addi %add3A_51, %add3A_57 : i32
      "tpu.region"() ({
        %run_scoped3A = tpu.sem_alloc : memref<!tpu.dma_semaphore, #tpu.memory_space<semaphore_mem>>
        %dma_start3A_84 = arith.constant 0 : i32
        %dma_start3A_85 = tpu.memref_slice %arg8[%add3A_58, %dma_start3A_84] : memref<40x125xi32, #tpu.memory_space<vmem>> -> memref<1x125xi32, #tpu.memory_space<vmem>>
        %dma_start3A_86 = tpu.memref_squeeze %dma_start3A_85 : memref<1x125xi32, #tpu.memory_space<vmem>> -> memref<125xi32, #tpu.memory_space<vmem>>
        %dma_start3A_87 = arith.constant 0 : i32
        %dma_start3A_88 = arith.constant 0 : i32
        %dma_start3A_89 = tpu.memref_slice %arg11[%dma_start3A_87, %dma_start3A_88] : memref<10000x128xf32, #tpu.memory_space<vmem_shared>> -> memref<10000x128xf32, #tpu.memory_space<vmem_shared>>
        tpu.enqueue_indirect_dma source(%arg9 : memref<125x128xf32, #tpu.memory_space<vmem>>) target(%dma_start3A_89 : memref<10000x128xf32, #tpu.memory_space<vmem_shared>>) offsets(%dma_start3A_86 : memref<125xi32, #tpu.memory_space<vmem>>) semaphore(%run_scoped3A : memref<!tpu.dma_semaphore, #tpu.memory_space<semaphore_mem>>) {add = true}
        %dma_wait3A_90 = arith.constant 0 : i32
        %dma_wait3A_91 = tpu.memref_slice %arg8[%add3A_58, %dma_wait3A_90] : memref<40x125xi32, #tpu.memory_space<vmem>> -> memref<1x125xi32, #tpu.memory_space<vmem>>
        %dma_wait3A_92 = tpu.memref_squeeze %dma_wait3A_91 : memref<1x125xi32, #tpu.memory_space<vmem>> -> memref<125xi32, #tpu.memory_space<vmem>>
        %dma_wait3A_93 = arith.constant 0 : i32
        %dma_wait3A_94 = arith.constant 0 : i32
        %dma_wait3A_95 = tpu.memref_slice %arg11[%dma_wait3A_93, %dma_wait3A_94] : memref<10000x128xf32, #tpu.memory_space<vmem_shared>> -> memref<10000x128xf32, #tpu.memory_space<vmem_shared>>
        tpu.wait_indirect_dma semaphore(%run_scoped3A : memref<!tpu.dma_semaphore, #tpu.memory_space<semaphore_mem>>) src(%arg9 : memref<125x128xf32, #tpu.memory_space<vmem>>) dst(%dma_wait3A_95 : memref<10000x128xf32, #tpu.memory_space<vmem_shared>>)
        tpu.yield
      }) : () -> ()
      %add3A_59 = arith.constant 2 : i32
      %add3A_60 = arith.addi %add3A_51, %add3A_59 : i32
      %add3A_61 = arith.constant 0 : i32
      %add3A_62 = arith.addi %add3A_60, %add3A_61 : i32
      %lt3A = arith.constant 40 : i32
      %lt3A_63 = arith.cmpi slt, %add3A_62, %lt3A : i32
      %convert_element_type3A_64 = arith.extui %lt3A_63 : i1 to i32
      %cond3A_65 = arith.constant 0 : i32
      %cond3A_66 = arith.cmpi ne, %convert_element_type3A_64, %cond3A_65 : i32
      scf.if %cond3A_66 {
        %add3A_84 = arith.constant 2 : i32
        %add3A_85 = arith.addi %add3A_51, %add3A_84 : i32
        %add3A_86 = arith.constant 0 : i32
        %add3A_87 = arith.addi %add3A_85, %add3A_86 : i32
        %dma_start3A_88 = arith.constant 0 : i32
        %dma_start3A_89 = tpu.memref_slice %arg7[%add3A_87, %dma_start3A_88] : memref<40x125xi32, #tpu.memory_space<vmem>> -> memref<1x125xi32, #tpu.memory_space<vmem>>
        %dma_start3A_90 = tpu.memref_squeeze %dma_start3A_89 : memref<1x125xi32, #tpu.memory_space<vmem>> -> memref<125xi32, #tpu.memory_space<vmem>>
        %dma_start3A_91 = arith.constant 0 : i32
        %dma_start3A_92 = arith.constant 0 : i32
        %dma_start3A_93 = tpu.memref_slice %arg2[%dma_start3A_91, %dma_start3A_92] : memref<10000x128xf32, #tpu.memory_space<hbm>> -> memref<10000x128xf32, #tpu.memory_space<hbm>>
        tpu.enqueue_indirect_dma source(%dma_start3A_93 : memref<10000x128xf32, #tpu.memory_space<hbm>>) target(%arg9 : memref<125x128xf32, #tpu.memory_space<vmem>>) offsets(%dma_start3A_90 : memref<125xi32, #tpu.memory_space<vmem>>) semaphore(%arg12 : memref<!tpu.dma_semaphore, #tpu.memory_space<semaphore_mem>>)
      } else {
      }
      %dma_wait3A_67 = arith.constant 0 : i32
      %dma_wait3A_68 = arith.constant 0 : i32
      %dma_wait3A_69 = tpu.memref_slice %arg2[%dma_wait3A_67, %dma_wait3A_68] : memref<10000x128xf32, #tpu.memory_space<hbm>> -> memref<125x128xf32, #tpu.memory_space<hbm>>
      %dma_wait3A_70 = arith.constant 0 : i32
      %dma_wait3A_71 = arith.constant 0 : i32
      %dma_wait3A_72 = tpu.memref_slice %arg2[%dma_wait3A_70, %dma_wait3A_71] : memref<10000x128xf32, #tpu.memory_space<hbm>> -> memref<125x128xf32, #tpu.memory_space<hbm>>
      tpu.wait_dma2 semaphore(%arg13 : memref<!tpu.dma_semaphore, #tpu.memory_space<semaphore_mem>>) src(%dma_wait3A_72 : memref<125x128xf32, #tpu.memory_space<hbm>>) dst(%arg10 : memref<125x128xf32, #tpu.memory_space<vmem>>)
      %add3A_73 = arith.constant 1 : i32
      %add3A_74 = arith.addi %add3A_51, %add3A_73 : i32
      "tpu.region"() ({
        %run_scoped3A = tpu.sem_alloc : memref<!tpu.dma_semaphore, #tpu.memory_space<semaphore_mem>>
        %dma_start3A_84 = arith.constant 0 : i32
        %dma_start3A_85 = tpu.memref_slice %arg8[%add3A_74, %dma_start3A_84] : memref<40x125xi32, #tpu.memory_space<vmem>> -> memref<1x125xi32, #tpu.memory_space<vmem>>
        %dma_start3A_86 = tpu.memref_squeeze %dma_start3A_85 : memref<1x125xi32, #tpu.memory_space<vmem>> -> memref<125xi32, #tpu.memory_space<vmem>>
        %dma_start3A_87 = arith.constant 0 : i32
        %dma_start3A_88 = arith.constant 0 : i32
        %dma_start3A_89 = tpu.memref_slice %arg11[%dma_start3A_87, %dma_start3A_88] : memref<10000x128xf32, #tpu.memory_space<vmem_shared>> -> memref<10000x128xf32, #tpu.memory_space<vmem_shared>>
        tpu.enqueue_indirect_dma source(%arg10 : memref<125x128xf32, #tpu.memory_space<vmem>>) target(%dma_start3A_89 : memref<10000x128xf32, #tpu.memory_space<vmem_shared>>) offsets(%dma_start3A_86 : memref<125xi32, #tpu.memory_space<vmem>>) semaphore(%run_scoped3A : memref<!tpu.dma_semaphore, #tpu.memory_space<semaphore_mem>>) {add = true}
        %dma_wait3A_90 = arith.constant 0 : i32
        %dma_wait3A_91 = tpu.memref_slice %arg8[%add3A_74, %dma_wait3A_90] : memref<40x125xi32, #tpu.memory_space<vmem>> -> memref<1x125xi32, #tpu.memory_space<vmem>>
        %dma_wait3A_92 = tpu.memref_squeeze %dma_wait3A_91 : memref<1x125xi32, #tpu.memory_space<vmem>> -> memref<125xi32, #tpu.memory_space<vmem>>
        %dma_wait3A_93 = arith.constant 0 : i32
        %dma_wait3A_94 = arith.constant 0 : i32
        %dma_wait3A_95 = tpu.memref_slice %arg11[%dma_wait3A_93, %dma_wait3A_94] : memref<10000x128xf32, #tpu.memory_space<vmem_shared>> -> memref<10000x128xf32, #tpu.memory_space<vmem_shared>>
        tpu.wait_indirect_dma semaphore(%run_scoped3A : memref<!tpu.dma_semaphore, #tpu.memory_space<semaphore_mem>>) src(%arg10 : memref<125x128xf32, #tpu.memory_space<vmem>>) dst(%dma_wait3A_95 : memref<10000x128xf32, #tpu.memory_space<vmem_shared>>)
        tpu.yield
      }) : () -> ()
      %add3A_75 = arith.constant 2 : i32
      %add3A_76 = arith.addi %add3A_51, %add3A_75 : i32
      %add3A_77 = arith.constant 1 : i32
      %add3A_78 = arith.addi %add3A_76, %add3A_77 : i32
      %lt3A_79 = arith.constant 40 : i32
      %lt3A_80 = arith.cmpi slt, %add3A_78, %lt3A_79 : i32
      %convert_element_type3A_81 = arith.extui %lt3A_80 : i1 to i32
      %cond3A_82 = arith.constant 0 : i32
      %cond3A_83 = arith.cmpi ne, %convert_element_type3A_81, %cond3A_82 : i32
      scf.if %cond3A_83 {
        %add3A_84 = arith.constant 2 : i32
        %add3A_85 = arith.addi %add3A_51, %add3A_84 : i32
        %add3A_86 = arith.constant 1 : i32
        %add3A_87 = arith.addi %add3A_85, %add3A_86 : i32
        %dma_start3A_88 = arith.constant 0 : i32
        %dma_start3A_89 = tpu.memref_slice %arg7[%add3A_87, %dma_start3A_88] : memref<40x125xi32, #tpu.memory_space<vmem>> -> memref<1x125xi32, #tpu.memory_space<vmem>>
        %dma_start3A_90 = tpu.memref_squeeze %dma_start3A_89 : memref<1x125xi32, #tpu.memory_space<vmem>> -> memref<125xi32, #tpu.memory_space<vmem>>
        %dma_start3A_91 = arith.constant 0 : i32
        %dma_start3A_92 = arith.constant 0 : i32
        %dma_start3A_93 = tpu.memref_slice %arg2[%dma_start3A_91, %dma_start3A_92] : memref<10000x128xf32, #tpu.memory_space<hbm>> -> memref<10000x128xf32, #tpu.memory_space<hbm>>
        tpu.enqueue_indirect_dma source(%dma_start3A_93 : memref<10000x128xf32, #tpu.memory_space<hbm>>) target(%arg10 : memref<125x128xf32, #tpu.memory_space<vmem>>) offsets(%dma_start3A_90 : memref<125xi32, #tpu.memory_space<vmem>>) semaphore(%arg13 : memref<!tpu.dma_semaphore, #tpu.memory_space<semaphore_mem>>)
      } else {
      }
    }
    %scan3A_40 = arith.constant 20 : i32
    %barrier3A_41 = arith.constant 0 : index
    tpu.barrier barrier_id(%barrier3A_41)
    "tpu.region"() ({
      %run_scoped3A = tpu.sem_alloc : memref<!tpu.dma_semaphore, #tpu.memory_space<semaphore_mem>>
      %dma_start3A_47 = arith.constant 0 : i32
      %dma_start3A_48 = tpu.memref_slice %arg6[%arg0, %mul3A_2, %dma_start3A_47] : memref<2x10000x128xf32, #tpu.memory_space<hbm>> -> memref<1x624x128xf32, #tpu.memory_space<hbm>>
      %dma_start3A_49 = tpu.memref_squeeze %dma_start3A_48 : memref<1x624x128xf32, #tpu.memory_space<hbm>> -> memref<624x128xf32, #tpu.memory_space<hbm>>
      %dma_start3A_50 = arith.constant 0 : i32
      %dma_start3A_51 = tpu.memref_slice %arg11[%mul3A_2, %dma_start3A_50] : memref<10000x128xf32, #tpu.memory_space<vmem_shared>> -> memref<624x128xf32, #tpu.memory_space<vmem_shared>>
      tpu.enqueue_dma source(%dma_start3A_51 : memref<624x128xf32, #tpu.memory_space<vmem_shared>>) target(%dma_start3A_49 : memref<624x128xf32, #tpu.memory_space<hbm>>) target_semaphore(%run_scoped3A : memref<!tpu.dma_semaphore, #tpu.memory_space<semaphore_mem>>)
      %dma_wait3A = arith.constant 0 : i32
      %dma_wait3A_52 = tpu.memref_slice %arg6[%arg0, %mul3A_2, %dma_wait3A] : memref<2x10000x128xf32, #tpu.memory_space<hbm>> -> memref<1x624x128xf32, #tpu.memory_space<hbm>>
      %dma_wait3A_53 = tpu.memref_squeeze %dma_wait3A_52 : memref<1x624x128xf32, #tpu.memory_space<hbm>> -> memref<624x128xf32, #tpu.memory_space<hbm>>
      %dma_wait3A_54 = arith.constant 0 : i32
      %dma_wait3A_55 = tpu.memref_slice %arg11[%mul3A_2, %dma_wait3A_54] : memref<10000x128xf32, #tpu.memory_space<vmem_shared>> -> memref<624x128xf32, #tpu.memory_space<vmem_shared>>
      tpu.wait_dma2 semaphore(%run_scoped3A : memref<!tpu.dma_semaphore, #tpu.memory_space<semaphore_mem>>) src(%dma_wait3A_55 : memref<624x128xf32, #tpu.memory_space<vmem_shared>>) dst(%dma_wait3A_53 : memref<624x128xf32, #tpu.memory_space<hbm>>)
      tpu.yield
    }) : () -> ()
    %eq3A_42 = arith.constant 0 : i32
    %eq3A_43 = arith.cmpi eq, %arg1, %eq3A_42 : i32
    %convert_element_type3A_44 = arith.extui %eq3A_43 : i1 to i32
    %cond3A_45 = arith.constant 0 : i32
    %cond3A_46 = arith.cmpi ne, %convert_element_type3A_44, %cond3A_45 : i32
    scf.if %cond3A_46 {
      "tpu.region"() ({
        %run_scoped3A = tpu.sem_alloc : memref<!tpu.dma_semaphore, #tpu.memory_space<semaphore_mem>>
        %dma_start3A_47 = arith.constant 9984 : i32
        %dma_start3A_48 = arith.constant 0 : i32
        %dma_start3A_49 = tpu.memref_slice %arg6[%arg0, %dma_start3A_47, %dma_start3A_48] : memref<2x10000x128xf32, #tpu.memory_space<hbm>> -> memref<1x16x128xf32, #tpu.memory_space<hbm>>
        %dma_start3A_50 = tpu.memref_squeeze %dma_start3A_49 : memref<1x16x128xf32, #tpu.memory_space<hbm>> -> memref<16x128xf32, #tpu.memory_space<hbm>>
        %dma_start3A_51 = arith.constant 9984 : i32
        %dma_start3A_52 = arith.constant 0 : i32
        %dma_start3A_53 = tpu.memref_slice %arg11[%dma_start3A_51, %dma_start3A_52] : memref<10000x128xf32, #tpu.memory_space<vmem_shared>> -> memref<16x128xf32, #tpu.memory_space<vmem_shared>>
        tpu.enqueue_dma source(%dma_start3A_53 : memref<16x128xf32, #tpu.memory_space<vmem_shared>>) target(%dma_start3A_50 : memref<16x128xf32, #tpu.memory_space<hbm>>) target_semaphore(%run_scoped3A : memref<!tpu.dma_semaphore, #tpu.memory_space<semaphore_mem>>)
        %dma_wait3A = arith.constant 9984 : i32
        %dma_wait3A_54 = arith.constant 0 : i32
        %dma_wait3A_55 = tpu.memref_slice %arg6[%arg0, %dma_wait3A, %dma_wait3A_54] : memref<2x10000x128xf32, #tpu.memory_space<hbm>> -> memref<1x16x128xf32, #tpu.memory_space<hbm>>
        %dma_wait3A_56 = tpu.memref_squeeze %dma_wait3A_55 : memref<1x16x128xf32, #tpu.memory_space<hbm>> -> memref<16x128xf32, #tpu.memory_space<hbm>>
        %dma_wait3A_57 = arith.constant 9984 : i32
        %dma_wait3A_58 = arith.constant 0 : i32
        %dma_wait3A_59 = tpu.memref_slice %arg11[%dma_wait3A_57, %dma_wait3A_58] : memref<10000x128xf32, #tpu.memory_space<vmem_shared>> -> memref<16x128xf32, #tpu.memory_space<vmem_shared>>
        tpu.wait_dma2 semaphore(%run_scoped3A : memref<!tpu.dma_semaphore, #tpu.memory_space<semaphore_mem>>) src(%dma_wait3A_59 : memref<16x128xf32, #tpu.memory_space<vmem_shared>>) dst(%dma_wait3A_56 : memref<16x128xf32, #tpu.memory_space<hbm>>)
        tpu.yield
      }) : () -> ()
    } else {
    }
    return
  }
}

#map = affine_map<(d0, d1) -> (0, 0)>
#map1 = affine_map<(d0, d1) -> (0, 0, 0)>
module attributes {stable_mosaic.version = 14 : i64} {
  func.func @run(%arg0: i32, %arg1: i32, %arg2: memref<10000x48xf32, #tpu.memory_space<hbm>>, %arg3: memref<32x80x125xi32, #tpu.memory_space<hbm>>, %arg4: memref<32x80x125xi32, #tpu.memory_space<hbm>>, %arg5: memref<10000x48xf32, #tpu.memory_space<hbm>>, %arg6: memref<2x10000x48xf32, #tpu.memory_space<hbm>>, %arg7: memref<80x125xi32, #tpu.memory_space<vmem>>, %arg8: memref<80x125xi32, #tpu.memory_space<vmem>>, %arg9: memref<125x48xf32, #tpu.memory_space<vmem>>, %arg10: memref<125x48xf32, #tpu.memory_space<vmem>>, %arg11: memref<125x48xf32, #tpu.memory_space<vmem>>, %arg12: memref<125x48xf32, #tpu.memory_space<vmem>>, %arg13: memref<10000x48xf32, #tpu.memory_space<vmem_shared>>, %arg14: memref<!tpu.dma_semaphore, #tpu.memory_space<semaphore_mem>>, %arg15: memref<!tpu.dma_semaphore, #tpu.memory_space<semaphore_mem>>, %arg16: memref<!tpu.dma_semaphore, #tpu.memory_space<semaphore_mem>>, %arg17: memref<!tpu.dma_semaphore, #tpu.memory_space<semaphore_mem>>) attributes {dimension_semantics = [#tpu.dimension_semantics<core_parallel>, #tpu.dimension_semantics<subcore_parallel>], iteration_bounds = array<i64: 2, 16>, scalar_prefetch = 0 : i64, scratch_operands = 11 : i64, tpu.core_type = #tpu.core_type<sc_vector_subcore>, window_params = [{transform_indices = #map}, {transform_indices = #map1}, {transform_indices = #map1}, {transform_indices = #map}, {transform_indices = #map1}]} {
    %mul3A = arith.constant 16 : i32
    %mul3A_0 = arith.muli %arg0, %mul3A : i32
    %add3A = arith.addi %mul3A_0, %arg1 : i32
    %mul3A_1 = arith.constant 624 : i32
    %mul3A_2 = arith.muli %arg1, %mul3A_1 : i32
    "tpu.region"() ({
      %run_scoped3A = tpu.sem_alloc : memref<!tpu.dma_semaphore, #tpu.memory_space<semaphore_mem>>
      %dma_start3A_42 = arith.constant 0 : i32
      %dma_start3A_43 = tpu.memref_slice %arg13[%mul3A_2, %dma_start3A_42] : memref<10000x48xf32, #tpu.memory_space<vmem_shared>> -> memref<624x48xf32, #tpu.memory_space<vmem_shared>>
      %dma_start3A_44 = arith.constant 0 : i32
      %dma_start3A_45 = tpu.memref_slice %arg5[%mul3A_2, %dma_start3A_44] : memref<10000x48xf32, #tpu.memory_space<hbm>> -> memref<624x48xf32, #tpu.memory_space<hbm>>
      tpu.enqueue_dma source(%dma_start3A_45 : memref<624x48xf32, #tpu.memory_space<hbm>>) target(%dma_start3A_43 : memref<624x48xf32, #tpu.memory_space<vmem_shared>>) target_semaphore(%run_scoped3A : memref<!tpu.dma_semaphore, #tpu.memory_space<semaphore_mem>>)
      %dma_wait3A = arith.constant 0 : i32
      %dma_wait3A_46 = tpu.memref_slice %arg13[%mul3A_2, %dma_wait3A] : memref<10000x48xf32, #tpu.memory_space<vmem_shared>> -> memref<624x48xf32, #tpu.memory_space<vmem_shared>>
      %dma_wait3A_47 = arith.constant 0 : i32
      %dma_wait3A_48 = tpu.memref_slice %arg5[%mul3A_2, %dma_wait3A_47] : memref<10000x48xf32, #tpu.memory_space<hbm>> -> memref<624x48xf32, #tpu.memory_space<hbm>>
      tpu.wait_dma2 semaphore(%run_scoped3A : memref<!tpu.dma_semaphore, #tpu.memory_space<semaphore_mem>>) src(%dma_wait3A_48 : memref<624x48xf32, #tpu.memory_space<hbm>>) dst(%dma_wait3A_46 : memref<624x48xf32, #tpu.memory_space<vmem_shared>>)
      tpu.yield
    }) : () -> ()
    %eq3A = arith.constant 0 : i32
    %eq3A_3 = arith.cmpi eq, %arg1, %eq3A : i32
    %convert_element_type3A = arith.extui %eq3A_3 : i1 to i32
    %cond3A = arith.constant 0 : i32
    %cond3A_4 = arith.cmpi ne, %convert_element_type3A, %cond3A : i32
    scf.if %cond3A_4 {
      "tpu.region"() ({
        %run_scoped3A = tpu.sem_alloc : memref<!tpu.dma_semaphore, #tpu.memory_space<semaphore_mem>>
        %dma_start3A_42 = arith.constant 9984 : i32
        %dma_start3A_43 = arith.constant 0 : i32
        %dma_start3A_44 = tpu.memref_slice %arg13[%dma_start3A_42, %dma_start3A_43] : memref<10000x48xf32, #tpu.memory_space<vmem_shared>> -> memref<16x48xf32, #tpu.memory_space<vmem_shared>>
        %dma_start3A_45 = arith.constant 9984 : i32
        %dma_start3A_46 = arith.constant 0 : i32
        %dma_start3A_47 = tpu.memref_slice %arg5[%dma_start3A_45, %dma_start3A_46] : memref<10000x48xf32, #tpu.memory_space<hbm>> -> memref<16x48xf32, #tpu.memory_space<hbm>>
        tpu.enqueue_dma source(%dma_start3A_47 : memref<16x48xf32, #tpu.memory_space<hbm>>) target(%dma_start3A_44 : memref<16x48xf32, #tpu.memory_space<vmem_shared>>) target_semaphore(%run_scoped3A : memref<!tpu.dma_semaphore, #tpu.memory_space<semaphore_mem>>)
        %dma_wait3A = arith.constant 9984 : i32
        %dma_wait3A_48 = arith.constant 0 : i32
        %dma_wait3A_49 = tpu.memref_slice %arg13[%dma_wait3A, %dma_wait3A_48] : memref<10000x48xf32, #tpu.memory_space<vmem_shared>> -> memref<16x48xf32, #tpu.memory_space<vmem_shared>>
        %dma_wait3A_50 = arith.constant 9984 : i32
        %dma_wait3A_51 = arith.constant 0 : i32
        %dma_wait3A_52 = tpu.memref_slice %arg5[%dma_wait3A_50, %dma_wait3A_51] : memref<10000x48xf32, #tpu.memory_space<hbm>> -> memref<16x48xf32, #tpu.memory_space<hbm>>
        tpu.wait_dma2 semaphore(%run_scoped3A : memref<!tpu.dma_semaphore, #tpu.memory_space<semaphore_mem>>) src(%dma_wait3A_52 : memref<16x48xf32, #tpu.memory_space<hbm>>) dst(%dma_wait3A_49 : memref<16x48xf32, #tpu.memory_space<vmem_shared>>)
        tpu.yield
      }) : () -> ()
    } else {
    }
    %barrier3A = arith.constant 0 : index
    tpu.barrier barrier_id(%barrier3A)
    "tpu.region"() ({
      %run_scoped3A = tpu.sem_alloc : memref<!tpu.dma_semaphore, #tpu.memory_space<semaphore_mem>>
      %dma_start3A_42 = arith.constant 0 : i32
      %dma_start3A_43 = arith.constant 0 : i32
      %dma_start3A_44 = tpu.memref_slice %arg3[%add3A, %dma_start3A_42, %dma_start3A_43] : memref<32x80x125xi32, #tpu.memory_space<hbm>> -> memref<1x80x125xi32, #tpu.memory_space<hbm>>
      %dma_start3A_45 = tpu.memref_squeeze %dma_start3A_44 : memref<1x80x125xi32, #tpu.memory_space<hbm>> -> memref<80x125xi32, #tpu.memory_space<hbm>>
      %dma_start3A_46 = arith.constant 0 : i32
      %dma_start3A_47 = arith.constant 0 : i32
      %dma_start3A_48 = tpu.memref_slice %arg3[%add3A, %dma_start3A_46, %dma_start3A_47] : memref<32x80x125xi32, #tpu.memory_space<hbm>> -> memref<1x80x125xi32, #tpu.memory_space<hbm>>
      %dma_start3A_49 = tpu.memref_squeeze %dma_start3A_48 : memref<1x80x125xi32, #tpu.memory_space<hbm>> -> memref<80x125xi32, #tpu.memory_space<hbm>>
      tpu.enqueue_dma source(%dma_start3A_49 : memref<80x125xi32, #tpu.memory_space<hbm>>) target(%arg7 : memref<80x125xi32, #tpu.memory_space<vmem>>) target_semaphore(%run_scoped3A : memref<!tpu.dma_semaphore, #tpu.memory_space<semaphore_mem>>)
      %dma_wait3A = arith.constant 0 : i32
      %dma_wait3A_50 = arith.constant 0 : i32
      %dma_wait3A_51 = tpu.memref_slice %arg3[%add3A, %dma_wait3A, %dma_wait3A_50] : memref<32x80x125xi32, #tpu.memory_space<hbm>> -> memref<1x80x125xi32, #tpu.memory_space<hbm>>
      %dma_wait3A_52 = tpu.memref_squeeze %dma_wait3A_51 : memref<1x80x125xi32, #tpu.memory_space<hbm>> -> memref<80x125xi32, #tpu.memory_space<hbm>>
      %dma_wait3A_53 = arith.constant 0 : i32
      %dma_wait3A_54 = arith.constant 0 : i32
      %dma_wait3A_55 = tpu.memref_slice %arg3[%add3A, %dma_wait3A_53, %dma_wait3A_54] : memref<32x80x125xi32, #tpu.memory_space<hbm>> -> memref<1x80x125xi32, #tpu.memory_space<hbm>>
      %dma_wait3A_56 = tpu.memref_squeeze %dma_wait3A_55 : memref<1x80x125xi32, #tpu.memory_space<hbm>> -> memref<80x125xi32, #tpu.memory_space<hbm>>
      tpu.wait_dma2 semaphore(%run_scoped3A : memref<!tpu.dma_semaphore, #tpu.memory_space<semaphore_mem>>) src(%dma_wait3A_56 : memref<80x125xi32, #tpu.memory_space<hbm>>) dst(%arg7 : memref<80x125xi32, #tpu.memory_space<vmem>>)
      tpu.yield
    }) : () -> ()
    "tpu.region"() ({
      %run_scoped3A = tpu.sem_alloc : memref<!tpu.dma_semaphore, #tpu.memory_space<semaphore_mem>>
      %dma_start3A_42 = arith.constant 0 : i32
      %dma_start3A_43 = arith.constant 0 : i32
      %dma_start3A_44 = tpu.memref_slice %arg4[%add3A, %dma_start3A_42, %dma_start3A_43] : memref<32x80x125xi32, #tpu.memory_space<hbm>> -> memref<1x80x125xi32, #tpu.memory_space<hbm>>
      %dma_start3A_45 = tpu.memref_squeeze %dma_start3A_44 : memref<1x80x125xi32, #tpu.memory_space<hbm>> -> memref<80x125xi32, #tpu.memory_space<hbm>>
      %dma_start3A_46 = arith.constant 0 : i32
      %dma_start3A_47 = arith.constant 0 : i32
      %dma_start3A_48 = tpu.memref_slice %arg4[%add3A, %dma_start3A_46, %dma_start3A_47] : memref<32x80x125xi32, #tpu.memory_space<hbm>> -> memref<1x80x125xi32, #tpu.memory_space<hbm>>
      %dma_start3A_49 = tpu.memref_squeeze %dma_start3A_48 : memref<1x80x125xi32, #tpu.memory_space<hbm>> -> memref<80x125xi32, #tpu.memory_space<hbm>>
      tpu.enqueue_dma source(%dma_start3A_49 : memref<80x125xi32, #tpu.memory_space<hbm>>) target(%arg8 : memref<80x125xi32, #tpu.memory_space<vmem>>) target_semaphore(%run_scoped3A : memref<!tpu.dma_semaphore, #tpu.memory_space<semaphore_mem>>)
      %dma_wait3A = arith.constant 0 : i32
      %dma_wait3A_50 = arith.constant 0 : i32
      %dma_wait3A_51 = tpu.memref_slice %arg4[%add3A, %dma_wait3A, %dma_wait3A_50] : memref<32x80x125xi32, #tpu.memory_space<hbm>> -> memref<1x80x125xi32, #tpu.memory_space<hbm>>
      %dma_wait3A_52 = tpu.memref_squeeze %dma_wait3A_51 : memref<1x80x125xi32, #tpu.memory_space<hbm>> -> memref<80x125xi32, #tpu.memory_space<hbm>>
      %dma_wait3A_53 = arith.constant 0 : i32
      %dma_wait3A_54 = arith.constant 0 : i32
      %dma_wait3A_55 = tpu.memref_slice %arg4[%add3A, %dma_wait3A_53, %dma_wait3A_54] : memref<32x80x125xi32, #tpu.memory_space<hbm>> -> memref<1x80x125xi32, #tpu.memory_space<hbm>>
      %dma_wait3A_56 = tpu.memref_squeeze %dma_wait3A_55 : memref<1x80x125xi32, #tpu.memory_space<hbm>> -> memref<80x125xi32, #tpu.memory_space<hbm>>
      tpu.wait_dma2 semaphore(%run_scoped3A : memref<!tpu.dma_semaphore, #tpu.memory_space<semaphore_mem>>) src(%dma_wait3A_56 : memref<80x125xi32, #tpu.memory_space<hbm>>) dst(%arg8 : memref<80x125xi32, #tpu.memory_space<vmem>>)
      tpu.yield
    }) : () -> ()
    %dma_start3A = arith.constant 0 : i32
    %dma_start3A_5 = arith.constant 0 : i32
    %dma_start3A_6 = tpu.memref_slice %arg7[%dma_start3A, %dma_start3A_5] : memref<80x125xi32, #tpu.memory_space<vmem>> -> memref<1x125xi32, #tpu.memory_space<vmem>>
    %dma_start3A_7 = tpu.memref_squeeze %dma_start3A_6 : memref<1x125xi32, #tpu.memory_space<vmem>> -> memref<125xi32, #tpu.memory_space<vmem>>
    %dma_start3A_8 = arith.constant 0 : i32
    %dma_start3A_9 = arith.constant 0 : i32
    %dma_start3A_10 = tpu.memref_slice %arg2[%dma_start3A_8, %dma_start3A_9] : memref<10000x48xf32, #tpu.memory_space<hbm>> -> memref<10000x48xf32, #tpu.memory_space<hbm>>
    tpu.enqueue_indirect_dma source(%dma_start3A_10 : memref<10000x48xf32, #tpu.memory_space<hbm>>) target(%arg9 : memref<125x48xf32, #tpu.memory_space<vmem>>) offsets(%dma_start3A_7 : memref<125xi32, #tpu.memory_space<vmem>>) semaphore(%arg14 : memref<!tpu.dma_semaphore, #tpu.memory_space<semaphore_mem>>)
    %dma_start3A_11 = arith.constant 1 : i32
    %dma_start3A_12 = arith.constant 0 : i32
    %dma_start3A_13 = tpu.memref_slice %arg7[%dma_start3A_11, %dma_start3A_12] : memref<80x125xi32, #tpu.memory_space<vmem>> -> memref<1x125xi32, #tpu.memory_space<vmem>>
    %dma_start3A_14 = tpu.memref_squeeze %dma_start3A_13 : memref<1x125xi32, #tpu.memory_space<vmem>> -> memref<125xi32, #tpu.memory_space<vmem>>
    %dma_start3A_15 = arith.constant 0 : i32
    %dma_start3A_16 = arith.constant 0 : i32
    %dma_start3A_17 = tpu.memref_slice %arg2[%dma_start3A_15, %dma_start3A_16] : memref<10000x48xf32, #tpu.memory_space<hbm>> -> memref<10000x48xf32, #tpu.memory_space<hbm>>
    tpu.enqueue_indirect_dma source(%dma_start3A_17 : memref<10000x48xf32, #tpu.memory_space<hbm>>) target(%arg10 : memref<125x48xf32, #tpu.memory_space<vmem>>) offsets(%dma_start3A_14 : memref<125xi32, #tpu.memory_space<vmem>>) semaphore(%arg15 : memref<!tpu.dma_semaphore, #tpu.memory_space<semaphore_mem>>)
    %dma_start3A_18 = arith.constant 2 : i32
    %dma_start3A_19 = arith.constant 0 : i32
    %dma_start3A_20 = tpu.memref_slice %arg7[%dma_start3A_18, %dma_start3A_19] : memref<80x125xi32, #tpu.memory_space<vmem>> -> memref<1x125xi32, #tpu.memory_space<vmem>>
    %dma_start3A_21 = tpu.memref_squeeze %dma_start3A_20 : memref<1x125xi32, #tpu.memory_space<vmem>> -> memref<125xi32, #tpu.memory_space<vmem>>
    %dma_start3A_22 = arith.constant 0 : i32
    %dma_start3A_23 = arith.constant 0 : i32
    %dma_start3A_24 = tpu.memref_slice %arg2[%dma_start3A_22, %dma_start3A_23] : memref<10000x48xf32, #tpu.memory_space<hbm>> -> memref<10000x48xf32, #tpu.memory_space<hbm>>
    tpu.enqueue_indirect_dma source(%dma_start3A_24 : memref<10000x48xf32, #tpu.memory_space<hbm>>) target(%arg11 : memref<125x48xf32, #tpu.memory_space<vmem>>) offsets(%dma_start3A_21 : memref<125xi32, #tpu.memory_space<vmem>>) semaphore(%arg16 : memref<!tpu.dma_semaphore, #tpu.memory_space<semaphore_mem>>)
    %dma_start3A_25 = arith.constant 3 : i32
    %dma_start3A_26 = arith.constant 0 : i32
    %dma_start3A_27 = tpu.memref_slice %arg7[%dma_start3A_25, %dma_start3A_26] : memref<80x125xi32, #tpu.memory_space<vmem>> -> memref<1x125xi32, #tpu.memory_space<vmem>>
    %dma_start3A_28 = tpu.memref_squeeze %dma_start3A_27 : memref<1x125xi32, #tpu.memory_space<vmem>> -> memref<125xi32, #tpu.memory_space<vmem>>
    %dma_start3A_29 = arith.constant 0 : i32
    %dma_start3A_30 = arith.constant 0 : i32
    %dma_start3A_31 = tpu.memref_slice %arg2[%dma_start3A_29, %dma_start3A_30] : memref<10000x48xf32, #tpu.memory_space<hbm>> -> memref<10000x48xf32, #tpu.memory_space<hbm>>
    tpu.enqueue_indirect_dma source(%dma_start3A_31 : memref<10000x48xf32, #tpu.memory_space<hbm>>) target(%arg12 : memref<125x48xf32, #tpu.memory_space<vmem>>) offsets(%dma_start3A_28 : memref<125xi32, #tpu.memory_space<vmem>>) semaphore(%arg17 : memref<!tpu.dma_semaphore, #tpu.memory_space<semaphore_mem>>)
    %scan3A = arith.constant 0 : i32
    %scan3A_32 = arith.constant 20 : i32
    %scan3A_33 = arith.addi %scan3A, %scan3A_32 : i32
    %scan3A_34 = arith.constant 1 : i32
    scf.for %scan3A_42 = %scan3A to %scan3A_33 step %scan3A_34  : i32 {
      %mul3A_43 = arith.constant 4 : i32
      %mul3A_44 = arith.muli %scan3A_42, %mul3A_43 : i32
      %add3A_45 = arith.constant 0 : i32
      %add3A_46 = arith.addi %add3A_45, %mul3A_44 : i32
      %dma_wait3A = arith.constant 0 : i32
      %dma_wait3A_47 = arith.constant 0 : i32
      %dma_wait3A_48 = tpu.memref_slice %arg2[%dma_wait3A, %dma_wait3A_47] : memref<10000x48xf32, #tpu.memory_space<hbm>> -> memref<125x48xf32, #tpu.memory_space<hbm>>
      %dma_wait3A_49 = arith.constant 0 : i32
      %dma_wait3A_50 = arith.constant 0 : i32
      %dma_wait3A_51 = tpu.memref_slice %arg2[%dma_wait3A_49, %dma_wait3A_50] : memref<10000x48xf32, #tpu.memory_space<hbm>> -> memref<125x48xf32, #tpu.memory_space<hbm>>
      tpu.wait_dma2 semaphore(%arg14 : memref<!tpu.dma_semaphore, #tpu.memory_space<semaphore_mem>>) src(%dma_wait3A_51 : memref<125x48xf32, #tpu.memory_space<hbm>>) dst(%arg9 : memref<125x48xf32, #tpu.memory_space<vmem>>)
      %add3A_52 = arith.constant 0 : i32
      %add3A_53 = arith.addi %add3A_46, %add3A_52 : i32
      "tpu.region"() ({
        %run_scoped3A = tpu.sem_alloc : memref<!tpu.dma_semaphore, #tpu.memory_space<semaphore_mem>>
        %dma_start3A_113 = arith.constant 0 : i32
        %dma_start3A_114 = tpu.memref_slice %arg8[%add3A_53, %dma_start3A_113] : memref<80x125xi32, #tpu.memory_space<vmem>> -> memref<1x125xi32, #tpu.memory_space<vmem>>
        %dma_start3A_115 = tpu.memref_squeeze %dma_start3A_114 : memref<1x125xi32, #tpu.memory_space<vmem>> -> memref<125xi32, #tpu.memory_space<vmem>>
        %dma_start3A_116 = arith.constant 0 : i32
        %dma_start3A_117 = arith.constant 0 : i32
        %dma_start3A_118 = tpu.memref_slice %arg13[%dma_start3A_116, %dma_start3A_117] : memref<10000x48xf32, #tpu.memory_space<vmem_shared>> -> memref<10000x48xf32, #tpu.memory_space<vmem_shared>>
        tpu.enqueue_indirect_dma source(%arg9 : memref<125x48xf32, #tpu.memory_space<vmem>>) target(%dma_start3A_118 : memref<10000x48xf32, #tpu.memory_space<vmem_shared>>) offsets(%dma_start3A_115 : memref<125xi32, #tpu.memory_space<vmem>>) semaphore(%run_scoped3A : memref<!tpu.dma_semaphore, #tpu.memory_space<semaphore_mem>>) {add = true}
        %dma_wait3A_119 = arith.constant 0 : i32
        %dma_wait3A_120 = tpu.memref_slice %arg8[%add3A_53, %dma_wait3A_119] : memref<80x125xi32, #tpu.memory_space<vmem>> -> memref<1x125xi32, #tpu.memory_space<vmem>>
        %dma_wait3A_121 = tpu.memref_squeeze %dma_wait3A_120 : memref<1x125xi32, #tpu.memory_space<vmem>> -> memref<125xi32, #tpu.memory_space<vmem>>
        %dma_wait3A_122 = arith.constant 0 : i32
        %dma_wait3A_123 = arith.constant 0 : i32
        %dma_wait3A_124 = tpu.memref_slice %arg13[%dma_wait3A_122, %dma_wait3A_123] : memref<10000x48xf32, #tpu.memory_space<vmem_shared>> -> memref<10000x48xf32, #tpu.memory_space<vmem_shared>>
        tpu.wait_indirect_dma semaphore(%run_scoped3A : memref<!tpu.dma_semaphore, #tpu.memory_space<semaphore_mem>>) src(%arg9 : memref<125x48xf32, #tpu.memory_space<vmem>>) dst(%dma_wait3A_124 : memref<10000x48xf32, #tpu.memory_space<vmem_shared>>)
        tpu.yield
      }) : () -> ()
      %add3A_54 = arith.constant 4 : i32
      %add3A_55 = arith.addi %add3A_46, %add3A_54 : i32
      %add3A_56 = arith.constant 0 : i32
      %add3A_57 = arith.addi %add3A_55, %add3A_56 : i32
      %lt3A = arith.constant 80 : i32
      %lt3A_58 = arith.cmpi slt, %add3A_57, %lt3A : i32
      %convert_element_type3A_59 = arith.extui %lt3A_58 : i1 to i32
      %cond3A_60 = arith.constant 0 : i32
      %cond3A_61 = arith.cmpi ne, %convert_element_type3A_59, %cond3A_60 : i32
      scf.if %cond3A_61 {
        %add3A_113 = arith.constant 4 : i32
        %add3A_114 = arith.addi %add3A_46, %add3A_113 : i32
        %add3A_115 = arith.constant 0 : i32
        %add3A_116 = arith.addi %add3A_114, %add3A_115 : i32
        %dma_start3A_117 = arith.constant 0 : i32
        %dma_start3A_118 = tpu.memref_slice %arg7[%add3A_116, %dma_start3A_117] : memref<80x125xi32, #tpu.memory_space<vmem>> -> memref<1x125xi32, #tpu.memory_space<vmem>>
        %dma_start3A_119 = tpu.memref_squeeze %dma_start3A_118 : memref<1x125xi32, #tpu.memory_space<vmem>> -> memref<125xi32, #tpu.memory_space<vmem>>
        %dma_start3A_120 = arith.constant 0 : i32
        %dma_start3A_121 = arith.constant 0 : i32
        %dma_start3A_122 = tpu.memref_slice %arg2[%dma_start3A_120, %dma_start3A_121] : memref<10000x48xf32, #tpu.memory_space<hbm>> -> memref<10000x48xf32, #tpu.memory_space<hbm>>
        tpu.enqueue_indirect_dma source(%dma_start3A_122 : memref<10000x48xf32, #tpu.memory_space<hbm>>) target(%arg9 : memref<125x48xf32, #tpu.memory_space<vmem>>) offsets(%dma_start3A_119 : memref<125xi32, #tpu.memory_space<vmem>>) semaphore(%arg14 : memref<!tpu.dma_semaphore, #tpu.memory_space<semaphore_mem>>)
      } else {
      }
      %dma_wait3A_62 = arith.constant 0 : i32
      %dma_wait3A_63 = arith.constant 0 : i32
      %dma_wait3A_64 = tpu.memref_slice %arg2[%dma_wait3A_62, %dma_wait3A_63] : memref<10000x48xf32, #tpu.memory_space<hbm>> -> memref<125x48xf32, #tpu.memory_space<hbm>>
      %dma_wait3A_65 = arith.constant 0 : i32
      %dma_wait3A_66 = arith.constant 0 : i32
      %dma_wait3A_67 = tpu.memref_slice %arg2[%dma_wait3A_65, %dma_wait3A_66] : memref<10000x48xf32, #tpu.memory_space<hbm>> -> memref<125x48xf32, #tpu.memory_space<hbm>>
      tpu.wait_dma2 semaphore(%arg15 : memref<!tpu.dma_semaphore, #tpu.memory_space<semaphore_mem>>) src(%dma_wait3A_67 : memref<125x48xf32, #tpu.memory_space<hbm>>) dst(%arg10 : memref<125x48xf32, #tpu.memory_space<vmem>>)
      %add3A_68 = arith.constant 1 : i32
      %add3A_69 = arith.addi %add3A_46, %add3A_68 : i32
      "tpu.region"() ({
        %run_scoped3A = tpu.sem_alloc : memref<!tpu.dma_semaphore, #tpu.memory_space<semaphore_mem>>
        %dma_start3A_113 = arith.constant 0 : i32
        %dma_start3A_114 = tpu.memref_slice %arg8[%add3A_69, %dma_start3A_113] : memref<80x125xi32, #tpu.memory_space<vmem>> -> memref<1x125xi32, #tpu.memory_space<vmem>>
        %dma_start3A_115 = tpu.memref_squeeze %dma_start3A_114 : memref<1x125xi32, #tpu.memory_space<vmem>> -> memref<125xi32, #tpu.memory_space<vmem>>
        %dma_start3A_116 = arith.constant 0 : i32
        %dma_start3A_117 = arith.constant 0 : i32
        %dma_start3A_118 = tpu.memref_slice %arg13[%dma_start3A_116, %dma_start3A_117] : memref<10000x48xf32, #tpu.memory_space<vmem_shared>> -> memref<10000x48xf32, #tpu.memory_space<vmem_shared>>
        tpu.enqueue_indirect_dma source(%arg10 : memref<125x48xf32, #tpu.memory_space<vmem>>) target(%dma_start3A_118 : memref<10000x48xf32, #tpu.memory_space<vmem_shared>>) offsets(%dma_start3A_115 : memref<125xi32, #tpu.memory_space<vmem>>) semaphore(%run_scoped3A : memref<!tpu.dma_semaphore, #tpu.memory_space<semaphore_mem>>) {add = true}
        %dma_wait3A_119 = arith.constant 0 : i32
        %dma_wait3A_120 = tpu.memref_slice %arg8[%add3A_69, %dma_wait3A_119] : memref<80x125xi32, #tpu.memory_space<vmem>> -> memref<1x125xi32, #tpu.memory_space<vmem>>
        %dma_wait3A_121 = tpu.memref_squeeze %dma_wait3A_120 : memref<1x125xi32, #tpu.memory_space<vmem>> -> memref<125xi32, #tpu.memory_space<vmem>>
        %dma_wait3A_122 = arith.constant 0 : i32
        %dma_wait3A_123 = arith.constant 0 : i32
        %dma_wait3A_124 = tpu.memref_slice %arg13[%dma_wait3A_122, %dma_wait3A_123] : memref<10000x48xf32, #tpu.memory_space<vmem_shared>> -> memref<10000x48xf32, #tpu.memory_space<vmem_shared>>
        tpu.wait_indirect_dma semaphore(%run_scoped3A : memref<!tpu.dma_semaphore, #tpu.memory_space<semaphore_mem>>) src(%arg10 : memref<125x48xf32, #tpu.memory_space<vmem>>) dst(%dma_wait3A_124 : memref<10000x48xf32, #tpu.memory_space<vmem_shared>>)
        tpu.yield
      }) : () -> ()
      %add3A_70 = arith.constant 4 : i32
      %add3A_71 = arith.addi %add3A_46, %add3A_70 : i32
      %add3A_72 = arith.constant 1 : i32
      %add3A_73 = arith.addi %add3A_71, %add3A_72 : i32
      %lt3A_74 = arith.constant 80 : i32
      %lt3A_75 = arith.cmpi slt, %add3A_73, %lt3A_74 : i32
      %convert_element_type3A_76 = arith.extui %lt3A_75 : i1 to i32
      %cond3A_77 = arith.constant 0 : i32
      %cond3A_78 = arith.cmpi ne, %convert_element_type3A_76, %cond3A_77 : i32
      scf.if %cond3A_78 {
        %add3A_113 = arith.constant 4 : i32
        %add3A_114 = arith.addi %add3A_46, %add3A_113 : i32
        %add3A_115 = arith.constant 1 : i32
        %add3A_116 = arith.addi %add3A_114, %add3A_115 : i32
        %dma_start3A_117 = arith.constant 0 : i32
        %dma_start3A_118 = tpu.memref_slice %arg7[%add3A_116, %dma_start3A_117] : memref<80x125xi32, #tpu.memory_space<vmem>> -> memref<1x125xi32, #tpu.memory_space<vmem>>
        %dma_start3A_119 = tpu.memref_squeeze %dma_start3A_118 : memref<1x125xi32, #tpu.memory_space<vmem>> -> memref<125xi32, #tpu.memory_space<vmem>>
        %dma_start3A_120 = arith.constant 0 : i32
        %dma_start3A_121 = arith.constant 0 : i32
        %dma_start3A_122 = tpu.memref_slice %arg2[%dma_start3A_120, %dma_start3A_121] : memref<10000x48xf32, #tpu.memory_space<hbm>> -> memref<10000x48xf32, #tpu.memory_space<hbm>>
        tpu.enqueue_indirect_dma source(%dma_start3A_122 : memref<10000x48xf32, #tpu.memory_space<hbm>>) target(%arg10 : memref<125x48xf32, #tpu.memory_space<vmem>>) offsets(%dma_start3A_119 : memref<125xi32, #tpu.memory_space<vmem>>) semaphore(%arg15 : memref<!tpu.dma_semaphore, #tpu.memory_space<semaphore_mem>>)
      } else {
      }
      %dma_wait3A_79 = arith.constant 0 : i32
      %dma_wait3A_80 = arith.constant 0 : i32
      %dma_wait3A_81 = tpu.memref_slice %arg2[%dma_wait3A_79, %dma_wait3A_80] : memref<10000x48xf32, #tpu.memory_space<hbm>> -> memref<125x48xf32, #tpu.memory_space<hbm>>
      %dma_wait3A_82 = arith.constant 0 : i32
      %dma_wait3A_83 = arith.constant 0 : i32
      %dma_wait3A_84 = tpu.memref_slice %arg2[%dma_wait3A_82, %dma_wait3A_83] : memref<10000x48xf32, #tpu.memory_space<hbm>> -> memref<125x48xf32, #tpu.memory_space<hbm>>
      tpu.wait_dma2 semaphore(%arg16 : memref<!tpu.dma_semaphore, #tpu.memory_space<semaphore_mem>>) src(%dma_wait3A_84 : memref<125x48xf32, #tpu.memory_space<hbm>>) dst(%arg11 : memref<125x48xf32, #tpu.memory_space<vmem>>)
      %add3A_85 = arith.constant 2 : i32
      %add3A_86 = arith.addi %add3A_46, %add3A_85 : i32
      "tpu.region"() ({
        %run_scoped3A = tpu.sem_alloc : memref<!tpu.dma_semaphore, #tpu.memory_space<semaphore_mem>>
        %dma_start3A_113 = arith.constant 0 : i32
        %dma_start3A_114 = tpu.memref_slice %arg8[%add3A_86, %dma_start3A_113] : memref<80x125xi32, #tpu.memory_space<vmem>> -> memref<1x125xi32, #tpu.memory_space<vmem>>
        %dma_start3A_115 = tpu.memref_squeeze %dma_start3A_114 : memref<1x125xi32, #tpu.memory_space<vmem>> -> memref<125xi32, #tpu.memory_space<vmem>>
        %dma_start3A_116 = arith.constant 0 : i32
        %dma_start3A_117 = arith.constant 0 : i32
        %dma_start3A_118 = tpu.memref_slice %arg13[%dma_start3A_116, %dma_start3A_117] : memref<10000x48xf32, #tpu.memory_space<vmem_shared>> -> memref<10000x48xf32, #tpu.memory_space<vmem_shared>>
        tpu.enqueue_indirect_dma source(%arg11 : memref<125x48xf32, #tpu.memory_space<vmem>>) target(%dma_start3A_118 : memref<10000x48xf32, #tpu.memory_space<vmem_shared>>) offsets(%dma_start3A_115 : memref<125xi32, #tpu.memory_space<vmem>>) semaphore(%run_scoped3A : memref<!tpu.dma_semaphore, #tpu.memory_space<semaphore_mem>>) {add = true}
        %dma_wait3A_119 = arith.constant 0 : i32
        %dma_wait3A_120 = tpu.memref_slice %arg8[%add3A_86, %dma_wait3A_119] : memref<80x125xi32, #tpu.memory_space<vmem>> -> memref<1x125xi32, #tpu.memory_space<vmem>>
        %dma_wait3A_121 = tpu.memref_squeeze %dma_wait3A_120 : memref<1x125xi32, #tpu.memory_space<vmem>> -> memref<125xi32, #tpu.memory_space<vmem>>
        %dma_wait3A_122 = arith.constant 0 : i32
        %dma_wait3A_123 = arith.constant 0 : i32
        %dma_wait3A_124 = tpu.memref_slice %arg13[%dma_wait3A_122, %dma_wait3A_123] : memref<10000x48xf32, #tpu.memory_space<vmem_shared>> -> memref<10000x48xf32, #tpu.memory_space<vmem_shared>>
        tpu.wait_indirect_dma semaphore(%run_scoped3A : memref<!tpu.dma_semaphore, #tpu.memory_space<semaphore_mem>>) src(%arg11 : memref<125x48xf32, #tpu.memory_space<vmem>>) dst(%dma_wait3A_124 : memref<10000x48xf32, #tpu.memory_space<vmem_shared>>)
        tpu.yield
      }) : () -> ()
      %add3A_87 = arith.constant 4 : i32
      %add3A_88 = arith.addi %add3A_46, %add3A_87 : i32
      %add3A_89 = arith.constant 2 : i32
      %add3A_90 = arith.addi %add3A_88, %add3A_89 : i32
      %lt3A_91 = arith.constant 80 : i32
      %lt3A_92 = arith.cmpi slt, %add3A_90, %lt3A_91 : i32
      %convert_element_type3A_93 = arith.extui %lt3A_92 : i1 to i32
      %cond3A_94 = arith.constant 0 : i32
      %cond3A_95 = arith.cmpi ne, %convert_element_type3A_93, %cond3A_94 : i32
      scf.if %cond3A_95 {
        %add3A_113 = arith.constant 4 : i32
        %add3A_114 = arith.addi %add3A_46, %add3A_113 : i32
        %add3A_115 = arith.constant 2 : i32
        %add3A_116 = arith.addi %add3A_114, %add3A_115 : i32
        %dma_start3A_117 = arith.constant 0 : i32
        %dma_start3A_118 = tpu.memref_slice %arg7[%add3A_116, %dma_start3A_117] : memref<80x125xi32, #tpu.memory_space<vmem>> -> memref<1x125xi32, #tpu.memory_space<vmem>>
        %dma_start3A_119 = tpu.memref_squeeze %dma_start3A_118 : memref<1x125xi32, #tpu.memory_space<vmem>> -> memref<125xi32, #tpu.memory_space<vmem>>
        %dma_start3A_120 = arith.constant 0 : i32
        %dma_start3A_121 = arith.constant 0 : i32
        %dma_start3A_122 = tpu.memref_slice %arg2[%dma_start3A_120, %dma_start3A_121] : memref<10000x48xf32, #tpu.memory_space<hbm>> -> memref<10000x48xf32, #tpu.memory_space<hbm>>
        tpu.enqueue_indirect_dma source(%dma_start3A_122 : memref<10000x48xf32, #tpu.memory_space<hbm>>) target(%arg11 : memref<125x48xf32, #tpu.memory_space<vmem>>) offsets(%dma_start3A_119 : memref<125xi32, #tpu.memory_space<vmem>>) semaphore(%arg16 : memref<!tpu.dma_semaphore, #tpu.memory_space<semaphore_mem>>)
      } else {
      }
      %dma_wait3A_96 = arith.constant 0 : i32
      %dma_wait3A_97 = arith.constant 0 : i32
      %dma_wait3A_98 = tpu.memref_slice %arg2[%dma_wait3A_96, %dma_wait3A_97] : memref<10000x48xf32, #tpu.memory_space<hbm>> -> memref<125x48xf32, #tpu.memory_space<hbm>>
      %dma_wait3A_99 = arith.constant 0 : i32
      %dma_wait3A_100 = arith.constant 0 : i32
      %dma_wait3A_101 = tpu.memref_slice %arg2[%dma_wait3A_99, %dma_wait3A_100] : memref<10000x48xf32, #tpu.memory_space<hbm>> -> memref<125x48xf32, #tpu.memory_space<hbm>>
      tpu.wait_dma2 semaphore(%arg17 : memref<!tpu.dma_semaphore, #tpu.memory_space<semaphore_mem>>) src(%dma_wait3A_101 : memref<125x48xf32, #tpu.memory_space<hbm>>) dst(%arg12 : memref<125x48xf32, #tpu.memory_space<vmem>>)
      %add3A_102 = arith.constant 3 : i32
      %add3A_103 = arith.addi %add3A_46, %add3A_102 : i32
      "tpu.region"() ({
        %run_scoped3A = tpu.sem_alloc : memref<!tpu.dma_semaphore, #tpu.memory_space<semaphore_mem>>
        %dma_start3A_113 = arith.constant 0 : i32
        %dma_start3A_114 = tpu.memref_slice %arg8[%add3A_103, %dma_start3A_113] : memref<80x125xi32, #tpu.memory_space<vmem>> -> memref<1x125xi32, #tpu.memory_space<vmem>>
        %dma_start3A_115 = tpu.memref_squeeze %dma_start3A_114 : memref<1x125xi32, #tpu.memory_space<vmem>> -> memref<125xi32, #tpu.memory_space<vmem>>
        %dma_start3A_116 = arith.constant 0 : i32
        %dma_start3A_117 = arith.constant 0 : i32
        %dma_start3A_118 = tpu.memref_slice %arg13[%dma_start3A_116, %dma_start3A_117] : memref<10000x48xf32, #tpu.memory_space<vmem_shared>> -> memref<10000x48xf32, #tpu.memory_space<vmem_shared>>
        tpu.enqueue_indirect_dma source(%arg12 : memref<125x48xf32, #tpu.memory_space<vmem>>) target(%dma_start3A_118 : memref<10000x48xf32, #tpu.memory_space<vmem_shared>>) offsets(%dma_start3A_115 : memref<125xi32, #tpu.memory_space<vmem>>) semaphore(%run_scoped3A : memref<!tpu.dma_semaphore, #tpu.memory_space<semaphore_mem>>) {add = true}
        %dma_wait3A_119 = arith.constant 0 : i32
        %dma_wait3A_120 = tpu.memref_slice %arg8[%add3A_103, %dma_wait3A_119] : memref<80x125xi32, #tpu.memory_space<vmem>> -> memref<1x125xi32, #tpu.memory_space<vmem>>
        %dma_wait3A_121 = tpu.memref_squeeze %dma_wait3A_120 : memref<1x125xi32, #tpu.memory_space<vmem>> -> memref<125xi32, #tpu.memory_space<vmem>>
        %dma_wait3A_122 = arith.constant 0 : i32
        %dma_wait3A_123 = arith.constant 0 : i32
        %dma_wait3A_124 = tpu.memref_slice %arg13[%dma_wait3A_122, %dma_wait3A_123] : memref<10000x48xf32, #tpu.memory_space<vmem_shared>> -> memref<10000x48xf32, #tpu.memory_space<vmem_shared>>
        tpu.wait_indirect_dma semaphore(%run_scoped3A : memref<!tpu.dma_semaphore, #tpu.memory_space<semaphore_mem>>) src(%arg12 : memref<125x48xf32, #tpu.memory_space<vmem>>) dst(%dma_wait3A_124 : memref<10000x48xf32, #tpu.memory_space<vmem_shared>>)
        tpu.yield
      }) : () -> ()
      %add3A_104 = arith.constant 4 : i32
      %add3A_105 = arith.addi %add3A_46, %add3A_104 : i32
      %add3A_106 = arith.constant 3 : i32
      %add3A_107 = arith.addi %add3A_105, %add3A_106 : i32
      %lt3A_108 = arith.constant 80 : i32
      %lt3A_109 = arith.cmpi slt, %add3A_107, %lt3A_108 : i32
      %convert_element_type3A_110 = arith.extui %lt3A_109 : i1 to i32
      %cond3A_111 = arith.constant 0 : i32
      %cond3A_112 = arith.cmpi ne, %convert_element_type3A_110, %cond3A_111 : i32
      scf.if %cond3A_112 {
        %add3A_113 = arith.constant 4 : i32
        %add3A_114 = arith.addi %add3A_46, %add3A_113 : i32
        %add3A_115 = arith.constant 3 : i32
        %add3A_116 = arith.addi %add3A_114, %add3A_115 : i32
        %dma_start3A_117 = arith.constant 0 : i32
        %dma_start3A_118 = tpu.memref_slice %arg7[%add3A_116, %dma_start3A_117] : memref<80x125xi32, #tpu.memory_space<vmem>> -> memref<1x125xi32, #tpu.memory_space<vmem>>
        %dma_start3A_119 = tpu.memref_squeeze %dma_start3A_118 : memref<1x125xi32, #tpu.memory_space<vmem>> -> memref<125xi32, #tpu.memory_space<vmem>>
        %dma_start3A_120 = arith.constant 0 : i32
        %dma_start3A_121 = arith.constant 0 : i32
        %dma_start3A_122 = tpu.memref_slice %arg2[%dma_start3A_120, %dma_start3A_121] : memref<10000x48xf32, #tpu.memory_space<hbm>> -> memref<10000x48xf32, #tpu.memory_space<hbm>>
        tpu.enqueue_indirect_dma source(%dma_start3A_122 : memref<10000x48xf32, #tpu.memory_space<hbm>>) target(%arg12 : memref<125x48xf32, #tpu.memory_space<vmem>>) offsets(%dma_start3A_119 : memref<125xi32, #tpu.memory_space<vmem>>) semaphore(%arg17 : memref<!tpu.dma_semaphore, #tpu.memory_space<semaphore_mem>>)
      } else {
      }
    }
    %scan3A_35 = arith.constant 20 : i32
    %barrier3A_36 = arith.constant 0 : index
    tpu.barrier barrier_id(%barrier3A_36)
    "tpu.region"() ({
      %run_scoped3A = tpu.sem_alloc : memref<!tpu.dma_semaphore, #tpu.memory_space<semaphore_mem>>
      %dma_start3A_42 = arith.constant 0 : i32
      %dma_start3A_43 = tpu.memref_slice %arg6[%arg0, %mul3A_2, %dma_start3A_42] : memref<2x10000x48xf32, #tpu.memory_space<hbm>> -> memref<1x624x48xf32, #tpu.memory_space<hbm>>
      %dma_start3A_44 = tpu.memref_squeeze %dma_start3A_43 : memref<1x624x48xf32, #tpu.memory_space<hbm>> -> memref<624x48xf32, #tpu.memory_space<hbm>>
      %dma_start3A_45 = arith.constant 0 : i32
      %dma_start3A_46 = tpu.memref_slice %arg13[%mul3A_2, %dma_start3A_45] : memref<10000x48xf32, #tpu.memory_space<vmem_shared>> -> memref<624x48xf32, #tpu.memory_space<vmem_shared>>
      tpu.enqueue_dma source(%dma_start3A_46 : memref<624x48xf32, #tpu.memory_space<vmem_shared>>) target(%dma_start3A_44 : memref<624x48xf32, #tpu.memory_space<hbm>>) target_semaphore(%run_scoped3A : memref<!tpu.dma_semaphore, #tpu.memory_space<semaphore_mem>>)
      %dma_wait3A = arith.constant 0 : i32
      %dma_wait3A_47 = tpu.memref_slice %arg6[%arg0, %mul3A_2, %dma_wait3A] : memref<2x10000x48xf32, #tpu.memory_space<hbm>> -> memref<1x624x48xf32, #tpu.memory_space<hbm>>
      %dma_wait3A_48 = tpu.memref_squeeze %dma_wait3A_47 : memref<1x624x48xf32, #tpu.memory_space<hbm>> -> memref<624x48xf32, #tpu.memory_space<hbm>>
      %dma_wait3A_49 = arith.constant 0 : i32
      %dma_wait3A_50 = tpu.memref_slice %arg13[%mul3A_2, %dma_wait3A_49] : memref<10000x48xf32, #tpu.memory_space<vmem_shared>> -> memref<624x48xf32, #tpu.memory_space<vmem_shared>>
      tpu.wait_dma2 semaphore(%run_scoped3A : memref<!tpu.dma_semaphore, #tpu.memory_space<semaphore_mem>>) src(%dma_wait3A_50 : memref<624x48xf32, #tpu.memory_space<vmem_shared>>) dst(%dma_wait3A_48 : memref<624x48xf32, #tpu.memory_space<hbm>>)
      tpu.yield
    }) : () -> ()
    %eq3A_37 = arith.constant 0 : i32
    %eq3A_38 = arith.cmpi eq, %arg1, %eq3A_37 : i32
    %convert_element_type3A_39 = arith.extui %eq3A_38 : i1 to i32
    %cond3A_40 = arith.constant 0 : i32
    %cond3A_41 = arith.cmpi ne, %convert_element_type3A_39, %cond3A_40 : i32
    scf.if %cond3A_41 {
      "tpu.region"() ({
        %run_scoped3A = tpu.sem_alloc : memref<!tpu.dma_semaphore, #tpu.memory_space<semaphore_mem>>
        %dma_start3A_42 = arith.constant 9984 : i32
        %dma_start3A_43 = arith.constant 0 : i32
        %dma_start3A_44 = tpu.memref_slice %arg6[%arg0, %dma_start3A_42, %dma_start3A_43] : memref<2x10000x48xf32, #tpu.memory_space<hbm>> -> memref<1x16x48xf32, #tpu.memory_space<hbm>>
        %dma_start3A_45 = tpu.memref_squeeze %dma_start3A_44 : memref<1x16x48xf32, #tpu.memory_space<hbm>> -> memref<16x48xf32, #tpu.memory_space<hbm>>
        %dma_start3A_46 = arith.constant 9984 : i32
        %dma_start3A_47 = arith.constant 0 : i32
        %dma_start3A_48 = tpu.memref_slice %arg13[%dma_start3A_46, %dma_start3A_47] : memref<10000x48xf32, #tpu.memory_space<vmem_shared>> -> memref<16x48xf32, #tpu.memory_space<vmem_shared>>
        tpu.enqueue_dma source(%dma_start3A_48 : memref<16x48xf32, #tpu.memory_space<vmem_shared>>) target(%dma_start3A_45 : memref<16x48xf32, #tpu.memory_space<hbm>>) target_semaphore(%run_scoped3A : memref<!tpu.dma_semaphore, #tpu.memory_space<semaphore_mem>>)
        %dma_wait3A = arith.constant 9984 : i32
        %dma_wait3A_49 = arith.constant 0 : i32
        %dma_wait3A_50 = tpu.memref_slice %arg6[%arg0, %dma_wait3A, %dma_wait3A_49] : memref<2x10000x48xf32, #tpu.memory_space<hbm>> -> memref<1x16x48xf32, #tpu.memory_space<hbm>>
        %dma_wait3A_51 = tpu.memref_squeeze %dma_wait3A_50 : memref<1x16x48xf32, #tpu.memory_space<hbm>> -> memref<16x48xf32, #tpu.memory_space<hbm>>
        %dma_wait3A_52 = arith.constant 9984 : i32
        %dma_wait3A_53 = arith.constant 0 : i32
        %dma_wait3A_54 = tpu.memref_slice %arg13[%dma_wait3A_52, %dma_wait3A_53] : memref<10000x48xf32, #tpu.memory_space<vmem_shared>> -> memref<16x48xf32, #tpu.memory_space<vmem_shared>>
        tpu.wait_dma2 semaphore(%run_scoped3A : memref<!tpu.dma_semaphore, #tpu.memory_space<semaphore_mem>>) src(%dma_wait3A_54 : memref<16x48xf32, #tpu.memory_space<vmem_shared>>) dst(%dma_wait3A_51 : memref<16x48xf32, #tpu.memory_space<hbm>>)
        tpu.yield
      }) : () -> ()
    } else {
    }
    return
  }
}

module attributes {stable_mosaic.version = 14 : i64} {
  func.func @_lin1_body(%arg0: i32, %arg1: memref<2000x128xf32, #tpu.memory_space<vmem>>, %arg2: memref<128x128xf32, #tpu.memory_space<vmem>>, %arg3: memref<1x128xf32, #tpu.memory_space<vmem>>, %arg4: memref<2x2000x16xf32, #tpu.memory_space<vmem>>, %arg5: memref<2x2000x16xf32, #tpu.memory_space<vmem>>, %arg6: memref<2000x128xf32, #tpu.memory_space<vmem>>, %arg7: memref<2000x1xf32, #tpu.memory_space<vmem>>, %arg8: memref<2000x1xf32, #tpu.memory_space<vmem>>) attributes {dimension_semantics = [#tpu.dimension_semantics<arbitrary>], iteration_bounds = array<i64: 5>, scalar_prefetch = 0 : i64, scratch_operands = 0 : i64, tpu.core_type = #tpu.core_type<tc>, window_params = [{transform_indices = @transform_0, window_bounds = array<i64: 2000, 128>}, {pipeline_mode = #tpu.pipeline_mode<synchronous>, transform_indices = @transform_1, window_bounds = array<i64: 128, 128>}, {pipeline_mode = #tpu.pipeline_mode<synchronous>, transform_indices = @transform_2, window_bounds = array<i64: 1, 128>}, {transform_indices = @transform_3, window_bounds = array<i64: 2, 2000, 16>}, {transform_indices = @transform_4, window_bounds = array<i64: 2, 2000, 16>}, {transform_indices = @transform_5, window_bounds = array<i64: 2000, 128>}, {transform_indices = @transform_6, window_bounds = array<i64: 2000, 1>}, {transform_indices = @transform_7, window_bounds = array<i64: 2000, 1>}]} {
    %get3A = arith.constant 0 : index
    %get3A_0 = arith.constant 0 : index
    %get3A_1 = arith.constant 0 : index
    %get3A_2 = vector.load %arg4[%get3A, %get3A_0, %get3A_1] : memref<2x2000x16xf32, #tpu.memory_space<vmem>>, vector<1x2000x1xf32>
    %get3A_3 = vector.shape_cast %get3A_2 : vector<1x2000x1xf32> to vector<2000x1xf32>
    %get3A_4 = arith.constant 1 : index
    %get3A_5 = arith.constant 0 : index
    %get3A_6 = arith.constant 0 : index
    %get3A_7 = vector.load %arg4[%get3A_4, %get3A_5, %get3A_6] : memref<2x2000x16xf32, #tpu.memory_space<vmem>>, vector<1x2000x1xf32>
    %get3A_8 = vector.shape_cast %get3A_7 : vector<1x2000x1xf32> to vector<2000x1xf32>
    %add3A = arith.addf %get3A_3, %get3A_8 : vector<2000x1xf32>
    %gt3A = arith.constant 0.000000e+00 : f32
    %gt3A_9 = vector.broadcast %gt3A : f32 to vector<2000x1xf32>
    %gt3A_10 = arith.cmpf ogt, %add3A, %gt3A_9 : vector<2000x1xf32>
    %max3A = arith.constant 9.99999996E-13 : f32
    %max3A_11 = vector.broadcast %max3A : f32 to vector<2000x1xf32>
    %max3A_12 = arith.maximumf %add3A, %max3A_11 : vector<2000x1xf32>
    %rsqrt3A = math.rsqrt %max3A_12 : vector<2000x1xf32>
    %jit3A = arith.constant 0.000000e+00 : f32
    %broadcast_in_dim3A = vector.broadcast %jit3A : f32 to vector<2000x1xf32>
    %select_n3A = arith.select %gt3A_10, %rsqrt3A, %broadcast_in_dim3A : vector<2000x1xi1>, vector<2000x1xf32>
    %get3A_13 = arith.constant 0 : index
    %get3A_14 = arith.constant 0 : index
    %get3A_15 = arith.constant 0 : index
    %get3A_16 = vector.load %arg5[%get3A_13, %get3A_14, %get3A_15] : memref<2x2000x16xf32, #tpu.memory_space<vmem>>, vector<1x2000x1xf32>
    %get3A_17 = vector.shape_cast %get3A_16 : vector<1x2000x1xf32> to vector<2000x1xf32>
    %get3A_18 = arith.constant 1 : index
    %get3A_19 = arith.constant 0 : index
    %get3A_20 = arith.constant 0 : index
    %get3A_21 = vector.load %arg5[%get3A_18, %get3A_19, %get3A_20] : memref<2x2000x16xf32, #tpu.memory_space<vmem>>, vector<1x2000x1xf32>
    %get3A_22 = vector.shape_cast %get3A_21 : vector<1x2000x1xf32> to vector<2000x1xf32>
    %add3A_23 = arith.addf %get3A_17, %get3A_22 : vector<2000x1xf32>
    %gt3A_24 = arith.constant 0.000000e+00 : f32
    %gt3A_25 = vector.broadcast %gt3A_24 : f32 to vector<2000x1xf32>
    %gt3A_26 = arith.cmpf ogt, %add3A_23, %gt3A_25 : vector<2000x1xf32>
    %max3A_27 = arith.constant 9.99999996E-13 : f32
    %max3A_28 = vector.broadcast %max3A_27 : f32 to vector<2000x1xf32>
    %max3A_29 = arith.maximumf %add3A_23, %max3A_28 : vector<2000x1xf32>
    %div3A = arith.constant 1.000000e+00 : f32
    %div3A_30 = vector.broadcast %div3A : f32 to vector<2000x1xf32>
    %div3A_31 = arith.divf %div3A_30, %max3A_29 : vector<2000x1xf32>
    %jit3A_32 = arith.constant 0.000000e+00 : f32
    %broadcast_in_dim3A_33 = vector.broadcast %jit3A_32 : f32 to vector<2000x1xf32>
    %select_n3A_34 = arith.select %gt3A_26, %div3A_31, %broadcast_in_dim3A_33 : vector<2000x1xi1>, vector<2000x1xf32>
    %swap3A = arith.constant 0 : index
    %swap3A_35 = arith.constant 0 : index
    %swap3A_36 = vector.load %arg7[%swap3A, %swap3A_35] : memref<2000x1xf32, #tpu.memory_space<vmem>>, vector<2000x1xf32>
    tpu.vector_store %arg7[%swap3A, %swap3A_35], %select_n3A {strides = array<i32>} : memref<2000x1xf32, #tpu.memory_space<vmem>>, vector<2000x1xf32>,
    %swap3A_37 = arith.constant 0 : index
    %swap3A_38 = arith.constant 0 : index
    %swap3A_39 = vector.load %arg8[%swap3A_37, %swap3A_38] : memref<2000x1xf32, #tpu.memory_space<vmem>>, vector<2000x1xf32>
    tpu.vector_store %arg8[%swap3A_37, %swap3A_38], %select_n3A_34 {strides = array<i32>} : memref<2000x1xf32, #tpu.memory_space<vmem>>, vector<2000x1xf32>,
    %get3A_40 = arith.constant 0 : index
    %get3A_41 = arith.constant 0 : index
    %get3A_42 = vector.load %arg1[%get3A_40, %get3A_41] : memref<2000x128xf32, #tpu.memory_space<vmem>>, vector<2000x128xf32>
    %get3A_43 = arith.constant 0 : index
    %get3A_44 = arith.constant 0 : index
    %get3A_45 = vector.load %arg2[%get3A_43, %get3A_44] : memref<128x128xf32, #tpu.memory_space<vmem>>, vector<128x128xf32>
    %dot_general3A = arith.constant dense<0.000000e+00> : vector<2000x128xf32>
    %dot_general3A_46 = tpu.matmul %get3A_42, %get3A_45, %dot_general3A {dimension_numbers = #tpu.dot_dimension_numbers<[1], [0], [0], [1], [0, 0, 1, 1], [], []>, transpose_lhs_hint = false} : vector<2000x128xf32>, vector<128x128xf32>, vector<2000x128xf32> -> vector<2000x128xf32>
    %get3A_47 = arith.constant 0 : index
    %get3A_48 = arith.constant 0 : index
    %get3A_49 = vector.load %arg3[%get3A_47, %get3A_48] : memref<1x128xf32, #tpu.memory_space<vmem>>, vector<1x128xf32>
    %add3A_50 = vector.broadcast %get3A_49 : vector<1x128xf32> to vector<2000x128xf32>
    %add3A_51 = arith.addf %dot_general3A_46, %add3A_50 : vector<2000x128xf32>
    %mul3A = vector.broadcast %select_n3A : vector<2000x1xf32> to vector<2000x128xf32>
    %mul3A_52 = arith.mulf %add3A_51, %mul3A : vector<2000x128xf32>
    %swap3A_53 = arith.constant 0 : index
    %swap3A_54 = arith.constant 0 : index
    %swap3A_55 = vector.load %arg6[%swap3A_53, %swap3A_54] : memref<2000x128xf32, #tpu.memory_space<vmem>>, vector<2000x128xf32>
    tpu.vector_store %arg6[%swap3A_53, %swap3A_54], %mul3A_52 {strides = array<i32>} : memref<2000x128xf32, #tpu.memory_space<vmem>>, vector<2000x128xf32>,
    return
  }
  func.func @transform_0(%arg0: i32) -> (i32, i32) {
    %c0_i32 = arith.constant 0 : i32
    %c0_i32_0 = arith.constant 0 : i32
    return %arg0, %c0_i32 : i32, i32
  }
  func.func @transform_1(%arg0: i32) -> (i32, i32) {
    %c0_i32 = arith.constant 0 : i32
    %c0_i32_0 = arith.constant 0 : i32
    %c0_i32_1 = arith.constant 0 : i32
    return %c0_i32, %c0_i32_0 : i32, i32
  }
  func.func @transform_2(%arg0: i32) -> (i32, i32) {
    %c0_i32 = arith.constant 0 : i32
    %c0_i32_0 = arith.constant 0 : i32
    %c0_i32_1 = arith.constant 0 : i32
    return %c0_i32, %c0_i32_0 : i32, i32
  }
  func.func @transform_3(%arg0: i32) -> (i32, i32, i32) {
    %c0_i32 = arith.constant 0 : i32
    %c0_i32_0 = arith.constant 0 : i32
    %c0_i32_1 = arith.constant 0 : i32
    return %c0_i32, %arg0, %c0_i32_0 : i32, i32, i32
  }
  func.func @transform_4(%arg0: i32) -> (i32, i32, i32) {
    %c0_i32 = arith.constant 0 : i32
    %c0_i32_0 = arith.constant 0 : i32
    %c0_i32_1 = arith.constant 0 : i32
    return %c0_i32, %arg0, %c0_i32_0 : i32, i32, i32
  }
  func.func @transform_5(%arg0: i32) -> (i32, i32) {
    %c0_i32 = arith.constant 0 : i32
    %c0_i32_0 = arith.constant 0 : i32
    return %arg0, %c0_i32 : i32, i32
  }
  func.func @transform_6(%arg0: i32) -> (i32, i32) {
    %c0_i32 = arith.constant 0 : i32
    %c0_i32_0 = arith.constant 0 : i32
    return %arg0, %c0_i32 : i32, i32
  }
  func.func @transform_7(%arg0: i32) -> (i32, i32) {
    %c0_i32 = arith.constant 0 : i32
    %c0_i32_0 = arith.constant 0 : i32
    return %arg0, %c0_i32 : i32, i32
  }
}

module attributes {stable_mosaic.version = 14 : i64} {
  func.func @body(%arg0: i32, %arg1: memref<2x2000x128xf32, #tpu.memory_space<vmem>>, %arg2: memref<2000x1xf32, #tpu.memory_space<vmem>>, %arg3: memref<2000x128xf32, #tpu.memory_space<vmem>>) attributes {dimension_semantics = [#tpu.dimension_semantics<arbitrary>], iteration_bounds = array<i64: 5>, scalar_prefetch = 0 : i64, scratch_operands = 0 : i64, tpu.core_type = #tpu.core_type<tc>, window_params = [{transform_indices = @transform_0, window_bounds = array<i64: 2, 2000, 128>}, {transform_indices = @transform_1, window_bounds = array<i64: 2000, 1>}, {transform_indices = @transform_2, window_bounds = array<i64: 2000, 128>}]} {
    %get3A = arith.constant 0 : index
    %get3A_0 = arith.constant 0 : index
    %get3A_1 = arith.constant 0 : index
    %get3A_2 = vector.load %arg1[%get3A, %get3A_0, %get3A_1] : memref<2x2000x128xf32, #tpu.memory_space<vmem>>, vector<1x2000x128xf32>
    %get3A_3 = vector.shape_cast %get3A_2 : vector<1x2000x128xf32> to vector<2000x128xf32>
    %get3A_4 = arith.constant 1 : index
    %get3A_5 = arith.constant 0 : index
    %get3A_6 = arith.constant 0 : index
    %get3A_7 = vector.load %arg1[%get3A_4, %get3A_5, %get3A_6] : memref<2x2000x128xf32, #tpu.memory_space<vmem>>, vector<1x2000x128xf32>
    %get3A_8 = vector.shape_cast %get3A_7 : vector<1x2000x128xf32> to vector<2000x128xf32>
    %add3A = arith.addf %get3A_3, %get3A_8 : vector<2000x128xf32>
    %get3A_9 = arith.constant 0 : index
    %get3A_10 = arith.constant 0 : index
    %get3A_11 = vector.load %arg2[%get3A_9, %get3A_10] : memref<2000x1xf32, #tpu.memory_space<vmem>>, vector<2000x1xf32>
    %mul3A = vector.broadcast %get3A_11 : vector<2000x1xf32> to vector<2000x128xf32>
    %mul3A_12 = arith.mulf %add3A, %mul3A : vector<2000x128xf32>
    %swap3A = arith.constant 0 : index
    %swap3A_13 = arith.constant 0 : index
    %swap3A_14 = vector.load %arg3[%swap3A, %swap3A_13] : memref<2000x128xf32, #tpu.memory_space<vmem>>, vector<2000x128xf32>
    tpu.vector_store %arg3[%swap3A, %swap3A_13], %mul3A_12 {strides = array<i32>} : memref<2000x128xf32, #tpu.memory_space<vmem>>, vector<2000x128xf32>,
    return
  }
  func.func @transform_0(%arg0: i32) -> (i32, i32, i32) {
    %c0_i32 = arith.constant 0 : i32
    %c0_i32_0 = arith.constant 0 : i32
    %c0_i32_1 = arith.constant 0 : i32
    return %c0_i32, %arg0, %c0_i32_0 : i32, i32, i32
  }
  func.func @transform_1(%arg0: i32) -> (i32, i32) {
    %c0_i32 = arith.constant 0 : i32
    %c0_i32_0 = arith.constant 0 : i32
    return %arg0, %c0_i32 : i32, i32
  }
  func.func @transform_2(%arg0: i32) -> (i32, i32) {
    %c0_i32 = arith.constant 0 : i32
    %c0_i32_0 = arith.constant 0 : i32
    return %arg0, %c0_i32 : i32, i32
  }
}

module attributes {stable_mosaic.version = 14 : i64} {
  func.func @_layer2_body(%arg0: i32, %arg1: memref<2x2000x128xf32, #tpu.memory_space<vmem>>, %arg2: memref<2000x1xf32, #tpu.memory_space<vmem>>, %arg3: memref<128x48xf32, #tpu.memory_space<vmem>>, %arg4: memref<1x48xf32, #tpu.memory_space<vmem>>, %arg5: memref<2000x48xf32, #tpu.memory_space<vmem>>) attributes {dimension_semantics = [#tpu.dimension_semantics<arbitrary>], iteration_bounds = array<i64: 5>, scalar_prefetch = 0 : i64, scratch_operands = 0 : i64, tpu.core_type = #tpu.core_type<tc>, window_params = [{transform_indices = @transform_0, window_bounds = array<i64: 2, 2000, 128>}, {transform_indices = @transform_1, window_bounds = array<i64: 2000, 1>}, {pipeline_mode = #tpu.pipeline_mode<synchronous>, transform_indices = @transform_2, window_bounds = array<i64: 128, 48>}, {pipeline_mode = #tpu.pipeline_mode<synchronous>, transform_indices = @transform_3, window_bounds = array<i64: 1, 48>}, {transform_indices = @transform_4, window_bounds = array<i64: 2000, 48>}]} {
    %get3A = arith.constant 0 : index
    %get3A_0 = arith.constant 0 : index
    %get3A_1 = arith.constant 0 : index
    %get3A_2 = vector.load %arg1[%get3A, %get3A_0, %get3A_1] : memref<2x2000x128xf32, #tpu.memory_space<vmem>>, vector<1x2000x128xf32>
    %get3A_3 = vector.shape_cast %get3A_2 : vector<1x2000x128xf32> to vector<2000x128xf32>
    %get3A_4 = arith.constant 1 : index
    %get3A_5 = arith.constant 0 : index
    %get3A_6 = arith.constant 0 : index
    %get3A_7 = vector.load %arg1[%get3A_4, %get3A_5, %get3A_6] : memref<2x2000x128xf32, #tpu.memory_space<vmem>>, vector<1x2000x128xf32>
    %get3A_8 = vector.shape_cast %get3A_7 : vector<1x2000x128xf32> to vector<2000x128xf32>
    %add3A = arith.addf %get3A_3, %get3A_8 : vector<2000x128xf32>
    %get3A_9 = arith.constant 0 : index
    %get3A_10 = arith.constant 0 : index
    %get3A_11 = vector.load %arg2[%get3A_9, %get3A_10] : memref<2000x1xf32, #tpu.memory_space<vmem>>, vector<2000x1xf32>
    %mul3A = vector.broadcast %get3A_11 : vector<2000x1xf32> to vector<2000x128xf32>
    %mul3A_12 = arith.mulf %add3A, %mul3A : vector<2000x128xf32>
    %max3A = arith.constant 0.000000e+00 : f32
    %max3A_13 = vector.broadcast %max3A : f32 to vector<2000x128xf32>
    %max3A_14 = arith.maximumf %mul3A_12, %max3A_13 : vector<2000x128xf32>
    %get3A_15 = arith.constant 0 : index
    %get3A_16 = arith.constant 0 : index
    %get3A_17 = vector.load %arg3[%get3A_15, %get3A_16] : memref<128x48xf32, #tpu.memory_space<vmem>>, vector<128x48xf32>
    %dot_general3A = arith.constant dense<0.000000e+00> : vector<2000x48xf32>
    %dot_general3A_18 = tpu.matmul %max3A_14, %get3A_17, %dot_general3A {dimension_numbers = #tpu.dot_dimension_numbers<[1], [0], [0], [1], [0, 0, 1, 1], [], []>, transpose_lhs_hint = false} : vector<2000x128xf32>, vector<128x48xf32>, vector<2000x48xf32> -> vector<2000x48xf32>
    %get3A_19 = arith.constant 0 : index
    %get3A_20 = arith.constant 0 : index
    %get3A_21 = vector.load %arg4[%get3A_19, %get3A_20] : memref<1x48xf32, #tpu.memory_space<vmem>>, vector<1x48xf32>
    %add3A_22 = vector.broadcast %get3A_21 : vector<1x48xf32> to vector<2000x48xf32>
    %add3A_23 = arith.addf %dot_general3A_18, %add3A_22 : vector<2000x48xf32>
    %get3A_24 = arith.constant 0 : index
    %get3A_25 = arith.constant 0 : index
    %get3A_26 = vector.load %arg2[%get3A_24, %get3A_25] : memref<2000x1xf32, #tpu.memory_space<vmem>>, vector<2000x1xf32>
    %mul3A_27 = vector.broadcast %get3A_26 : vector<2000x1xf32> to vector<2000x48xf32>
    %mul3A_28 = arith.mulf %add3A_23, %mul3A_27 : vector<2000x48xf32>
    %swap3A = arith.constant 0 : index
    %swap3A_29 = arith.constant 0 : index
    %swap3A_30 = vector.load %arg5[%swap3A, %swap3A_29] : memref<2000x48xf32, #tpu.memory_space<vmem>>, vector<2000x48xf32>
    tpu.vector_store %arg5[%swap3A, %swap3A_29], %mul3A_28 {strides = array<i32>} : memref<2000x48xf32, #tpu.memory_space<vmem>>, vector<2000x48xf32>,
    return
  }
  func.func @transform_0(%arg0: i32) -> (i32, i32, i32) {
    %c0_i32 = arith.constant 0 : i32
    %c0_i32_0 = arith.constant 0 : i32
    %c0_i32_1 = arith.constant 0 : i32
    return %c0_i32, %arg0, %c0_i32_0 : i32, i32, i32
  }
  func.func @transform_1(%arg0: i32) -> (i32, i32) {
    %c0_i32 = arith.constant 0 : i32
    %c0_i32_0 = arith.constant 0 : i32
    return %arg0, %c0_i32 : i32, i32
  }
  func.func @transform_2(%arg0: i32) -> (i32, i32) {
    %c0_i32 = arith.constant 0 : i32
    %c0_i32_0 = arith.constant 0 : i32
    %c0_i32_1 = arith.constant 0 : i32
    return %c0_i32, %c0_i32_0 : i32, i32
  }
  func.func @transform_3(%arg0: i32) -> (i32, i32) {
    %c0_i32 = arith.constant 0 : i32
    %c0_i32_0 = arith.constant 0 : i32
    %c0_i32_1 = arith.constant 0 : i32
    return %c0_i32, %c0_i32_0 : i32, i32
  }
  func.func @transform_4(%arg0: i32) -> (i32, i32) {
    %c0_i32 = arith.constant 0 : i32
    %c0_i32_0 = arith.constant 0 : i32
    return %arg0, %c0_i32 : i32, i32
  }
}

module attributes {stable_mosaic.version = 14 : i64} {
  func.func @body(%arg0: i32, %arg1: memref<2x2000x48xf32, #tpu.memory_space<vmem>>, %arg2: memref<2000x1xf32, #tpu.memory_space<vmem>>, %arg3: memref<2000x48xf32, #tpu.memory_space<vmem>>) attributes {dimension_semantics = [#tpu.dimension_semantics<arbitrary>], iteration_bounds = array<i64: 5>, scalar_prefetch = 0 : i64, scratch_operands = 0 : i64, tpu.core_type = #tpu.core_type<tc>, window_params = [{transform_indices = @transform_0, window_bounds = array<i64: 2, 2000, 48>}, {transform_indices = @transform_1, window_bounds = array<i64: 2000, 1>}, {transform_indices = @transform_2, window_bounds = array<i64: 2000, 48>}]} {
    %get3A = arith.constant 0 : index
    %get3A_0 = arith.constant 0 : index
    %get3A_1 = arith.constant 0 : index
    %get3A_2 = vector.load %arg1[%get3A, %get3A_0, %get3A_1] : memref<2x2000x48xf32, #tpu.memory_space<vmem>>, vector<1x2000x48xf32>
    %get3A_3 = vector.shape_cast %get3A_2 : vector<1x2000x48xf32> to vector<2000x48xf32>
    %get3A_4 = arith.constant 1 : index
    %get3A_5 = arith.constant 0 : index
    %get3A_6 = arith.constant 0 : index
    %get3A_7 = vector.load %arg1[%get3A_4, %get3A_5, %get3A_6] : memref<2x2000x48xf32, #tpu.memory_space<vmem>>, vector<1x2000x48xf32>
    %get3A_8 = vector.shape_cast %get3A_7 : vector<1x2000x48xf32> to vector<2000x48xf32>
    %add3A = arith.addf %get3A_3, %get3A_8 : vector<2000x48xf32>
    %get3A_9 = arith.constant 0 : index
    %get3A_10 = arith.constant 0 : index
    %get3A_11 = vector.load %arg2[%get3A_9, %get3A_10] : memref<2000x1xf32, #tpu.memory_space<vmem>>, vector<2000x1xf32>
    %mul3A = vector.broadcast %get3A_11 : vector<2000x1xf32> to vector<2000x48xf32>
    %mul3A_12 = arith.mulf %add3A, %mul3A : vector<2000x48xf32>
    %swap3A = arith.constant 0 : index
    %swap3A_13 = arith.constant 0 : index
    %swap3A_14 = vector.load %arg3[%swap3A, %swap3A_13] : memref<2000x48xf32, #tpu.memory_space<vmem>>, vector<2000x48xf32>
    tpu.vector_store %arg3[%swap3A, %swap3A_13], %mul3A_12 {strides = array<i32>} : memref<2000x48xf32, #tpu.memory_space<vmem>>, vector<2000x48xf32>,
    return
  }
  func.func @transform_0(%arg0: i32) -> (i32, i32, i32) {
    %c0_i32 = arith.constant 0 : i32
    %c0_i32_0 = arith.constant 0 : i32
    %c0_i32_1 = arith.constant 0 : i32
    return %c0_i32, %arg0, %c0_i32_0 : i32, i32, i32
  }
  func.func @transform_1(%arg0: i32) -> (i32, i32) {
    %c0_i32 = arith.constant 0 : i32
    %c0_i32_0 = arith.constant 0 : i32
    return %arg0, %c0_i32 : i32, i32
  }
  func.func @transform_2(%arg0: i32) -> (i32, i32) {
    %c0_i32 = arith.constant 0 : i32
    %c0_i32_0 = arith.constant 0 : i32
    return %arg0, %c0_i32 : i32, i32
  }
}

module attributes {stable_mosaic.version = 14 : i64} {
  func.func @body(%arg0: i32, %arg1: memref<2x2000x48xf32, #tpu.memory_space<vmem>>, %arg2: memref<2000x1xf32, #tpu.memory_space<vmem>>, %arg3: memref<2000x40xf32, #tpu.memory_space<vmem>>) attributes {dimension_semantics = [#tpu.dimension_semantics<arbitrary>], iteration_bounds = array<i64: 5>, scalar_prefetch = 0 : i64, scratch_operands = 0 : i64, tpu.core_type = #tpu.core_type<tc>, window_params = [{transform_indices = @transform_0, window_bounds = array<i64: 2, 2000, 48>}, {transform_indices = @transform_1, window_bounds = array<i64: 2000, 1>}, {transform_indices = @transform_2, window_bounds = array<i64: 2000, 40>}]} {
    %get3A = arith.constant 0 : index
    %get3A_0 = arith.constant 0 : index
    %get3A_1 = arith.constant 0 : index
    %get3A_2 = vector.load %arg1[%get3A, %get3A_0, %get3A_1] : memref<2x2000x48xf32, #tpu.memory_space<vmem>>, vector<1x2000x48xf32>
    %get3A_3 = vector.shape_cast %get3A_2 : vector<1x2000x48xf32> to vector<2000x48xf32>
    %get3A_4 = arith.constant 1 : index
    %get3A_5 = arith.constant 0 : index
    %get3A_6 = arith.constant 0 : index
    %get3A_7 = vector.load %arg1[%get3A_4, %get3A_5, %get3A_6] : memref<2x2000x48xf32, #tpu.memory_space<vmem>>, vector<1x2000x48xf32>
    %get3A_8 = vector.shape_cast %get3A_7 : vector<1x2000x48xf32> to vector<2000x48xf32>
    %add3A = arith.addf %get3A_3, %get3A_8 : vector<2000x48xf32>
    %get3A_9 = arith.constant 0 : index
    %get3A_10 = arith.constant 0 : index
    %get3A_11 = vector.load %arg2[%get3A_9, %get3A_10] : memref<2000x1xf32, #tpu.memory_space<vmem>>, vector<2000x1xf32>
    %mul3A = vector.broadcast %get3A_11 : vector<2000x1xf32> to vector<2000x48xf32>
    %mul3A_12 = arith.mulf %add3A, %mul3A : vector<2000x48xf32>
    %slice3A = vector.extract_strided_slice %mul3A_12 {offsets = [0, 0], sizes = [2000, 40], strides = [1, 1]} : vector<2000x48xf32> to vector<2000x40xf32>
    %swap3A = arith.constant 0 : index
    %swap3A_13 = arith.constant 0 : index
    %swap3A_14 = vector.load %arg3[%swap3A, %swap3A_13] : memref<2000x40xf32, #tpu.memory_space<vmem>>, vector<2000x40xf32>
    tpu.vector_store %arg3[%swap3A, %swap3A_13], %slice3A {strides = array<i32>} : memref<2000x40xf32, #tpu.memory_space<vmem>>, vector<2000x40xf32>,
    return
  }
  func.func @transform_0(%arg0: i32) -> (i32, i32, i32) {
    %c0_i32 = arith.constant 0 : i32
    %c0_i32_0 = arith.constant 0 : i32
    %c0_i32_1 = arith.constant 0 : i32
    return %c0_i32, %arg0, %c0_i32_0 : i32, i32, i32
  }
  func.func @transform_1(%arg0: i32) -> (i32, i32) {
    %c0_i32 = arith.constant 0 : i32
    %c0_i32_0 = arith.constant 0 : i32
    return %arg0, %c0_i32 : i32, i32
  }
  func.func @transform_2(%arg0: i32) -> (i32, i32) {
    %c0_i32 = arith.constant 0 : i32
    %c0_i32_0 = arith.constant 0 : i32
    return %arg0, %c0_i32 : i32, i32
  }
}

</mosaic_0001>

<sc_bundles>
// kernel: kernel.12.cloned.1.call-start
scs
__scs_entry_jumppad:
0x0: {  	(pc) =	sbr.rel $0x88, $3  }
0x1: {  	(tag) =	ssettag $0x0;
	lr =	simm.s32 $0x1  }
0x2: {  	[smem:$0x3F9B] =	sst lr;
	_ =	strace $0xD0000000  }
0x3: {  	_ = 	snop  }
0x4: {  	_ = 	snop  }
0x5: {  	_ = 	snop  }
0x6: {  	_ = 	snop  }
0x7: {  	_ = 	snop  }
__scs_overlays_trampoline_lowered:
0x8: {  	[smem:$0x3FAA] =	sst s0  }
0x9: {  	[smem:$0x3FAB] =	sst s1  }
0xa: {  	[smem:$0x3FAC] =	sst s2  }
0xb: {  	[smem:$0x3FAD] =	sst s3  }
0xc: {  	[smem:$0x3FAE] =	sst s4  }
0xd: {  	[smem:$0x3FAF] =	sst s5  }
0xe: {  	[smem:$0x3FB0] =	sst s6  }
0xf: {  	[smem:$0x3FB1] =	sst s7  }
0x10: {  	[smem:$0x3FB2] =	sst s8  }
0x11: {  	[smem:$0x3FB3] =	sst s9;
	s0 =	simm.s32 @!p0 $0x0  }
0x12: {  	s1 =	sld [smem:$0x3F99];
	s0 =	simm.s32 @p0 $0x1  }
0x13: {  	[smem:$0x3FB4] =	sst s0;
	s0 =	simm.s32 @!p1 $0x0  }
0x14: {  	s2 =	sld [smem:$0x3F98];
	s0 =	simm.s32 @p1 $0x1  }
0x15: {  	[smem:$0x3FB5] =	sst s0;
	s0 =	simm.s32 @!p2 $0x0  }
0x16: {  	s3 =	sld [smem:$0x3FDB];
	s0 =	simm.s32 @p2 $0x1  }
0x17: {  	s4 =	simm.s32 $0x1BF5;
	[smem:$0x3FB7] =	sst s0  }
0x18: {  	s0 =	sld [smem:$0x3F9A];
	_ =	swait.ge [sflag:s4], $0x0  }
0x19: {  	s7 =	sld [smem:$0x3F9B]  }
0x1a: {  	s8 =	sadd.s32 $0xFFFFE003, lr  }
0x1b: {  	s9 =	sadd.s32 $0xFFFFFEF7, lr;
	s5 =	simm.s32 $0xFFFFFFFF;
	p2 =	slt.u32 s8, $0xFFFFF086  }
0x1c: {  	p1 =	slt.u32 s9, $0xF7A;
	s5 =	simm.s32 @!p2 $0x0  }
0x1d: {  	s5 =	simm.s32 @p1 $0x1;
	p0 =	seq.s32 s7, s2  }
0x1e: {  	s7 =	smul.u32 @!p0 $0xF7A, s2;
	p2 =	seq.s32 @!p0 s5, $0x0  }
0x1f: {  	s9 =	smul.u32 $0xF7A, s1;
	s8 =	simm.s32 @!p0 $0x1BF5;
	p2 =	por !p2, p0  }
0x20: {  	[sflag:s8] =	ssyncset.s32 @!p0 $0xFFFFF086;
	s6 =	sadd.s32 @!p0 s3, s7;
	s7 =	simm.s32 @!p0 $0x108  }
0x21: {  	s3 =	sadd.s32 s3, s9;
	s6 =	sadd.s32 @!p0 $0x88, s6;
	s7 =	simm.s32 @p2 $0x1082  }
0x22: {  	[simem:s7], [sflag:s8] =	dma.local @!p0 [hbm:s6], $0xF7A  }
0x23: {  	s9 =	sor.u32 $0xD0000000, s2;
	s6 =	simm.s32 $0x108;
	_ =	swait.ge @!p0 [sflag:s8], $0x0  }
0x24: {  	s3 =	sadd.s32 $0x88, s3;
	s6 =	simm.s32 @!p1 $0x1082;
	[sflag:s4] =	ssyncset.s32 $0xFFFFF086  }
0x25: {  	[simem:s6], [sflag:s4] =	dma.local [hbm:s3], $0xF7A  }
0x26: {  	[smem:$0x3F9B] =	sst s1;
	(tag) =	ssettag s2;
	_ =	strace s9  }
0x27: {  	s1 =	sld [smem:$0x3FAB]  }
0x28: {  	s2 =	sld [smem:$0x3FAC]  }
0x29: {  	s4 =	sld [smem:$0x3FAE]  }
0x2a: {  	p0 =	seq.s32 s5, $0x0;
	s5 =	sld [smem:$0x3FAF]  }
0x2b: {  	s6 =	sld [smem:$0x3FB0]  }
0x2c: {  	s7 =	sld [smem:$0x3FB1]  }
0x2d: {  	s3 =	simm.s32 $0x108;
	s8 =	sld [smem:$0x3FB2]  }
0x2e: {  	s3 =	simm.s32 @!p0 $0x1082;
	s9 =	sld [smem:$0x3FB3]  }
0x2f: {  	lr =	sadd.s32 s0, s3;
	s0 =	sld [smem:$0x3FAA]  }
0x30: {  	s3 =	sld [smem:$0x3FAD]  }
0x31: {  	[smem:$0x3FB6] =	sst s10  }
0x32: {  	s10 =	sld [smem:$0x3FB4];
	_ =	sdelay $0x3  }
0x33: {  	p0 =	seq.s32 s10, $0x1;
	s10 =	sld [smem:$0x3FB6];
	_ =	sdelay $0x3  }
0x34: {  	[smem:$0x3FB6] =	sst s10  }
0x35: {  	s10 =	sld [smem:$0x3FB5];
	_ =	sdelay $0x3  }
0x36: {  	p1 =	seq.s32 s10, $0x1;
	s10 =	sld [smem:$0x3FB6];
	_ =	sdelay $0x3  }
0x37: {  	[smem:$0x3FB6] =	sst s10  }
0x38: {  	s10 =	sld [smem:$0x3FB7]  }
0x39: {  	_ = 	snop;
	(pc) =	sbr.ind lr, $3  }
0x3a: {  	_ = 	snop  }
0x3b: {  	_ = 	snop  }
0x3c: {  	p2 =	seq.s32 s10, $0x1;
	s10 =	sld [smem:$0x3FB6]  }
0x3d: {  	_ =	shalt  }
0x3e: {  	_ =	shalt  }
0x3f: {  	_ =	shalt  }
0x40: {  	_ =	shalt  }
0x41: {  	_ =	shalt  }
0x42: {  	_ =	shalt  }
0x43: {  	_ =	shalt  }
0x44: {  	_ =	shalt  }
0x45: {  	_ =	shalt  }
0x46: {  	_ =	shalt  }
0x47: {  	_ =	shalt  }
0x48: {  	_ =	shalt  }
0x49: {  	_ =	shalt  }
0x4a: {  	_ =	shalt  }
0x4b: {  	_ =	shalt  }
0x4c: {  	_ =	shalt  }
0x4d: {  	_ =	shalt  }
0x4e: {  	_ =	shalt  }
0x4f: {  	_ =	shalt  }
0x50: {  	_ =	shalt  }
0x51: {  	_ =	shalt  }
0x52: {  	_ =	shalt  }
0x53: {  	_ =	shalt  }
0x54: {  	_ =	shalt  }
0x55: {  	_ =	shalt  }
0x56: {  	_ =	shalt  }
0x57: {  	_ =	shalt  }
0x58: {  	_ =	shalt  }
0x59: {  	_ =	shalt  }
0x5a: {  	_ =	shalt  }
0x5b: {  	_ =	shalt  }
0x5c: {  	_ =	shalt  }
0x5d: {  	_ =	shalt  }
0x5e: {  	_ =	shalt  }
0x5f: {  	_ =	shalt  }
0x60: {  	_ =	shalt  }
0x61: {  	_ =	shalt  }
0x62: {  	_ =	shalt  }
0x63: {  	_ =	shalt  }
0x64: {  	_ =	shalt  }
0x65: {  	_ =	shalt  }
0x66: {  	_ =	shalt  }
0x67: {  	_ =	shalt  }
0x68: {  	_ =	shalt  }
0x69: {  	_ =	shalt  }
0x6a: {  	_ =	shalt  }
0x6b: {  	_ =	shalt  }
0x6c: {  	_ =	shalt  }
0x6d: {  	_ =	shalt  }
0x6e: {  	_ =	shalt  }
0x6f: {  	_ =	shalt  }
0x70: {  	_ =	shalt  }
0x71: {  	_ =	shalt  }
0x72: {  	_ =	shalt  }
0x73: {  	_ =	shalt  }
0x74: {  	_ =	shalt  }
0x75: {  	_ =	shalt  }
0x76: {  	_ =	shalt  }
0x77: {  	_ =	shalt  }
0x78: {  	_ =	shalt  }
0x79: {  	_ =	shalt  }
0x7a: {  	_ =	shalt  }
0x7b: {  	_ =	shalt  }
0x7c: {  	_ =	shalt  }
0x7d: {  	_ =	shalt  }
0x7e: {  	_ =	shalt  }
0x7f: {  	_ =	shalt  }
0x80: {  	_ =	shalt  }
0x81: {  	_ =	shalt  }
0x82: {  	_ =	shalt  }
0x83: {  	_ =	shalt  }
0x84: {  	_ =	shalt  }
0x85: {  	_ =	shalt  }
0x86: {  	_ =	shalt  }
0x87: {  	_ =	shalt  }
.Lfunc_end0:
.L_simem_size_0:
called_computation_lowered:
.L_overlay_start_0:
0x88: {  	s2 =	sld [smem:$0x3FD9]  }
0x89: {  	s3 =	sld [smem:$0x3FFE];
	_ =	sdelay $0x1  }
0x8a: {  	s1 =	srdreg.scid  }
0x8b: {  	s0 =	sand.u32 $0x1, s1  }
0x8c: {  	s17 =	sshll.u32 s0, $0xA;
	s2 =	sadd.s32 s3, s2  }
0x8d: {  	s2 =	sadd.s32 s2, s17  }
0x8e: {  	[smem:$0x3FC2] =	sst s2  }
0x8f: {  	_ = 	snop  }
0x90: {  	s2 =	sld [smem:$0x3FD0];
	(tm) =	ssettm $0x1  }
0x91: {  	s18 =	sld [smem:$0x3FFB];
	_ =	sdelay $0x3  }
0x92: {  	_ =	strace s18  }
0x93: {  	s3 =	sld [smem:$0x3FFC];
	_ =	sdelay $0x3  }
0x94: {  	_ =	strace s3  }
0x95: {  	s3 =	sld [smem:$0x3FFD];
	_ =	sdelay $0x3  }
0x96: {  	_ =	strace s3  }
0x97: {  	_ =	strace $0x8FFFFFFF  }
0x98: {  	s19 =	sld [smem:$0x3FDB];
	_ =	sdelay $0x1  }
0x99: {  	s4 =	simm.s32 $_scs_section_size  }
0x9a: {  	s5 =	simm.s32 $_size__tile_overlayer_lowered;
	s6 =	simm.s32 $_tile_overlayer_lowered  }
0x9b: {  	s22 =	simm.s32 $0x1BFF;
	s21 =	sshll.u32 s6, $0x1;
	s3 =	sadd.s32 s4, s19  }
0x9c: {  	s7 =	simm.s32 $0x0;
	s20 =	sshll.u32 s5, $0x1;
	s5 =	sadd.s32 s21, s3  }
0x9d: {  	[timem:s7], [sflag:s22] =	dma.local [hbm:s5], s20  }
0x9e: {  	_ =	swait.ge [sflag:s22], s20  }
0x9f: {  	s4 =	ssub.s32 $0x0, s20;
	[sflag:s22] =	ssyncset.done $0x0  }
0xa0: {  	[sflag:s22] =	ssyncadd.s32 s4;
	_ =	sdelay $0x1  }
0xa1: {  	s23 =	simm.s32 $0x1B8B  }
0xa2: {  	_ =	swait.ge [sflag:s23], $0x1  }
0xa3: {  	[sflag:s23] =	ssyncset.done $0x0  }
0xa4: {  	s25 =	simm.s32 $0x1B8E;
	s24 =	sld [smem:$0x3FFE];
	[sflag:s23] =	ssyncadd.s32 $0xFFFFFFFF  }
0xa5: {  	s26 =	simm.s32 $execute0_lowered;
	[smem:$0x3FD2] =	sst s25  }
0xa6: {  	s5 =	sshll.u32 s26, $0x1;
	_ =	strace $0x80000046;
	[dreg:$0x1] =	wrdreg $0xFFFFFFFF  }
0xa7: {  	s28 =	simm.s32 $_size_execute0_lowered;
	s3 =	sadd.s32 s3, s5;
	[dreg:$0x0] =	wrdreg $0x0  }
0xa8: {  	s5 =	sshll.u32 s28, $0x1;
	[dreg:$0x2] =	wrdreg s3  }
0xa9: {  	[dreg:$0x3] =	wrdreg s5  }
0xaa: {  	[dreg:$0x4] =	wrdreg $0xC0  }
0xab: {  	_ =	task [dreg:s7], $0x5FFFF  }
0xac: {  	[dreg:$0x1] =	wrdreg $0xFFFFFFFF  }
0xad: {  	[dreg:$0x0] =	wrdreg $0x60  }
0xae: {  	[dreg:$0x2] =	wrdreg s2  }
0xaf: {  	[dreg:$0x3] =	wrdreg s24  }
0xb0: {  	[dreg:$0x4] =	wrdreg $0x57D00  }
0xb1: {  	[dreg:$0x5] =	wrdreg $0x7EE00  }
0xb2: {  	[dreg:$0x6] =	wrdreg $0x9  }
0xb3: {  	_ =	task.clear_ibuf [dreg:s7], $0x7FFFF;
	_ =	strace $0x90000046  }
0xb4: {  	s29 =	simm.s32 $0x9;
	_ =	strace $0x80000048  }
0xb5: {  	_ =	swait.ge [sflag:s29], $0x1  }
0xb6: {  	[sflag:s29] =	ssyncadd.s32 $0xFFFFFFFF  }
0xb7: {  	_ =	strace $0x90000048  }
0xb8: {  	_ =	sfence  }
0xb9: {  	s30 =	sld [smem:$0x0];
	_ =	sdelay $0x2  }
0xba: {  	s31 =	sshll.u32 s1, $0xD;
	s1 =	sshrl.u32 s1, $0x2  }
0xbb: {  	s3 =	sand.u32 $0x4000, s31;
	s1 =	sadd.s32 s1, s30  }
0xbc: {  	s0 =	sor.u32 s3, s0;
	s1 =	sshll.u32 s1, $0x11  }
0xbd: {  	s0 =	sor.u32 s1, s0  }
0xbe: {  	s0 =	sadd.s32 $0x8F2B, s0  }
0xbf: {  	[sflag:s0] =	ssyncadd.remote.s32 $0x1  }
0xc0: {  	_ =	sfence.sel $0xFFFF  }
0xc1: {  	[dreg:$0x0] =	wrdreg $0xFFFFFFFF;
	(pc) =	sbr.abs _section_cstart, $3  }
0xc2: {  	[dreg:$0x1] =	wrdreg $0xFFFFFFFF  }
0xc3: {  	_ =	task.clear_ibuf [dreg:s7], $0x2FFFF;
	_ =	strace $0x9FFFFFFF  }
0xc4: {  	(tm) =	ssettm $0x7FFFFFFF  }
0xc5: {  	_ =	shalt  }
tec
execute0_lowered:
.L_overlay_start_1:
0x0: {  	(tag) =	ssettag $0x1  }
0x1: {  	s6 =	rddreg [dreg:$0x0]  }
0x2: {  	s0 =	srdreg.scid;
	s12 =	rddreg [dreg:$0x1]  }
0x3: {  	s1 =	rddreg [dreg:$0x2];
	s2 =	stileid.u32  }
0x4: {  	s3 =	rddreg [dreg:$0x3];
	s4 =	simm.s32 $0x0;
	s20 =	simm.s32 $0x2800  }
0x5: {  	s21 =	simm.s32 $0x5000;
	s22 =	simm.s32 $0x7D;
	s23 =	simm.s32 $0x0  }
0x6: {  	s8 =	sand.u32 $0x1, s0;
	[smem:$0x7FF] =	sst s4;
	s13 =	smul.u32 $0x2700, s2  }
0x7: {  	s16 =	sadd.s32 $0x1BC00, s12;
	s17 =	sadd.s32 $0x11E00, s12;
	p0 =	sne.s32 s2, $0x0  }
0x8: {  	s0 =	sshll.u32 s8, $0x4;
	_ =	strace $0x80000047;
	s11 =	ssub.s32 $0x2, s8  }
0x9: {  	s31 =	smul.u32 $0x27100, s8;
	s5 =	sor.u32 s2, s0;
	s10 =	sshrl.u32 s13, $0x3  }
0xa: {  	s14 =	sshrl.u32 s11, $0x1;
	s8 =	sadd.s32 s13, s1;
	s7 =	smul.u32 $0x500, s5  }
0xb: {  	s5 =	sadd.s32 $0x11C00, s12;
	s10 =	sadd.s32 s10, s12;
	s18 =	ssub.s32 s11, s14  }
0xc: {  	s11 =	sadd.s32 $0x27000, s1;
	s15 =	sadd.s32 s13, s31;
	s19 =	sshrl.u32 s31, $0x3  }
0xd: {  	s15 =	sshrl.u32 s15, $0x3;
	s19 =	sadd.s32 $0x4E00, s19;
	s18 =	smax.u32 s18, $0x1  }
0xe: {  	s9 =	sadd.s32 s7, s12;
	s6 =	sadd.s32 s6, s7;
	s12 =	sadd.s32 $0x11A00, s12  }
0xf: {  	s14 =	sadd.s32 s16, s15;
	s15 =	sadd.s32 s17, s15;
	s16 =	sadd.s32 s16, s19  }
0x10: {  	s17 =	sadd.s32 s17, s19;
	s19 =	simm.s32 $0x1;
	s7 =	sadd.s32 $0x2C00, s9  }
0x11: {  	s9 =	sadd.s32 $0xCC00, s10;
	s10 =	sadd.s32 s13, s3;
	s13 =	sadd.s32 $0x27000, s3  }
.LBB2_1:
0x12: {  	[tilespmem:s4], [sflag:$0x1] =	stream.linear.gather [hbm4b:s6+s4], $0x2800, $0x38;
	[tilespmem:$0xA5F0] =	vst v63  }
0x13: {  	_ =	swait.ge [sflag:s19], $0x2800  }
0x14: {  	[sflag:s19] =	ssyncset.done $0x0  }
0x15: {  	[sflag:s19] =	ssyncadd.s32 $0xFFFFD800  }
0x16: {  	[tilespmem:s20], [sflag:$0x1] =	stream.linear.gather [hbm4b:s7+s4], $0x2800, $0x38;
	[tilespmem:$0xA5F0] =	vst v63  }
0x17: {  	_ =	swait.ge [sflag:s19], $0x2800  }
0x18: {  	[sflag:s19] =	ssyncset.done $0x0  }
0x19: {  	[sflag:s19] =	ssyncadd.s32 $0xFFFFD800  }
0x1a: {  	[tilespmem:s21], [sflag:$0x1] =	stream.linear.gather [hbm4b:s5+s4], $0x7D0, $0x38;
	[tilespmem:$0xA5F0] =	vst v63  }
0x1b: {  	s0 =	stileid.u32;
	_ =	swait.ge [sflag:s19], $0x7D0  }
0x1c: {  	s24 =	sshll.u32 s0, $0x6;
	[sflag:s19] =	ssyncset.done $0x0  }
0x1d: {  	s25 =	sshrl.u32 s8, $0x3;
	s24 =	sor.u32 $0x1C01, s24;
	[sflag:s19] =	ssyncadd.s32 $0xFFFFF830  }
0x1e: {  	[spmem:s25], [sflag:s24] =	dma.local [hbm:s9], $0x4E0  }
0x1f: {  	_ =	swait.ge [sflag:s19], $0x4E0  }
0x20: {  	[sflag:s19] =	ssyncset.done $0x0  }
0x21: {  	s26 =	sshrl.u32 s10, $0x3;
	[sflag:s19] =	ssyncadd.s32 $0xFFFFFB20  }
0x22: {  	[spmem:s26], [sflag:s24] =	dma.local [hbm:s9], $0x4E0  }
0x23: {  	_ =	swait.ge [sflag:s19], $0x4E0  }
0x24: {  	[sflag:s19] =	ssyncset.done $0x0  }
0x25: {  	s28 =	sshrl.u32 @!p0 s11, $0x3;
	s30 =	simm.s32 @!p0 $0x1;
	[sflag:s19] =	ssyncadd.s32 $0xFFFFFB20  }
0x26: {  	[spmem:s28], [sflag:s24] =	dma.local @!p0 [hbm:s12], $0x20  }
0x27: {  	_ =	swait.ge @!p0 [sflag:s30], $0x20  }
0x28: {  	[sflag:s30] =	ssyncset.done @!p0 $0x0  }
0x29: {  	s29 =	sshrl.u32 @!p0 s13, $0x3;
	[sflag:s30] =	ssyncadd.s32 @!p0 $0xFFFFFFE0  }
0x2a: {  	[spmem:s29], [sflag:s24] =	dma.local @!p0 [hbm:s12], $0x20  }
0x2b: {  	_ =	swait.ge @!p0 [sflag:s30], $0x20  }
0x2c: {  	[sflag:s30] =	ssyncset.done @!p0 $0x0  }
0x2d: {  	[sflag:s30] =	ssyncadd.s32 @!p0 $0xFFFFFFE0  }
0x2e: {  	s30 =	simm.s32 $0x0;
	[bflag:$0x0] =	sbarrier.arrive $0xFFFF  }
0x2f: {  	[spmem:s1] =	stream.indirect.scatter.add.f32 [tilespmem:s21], [sflag:$0x1], $0x10, s30, s22, $0xb8;
	[tilespmem:$0xA5F0] =	vst v63  }
0x30: {  	_ =	swait.ge [sflag:s19], $0x7D0  }
0x31: {  	[sflag:s19] =	ssyncset.done $0x0  }
0x32: {  	s30 =	simm.s32 $0x2800;
	[sflag:s19] =	ssyncadd.s32 $0xFFFFF830  }
0x33: {  	[spmem:s3] =	stream.indirect.scatter.add.f32 [tilespmem:s21], [sflag:$0x1], $0x10, s30, s22, $0xb8;
	[tilespmem:$0xA5F0] =	vst v63  }
0x34: {  	_ =	swait.ge [sflag:s19], $0x7D0  }
0x35: {  	s31 =	simm.s32 $0x400;
	s30 =	simm.s32 $0x200;
	[sflag:s19] =	ssyncset.done $0x0  }
.LBB2_2:
0x36: {  	s0 =	sshra.s32 s30, $0x2  }
0x37: {  	[sflag:s19] =	ssyncadd.s32 $0xFFFFF830;
	s30 =	smov.u32 s31;
	s2 =	sadd.s32 $0x200, s31  }
0x38: {  	[spmem:s1] =	stream.indirect.scatter.add.f32 [tilespmem:s21], [sflag:$0x1], $0x10, s0, s22, $0xb8;
	[tilespmem:$0xA5F0] =	vst v63  }
0x39: {  	p1 =	sne.s32 s31, $0x9E00;
	_ =	swait.ge [sflag:s19], $0x7D0  }
.Ltmp0:
0x3a: {  	[sflag:s19] =	ssyncset.done $0x0;
	(pc) =	sbr.rel @p1 .LBB2_2-.Ltmp0, $4  }
0x3b: {  	s0 =	sadd.s32 $0x2800, s0;
	[sflag:s19] =	ssyncadd.s32 $0xFFFFF830  }
0x3c: {  	[spmem:s3] =	stream.indirect.scatter.add.f32 [tilespmem:s21], [sflag:$0x1], $0x10, s0, s22, $0xb8;
	[tilespmem:$0xA5F0] =	vst v63  }
0x3d: {  	_ =	swait.ge [sflag:s19], $0x7D0  }
0x3e: {  	s31 =	smov.u32 s2;
	[sflag:s19] =	ssyncset.done $0x0  }
0x3f: {  	s0 =	sshra.s32 s30, $0x2;
	[sflag:s19] =	ssyncadd.s32 $0xFFFFF830  }
0x40: {  	[spmem:s1] =	stream.indirect.scatter.add.f32 [tilespmem:s21], [sflag:$0x1], $0x10, s0, s22, $0xb8;
	[tilespmem:$0xA5F0] =	vst v63  }
0x41: {  	_ =	swait.ge [sflag:s19], $0x7D0  }
0x42: {  	[sflag:s19] =	ssyncset.done $0x0  }
0x43: {  	s0 =	sadd.s32 $0x2800, s0;
	[sflag:s19] =	ssyncadd.s32 $0xFFFFF830  }
0x44: {  	[spmem:s3] =	stream.indirect.scatter.add.f32 [tilespmem:s21], [sflag:$0x1], $0x10, s0, s22, $0xb8;
	[tilespmem:$0xA5F0] =	vst v63  }
0x45: {  	_ =	swait.ge [sflag:s19], $0x7D0  }
0x46: {  	[sflag:s19] =	ssyncset.done $0x0  }
0x47: {  	[sflag:s19] =	ssyncadd.s32 $0xFFFFF830  }
0x48: {  	[bflag:$0x0] =	sbarrier.arrive $0xFFFF  }
0x49: {  	[hbm:s14], [sflag:s24] =	dma.local [spmem:s25], $0x4E0  }
0x4a: {  	_ =	swait.ge [sflag:s19], $0x4E0  }
0x4b: {  	[sflag:s19] =	ssyncset.done $0x0  }
0x4c: {  	[sflag:s19] =	ssyncadd.s32 $0xFFFFFB20  }
0x4d: {  	[hbm:s15], [sflag:s24] =	dma.local [spmem:s26], $0x4E0  }
0x4e: {  	_ =	swait.ge [sflag:s19], $0x4E0  }
0x4f: {  	[sflag:s19] =	ssyncset.done $0x0  }
0x50: {  	s0 =	simm.s32 @!p0 $0x1;
	[sflag:s19] =	ssyncadd.s32 $0xFFFFFB20  }
0x51: {  	[hbm:s16], [sflag:s24] =	dma.local @!p0 [spmem:s28], $0x20  }
0x52: {  	s23 =	sadd.s32 $0x1, s23;
	_ =	swait.ge @!p0 [sflag:s0], $0x20  }
0x53: {  	p1 =	sne.s32 s23, s18;
	[sflag:s0] =	ssyncset.done @!p0 $0x0  }
.Ltmp1:
0x54: {  	[sflag:s0] =	ssyncadd.s32 @!p0 $0xFFFFFFE0;
	(pc) =	sbr.rel @p1 .LBB2_1-.Ltmp1, $4  }
0x55: {  	[hbm:s17], [sflag:s24] =	dma.local @!p0 [spmem:s29], $0x20  }
0x56: {  	_ =	swait.ge @!p0 [sflag:s0], $0x20  }
0x57: {  	[sflag:s0] =	ssyncset.done @!p0 $0x0  }
0x58: {  	[sflag:s0] =	ssyncadd.s32 @!p0 $0xFFFFFFE0  }
0x59: {  	_ =	sfence.sel $0x180000  }
0x5a: {  	[bflag:$0x0] =	sbarrier.arrive $0xFFFF  }
0x5b: {  	_ =	strace $0x90000047  }
0x5c: {  	[bflag:$0x2] =	sbarrier.arrive $0xFFFF  }
0x5d: {  	s0 =	rddreg [dreg:$0x4]  }
0x5e: {  	s0 =	sadd.s32 @!p0 $0x100000, s0  }
0x5f: {  	[sflag:s0] =	ssyncadd.tile.s32 @!p0 $0x1;
	_ =	shalt  }
.Lfunc_end2:
_tile_overlayer_lowered:
.L_overlay_start_2:
0x60: {  	(tag) =	ssettag $0x2  }
0x61: {  	s0 =	rddreg [dreg:$0x0];
	s2 =	stileid.u32  }
0x62: {  	s1 =	rddreg [dreg:$0x1];
	p0 =	sne.s32 s2, $0x0  }
0x63: {  	s3 =	rddreg [dreg:$0x2];
	[bflag:$0x3] =	sbarrier.arrive $0xFFFF;
	s2 =	simm.s32 @!p0 $0x1C01  }
0x64: {  	[timem:s3], [sflag:s2] =	dma.local @!p0 [hbm:s0], s1  }
0x65: {  	s0 =	simm.s32 @!p0 $0x1  }
0x66: {  	_ =	swait.ge @!p0 [sflag:s0], s1  }
0x67: {  	s1 =	ssub.s32 @!p0 $0x0, s1;
	[sflag:s0] =	ssyncset.done @!p0 $0x0  }
0x68: {  	[sflag:s0] =	ssyncadd.s32 @!p0 s1  }
0x69: {  	[bflag:$0x3] =	sbarrier.arrive $0xFFFF  }
0x6a: {  	_ =	shalt  }

// kernel: kernel.15.cloned.1.call-start
scs
__scs_entry_jumppad:
0x0: {  	(pc) =	sbr.rel $0x88, $3  }
0x1: {  	(tag) =	ssettag $0x0;
	lr =	simm.s32 $0x1  }
0x2: {  	[smem:$0x3F9B] =	sst lr;
	_ =	strace $0xD0000000  }
0x3: {  	_ = 	snop  }
0x4: {  	_ = 	snop  }
0x5: {  	_ = 	snop  }
0x6: {  	_ = 	snop  }
0x7: {  	_ = 	snop  }
__scs_overlays_trampoline_lowered:
0x8: {  	[smem:$0x3FAA] =	sst s0  }
0x9: {  	[smem:$0x3FAB] =	sst s1  }
0xa: {  	[smem:$0x3FAC] =	sst s2  }
0xb: {  	[smem:$0x3FAD] =	sst s3  }
0xc: {  	[smem:$0x3FAE] =	sst s4  }
0xd: {  	[smem:$0x3FAF] =	sst s5  }
0xe: {  	[smem:$0x3FB0] =	sst s6  }
0xf: {  	[smem:$0x3FB1] =	sst s7  }
0x10: {  	[smem:$0x3FB2] =	sst s8  }
0x11: {  	[smem:$0x3FB3] =	sst s9;
	s0 =	simm.s32 @!p0 $0x0  }
0x12: {  	s1 =	sld [smem:$0x3F99];
	s0 =	simm.s32 @p0 $0x1  }
0x13: {  	[smem:$0x3FB4] =	sst s0;
	s0 =	simm.s32 @!p1 $0x0  }
0x14: {  	s2 =	sld [smem:$0x3F98];
	s0 =	simm.s32 @p1 $0x1  }
0x15: {  	[smem:$0x3FB5] =	sst s0;
	s0 =	simm.s32 @!p2 $0x0  }
0x16: {  	s3 =	sld [smem:$0x3FDB];
	s0 =	simm.s32 @p2 $0x1  }
0x17: {  	s4 =	simm.s32 $0x1BF5;
	[smem:$0x3FB7] =	sst s0  }
0x18: {  	s0 =	sld [smem:$0x3F9A];
	_ =	swait.ge [sflag:s4], $0x0  }
0x19: {  	s7 =	sld [smem:$0x3F9B]  }
0x1a: {  	s8 =	sadd.s32 $0xFFFFE003, lr  }
0x1b: {  	s9 =	sadd.s32 $0xFFFFFEF7, lr;
	s5 =	simm.s32 $0xFFFFFFFF;
	p2 =	slt.u32 s8, $0xFFFFF086  }
0x1c: {  	p1 =	slt.u32 s9, $0xF7A;
	s5 =	simm.s32 @!p2 $0x0  }
0x1d: {  	s5 =	simm.s32 @p1 $0x1;
	p0 =	seq.s32 s7, s2  }
0x1e: {  	s7 =	smul.u32 @!p0 $0xF7A, s2;
	p2 =	seq.s32 @!p0 s5, $0x0  }
0x1f: {  	s9 =	smul.u32 $0xF7A, s1;
	s8 =	simm.s32 @!p0 $0x1BF5;
	p2 =	por !p2, p0  }
0x20: {  	[sflag:s8] =	ssyncset.s32 @!p0 $0xFFFFF086;
	s6 =	sadd.s32 @!p0 s3, s7;
	s7 =	simm.s32 @!p0 $0x108  }
0x21: {  	s3 =	sadd.s32 s3, s9;
	s6 =	sadd.s32 @!p0 $0x88, s6;
	s7 =	simm.s32 @p2 $0x1082  }
0x22: {  	[simem:s7], [sflag:s8] =	dma.local @!p0 [hbm:s6], $0xF7A  }
0x23: {  	s9 =	sor.u32 $0xD0000000, s2;
	s6 =	simm.s32 $0x108;
	_ =	swait.ge @!p0 [sflag:s8], $0x0  }
0x24: {  	s3 =	sadd.s32 $0x88, s3;
	s6 =	simm.s32 @!p1 $0x1082;
	[sflag:s4] =	ssyncset.s32 $0xFFFFF086  }
0x25: {  	[simem:s6], [sflag:s4] =	dma.local [hbm:s3], $0xF7A  }
0x26: {  	[smem:$0x3F9B] =	sst s1;
	(tag) =	ssettag s2;
	_ =	strace s9  }
0x27: {  	s1 =	sld [smem:$0x3FAB]  }
0x28: {  	s2 =	sld [smem:$0x3FAC]  }
0x29: {  	s4 =	sld [smem:$0x3FAE]  }
0x2a: {  	p0 =	seq.s32 s5, $0x0;
	s5 =	sld [smem:$0x3FAF]  }
0x2b: {  	s6 =	sld [smem:$0x3FB0]  }
0x2c: {  	s7 =	sld [smem:$0x3FB1]  }
0x2d: {  	s3 =	simm.s32 $0x108;
	s8 =	sld [smem:$0x3FB2]  }
0x2e: {  	s3 =	simm.s32 @!p0 $0x1082;
	s9 =	sld [smem:$0x3FB3]  }
0x2f: {  	lr =	sadd.s32 s0, s3;
	s0 =	sld [smem:$0x3FAA]  }
0x30: {  	s3 =	sld [smem:$0x3FAD]  }
0x31: {  	[smem:$0x3FB6] =	sst s10  }
0x32: {  	s10 =	sld [smem:$0x3FB4];
	_ =	sdelay $0x3  }
0x33: {  	p0 =	seq.s32 s10, $0x1;
	s10 =	sld [smem:$0x3FB6];
	_ =	sdelay $0x3  }
0x34: {  	[smem:$0x3FB6] =	sst s10  }
0x35: {  	s10 =	sld [smem:$0x3FB5];
	_ =	sdelay $0x3  }
0x36: {  	p1 =	seq.s32 s10, $0x1;
	s10 =	sld [smem:$0x3FB6];
	_ =	sdelay $0x3  }
0x37: {  	[smem:$0x3FB6] =	sst s10  }
0x38: {  	s10 =	sld [smem:$0x3FB7]  }
0x39: {  	_ = 	snop;
	(pc) =	sbr.ind lr, $3  }
0x3a: {  	_ = 	snop  }
0x3b: {  	_ = 	snop  }
0x3c: {  	p2 =	seq.s32 s10, $0x1;
	s10 =	sld [smem:$0x3FB6]  }
0x3d: {  	_ =	shalt  }
0x3e: {  	_ =	shalt  }
0x3f: {  	_ =	shalt  }
0x40: {  	_ =	shalt  }
0x41: {  	_ =	shalt  }
0x42: {  	_ =	shalt  }
0x43: {  	_ =	shalt  }
0x44: {  	_ =	shalt  }
0x45: {  	_ =	shalt  }
0x46: {  	_ =	shalt  }
0x47: {  	_ =	shalt  }
0x48: {  	_ =	shalt  }
0x49: {  	_ =	shalt  }
0x4a: {  	_ =	shalt  }
0x4b: {  	_ =	shalt  }
0x4c: {  	_ =	shalt  }
0x4d: {  	_ =	shalt  }
0x4e: {  	_ =	shalt  }
0x4f: {  	_ =	shalt  }
0x50: {  	_ =	shalt  }
0x51: {  	_ =	shalt  }
0x52: {  	_ =	shalt  }
0x53: {  	_ =	shalt  }
0x54: {  	_ =	shalt  }
0x55: {  	_ =	shalt  }
0x56: {  	_ =	shalt  }
0x57: {  	_ =	shalt  }
0x58: {  	_ =	shalt  }
0x59: {  	_ =	shalt  }
0x5a: {  	_ =	shalt  }
0x5b: {  	_ =	shalt  }
0x5c: {  	_ =	shalt  }
0x5d: {  	_ =	shalt  }
0x5e: {  	_ =	shalt  }
0x5f: {  	_ =	shalt  }
0x60: {  	_ =	shalt  }
0x61: {  	_ =	shalt  }
0x62: {  	_ =	shalt  }
0x63: {  	_ =	shalt  }
0x64: {  	_ =	shalt  }
0x65: {  	_ =	shalt  }
0x66: {  	_ =	shalt  }
0x67: {  	_ =	shalt  }
0x68: {  	_ =	shalt  }
0x69: {  	_ =	shalt  }
0x6a: {  	_ =	shalt  }
0x6b: {  	_ =	shalt  }
0x6c: {  	_ =	shalt  }
0x6d: {  	_ =	shalt  }
0x6e: {  	_ =	shalt  }
0x6f: {  	_ =	shalt  }
0x70: {  	_ =	shalt  }
0x71: {  	_ =	shalt  }
0x72: {  	_ =	shalt  }
0x73: {  	_ =	shalt  }
0x74: {  	_ =	shalt  }
0x75: {  	_ =	shalt  }
0x76: {  	_ =	shalt  }
0x77: {  	_ =	shalt  }
0x78: {  	_ =	shalt  }
0x79: {  	_ =	shalt  }
0x7a: {  	_ =	shalt  }
0x7b: {  	_ =	shalt  }
0x7c: {  	_ =	shalt  }
0x7d: {  	_ =	shalt  }
0x7e: {  	_ =	shalt  }
0x7f: {  	_ =	shalt  }
0x80: {  	_ =	shalt  }
0x81: {  	_ =	shalt  }
0x82: {  	_ =	shalt  }
0x83: {  	_ =	shalt  }
0x84: {  	_ =	shalt  }
0x85: {  	_ =	shalt  }
0x86: {  	_ =	shalt  }
0x87: {  	_ =	shalt  }
.Lfunc_end0:
.L_simem_size_0:
called_computation.1_lowered:
.L_overlay_start_0:
0x88: {  	s2 =	sld [smem:$0x3FD9]  }
0x89: {  	s3 =	sld [smem:$0x3FFE];
	_ =	sdelay $0x1  }
0x8a: {  	s1 =	srdreg.scid  }
0x8b: {  	s0 =	sand.u32 $0x1, s1  }
0x8c: {  	s17 =	sshll.u32 s0, $0xA;
	s2 =	sadd.s32 s3, s2  }
0x8d: {  	s2 =	sadd.s32 s2, s17  }
0x8e: {  	[smem:$0x3FC2] =	sst s2  }
0x8f: {  	_ = 	snop  }
0x90: {  	s2 =	sld [smem:$0x3FD0];
	(tm) =	ssettm $0x1  }
0x91: {  	s18 =	sld [smem:$0x3FFB];
	_ =	sdelay $0x3  }
0x92: {  	_ =	strace s18  }
0x93: {  	s3 =	sld [smem:$0x3FFC];
	_ =	sdelay $0x3  }
0x94: {  	_ =	strace s3  }
0x95: {  	s3 =	sld [smem:$0x3FFD];
	_ =	sdelay $0x3  }
0x96: {  	_ =	strace s3  }
0x97: {  	_ =	strace $0x8FFFFFFF  }
0x98: {  	s19 =	sld [smem:$0x3FDB];
	_ =	sdelay $0x1  }
0x99: {  	s4 =	simm.s32 $_scs_section_size  }
0x9a: {  	s5 =	simm.s32 $_size__tile_overlayer_lowered;
	s6 =	simm.s32 $_tile_overlayer_lowered  }
0x9b: {  	s22 =	simm.s32 $0x1BFF;
	s21 =	sshll.u32 s6, $0x1;
	s3 =	sadd.s32 s4, s19  }
0x9c: {  	s7 =	simm.s32 $0x0;
	s20 =	sshll.u32 s5, $0x1;
	s5 =	sadd.s32 s21, s3  }
0x9d: {  	[timem:s7], [sflag:s22] =	dma.local [hbm:s5], s20  }
0x9e: {  	_ =	swait.ge [sflag:s22], s20  }
0x9f: {  	s4 =	ssub.s32 $0x0, s20;
	[sflag:s22] =	ssyncset.done $0x0  }
0xa0: {  	[sflag:s22] =	ssyncadd.s32 s4;
	_ =	sdelay $0x1  }
0xa1: {  	s23 =	simm.s32 $0x1B8B  }
0xa2: {  	_ =	swait.ge [sflag:s23], $0x1  }
0xa3: {  	[sflag:s23] =	ssyncset.done $0x0  }
0xa4: {  	s25 =	simm.s32 $0x1B8E;
	s24 =	sld [smem:$0x3FFE];
	[sflag:s23] =	ssyncadd.s32 $0xFFFFFFFF  }
0xa5: {  	s26 =	simm.s32 $execute0_lowered;
	[smem:$0x3FD2] =	sst s25  }
0xa6: {  	s5 =	sshll.u32 s26, $0x1;
	_ =	strace $0x80000049;
	[dreg:$0x1] =	wrdreg $0xFFFFFFFF  }
0xa7: {  	s28 =	simm.s32 $_size_execute0_lowered;
	s3 =	sadd.s32 s3, s5;
	[dreg:$0x0] =	wrdreg $0x0  }
0xa8: {  	s5 =	sshll.u32 s28, $0x1;
	[dreg:$0x2] =	wrdreg s3  }
0xa9: {  	[dreg:$0x3] =	wrdreg s5  }
0xaa: {  	[dreg:$0x4] =	wrdreg $0xC0  }
0xab: {  	_ =	task [dreg:s7], $0x5FFFF  }
0xac: {  	[dreg:$0x1] =	wrdreg $0xFFFFFFFF  }
0xad: {  	[dreg:$0x0] =	wrdreg $0x60  }
0xae: {  	[dreg:$0x2] =	wrdreg s24  }
0xaf: {  	[dreg:$0x3] =	wrdreg s2  }
0xb0: {  	[dreg:$0x4] =	wrdreg $0xA5000  }
0xb1: {  	[dreg:$0x5] =	wrdreg $0x9  }
0xb2: {  	_ =	task.clear_ibuf [dreg:s7], $0x6FFFF;
	_ =	strace $0x90000049  }
0xb3: {  	s29 =	simm.s32 $0x9;
	_ =	strace $0x8000004B  }
0xb4: {  	_ =	swait.ge [sflag:s29], $0x1  }
0xb5: {  	[sflag:s29] =	ssyncadd.s32 $0xFFFFFFFF  }
0xb6: {  	_ =	strace $0x9000004B  }
0xb7: {  	_ =	sfence  }
0xb8: {  	s30 =	sld [smem:$0x0];
	_ =	sdelay $0x2  }
0xb9: {  	s31 =	sshll.u32 s1, $0xD;
	s1 =	sshrl.u32 s1, $0x2  }
0xba: {  	s3 =	sand.u32 $0x4000, s31;
	s1 =	sadd.s32 s1, s30  }
0xbb: {  	s0 =	sor.u32 s3, s0;
	s1 =	sshll.u32 s1, $0x11  }
0xbc: {  	s0 =	sor.u32 s1, s0  }
0xbd: {  	s0 =	sadd.s32 $0x8F2B, s0  }
0xbe: {  	[sflag:s0] =	ssyncadd.remote.s32 $0x1  }
0xbf: {  	_ =	sfence.sel $0xFFFF  }
0xc0: {  	[dreg:$0x0] =	wrdreg $0xFFFFFFFF;
	(pc) =	sbr.abs _section_cstart, $3  }
0xc1: {  	[dreg:$0x1] =	wrdreg $0xFFFFFFFF  }
0xc2: {  	_ =	task.clear_ibuf [dreg:s7], $0x2FFFF;
	_ =	strace $0x9FFFFFFF  }
0xc3: {  	(tm) =	ssettm $0x7FFFFFFF  }
tec
execute0_lowered:
.L_overlay_start_1:
0x0: {  	(tag) =	ssettag $0x1  }
0x1: {  	s6 =	rddreg [dreg:$0x0]  }
0x2: {  	s9 =	rddreg [dreg:$0x1]  }
0x3: {  	s1 =	rddreg [dreg:$0x2]  }
0x4: {  	s0 =	rddreg [dreg:$0x3];
	s2 =	simm.s32 $0x0  }
0x5: {  	s14 =	stileid.u32;
	s4 =	srdreg.scid;
	s20 =	simm.s32 $0x80  }
0x6: {  	s21 =	simm.s32 $0x6680;
	s22 =	simm.s32 $0x1;
	s23 =	simm.s32 $0x2  }
0x7: {  	s24 =	simm.s32 $0x2700;
	s25 =	simm.s32 $0x2780;
	s26 =	simm.s32 $0x0  }
0x8: {  	[smem:$0x7FF] =	sst s2;
	s10 =	smul.u32 $0x13800, s14;
	s3 =	sadd.s32 $0xCC00, s6  }
0x9: {  	s11 =	sadd.s32 $0x2C00, s6;
	s7 =	sand.u32 $0x1, s4;
	s12 =	sadd.s32 $0x5B000, s6  }
0xa: {  	s31 =	sshll.u32 s14, $0x6;
	s16 =	sadd.s32 $0x138000, s1;
	p0 =	sne.s32 s14, $0x0  }
0xb: {  	_ =	strace $0x8000004A;
	s30 =	ssub.s32 $0x2, s7;
	s8 =	sshll.u32 s7, $0x4  }
0xc: {  	s18 =	smul.u32 $0x138800, s7;
	s16 =	sshrl.u32 @!p0 s16, $0x3;
	s5 =	sshrl.u32 s10, $0x3  }
0xd: {  	s13 =	sshrl.u32 s30, $0x1;
	s8 =	sor.u32 s14, s8;
	s15 =	sadd.s32 s10, s1  }
0xe: {  	s29 =	sadd.s32 s5, s6;
	s13 =	ssub.s32 s30, s13;
	s8 =	smul.u32 $0x2800, s8  }
0xf: {  	s5 =	sor.u32 $0x1C03, s31;
	s6 =	sadd.s32 $0x5AE00, s6;
	s10 =	sadd.s32 s10, s18  }
0x10: {  	s18 =	sshrl.u32 s18, $0x3;
	s14 =	sshrl.u32 s15, $0x3;
	s15 =	simm.s32 $0x3  }
0x11: {  	s4 =	sadd.s32 $0x33E00, s29;
	s19 =	sshrl.u32 s10, $0x3;
	s17 =	sshrl.u32 s8, $0x3  }
0x12: {  	s7 =	sadd.s32 s9, s17;
	s8 =	sadd.s32 s11, s17;
	s17 =	sadd.s32 $0x280, s17  }
0x13: {  	s18 =	sadd.s32 s12, s18;
	s13 =	smax.u32 s13, $0x1;
	s9 =	sadd.s32 s9, s17  }
0x14: {  	s10 =	sadd.s32 s11, s17;
	s11 =	sadd.s32 s12, s19;
	s12 =	sadd.s32 $0x27000, s18  }
0x15: {  	s17 =	simm.s32 $0x1400;
	s18 =	simm.s32 $0x7D;
	s19 =	simm.s32 $0x2800  }
.LBB2_1:
0x16: {  	[spmem:s14], [sflag:s5] =	dma.local [hbm:s4], $0x2700  }
0x17: {  	_ =	swait.ge [sflag:s15], $0x2700  }
0x18: {  	[sflag:s15] =	ssyncset.done $0x0  }
0x19: {  	s28 =	simm.s32 @!p0 $0x3;
	[sflag:s15] =	ssyncadd.s32 $0xFFFFD900  }
0x1a: {  	[spmem:s16], [sflag:s5] =	dma.local @!p0 [hbm:s6], $0x100  }
0x1b: {  	_ =	swait.ge @!p0 [sflag:s28], $0x100  }
0x1c: {  	[sflag:s28] =	ssyncset.done @!p0 $0x0  }
0x1d: {  	[sflag:s28] =	ssyncadd.s32 @!p0 $0xFFFFFF00  }
0x1e: {  	[bflag:$0x0] =	sbarrier.arrive $0xFFFF  }
0x1f: {  	[tilespmem:s2], [sflag:$0x3] =	stream.linear.gather [hbm4b:s7+s2], $0x1400, $0x38;
	[tilespmem:$0x1DD80] =	vst v63  }
0x20: {  	_ =	swait.ge [sflag:s15], $0x1400  }
0x21: {  	[sflag:s15] =	ssyncset.done $0x0  }
0x22: {  	[sflag:s15] =	ssyncadd.s32 $0xFFFFEC00  }
0x23: {  	[tilespmem:s17], [sflag:$0x3] =	stream.linear.gather [hbm4b:s8+s2], $0x1400, $0x38;
	[tilespmem:$0x1DD80] =	vst v63  }
0x24: {  	_ =	swait.ge [sflag:s15], $0x1400  }
0x25: {  	[sflag:s15] =	ssyncset.done $0x0  }
0x26: {  	[sflag:s15] =	ssyncadd.s32 $0xFFFFEC00  }
0x27: {  	[tilespmem:s19], [sflag:$0x1] =	stream.indirect.gather [hbm4b:s3+s18], $0x80, s2, s18, $0xb8;
	[tilespmem:$0x1DD80] =	vst v63  }
0x28: {  	_ = 	snop  }
0x29: {  	[tilespmem:s21], [sflag:$0x2] =	stream.indirect.gather [hbm4b:s3+s18], $0x80, s20, s18, $0xb8;
	[tilespmem:$0x1DD80] =	vst v63  }
0x2a: {  	_ =	swait.ge [sflag:s22], $0x3E80  }
0x2b: {  	[sflag:s22] =	ssyncset.done $0x0  }
0x2c: {  	s28 =	simm.s32 $0x1400;
	[sflag:s22] =	ssyncadd.s32 $0xFFFFC180  }
0x2d: {  	[spmem:s1] =	stream.indirect.scatter.add.f32 [tilespmem:s19], [sflag:$0x3], $0x80, s28, s18, $0xb8;
	[tilespmem:$0x1DD80] =	vst v63  }
0x2e: {  	_ =	swait.ge [sflag:s15], $0x3E80  }
0x2f: {  	[sflag:s15] =	ssyncset.done $0x0  }
0x30: {  	s28 =	simm.s32 $0x100;
	[sflag:s15] =	ssyncadd.s32 $0xFFFFC180  }
0x31: {  	[tilespmem:s19], [sflag:$0x1] =	stream.indirect.gather [hbm4b:s3+s18], $0x80, s28, s18, $0xb8;
	[tilespmem:$0x1DD80] =	vst v63  }
0x32: {  	_ =	swait.ge [sflag:s23], $0x3E80  }
0x33: {  	[sflag:s23] =	ssyncset.done $0x0  }
0x34: {  	s28 =	simm.s32 $0x1480;
	[sflag:s23] =	ssyncadd.s32 $0xFFFFC180  }
0x35: {  	[spmem:s1] =	stream.indirect.scatter.add.f32 [tilespmem:s21], [sflag:$0x3], $0x80, s28, s18, $0xb8;
	[tilespmem:$0x1DD80] =	vst v63  }
0x36: {  	_ =	swait.ge [sflag:s15], $0x3E80  }
0x37: {  	[sflag:s15] =	ssyncset.done $0x0  }
0x38: {  	s29 =	simm.s32 $0x180;
	s28 =	simm.s32 $0x400;
	[sflag:s15] =	ssyncadd.s32 $0xFFFFC180  }
.LBB2_2:
0x39: {  	[tilespmem:s21], [sflag:$0x2] =	stream.indirect.gather [hbm4b:s3+s18], $0x80, s29, s18, $0xb8;
	[tilespmem:$0x1DD80] =	vst v63  }
0x3a: {  	s29 =	smov.u32 s28  }
0x3b: {  	p1 =	sne.s32 s28, $0x4800;
	s28 =	sadd.s32 $0x400, s28;
	_ =	swait.ge [sflag:s22], $0x3E80  }
0x3c: {  	s29 =	sshra.s32 s29, $0x2;
	[sflag:s22] =	ssyncset.done $0x0  }
0x3d: {  	s30 =	sadd.s32 $0x1400, s29;
	[sflag:s22] =	ssyncadd.s32 $0xFFFFC180  }
0x3e: {  	[spmem:s1] =	stream.indirect.scatter.add.f32 [tilespmem:s19], [sflag:$0x3], $0x80, s30, s18, $0xb8;
	[tilespmem:$0x1DD80] =	vst v63  }
0x3f: {  	_ =	swait.ge [sflag:s15], $0x3E80  }
0x40: {  	[sflag:s15] =	ssyncset.done $0x0  }
0x41: {  	s30 =	sadd.s32 $0x100, s29;
	[sflag:s15] =	ssyncadd.s32 $0xFFFFC180  }
0x42: {  	[tilespmem:s19], [sflag:$0x1] =	stream.indirect.gather [hbm4b:s3+s18], $0x80, s30, s18, $0xb8;
	[tilespmem:$0x1DD80] =	vst v63  }
0x43: {  	_ =	swait.ge [sflag:s23], $0x3E80  }
0x44: {  	[sflag:s23] =	ssyncset.done $0x0  }
.Ltmp0:
0x45: {  	s30 =	sadd.s32 $0x1480, s29;
	[sflag:s23] =	ssyncadd.s32 $0xFFFFC180;
	(pc) =	sbr.rel @p1 .LBB2_2-.Ltmp0, $4  }
0x46: {  	[spmem:s1] =	stream.indirect.scatter.add.f32 [tilespmem:s21], [sflag:$0x3], $0x80, s30, s18, $0xb8;
	[tilespmem:$0x1DD80] =	vst v63  }
0x47: {  	_ =	swait.ge [sflag:s15], $0x3E80  }
0x48: {  	[sflag:s15] =	ssyncset.done $0x0  }
0x49: {  	s29 =	sadd.s32 $0x180, s29;
	[sflag:s15] =	ssyncadd.s32 $0xFFFFC180  }
0x4a: {  	[tilespmem:s21], [sflag:$0x2] =	stream.indirect.gather [hbm4b:s3+s18], $0x80, s29, s18, $0xb8;
	[tilespmem:$0x1DD80] =	vst v63  }
0x4b: {  	_ =	swait.ge [sflag:s22], $0x3E80  }
0x4c: {  	[sflag:s22] =	ssyncset.done $0x0  }
0x4d: {  	[sflag:s22] =	ssyncadd.s32 $0xFFFFC180  }
0x4e: {  	[spmem:s1] =	stream.indirect.scatter.add.f32 [tilespmem:s19], [sflag:$0x3], $0x80, s24, s18, $0xb8;
	[tilespmem:$0x1DD80] =	vst v63  }
0x4f: {  	_ =	swait.ge [sflag:s15], $0x3E80  }
0x50: {  	[sflag:s15] =	ssyncset.done $0x0  }
0x51: {  	[sflag:s15] =	ssyncadd.s32 $0xFFFFC180  }
0x52: {  	_ =	swait.ge [sflag:s23], $0x3E80  }
0x53: {  	[sflag:s23] =	ssyncset.done $0x0  }
0x54: {  	[sflag:s23] =	ssyncadd.s32 $0xFFFFC180  }
0x55: {  	[spmem:s1] =	stream.indirect.scatter.add.f32 [tilespmem:s21], [sflag:$0x3], $0x80, s25, s18, $0xb8;
	[tilespmem:$0x1DD80] =	vst v63  }
0x56: {  	_ =	swait.ge [sflag:s15], $0x3E80  }
0x57: {  	[sflag:s15] =	ssyncset.done $0x0  }
0x58: {  	s28 =	simm.s32 $0x0;
	[sflag:s15] =	ssyncadd.s32 $0xFFFFC180  }
0x59: {  	[tilespmem:s28], [sflag:$0x3] =	stream.linear.gather [hbm4b:s9+s28], $0x1400, $0x38;
	[tilespmem:$0x1DD80] =	vst v63  }
0x5a: {  	_ =	swait.ge [sflag:s15], $0x1400  }
0x5b: {  	[sflag:s15] =	ssyncset.done $0x0  }
0x5c: {  	[sflag:s15] =	ssyncadd.s32 $0xFFFFEC00  }
0x5d: {  	[tilespmem:s17], [sflag:$0x3] =	stream.linear.gather [hbm4b:s10+s28], $0x1400, $0x38;
	[tilespmem:$0x1DD80] =	vst v63  }
0x5e: {  	_ =	swait.ge [sflag:s15], $0x1400  }
0x5f: {  	[sflag:s15] =	ssyncset.done $0x0  }
0x60: {  	[sflag:s15] =	ssyncadd.s32 $0xFFFFEC00  }
0x61: {  	[tilespmem:s19], [sflag:$0x1] =	stream.indirect.gather [hbm4b:s3+s18], $0x80, s28, s18, $0xb8;
	[tilespmem:$0x1DD80] =	vst v63  }
0x62: {  	_ = 	snop  }
0x63: {  	[tilespmem:s21], [sflag:$0x2] =	stream.indirect.gather [hbm4b:s3+s18], $0x80, s20, s18, $0xb8;
	[tilespmem:$0x1DD80] =	vst v63  }
0x64: {  	_ =	swait.ge [sflag:s22], $0x3E80  }
0x65: {  	[sflag:s22] =	ssyncset.done $0x0  }
0x66: {  	s28 =	simm.s32 $0x1400;
	[sflag:s22] =	ssyncadd.s32 $0xFFFFC180  }
0x67: {  	[spmem:s1] =	stream.indirect.scatter.add.f32 [tilespmem:s19], [sflag:$0x3], $0x80, s28, s18, $0xb8;
	[tilespmem:$0x1DD80] =	vst v63  }
0x68: {  	_ =	swait.ge [sflag:s15], $0x3E80  }
0x69: {  	[sflag:s15] =	ssyncset.done $0x0  }
0x6a: {  	s28 =	simm.s32 $0x100;
	[sflag:s15] =	ssyncadd.s32 $0xFFFFC180  }
0x6b: {  	[tilespmem:s19], [sflag:$0x1] =	stream.indirect.gather [hbm4b:s3+s18], $0x80, s28, s18, $0xb8;
	[tilespmem:$0x1DD80] =	vst v63  }
0x6c: {  	_ =	swait.ge [sflag:s23], $0x3E80  }
0x6d: {  	[sflag:s23] =	ssyncset.done $0x0  }
0x6e: {  	s28 =	simm.s32 $0x1480;
	[sflag:s23] =	ssyncadd.s32 $0xFFFFC180  }
0x6f: {  	[spmem:s1] =	stream.indirect.scatter.add.f32 [tilespmem:s21], [sflag:$0x3], $0x80, s28, s18, $0xb8;
	[tilespmem:$0x1DD80] =	vst v63  }
0x70: {  	_ =	swait.ge [sflag:s15], $0x3E80  }
0x71: {  	[sflag:s15] =	ssyncset.done $0x0  }
0x72: {  	s29 =	simm.s32 $0x180;
	s28 =	simm.s32 $0x400;
	[sflag:s15] =	ssyncadd.s32 $0xFFFFC180  }
.LBB2_4:
0x73: {  	[tilespmem:s21], [sflag:$0x2] =	stream.indirect.gather [hbm4b:s3+s18], $0x80, s29, s18, $0xb8;
	[tilespmem:$0x1DD80] =	vst v63  }
0x74: {  	s29 =	smov.u32 s28  }
0x75: {  	p1 =	sne.s32 s28, $0x4800;
	s28 =	sadd.s32 $0x400, s28;
	_ =	swait.ge [sflag:s22], $0x3E80  }
0x76: {  	s29 =	sshra.s32 s29, $0x2;
	[sflag:s22] =	ssyncset.done $0x0  }
0x77: {  	s30 =	sadd.s32 $0x1400, s29;
	[sflag:s22] =	ssyncadd.s32 $0xFFFFC180  }
0x78: {  	[spmem:s1] =	stream.indirect.scatter.add.f32 [tilespmem:s19], [sflag:$0x3], $0x80, s30, s18, $0xb8;
	[tilespmem:$0x1DD80] =	vst v63  }
0x79: {  	_ =	swait.ge [sflag:s15], $0x3E80  }
0x7a: {  	[sflag:s15] =	ssyncset.done $0x0  }
0x7b: {  	s30 =	sadd.s32 $0x100, s29;
	[sflag:s15] =	ssyncadd.s32 $0xFFFFC180  }
0x7c: {  	[tilespmem:s19], [sflag:$0x1] =	stream.indirect.gather [hbm4b:s3+s18], $0x80, s30, s18, $0xb8;
	[tilespmem:$0x1DD80] =	vst v63  }
0x7d: {  	_ =	swait.ge [sflag:s23], $0x3E80  }
0x7e: {  	[sflag:s23] =	ssyncset.done $0x0  }
.Ltmp1:
0x7f: {  	s30 =	sadd.s32 $0x1480, s29;
	[sflag:s23] =	ssyncadd.s32 $0xFFFFC180;
	(pc) =	sbr.rel @p1 .LBB2_4-.Ltmp1, $4  }
0x80: {  	[spmem:s1] =	stream.indirect.scatter.add.f32 [tilespmem:s21], [sflag:$0x3], $0x80, s30, s18, $0xb8;
	[tilespmem:$0x1DD80] =	vst v63  }
0x81: {  	_ =	swait.ge [sflag:s15], $0x3E80  }
0x82: {  	[sflag:s15] =	ssyncset.done $0x0  }
0x83: {  	s29 =	sadd.s32 $0x180, s29;
	[sflag:s15] =	ssyncadd.s32 $0xFFFFC180  }
0x84: {  	[tilespmem:s21], [sflag:$0x2] =	stream.indirect.gather [hbm4b:s3+s18], $0x80, s29, s18, $0xb8;
	[tilespmem:$0x1DD80] =	vst v63  }
0x85: {  	_ =	swait.ge [sflag:s22], $0x3E80  }
0x86: {  	[sflag:s22] =	ssyncset.done $0x0  }
0x87: {  	[sflag:s22] =	ssyncadd.s32 $0xFFFFC180  }
0x88: {  	[spmem:s1] =	stream.indirect.scatter.add.f32 [tilespmem:s19], [sflag:$0x3], $0x80, s24, s18, $0xb8;
	[tilespmem:$0x1DD80] =	vst v63  }
0x89: {  	_ =	swait.ge [sflag:s15], $0x3E80  }
0x8a: {  	[sflag:s15] =	ssyncset.done $0x0  }
0x8b: {  	[sflag:s15] =	ssyncadd.s32 $0xFFFFC180  }
0x8c: {  	_ =	swait.ge [sflag:s23], $0x3E80  }
0x8d: {  	[sflag:s23] =	ssyncset.done $0x0  }
0x8e: {  	[sflag:s23] =	ssyncadd.s32 $0xFFFFC180  }
0x8f: {  	[spmem:s1] =	stream.indirect.scatter.add.f32 [tilespmem:s21], [sflag:$0x3], $0x80, s25, s18, $0xb8;
	[tilespmem:$0x1DD80] =	vst v63  }
0x90: {  	_ =	swait.ge [sflag:s15], $0x3E80  }
0x91: {  	[sflag:s15] =	ssyncset.done $0x0  }
0x92: {  	[sflag:s15] =	ssyncadd.s32 $0xFFFFC180  }
0x93: {  	[bflag:$0x0] =	sbarrier.arrive $0xFFFF  }
0x94: {  	[hbm:s11], [sflag:s5] =	dma.local [spmem:s14], $0x2700  }
0x95: {  	s26 =	sadd.s32 $0x1, s26;
	_ =	swait.ge [sflag:s15], $0x2700  }
0x96: {  	p1 =	sne.s32 s26, s13;
	[sflag:s15] =	ssyncset.done $0x0  }
.Ltmp2:
0x97: {  	s28 =	simm.s32 @!p0 $0x3;
	[sflag:s15] =	ssyncadd.s32 $0xFFFFD900;
	(pc) =	sbr.rel @p1 .LBB2_1-.Ltmp2, $4  }
0x98: {  	[hbm:s12], [sflag:s5] =	dma.local @!p0 [spmem:s16], $0x100  }
0x99: {  	_ =	swait.ge @!p0 [sflag:s28], $0x100  }
0x9a: {  	[sflag:s28] =	ssyncset.done @!p0 $0x0  }
0x9b: {  	[sflag:s28] =	ssyncadd.s32 @!p0 $0xFFFFFF00  }
0x9c: {  	_ =	sfence.sel $0x180000  }
0x9d: {  	[bflag:$0x0] =	sbarrier.arrive $0xFFFF  }
0x9e: {  	_ =	strace $0x9000004A  }
0x9f: {  	s0 =	sadd.s32 @!p0 $0x100000, s0;
	[bflag:$0x2] =	sbarrier.arrive $0xFFFF  }
0xa0: {  	[sflag:s0] =	ssyncadd.tile.s32 @!p0 $0x1;
	_ =	shalt  }
.Lfunc_end2:
_tile_overlayer_lowered:
.L_overlay_start_2:
0xa1: {  	(tag) =	ssettag $0x2  }
0xa2: {  	s0 =	rddreg [dreg:$0x0];
	s2 =	stileid.u32  }
0xa3: {  	s1 =	rddreg [dreg:$0x1];
	p0 =	sne.s32 s2, $0x0  }
0xa4: {  	s3 =	rddreg [dreg:$0x2];
	[bflag:$0x3] =	sbarrier.arrive $0xFFFF;
	s2 =	simm.s32 @!p0 $0x1C03  }
0xa5: {  	[timem:s3], [sflag:s2] =	dma.local @!p0 [hbm:s0], s1  }
0xa6: {  	s0 =	simm.s32 @!p0 $0x3  }
0xa7: {  	_ =	swait.ge @!p0 [sflag:s0], s1  }
0xa8: {  	s1 =	ssub.s32 @!p0 $0x0, s1;
	[sflag:s0] =	ssyncset.done @!p0 $0x0  }
0xa9: {  	[sflag:s0] =	ssyncadd.s32 @!p0 s1  }
0xaa: {  	[bflag:$0x3] =	sbarrier.arrive $0xFFFF  }
0xab: {  	_ =	shalt  }

// kernel: kernel.18.cloned.1.call-start
scs
__scs_entry_jumppad:
0x0: {  	(pc) =	sbr.rel $0x88, $3  }
0x1: {  	(tag) =	ssettag $0x0;
	lr =	simm.s32 $0x1  }
0x2: {  	[smem:$0x3F9B] =	sst lr;
	_ =	strace $0xD0000000  }
0x3: {  	_ = 	snop  }
0x4: {  	_ = 	snop  }
0x5: {  	_ = 	snop  }
0x6: {  	_ = 	snop  }
0x7: {  	_ = 	snop  }
__scs_overlays_trampoline_lowered:
0x8: {  	[smem:$0x3FAA] =	sst s0  }
0x9: {  	[smem:$0x3FAB] =	sst s1  }
0xa: {  	[smem:$0x3FAC] =	sst s2  }
0xb: {  	[smem:$0x3FAD] =	sst s3  }
0xc: {  	[smem:$0x3FAE] =	sst s4  }
0xd: {  	[smem:$0x3FAF] =	sst s5  }
0xe: {  	[smem:$0x3FB0] =	sst s6  }
0xf: {  	[smem:$0x3FB1] =	sst s7  }
0x10: {  	[smem:$0x3FB2] =	sst s8  }
0x11: {  	[smem:$0x3FB3] =	sst s9;
	s0 =	simm.s32 @!p0 $0x0  }
0x12: {  	s1 =	sld [smem:$0x3F99];
	s0 =	simm.s32 @p0 $0x1  }
0x13: {  	[smem:$0x3FB4] =	sst s0;
	s0 =	simm.s32 @!p1 $0x0  }
0x14: {  	s2 =	sld [smem:$0x3F98];
	s0 =	simm.s32 @p1 $0x1  }
0x15: {  	[smem:$0x3FB5] =	sst s0;
	s0 =	simm.s32 @!p2 $0x0  }
0x16: {  	s3 =	sld [smem:$0x3FDB];
	s0 =	simm.s32 @p2 $0x1  }
0x17: {  	s4 =	simm.s32 $0x1BF5;
	[smem:$0x3FB7] =	sst s0  }
0x18: {  	s0 =	sld [smem:$0x3F9A];
	_ =	swait.ge [sflag:s4], $0x0  }
0x19: {  	s7 =	sld [smem:$0x3F9B]  }
0x1a: {  	s8 =	sadd.s32 $0xFFFFE003, lr  }
0x1b: {  	s9 =	sadd.s32 $0xFFFFFEF7, lr;
	s5 =	simm.s32 $0xFFFFFFFF;
	p2 =	slt.u32 s8, $0xFFFFF086  }
0x1c: {  	p1 =	slt.u32 s9, $0xF7A;
	s5 =	simm.s32 @!p2 $0x0  }
0x1d: {  	s5 =	simm.s32 @p1 $0x1;
	p0 =	seq.s32 s7, s2  }
0x1e: {  	s7 =	smul.u32 @!p0 $0xF7A, s2;
	p2 =	seq.s32 @!p0 s5, $0x0  }
0x1f: {  	s9 =	smul.u32 $0xF7A, s1;
	s8 =	simm.s32 @!p0 $0x1BF5;
	p2 =	por !p2, p0  }
0x20: {  	[sflag:s8] =	ssyncset.s32 @!p0 $0xFFFFF086;
	s6 =	sadd.s32 @!p0 s3, s7;
	s7 =	simm.s32 @!p0 $0x108  }
0x21: {  	s3 =	sadd.s32 s3, s9;
	s6 =	sadd.s32 @!p0 $0x88, s6;
	s7 =	simm.s32 @p2 $0x1082  }
0x22: {  	[simem:s7], [sflag:s8] =	dma.local @!p0 [hbm:s6], $0xF7A  }
0x23: {  	s9 =	sor.u32 $0xD0000000, s2;
	s6 =	simm.s32 $0x108;
	_ =	swait.ge @!p0 [sflag:s8], $0x0  }
0x24: {  	s3 =	sadd.s32 $0x88, s3;
	s6 =	simm.s32 @!p1 $0x1082;
	[sflag:s4] =	ssyncset.s32 $0xFFFFF086  }
0x25: {  	[simem:s6], [sflag:s4] =	dma.local [hbm:s3], $0xF7A  }
0x26: {  	[smem:$0x3F9B] =	sst s1;
	(tag) =	ssettag s2;
	_ =	strace s9  }
0x27: {  	s1 =	sld [smem:$0x3FAB]  }
0x28: {  	s2 =	sld [smem:$0x3FAC]  }
0x29: {  	s4 =	sld [smem:$0x3FAE]  }
0x2a: {  	p0 =	seq.s32 s5, $0x0;
	s5 =	sld [smem:$0x3FAF]  }
0x2b: {  	s6 =	sld [smem:$0x3FB0]  }
0x2c: {  	s7 =	sld [smem:$0x3FB1]  }
0x2d: {  	s3 =	simm.s32 $0x108;
	s8 =	sld [smem:$0x3FB2]  }
0x2e: {  	s3 =	simm.s32 @!p0 $0x1082;
	s9 =	sld [smem:$0x3FB3]  }
0x2f: {  	lr =	sadd.s32 s0, s3;
	s0 =	sld [smem:$0x3FAA]  }
0x30: {  	s3 =	sld [smem:$0x3FAD]  }
0x31: {  	[smem:$0x3FB6] =	sst s10  }
0x32: {  	s10 =	sld [smem:$0x3FB4];
	_ =	sdelay $0x3  }
0x33: {  	p0 =	seq.s32 s10, $0x1;
	s10 =	sld [smem:$0x3FB6];
	_ =	sdelay $0x3  }
0x34: {  	[smem:$0x3FB6] =	sst s10  }
0x35: {  	s10 =	sld [smem:$0x3FB5];
	_ =	sdelay $0x3  }
0x36: {  	p1 =	seq.s32 s10, $0x1;
	s10 =	sld [smem:$0x3FB6];
	_ =	sdelay $0x3  }
0x37: {  	[smem:$0x3FB6] =	sst s10  }
0x38: {  	s10 =	sld [smem:$0x3FB7]  }
0x39: {  	_ = 	snop;
	(pc) =	sbr.ind lr, $3  }
0x3a: {  	_ = 	snop  }
0x3b: {  	_ = 	snop  }
0x3c: {  	p2 =	seq.s32 s10, $0x1;
	s10 =	sld [smem:$0x3FB6]  }
0x3d: {  	_ =	shalt  }
0x3e: {  	_ =	shalt  }
0x3f: {  	_ =	shalt  }
0x40: {  	_ =	shalt  }
0x41: {  	_ =	shalt  }
0x42: {  	_ =	shalt  }
0x43: {  	_ =	shalt  }
0x44: {  	_ =	shalt  }
0x45: {  	_ =	shalt  }
0x46: {  	_ =	shalt  }
0x47: {  	_ =	shalt  }
0x48: {  	_ =	shalt  }
0x49: {  	_ =	shalt  }
0x4a: {  	_ =	shalt  }
0x4b: {  	_ =	shalt  }
0x4c: {  	_ =	shalt  }
0x4d: {  	_ =	shalt  }
0x4e: {  	_ =	shalt  }
0x4f: {  	_ =	shalt  }
0x50: {  	_ =	shalt  }
0x51: {  	_ =	shalt  }
0x52: {  	_ =	shalt  }
0x53: {  	_ =	shalt  }
0x54: {  	_ =	shalt  }
0x55: {  	_ =	shalt  }
0x56: {  	_ =	shalt  }
0x57: {  	_ =	shalt  }
0x58: {  	_ =	shalt  }
0x59: {  	_ =	shalt  }
0x5a: {  	_ =	shalt  }
0x5b: {  	_ =	shalt  }
0x5c: {  	_ =	shalt  }
0x5d: {  	_ =	shalt  }
0x5e: {  	_ =	shalt  }
0x5f: {  	_ =	shalt  }
0x60: {  	_ =	shalt  }
0x61: {  	_ =	shalt  }
0x62: {  	_ =	shalt  }
0x63: {  	_ =	shalt  }
0x64: {  	_ =	shalt  }
0x65: {  	_ =	shalt  }
0x66: {  	_ =	shalt  }
0x67: {  	_ =	shalt  }
0x68: {  	_ =	shalt  }
0x69: {  	_ =	shalt  }
0x6a: {  	_ =	shalt  }
0x6b: {  	_ =	shalt  }
0x6c: {  	_ =	shalt  }
0x6d: {  	_ =	shalt  }
0x6e: {  	_ =	shalt  }
0x6f: {  	_ =	shalt  }
0x70: {  	_ =	shalt  }
0x71: {  	_ =	shalt  }
0x72: {  	_ =	shalt  }
0x73: {  	_ =	shalt  }
0x74: {  	_ =	shalt  }
0x75: {  	_ =	shalt  }
0x76: {  	_ =	shalt  }
0x77: {  	_ =	shalt  }
0x78: {  	_ =	shalt  }
0x79: {  	_ =	shalt  }
0x7a: {  	_ =	shalt  }
0x7b: {  	_ =	shalt  }
0x7c: {  	_ =	shalt  }
0x7d: {  	_ =	shalt  }
0x7e: {  	_ =	shalt  }
0x7f: {  	_ =	shalt  }
0x80: {  	_ =	shalt  }
0x81: {  	_ =	shalt  }
0x82: {  	_ =	shalt  }
0x83: {  	_ =	shalt  }
0x84: {  	_ =	shalt  }
0x85: {  	_ =	shalt  }
0x86: {  	_ =	shalt  }
0x87: {  	_ =	shalt  }
.Lfunc_end0:
.L_simem_size_0:
called_computation.2_lowered:
.L_overlay_start_0:
0x88: {  	s2 =	sld [smem:$0x3FD9]  }
0x89: {  	s3 =	sld [smem:$0x3FFE];
	_ =	sdelay $0x1  }
0x8a: {  	s1 =	srdreg.scid  }
0x8b: {  	s0 =	sand.u32 $0x1, s1  }
0x8c: {  	s17 =	sshll.u32 s0, $0xA;
	s2 =	sadd.s32 s3, s2  }
0x8d: {  	s2 =	sadd.s32 s2, s17  }
0x8e: {  	[smem:$0x3FC2] =	sst s2  }
0x8f: {  	_ = 	snop  }
0x90: {  	s2 =	sld [smem:$0x3FD0];
	(tm) =	ssettm $0x1  }
0x91: {  	s18 =	sld [smem:$0x3FFB];
	_ =	sdelay $0x3  }
0x92: {  	_ =	strace s18  }
0x93: {  	s3 =	sld [smem:$0x3FFC];
	_ =	sdelay $0x3  }
0x94: {  	_ =	strace s3  }
0x95: {  	s3 =	sld [smem:$0x3FFD];
	_ =	sdelay $0x3  }
0x96: {  	_ =	strace s3  }
0x97: {  	_ =	strace $0x8FFFFFFF  }
0x98: {  	s19 =	sld [smem:$0x3FDB];
	_ =	sdelay $0x1  }
0x99: {  	s4 =	simm.s32 $_scs_section_size  }
0x9a: {  	s5 =	simm.s32 $_size__tile_overlayer_lowered;
	s6 =	simm.s32 $_tile_overlayer_lowered  }
0x9b: {  	s22 =	simm.s32 $0x1BFF;
	s21 =	sshll.u32 s6, $0x1;
	s3 =	sadd.s32 s4, s19  }
0x9c: {  	s7 =	simm.s32 $0x0;
	s20 =	sshll.u32 s5, $0x1;
	s5 =	sadd.s32 s21, s3  }
0x9d: {  	[timem:s7], [sflag:s22] =	dma.local [hbm:s5], s20  }
0x9e: {  	_ =	swait.ge [sflag:s22], s20  }
0x9f: {  	s4 =	ssub.s32 $0x0, s20;
	[sflag:s22] =	ssyncset.done $0x0  }
0xa0: {  	[sflag:s22] =	ssyncadd.s32 s4;
	_ =	sdelay $0x1  }
0xa1: {  	s23 =	simm.s32 $0x1B8B  }
0xa2: {  	_ =	swait.ge [sflag:s23], $0x1  }
0xa3: {  	[sflag:s23] =	ssyncset.done $0x0  }
0xa4: {  	s25 =	simm.s32 $0x1B8E;
	s24 =	sld [smem:$0x3FFE];
	[sflag:s23] =	ssyncadd.s32 $0xFFFFFFFF  }
0xa5: {  	s26 =	simm.s32 $execute0_lowered;
	[smem:$0x3FD2] =	sst s25  }
0xa6: {  	s5 =	sshll.u32 s26, $0x1;
	_ =	strace $0x8000004C;
	[dreg:$0x1] =	wrdreg $0xFFFFFFFF  }
0xa7: {  	s28 =	simm.s32 $_size_execute0_lowered;
	s3 =	sadd.s32 s3, s5;
	[dreg:$0x0] =	wrdreg $0x0  }
0xa8: {  	s5 =	sshll.u32 s28, $0x1;
	[dreg:$0x2] =	wrdreg s3  }
0xa9: {  	[dreg:$0x3] =	wrdreg s5  }
0xaa: {  	[dreg:$0x4] =	wrdreg $0xC0  }
0xab: {  	_ =	task [dreg:s7], $0x5FFFF  }
0xac: {  	[dreg:$0x1] =	wrdreg $0xFFFFFFFF  }
0xad: {  	[dreg:$0x0] =	wrdreg $0x60  }
0xae: {  	[dreg:$0x2] =	wrdreg s24  }
0xaf: {  	[dreg:$0x3] =	wrdreg s2  }
0xb0: {  	[dreg:$0x4] =	wrdreg $0xA5000  }
0xb1: {  	[dreg:$0x5] =	wrdreg $0x9  }
0xb2: {  	_ =	task.clear_ibuf [dreg:s7], $0x6FFFF;
	_ =	strace $0x9000004C  }
0xb3: {  	s29 =	simm.s32 $0x9;
	_ =	strace $0x8000004E  }
0xb4: {  	_ =	swait.ge [sflag:s29], $0x1  }
0xb5: {  	[sflag:s29] =	ssyncadd.s32 $0xFFFFFFFF  }
0xb6: {  	_ =	strace $0x9000004E  }
0xb7: {  	_ =	sfence  }
0xb8: {  	s30 =	sld [smem:$0x0];
	_ =	sdelay $0x2  }
0xb9: {  	s31 =	sshll.u32 s1, $0xD;
	s1 =	sshrl.u32 s1, $0x2  }
0xba: {  	s3 =	sand.u32 $0x4000, s31;
	s1 =	sadd.s32 s1, s30  }
0xbb: {  	s0 =	sor.u32 s3, s0;
	s1 =	sshll.u32 s1, $0x11  }
0xbc: {  	s0 =	sor.u32 s1, s0  }
0xbd: {  	s0 =	sadd.s32 $0x8F2B, s0  }
0xbe: {  	[sflag:s0] =	ssyncadd.remote.s32 $0x1  }
0xbf: {  	_ =	sfence.sel $0xFFFF  }
0xc0: {  	[dreg:$0x0] =	wrdreg $0xFFFFFFFF;
	(pc) =	sbr.abs _section_cstart, $3  }
0xc1: {  	[dreg:$0x1] =	wrdreg $0xFFFFFFFF  }
0xc2: {  	_ =	task.clear_ibuf [dreg:s7], $0x2FFFF;
	_ =	strace $0x9FFFFFFF  }
0xc3: {  	(tm) =	ssettm $0x7FFFFFFF  }
tec
execute0_lowered:
.L_overlay_start_1:
0x0: {  	(tag) =	ssettag $0x1  }
0x1: {  	s6 =	rddreg [dreg:$0x0]  }
0x2: {  	s10 =	rddreg [dreg:$0x1]  }
0x3: {  	s1 =	rddreg [dreg:$0x2]  }
0x4: {  	s0 =	rddreg [dreg:$0x3];
	s2 =	simm.s32 $0x0  }
0x5: {  	s14 =	stileid.u32;
	s4 =	srdreg.scid;
	s20 =	simm.s32 $0x80  }
0x6: {  	s21 =	simm.s32 $0x6680;
	s22 =	simm.s32 $0x1;
	s23 =	simm.s32 $0x2  }
0x7: {  	s24 =	simm.s32 $0x2700;
	s25 =	simm.s32 $0x2780;
	s26 =	simm.s32 $0x0  }
0x8: {  	[smem:$0x7FF] =	sst s2;
	s9 =	smul.u32 $0x13800, s14;
	s3 =	sadd.s32 $0xCC00, s6  }
0x9: {  	s11 =	sadd.s32 $0x2C00, s6;
	s7 =	sand.u32 $0x1, s4;
	s12 =	sadd.s32 $0x5B000, s6  }
0xa: {  	s30 =	sshll.u32 s14, $0x6;
	s16 =	sadd.s32 $0x138000, s1;
	p0 =	sne.s32 s14, $0x0  }
0xb: {  	_ =	strace $0x8000004D;
	s29 =	ssub.s32 $0x2, s7;
	s8 =	sshll.u32 s7, $0x4  }
0xc: {  	s18 =	smul.u32 $0x138800, s7;
	s16 =	sshrl.u32 @!p0 s16, $0x3;
	s5 =	sshrl.u32 s9, $0x3  }
0xd: {  	s13 =	sshrl.u32 s29, $0x1;
	s8 =	sor.u32 s14, s8;
	s15 =	sadd.s32 s9, s1  }
0xe: {  	s28 =	sadd.s32 s5, s6;
	s13 =	ssub.s32 s29, s13;
	s8 =	smul.u32 $0x2800, s8  }
0xf: {  	s5 =	sor.u32 $0x1C03, s30;
	s6 =	sadd.s32 $0x5AE00, s6;
	s19 =	sadd.s32 s9, s18  }
0x10: {  	s18 =	sshrl.u32 s18, $0x3;
	s14 =	sshrl.u32 s15, $0x3;
	s15 =	simm.s32 $0x3  }
0x11: {  	s4 =	sadd.s32 $0x33E00, s28;
	s31 =	sshrl.u32 s19, $0x3;
	s18 =	sadd.s32 s12, s18  }
0x12: {  	s13 =	smax.u32 s13, $0x1;
	s19 =	simm.s32 $0x2800;
	s17 =	sshrl.u32 s8, $0x3  }
0x13: {  	s7 =	sadd.s32 s11, s17;
	s8 =	sadd.s32 s10, s17;
	s17 =	sadd.s32 $0x280, s17  }
0x14: {  	s9 =	sadd.s32 s11, s17;
	s10 =	sadd.s32 s10, s17;
	s11 =	sadd.s32 s12, s31  }
0x15: {  	s12 =	sadd.s32 $0x27000, s18;
	s17 =	simm.s32 $0x1400;
	s18 =	simm.s32 $0x7D  }
.LBB2_1:
0x16: {  	[spmem:s14], [sflag:s5] =	dma.local [hbm:s4], $0x2700  }
0x17: {  	_ =	swait.ge [sflag:s15], $0x2700  }
0x18: {  	[sflag:s15] =	ssyncset.done $0x0  }
0x19: {  	s28 =	simm.s32 @!p0 $0x3;
	[sflag:s15] =	ssyncadd.s32 $0xFFFFD900  }
0x1a: {  	[spmem:s16], [sflag:s5] =	dma.local @!p0 [hbm:s6], $0x100  }
0x1b: {  	_ =	swait.ge @!p0 [sflag:s28], $0x100  }
0x1c: {  	[sflag:s28] =	ssyncset.done @!p0 $0x0  }
0x1d: {  	[sflag:s28] =	ssyncadd.s32 @!p0 $0xFFFFFF00  }
0x1e: {  	[bflag:$0x0] =	sbarrier.arrive $0xFFFF  }
0x1f: {  	[tilespmem:s2], [sflag:$0x3] =	stream.linear.gather [hbm4b:s7+s2], $0x1400, $0x38;
	[tilespmem:$0x1DD80] =	vst v63  }
0x20: {  	_ =	swait.ge [sflag:s15], $0x1400  }
0x21: {  	[sflag:s15] =	ssyncset.done $0x0  }
0x22: {  	[sflag:s15] =	ssyncadd.s32 $0xFFFFEC00  }
0x23: {  	[tilespmem:s17], [sflag:$0x3] =	stream.linear.gather [hbm4b:s8+s2], $0x1400, $0x38;
	[tilespmem:$0x1DD80] =	vst v63  }
0x24: {  	_ =	swait.ge [sflag:s15], $0x1400  }
0x25: {  	[sflag:s15] =	ssyncset.done $0x0  }
0x26: {  	[sflag:s15] =	ssyncadd.s32 $0xFFFFEC00  }
0x27: {  	[tilespmem:s19], [sflag:$0x1] =	stream.indirect.gather [hbm4b:s3+s18], $0x80, s2, s18, $0xb8;
	[tilespmem:$0x1DD80] =	vst v63  }
0x28: {  	_ = 	snop  }
0x29: {  	[tilespmem:s21], [sflag:$0x2] =	stream.indirect.gather [hbm4b:s3+s18], $0x80, s20, s18, $0xb8;
	[tilespmem:$0x1DD80] =	vst v63  }
0x2a: {  	_ =	swait.ge [sflag:s22], $0x3E80  }
0x2b: {  	[sflag:s22] =	ssyncset.done $0x0  }
0x2c: {  	s28 =	simm.s32 $0x1400;
	[sflag:s22] =	ssyncadd.s32 $0xFFFFC180  }
0x2d: {  	[spmem:s1] =	stream.indirect.scatter.add.f32 [tilespmem:s19], [sflag:$0x3], $0x80, s28, s18, $0xb8;
	[tilespmem:$0x1DD80] =	vst v63  }
0x2e: {  	_ =	swait.ge [sflag:s15], $0x3E80  }
0x2f: {  	[sflag:s15] =	ssyncset.done $0x0  }
0x30: {  	s28 =	simm.s32 $0x100;
	[sflag:s15] =	ssyncadd.s32 $0xFFFFC180  }
0x31: {  	[tilespmem:s19], [sflag:$0x1] =	stream.indirect.gather [hbm4b:s3+s18], $0x80, s28, s18, $0xb8;
	[tilespmem:$0x1DD80] =	vst v63  }
0x32: {  	_ =	swait.ge [sflag:s23], $0x3E80  }
0x33: {  	[sflag:s23] =	ssyncset.done $0x0  }
0x34: {  	s28 =	simm.s32 $0x1480;
	[sflag:s23] =	ssyncadd.s32 $0xFFFFC180  }
0x35: {  	[spmem:s1] =	stream.indirect.scatter.add.f32 [tilespmem:s21], [sflag:$0x3], $0x80, s28, s18, $0xb8;
	[tilespmem:$0x1DD80] =	vst v63  }
0x36: {  	_ =	swait.ge [sflag:s15], $0x3E80  }
0x37: {  	[sflag:s15] =	ssyncset.done $0x0  }
0x38: {  	s29 =	simm.s32 $0x180;
	s28 =	simm.s32 $0x400;
	[sflag:s15] =	ssyncadd.s32 $0xFFFFC180  }
.LBB2_2:
0x39: {  	[tilespmem:s21], [sflag:$0x2] =	stream.indirect.gather [hbm4b:s3+s18], $0x80, s29, s18, $0xb8;
	[tilespmem:$0x1DD80] =	vst v63  }
0x3a: {  	s29 =	smov.u32 s28  }
0x3b: {  	p1 =	sne.s32 s28, $0x4800;
	s28 =	sadd.s32 $0x400, s28;
	_ =	swait.ge [sflag:s22], $0x3E80  }
0x3c: {  	s29 =	sshra.s32 s29, $0x2;
	[sflag:s22] =	ssyncset.done $0x0  }
0x3d: {  	s30 =	sadd.s32 $0x1400, s29;
	[sflag:s22] =	ssyncadd.s32 $0xFFFFC180  }
0x3e: {  	[spmem:s1] =	stream.indirect.scatter.add.f32 [tilespmem:s19], [sflag:$0x3], $0x80, s30, s18, $0xb8;
	[tilespmem:$0x1DD80] =	vst v63  }
0x3f: {  	_ =	swait.ge [sflag:s15], $0x3E80  }
0x40: {  	[sflag:s15] =	ssyncset.done $0x0  }
0x41: {  	s30 =	sadd.s32 $0x100, s29;
	[sflag:s15] =	ssyncadd.s32 $0xFFFFC180  }
0x42: {  	[tilespmem:s19], [sflag:$0x1] =	stream.indirect.gather [hbm4b:s3+s18], $0x80, s30, s18, $0xb8;
	[tilespmem:$0x1DD80] =	vst v63  }
0x43: {  	_ =	swait.ge [sflag:s23], $0x3E80  }
0x44: {  	[sflag:s23] =	ssyncset.done $0x0  }
.Ltmp0:
0x45: {  	s30 =	sadd.s32 $0x1480, s29;
	[sflag:s23] =	ssyncadd.s32 $0xFFFFC180;
	(pc) =	sbr.rel @p1 .LBB2_2-.Ltmp0, $4  }
0x46: {  	[spmem:s1] =	stream.indirect.scatter.add.f32 [tilespmem:s21], [sflag:$0x3], $0x80, s30, s18, $0xb8;
	[tilespmem:$0x1DD80] =	vst v63  }
0x47: {  	_ =	swait.ge [sflag:s15], $0x3E80  }
0x48: {  	[sflag:s15] =	ssyncset.done $0x0  }
0x49: {  	s29 =	sadd.s32 $0x180, s29;
	[sflag:s15] =	ssyncadd.s32 $0xFFFFC180  }
0x4a: {  	[tilespmem:s21], [sflag:$0x2] =	stream.indirect.gather [hbm4b:s3+s18], $0x80, s29, s18, $0xb8;
	[tilespmem:$0x1DD80] =	vst v63  }
0x4b: {  	_ =	swait.ge [sflag:s22], $0x3E80  }
0x4c: {  	[sflag:s22] =	ssyncset.done $0x0  }
0x4d: {  	[sflag:s22] =	ssyncadd.s32 $0xFFFFC180  }
0x4e: {  	[spmem:s1] =	stream.indirect.scatter.add.f32 [tilespmem:s19], [sflag:$0x3], $0x80, s24, s18, $0xb8;
	[tilespmem:$0x1DD80] =	vst v63  }
0x4f: {  	_ =	swait.ge [sflag:s15], $0x3E80  }
0x50: {  	[sflag:s15] =	ssyncset.done $0x0  }
0x51: {  	[sflag:s15] =	ssyncadd.s32 $0xFFFFC180  }
0x52: {  	_ =	swait.ge [sflag:s23], $0x3E80  }
0x53: {  	[sflag:s23] =	ssyncset.done $0x0  }
0x54: {  	[sflag:s23] =	ssyncadd.s32 $0xFFFFC180  }
0x55: {  	[spmem:s1] =	stream.indirect.scatter.add.f32 [tilespmem:s21], [sflag:$0x3], $0x80, s25, s18, $0xb8;
	[tilespmem:$0x1DD80] =	vst v63  }
0x56: {  	_ =	swait.ge [sflag:s15], $0x3E80  }
0x57: {  	[sflag:s15] =	ssyncset.done $0x0  }
0x58: {  	s28 =	simm.s32 $0x0;
	[sflag:s15] =	ssyncadd.s32 $0xFFFFC180  }
0x59: {  	[tilespmem:s28], [sflag:$0x3] =	stream.linear.gather [hbm4b:s9+s28], $0x1400, $0x38;
	[tilespmem:$0x1DD80] =	vst v63  }
0x5a: {  	_ =	swait.ge [sflag:s15], $0x1400  }
0x5b: {  	[sflag:s15] =	ssyncset.done $0x0  }
0x5c: {  	[sflag:s15] =	ssyncadd.s32 $0xFFFFEC00  }
0x5d: {  	[tilespmem:s17], [sflag:$0x3] =	stream.linear.gather [hbm4b:s10+s28], $0x1400, $0x38;
	[tilespmem:$0x1DD80] =	vst v63  }
0x5e: {  	_ =	swait.ge [sflag:s15], $0x1400  }
0x5f: {  	[sflag:s15] =	ssyncset.done $0x0  }
0x60: {  	[sflag:s15] =	ssyncadd.s32 $0xFFFFEC00  }
0x61: {  	[tilespmem:s19], [sflag:$0x1] =	stream.indirect.gather [hbm4b:s3+s18], $0x80, s28, s18, $0xb8;
	[tilespmem:$0x1DD80] =	vst v63  }
0x62: {  	_ = 	snop  }
0x63: {  	[tilespmem:s21], [sflag:$0x2] =	stream.indirect.gather [hbm4b:s3+s18], $0x80, s20, s18, $0xb8;
	[tilespmem:$0x1DD80] =	vst v63  }
0x64: {  	_ =	swait.ge [sflag:s22], $0x3E80  }
0x65: {  	[sflag:s22] =	ssyncset.done $0x0  }
0x66: {  	s28 =	simm.s32 $0x1400;
	[sflag:s22] =	ssyncadd.s32 $0xFFFFC180  }
0x67: {  	[spmem:s1] =	stream.indirect.scatter.add.f32 [tilespmem:s19], [sflag:$0x3], $0x80, s28, s18, $0xb8;
	[tilespmem:$0x1DD80] =	vst v63  }
0x68: {  	_ =	swait.ge [sflag:s15], $0x3E80  }
0x69: {  	[sflag:s15] =	ssyncset.done $0x0  }
0x6a: {  	s28 =	simm.s32 $0x100;
	[sflag:s15] =	ssyncadd.s32 $0xFFFFC180  }
0x6b: {  	[tilespmem:s19], [sflag:$0x1] =	stream.indirect.gather [hbm4b:s3+s18], $0x80, s28, s18, $0xb8;
	[tilespmem:$0x1DD80] =	vst v63  }
0x6c: {  	_ =	swait.ge [sflag:s23], $0x3E80  }
0x6d: {  	[sflag:s23] =	ssyncset.done $0x0  }
0x6e: {  	s28 =	simm.s32 $0x1480;
	[sflag:s23] =	ssyncadd.s32 $0xFFFFC180  }
0x6f: {  	[spmem:s1] =	stream.indirect.scatter.add.f32 [tilespmem:s21], [sflag:$0x3], $0x80, s28, s18, $0xb8;
	[tilespmem:$0x1DD80] =	vst v63  }
0x70: {  	_ =	swait.ge [sflag:s15], $0x3E80  }
0x71: {  	[sflag:s15] =	ssyncset.done $0x0  }
0x72: {  	s29 =	simm.s32 $0x180;
	s28 =	simm.s32 $0x400;
	[sflag:s15] =	ssyncadd.s32 $0xFFFFC180  }
.LBB2_4:
0x73: {  	[tilespmem:s21], [sflag:$0x2] =	stream.indirect.gather [hbm4b:s3+s18], $0x80, s29, s18, $0xb8;
	[tilespmem:$0x1DD80] =	vst v63  }
0x74: {  	s29 =	smov.u32 s28  }
0x75: {  	p1 =	sne.s32 s28, $0x4800;
	s28 =	sadd.s32 $0x400, s28;
	_ =	swait.ge [sflag:s22], $0x3E80  }
0x76: {  	s29 =	sshra.s32 s29, $0x2;
	[sflag:s22] =	ssyncset.done $0x0  }
0x77: {  	s30 =	sadd.s32 $0x1400, s29;
	[sflag:s22] =	ssyncadd.s32 $0xFFFFC180  }
0x78: {  	[spmem:s1] =	stream.indirect.scatter.add.f32 [tilespmem:s19], [sflag:$0x3], $0x80, s30, s18, $0xb8;
	[tilespmem:$0x1DD80] =	vst v63  }
0x79: {  	_ =	swait.ge [sflag:s15], $0x3E80  }
0x7a: {  	[sflag:s15] =	ssyncset.done $0x0  }
0x7b: {  	s30 =	sadd.s32 $0x100, s29;
	[sflag:s15] =	ssyncadd.s32 $0xFFFFC180  }
0x7c: {  	[tilespmem:s19], [sflag:$0x1] =	stream.indirect.gather [hbm4b:s3+s18], $0x80, s30, s18, $0xb8;
	[tilespmem:$0x1DD80] =	vst v63  }
0x7d: {  	_ =	swait.ge [sflag:s23], $0x3E80  }
0x7e: {  	[sflag:s23] =	ssyncset.done $0x0  }
.Ltmp1:
0x7f: {  	s30 =	sadd.s32 $0x1480, s29;
	[sflag:s23] =	ssyncadd.s32 $0xFFFFC180;
	(pc) =	sbr.rel @p1 .LBB2_4-.Ltmp1, $4  }
0x80: {  	[spmem:s1] =	stream.indirect.scatter.add.f32 [tilespmem:s21], [sflag:$0x3], $0x80, s30, s18, $0xb8;
	[tilespmem:$0x1DD80] =	vst v63  }
0x81: {  	_ =	swait.ge [sflag:s15], $0x3E80  }
0x82: {  	[sflag:s15] =	ssyncset.done $0x0  }
0x83: {  	s29 =	sadd.s32 $0x180, s29;
	[sflag:s15] =	ssyncadd.s32 $0xFFFFC180  }
0x84: {  	[tilespmem:s21], [sflag:$0x2] =	stream.indirect.gather [hbm4b:s3+s18], $0x80, s29, s18, $0xb8;
	[tilespmem:$0x1DD80] =	vst v63  }
0x85: {  	_ =	swait.ge [sflag:s22], $0x3E80  }
0x86: {  	[sflag:s22] =	ssyncset.done $0x0  }
0x87: {  	[sflag:s22] =	ssyncadd.s32 $0xFFFFC180  }
0x88: {  	[spmem:s1] =	stream.indirect.scatter.add.f32 [tilespmem:s19], [sflag:$0x3], $0x80, s24, s18, $0xb8;
	[tilespmem:$0x1DD80] =	vst v63  }
0x89: {  	_ =	swait.ge [sflag:s15], $0x3E80  }
0x8a: {  	[sflag:s15] =	ssyncset.done $0x0  }
0x8b: {  	[sflag:s15] =	ssyncadd.s32 $0xFFFFC180  }
0x8c: {  	_ =	swait.ge [sflag:s23], $0x3E80  }
0x8d: {  	[sflag:s23] =	ssyncset.done $0x0  }
0x8e: {  	[sflag:s23] =	ssyncadd.s32 $0xFFFFC180  }
0x8f: {  	[spmem:s1] =	stream.indirect.scatter.add.f32 [tilespmem:s21], [sflag:$0x3], $0x80, s25, s18, $0xb8;
	[tilespmem:$0x1DD80] =	vst v63  }
0x90: {  	_ =	swait.ge [sflag:s15], $0x3E80  }
0x91: {  	[sflag:s15] =	ssyncset.done $0x0  }
0x92: {  	[sflag:s15] =	ssyncadd.s32 $0xFFFFC180  }
0x93: {  	[bflag:$0x0] =	sbarrier.arrive $0xFFFF  }
0x94: {  	[hbm:s11], [sflag:s5] =	dma.local [spmem:s14], $0x2700  }
0x95: {  	s26 =	sadd.s32 $0x1, s26;
	_ =	swait.ge [sflag:s15], $0x2700  }
0x96: {  	p1 =	sne.s32 s26, s13;
	[sflag:s15] =	ssyncset.done $0x0  }
.Ltmp2:
0x97: {  	s28 =	simm.s32 @!p0 $0x3;
	[sflag:s15] =	ssyncadd.s32 $0xFFFFD900;
	(pc) =	sbr.rel @p1 .LBB2_1-.Ltmp2, $4  }
0x98: {  	[hbm:s12], [sflag:s5] =	dma.local @!p0 [spmem:s16], $0x100  }
0x99: {  	_ =	swait.ge @!p0 [sflag:s28], $0x100  }
0x9a: {  	[sflag:s28] =	ssyncset.done @!p0 $0x0  }
0x9b: {  	[sflag:s28] =	ssyncadd.s32 @!p0 $0xFFFFFF00  }
0x9c: {  	_ =	sfence.sel $0x180000  }
0x9d: {  	[bflag:$0x0] =	sbarrier.arrive $0xFFFF  }
0x9e: {  	_ =	strace $0x9000004D  }
0x9f: {  	s0 =	sadd.s32 @!p0 $0x100000, s0;
	[bflag:$0x2] =	sbarrier.arrive $0xFFFF  }
0xa0: {  	[sflag:s0] =	ssyncadd.tile.s32 @!p0 $0x1;
	_ =	shalt  }
.Lfunc_end2:
_tile_overlayer_lowered:
.L_overlay_start_2:
0xa1: {  	(tag) =	ssettag $0x2  }
0xa2: {  	s0 =	rddreg [dreg:$0x0];
	s2 =	stileid.u32  }
0xa3: {  	s1 =	rddreg [dreg:$0x1];
	p0 =	sne.s32 s2, $0x0  }
0xa4: {  	s3 =	rddreg [dreg:$0x2];
	[bflag:$0x3] =	sbarrier.arrive $0xFFFF;
	s2 =	simm.s32 @!p0 $0x1C03  }
0xa5: {  	[timem:s3], [sflag:s2] =	dma.local @!p0 [hbm:s0], s1  }
0xa6: {  	s0 =	simm.s32 @!p0 $0x3  }
0xa7: {  	_ =	swait.ge @!p0 [sflag:s0], s1  }
0xa8: {  	s1 =	ssub.s32 @!p0 $0x0, s1;
	[sflag:s0] =	ssyncset.done @!p0 $0x0  }
0xa9: {  	[sflag:s0] =	ssyncadd.s32 @!p0 s1  }
0xaa: {  	[bflag:$0x3] =	sbarrier.arrive $0xFFFF  }
0xab: {  	_ =	shalt  }

// kernel: kernel.21.cloned.1.call-start
scs
__scs_entry_jumppad:
0x0: {  	(pc) =	sbr.rel $0x88, $3  }
0x1: {  	(tag) =	ssettag $0x0;
	lr =	simm.s32 $0x1  }
0x2: {  	[smem:$0x3F9B] =	sst lr;
	_ =	strace $0xD0000000  }
0x3: {  	_ = 	snop  }
0x4: {  	_ = 	snop  }
0x5: {  	_ = 	snop  }
0x6: {  	_ = 	snop  }
0x7: {  	_ = 	snop  }
__scs_overlays_trampoline_lowered:
0x8: {  	[smem:$0x3FAA] =	sst s0  }
0x9: {  	[smem:$0x3FAB] =	sst s1  }
0xa: {  	[smem:$0x3FAC] =	sst s2  }
0xb: {  	[smem:$0x3FAD] =	sst s3  }
0xc: {  	[smem:$0x3FAE] =	sst s4  }
0xd: {  	[smem:$0x3FAF] =	sst s5  }
0xe: {  	[smem:$0x3FB0] =	sst s6  }
0xf: {  	[smem:$0x3FB1] =	sst s7  }
0x10: {  	[smem:$0x3FB2] =	sst s8  }
0x11: {  	[smem:$0x3FB3] =	sst s9;
	s0 =	simm.s32 @!p0 $0x0  }
0x12: {  	s1 =	sld [smem:$0x3F99];
	s0 =	simm.s32 @p0 $0x1  }
0x13: {  	[smem:$0x3FB4] =	sst s0;
	s0 =	simm.s32 @!p1 $0x0  }
0x14: {  	s2 =	sld [smem:$0x3F98];
	s0 =	simm.s32 @p1 $0x1  }
0x15: {  	[smem:$0x3FB5] =	sst s0;
	s0 =	simm.s32 @!p2 $0x0  }
0x16: {  	s3 =	sld [smem:$0x3FDB];
	s0 =	simm.s32 @p2 $0x1  }
0x17: {  	s4 =	simm.s32 $0x1BF5;
	[smem:$0x3FB7] =	sst s0  }
0x18: {  	s0 =	sld [smem:$0x3F9A];
	_ =	swait.ge [sflag:s4], $0x0  }
0x19: {  	s7 =	sld [smem:$0x3F9B]  }
0x1a: {  	s8 =	sadd.s32 $0xFFFFE003, lr  }
0x1b: {  	s9 =	sadd.s32 $0xFFFFFEF7, lr;
	s5 =	simm.s32 $0xFFFFFFFF;
	p2 =	slt.u32 s8, $0xFFFFF086  }
0x1c: {  	p1 =	slt.u32 s9, $0xF7A;
	s5 =	simm.s32 @!p2 $0x0  }
0x1d: {  	s5 =	simm.s32 @p1 $0x1;
	p0 =	seq.s32 s7, s2  }
0x1e: {  	s7 =	smul.u32 @!p0 $0xF7A, s2;
	p2 =	seq.s32 @!p0 s5, $0x0  }
0x1f: {  	s9 =	smul.u32 $0xF7A, s1;
	s8 =	simm.s32 @!p0 $0x1BF5;
	p2 =	por !p2, p0  }
0x20: {  	[sflag:s8] =	ssyncset.s32 @!p0 $0xFFFFF086;
	s6 =	sadd.s32 @!p0 s3, s7;
	s7 =	simm.s32 @!p0 $0x108  }
0x21: {  	s3 =	sadd.s32 s3, s9;
	s6 =	sadd.s32 @!p0 $0x88, s6;
	s7 =	simm.s32 @p2 $0x1082  }
0x22: {  	[simem:s7], [sflag:s8] =	dma.local @!p0 [hbm:s6], $0xF7A  }
0x23: {  	s9 =	sor.u32 $0xD0000000, s2;
	s6 =	simm.s32 $0x108;
	_ =	swait.ge @!p0 [sflag:s8], $0x0  }
0x24: {  	s3 =	sadd.s32 $0x88, s3;
	s6 =	simm.s32 @!p1 $0x1082;
	[sflag:s4] =	ssyncset.s32 $0xFFFFF086  }
0x25: {  	[simem:s6], [sflag:s4] =	dma.local [hbm:s3], $0xF7A  }
0x26: {  	[smem:$0x3F9B] =	sst s1;
	(tag) =	ssettag s2;
	_ =	strace s9  }
0x27: {  	s1 =	sld [smem:$0x3FAB]  }
0x28: {  	s2 =	sld [smem:$0x3FAC]  }
0x29: {  	s4 =	sld [smem:$0x3FAE]  }
0x2a: {  	p0 =	seq.s32 s5, $0x0;
	s5 =	sld [smem:$0x3FAF]  }
0x2b: {  	s6 =	sld [smem:$0x3FB0]  }
0x2c: {  	s7 =	sld [smem:$0x3FB1]  }
0x2d: {  	s3 =	simm.s32 $0x108;
	s8 =	sld [smem:$0x3FB2]  }
0x2e: {  	s3 =	simm.s32 @!p0 $0x1082;
	s9 =	sld [smem:$0x3FB3]  }
0x2f: {  	lr =	sadd.s32 s0, s3;
	s0 =	sld [smem:$0x3FAA]  }
0x30: {  	s3 =	sld [smem:$0x3FAD]  }
0x31: {  	[smem:$0x3FB6] =	sst s10  }
0x32: {  	s10 =	sld [smem:$0x3FB4];
	_ =	sdelay $0x3  }
0x33: {  	p0 =	seq.s32 s10, $0x1;
	s10 =	sld [smem:$0x3FB6];
	_ =	sdelay $0x3  }
0x34: {  	[smem:$0x3FB6] =	sst s10  }
0x35: {  	s10 =	sld [smem:$0x3FB5];
	_ =	sdelay $0x3  }
0x36: {  	p1 =	seq.s32 s10, $0x1;
	s10 =	sld [smem:$0x3FB6];
	_ =	sdelay $0x3  }
0x37: {  	[smem:$0x3FB6] =	sst s10  }
0x38: {  	s10 =	sld [smem:$0x3FB7]  }
0x39: {  	_ = 	snop;
	(pc) =	sbr.ind lr, $3  }
0x3a: {  	_ = 	snop  }
0x3b: {  	_ = 	snop  }
0x3c: {  	p2 =	seq.s32 s10, $0x1;
	s10 =	sld [smem:$0x3FB6]  }
0x3d: {  	_ =	shalt  }
0x3e: {  	_ =	shalt  }
0x3f: {  	_ =	shalt  }
0x40: {  	_ =	shalt  }
0x41: {  	_ =	shalt  }
0x42: {  	_ =	shalt  }
0x43: {  	_ =	shalt  }
0x44: {  	_ =	shalt  }
0x45: {  	_ =	shalt  }
0x46: {  	_ =	shalt  }
0x47: {  	_ =	shalt  }
0x48: {  	_ =	shalt  }
0x49: {  	_ =	shalt  }
0x4a: {  	_ =	shalt  }
0x4b: {  	_ =	shalt  }
0x4c: {  	_ =	shalt  }
0x4d: {  	_ =	shalt  }
0x4e: {  	_ =	shalt  }
0x4f: {  	_ =	shalt  }
0x50: {  	_ =	shalt  }
0x51: {  	_ =	shalt  }
0x52: {  	_ =	shalt  }
0x53: {  	_ =	shalt  }
0x54: {  	_ =	shalt  }
0x55: {  	_ =	shalt  }
0x56: {  	_ =	shalt  }
0x57: {  	_ =	shalt  }
0x58: {  	_ =	shalt  }
0x59: {  	_ =	shalt  }
0x5a: {  	_ =	shalt  }
0x5b: {  	_ =	shalt  }
0x5c: {  	_ =	shalt  }
0x5d: {  	_ =	shalt  }
0x5e: {  	_ =	shalt  }
0x5f: {  	_ =	shalt  }
0x60: {  	_ =	shalt  }
0x61: {  	_ =	shalt  }
0x62: {  	_ =	shalt  }
0x63: {  	_ =	shalt  }
0x64: {  	_ =	shalt  }
0x65: {  	_ =	shalt  }
0x66: {  	_ =	shalt  }
0x67: {  	_ =	shalt  }
0x68: {  	_ =	shalt  }
0x69: {  	_ =	shalt  }
0x6a: {  	_ =	shalt  }
0x6b: {  	_ =	shalt  }
0x6c: {  	_ =	shalt  }
0x6d: {  	_ =	shalt  }
0x6e: {  	_ =	shalt  }
0x6f: {  	_ =	shalt  }
0x70: {  	_ =	shalt  }
0x71: {  	_ =	shalt  }
0x72: {  	_ =	shalt  }
0x73: {  	_ =	shalt  }
0x74: {  	_ =	shalt  }
0x75: {  	_ =	shalt  }
0x76: {  	_ =	shalt  }
0x77: {  	_ =	shalt  }
0x78: {  	_ =	shalt  }
0x79: {  	_ =	shalt  }
0x7a: {  	_ =	shalt  }
0x7b: {  	_ =	shalt  }
0x7c: {  	_ =	shalt  }
0x7d: {  	_ =	shalt  }
0x7e: {  	_ =	shalt  }
0x7f: {  	_ =	shalt  }
0x80: {  	_ =	shalt  }
0x81: {  	_ =	shalt  }
0x82: {  	_ =	shalt  }
0x83: {  	_ =	shalt  }
0x84: {  	_ =	shalt  }
0x85: {  	_ =	shalt  }
0x86: {  	_ =	shalt  }
0x87: {  	_ =	shalt  }
.Lfunc_end0:
.L_simem_size_0:
called_computation.3_lowered:
.L_overlay_start_0:
0x88: {  	s2 =	sld [smem:$0x3FD9]  }
0x89: {  	s3 =	sld [smem:$0x3FFE];
	_ =	sdelay $0x1  }
0x8a: {  	s1 =	srdreg.scid  }
0x8b: {  	s0 =	sand.u32 $0x1, s1  }
0x8c: {  	s17 =	sshll.u32 s0, $0xA;
	s2 =	sadd.s32 s3, s2  }
0x8d: {  	s2 =	sadd.s32 s2, s17  }
0x8e: {  	[smem:$0x3FC2] =	sst s2  }
0x8f: {  	_ = 	snop  }
0x90: {  	s2 =	sld [smem:$0x3FD0];
	(tm) =	ssettm $0x1  }
0x91: {  	s18 =	sld [smem:$0x3FFB];
	_ =	sdelay $0x3  }
0x92: {  	_ =	strace s18  }
0x93: {  	s3 =	sld [smem:$0x3FFC];
	_ =	sdelay $0x3  }
0x94: {  	_ =	strace s3  }
0x95: {  	s3 =	sld [smem:$0x3FFD];
	_ =	sdelay $0x3  }
0x96: {  	_ =	strace s3  }
0x97: {  	_ =	strace $0x8FFFFFFF  }
0x98: {  	s19 =	sld [smem:$0x3FDB];
	_ =	sdelay $0x1  }
0x99: {  	s4 =	simm.s32 $_scs_section_size  }
0x9a: {  	s5 =	simm.s32 $_size__tile_overlayer_lowered;
	s6 =	simm.s32 $_tile_overlayer_lowered  }
0x9b: {  	s22 =	simm.s32 $0x1BFF;
	s21 =	sshll.u32 s6, $0x1;
	s3 =	sadd.s32 s4, s19  }
0x9c: {  	s7 =	simm.s32 $0x0;
	s20 =	sshll.u32 s5, $0x1;
	s5 =	sadd.s32 s21, s3  }
0x9d: {  	[timem:s7], [sflag:s22] =	dma.local [hbm:s5], s20  }
0x9e: {  	_ =	swait.ge [sflag:s22], s20  }
0x9f: {  	s4 =	ssub.s32 $0x0, s20;
	[sflag:s22] =	ssyncset.done $0x0  }
0xa0: {  	[sflag:s22] =	ssyncadd.s32 s4;
	_ =	sdelay $0x1  }
0xa1: {  	s23 =	simm.s32 $0x1B8B  }
0xa2: {  	_ =	swait.ge [sflag:s23], $0x1  }
0xa3: {  	[sflag:s23] =	ssyncset.done $0x0  }
0xa4: {  	s25 =	simm.s32 $0x1B8E;
	s24 =	sld [smem:$0x3FFE];
	[sflag:s23] =	ssyncadd.s32 $0xFFFFFFFF  }
0xa5: {  	s26 =	simm.s32 $execute0_lowered;
	[smem:$0x3FD2] =	sst s25  }
0xa6: {  	s5 =	sshll.u32 s26, $0x1;
	_ =	strace $0x8000004F;
	[dreg:$0x1] =	wrdreg $0xFFFFFFFF  }
0xa7: {  	s28 =	simm.s32 $_size_execute0_lowered;
	s3 =	sadd.s32 s3, s5;
	[dreg:$0x0] =	wrdreg $0x0  }
0xa8: {  	s5 =	sshll.u32 s28, $0x1;
	[dreg:$0x2] =	wrdreg s3  }
0xa9: {  	[dreg:$0x3] =	wrdreg s5  }
0xaa: {  	[dreg:$0x4] =	wrdreg $0xC0  }
0xab: {  	_ =	task [dreg:s7], $0x5FFFF  }
0xac: {  	[dreg:$0x1] =	wrdreg $0xFFFFFFFF  }
0xad: {  	[dreg:$0x0] =	wrdreg $0x60  }
0xae: {  	[dreg:$0x2] =	wrdreg s24  }
0xaf: {  	[dreg:$0x3] =	wrdreg s2  }
0xb0: {  	[dreg:$0x4] =	wrdreg $0xADC00  }
0xb1: {  	[dreg:$0x5] =	wrdreg $0x9  }
0xb2: {  	_ =	task.clear_ibuf [dreg:s7], $0x6FFFF;
	_ =	strace $0x9000004F  }
0xb3: {  	s29 =	simm.s32 $0x9;
	_ =	strace $0x80000051  }
0xb4: {  	_ =	swait.ge [sflag:s29], $0x1  }
0xb5: {  	[sflag:s29] =	ssyncadd.s32 $0xFFFFFFFF  }
0xb6: {  	_ =	strace $0x90000051  }
0xb7: {  	_ =	sfence  }
0xb8: {  	s30 =	sld [smem:$0x0];
	_ =	sdelay $0x2  }
0xb9: {  	s31 =	sshll.u32 s1, $0xD;
	s1 =	sshrl.u32 s1, $0x2  }
0xba: {  	s3 =	sand.u32 $0x4000, s31;
	s1 =	sadd.s32 s1, s30  }
0xbb: {  	s0 =	sor.u32 s3, s0;
	s1 =	sshll.u32 s1, $0x11  }
0xbc: {  	s0 =	sor.u32 s1, s0  }
0xbd: {  	s0 =	sadd.s32 $0x8F2B, s0  }
0xbe: {  	[sflag:s0] =	ssyncadd.remote.s32 $0x1  }
0xbf: {  	_ =	sfence.sel $0xFFFF  }
0xc0: {  	[dreg:$0x0] =	wrdreg $0xFFFFFFFF;
	(pc) =	sbr.abs _section_cstart, $3  }
0xc1: {  	[dreg:$0x1] =	wrdreg $0xFFFFFFFF  }
0xc2: {  	_ =	task.clear_ibuf [dreg:s7], $0x2FFFF;
	_ =	strace $0x9FFFFFFF  }
0xc3: {  	(tm) =	ssettm $0x7FFFFFFF  }
tec
execute0_lowered:
.L_overlay_start_1:
0x0: {  	(tag) =	ssettag $0x1  }
0x1: {  	s0 =	srdreg.scid;
	s6 =	rddreg [dreg:$0x0]  }
0x2: {  	s7 =	rddreg [dreg:$0x1];
	s12 =	stileid.u32  }
0x3: {  	s1 =	rddreg [dreg:$0x2];
	s16 =	simm.s32 $0x7D;
	s17 =	simm.s32 $0x5000  }
0x4: {  	s19 =	simm.s32 $0x6770;
	s21 =	simm.s32 $0x7EE0;
	s23 =	simm.s32 $0x9650  }
0x5: {  	s24 =	simm.s32 $0x1;
	s25 =	simm.s32 $0x2;
	s28 =	simm.s32 $0x4  }
0x6: {  	s29 =	simm.s32 $0x4E00;
	s30 =	simm.s32 $0x4E80;
	s31 =	simm.s32 $0x4F00  }
0x7: {  	s0 =	sand.u32 $0x1, s0;
	s9 =	smul.u32 $0x7500, s12;
	s11 =	sadd.s32 $0x2A400, s6  }
0x8: {  	s26 =	sshll.u32 s12, $0x6;
	s15 =	sadd.s32 $0x75000, s1;
	p0 =	sne.s32 s12, $0x0  }
0x9: {  	s2 =	sshll.u32 s0, $0x4;
	s5 =	ssub.s32 $0x2, s0;
	s0 =	smul.u32 $0x75300, s0  }
0xa: {  	s3 =	sor.u32 s12, s2;
	s2 =	simm.s32 $0x0;
	s4 =	sshrl.u32 s9, $0x3  }
0xb: {  	s13 =	sshrl.u32 s5, $0x1;
	s14 =	sadd.s32 s9, s1;
	s8 =	smul.u32 $0x500, s3  }
0xc: {  	[smem:$0x7FF] =	sst s2;
	s3 =	sadd.s32 $0xCC00, s6;
	s4 =	sadd.s32 s4, s6  }
0xd: {  	s13 =	ssub.s32 s5, s13;
	s5 =	sor.u32 $0x1C05, s26;
	s9 =	sadd.s32 s9, s0  }
0xe: {  	s0 =	sshrl.u32 s0, $0x3;
	s12 =	sshrl.u32 s14, $0x3;
	s14 =	sshrl.u32 @!p0 s15, $0x3  }
0xf: {  	s26 =	simm.s32 $0x3;
	s15 =	simm.s32 $0x0;
	_ =	strace $0x80000050  }
0x10: {  	s4 =	sadd.s32 $0x1B800, s4;
	s9 =	sshrl.u32 s9, $0x3;
	s0 =	sadd.s32 s11, s0  }
0x11: {  	s10 =	sadd.s32 s8, s6;
	s6 =	sadd.s32 $0x2A200, s6;
	s7 =	sadd.s32 s7, s8  }
0x12: {  	s9 =	sadd.s32 s11, s9;
	s11 =	smax.u32 s13, $0x1;
	s13 =	simm.s32 $0x5  }
0x13: {  	s8 =	sadd.s32 $0x2C00, s10;
	s10 =	sadd.s32 $0xEA00, s0;
	s0 =	simm.s32 $0x4F80  }
.LBB2_1:
0x14: {  	[spmem:s12], [sflag:s5] =	dma.local [hbm:s4], $0xEA0  }
0x15: {  	_ =	swait.ge [sflag:s13], $0xEA0  }
0x16: {  	[sflag:s13] =	ssyncset.done $0x0  }
0x17: {  	s18 =	simm.s32 @!p0 $0x5;
	[sflag:s13] =	ssyncadd.s32 $0xFFFFF160  }
0x18: {  	[spmem:s14], [sflag:s5] =	dma.local @!p0 [hbm:s6], $0x60  }
0x19: {  	_ =	swait.ge @!p0 [sflag:s18], $0x60  }
0x1a: {  	[sflag:s18] =	ssyncset.done @!p0 $0x0  }
0x1b: {  	[sflag:s18] =	ssyncadd.s32 @!p0 $0xFFFFFFA0  }
0x1c: {  	[bflag:$0x0] =	sbarrier.arrive $0xFFFF  }
0x1d: {  	[tilespmem:s2], [sflag:$0x5] =	stream.linear.gather [hbm4b:s7+s2], $0x2800, $0x38;
	[tilespmem:$0x122F0] =	vst v63  }
0x1e: {  	_ =	swait.ge [sflag:s13], $0x2800  }
0x1f: {  	[sflag:s13] =	ssyncset.done $0x0  }
0x20: {  	s22 =	simm.s32 $0x2800;
	[sflag:s13] =	ssyncadd.s32 $0xFFFFD800  }
0x21: {  	[tilespmem:s22], [sflag:$0x5] =	stream.linear.gather [hbm4b:s8+s2], $0x2800, $0x38;
	[tilespmem:$0x122F0] =	vst v63  }
0x22: {  	_ =	swait.ge [sflag:s13], $0x2800  }
0x23: {  	[sflag:s13] =	ssyncset.done $0x0  }
0x24: {  	[sflag:s13] =	ssyncadd.s32 $0xFFFFD800  }
0x25: {  	[tilespmem:s17], [sflag:$0x1] =	stream.indirect.gather [hbm4b:s3+s16], $0x30, s2, s16, $0xb8;
	[tilespmem:$0x122F0] =	vst v63  }
0x26: {  	s20 =	simm.s32 $0x80  }
0x27: {  	[tilespmem:s19], [sflag:$0x2] =	stream.indirect.gather [hbm4b:s3+s16], $0x30, s20, s16, $0xb8;
	[tilespmem:$0x122F0] =	vst v63  }
0x28: {  	s22 =	simm.s32 $0x100  }
0x29: {  	[tilespmem:s21], [sflag:$0x3] =	stream.indirect.gather [hbm4b:s3+s16], $0x30, s22, s16, $0xb8;
	[tilespmem:$0x122F0] =	vst v63  }
0x2a: {  	s20 =	simm.s32 $0x180  }
0x2b: {  	[tilespmem:s23], [sflag:$0x4] =	stream.indirect.gather [hbm4b:s3+s16], $0x30, s20, s16, $0xb8;
	[tilespmem:$0x122F0] =	vst v63  }
0x2c: {  	_ =	swait.ge [sflag:s24], $0x1770  }
0x2d: {  	[sflag:s24] =	ssyncset.done $0x0  }
0x2e: {  	s22 =	simm.s32 $0x2800;
	[sflag:s24] =	ssyncadd.s32 $0xFFFFE890  }
0x2f: {  	[spmem:s1] =	stream.indirect.scatter.add.f32 [tilespmem:s17], [sflag:$0x5], $0x30, s22, s16, $0xb8;
	[tilespmem:$0x122F0] =	vst v63  }
0x30: {  	_ =	swait.ge [sflag:s13], $0x1770  }
0x31: {  	[sflag:s13] =	ssyncset.done $0x0  }
0x32: {  	s20 =	simm.s32 $0x200;
	[sflag:s13] =	ssyncadd.s32 $0xFFFFE890  }
0x33: {  	[tilespmem:s17], [sflag:$0x1] =	stream.indirect.gather [hbm4b:s3+s16], $0x30, s20, s16, $0xb8;
	[tilespmem:$0x122F0] =	vst v63  }
0x34: {  	_ =	swait.ge [sflag:s25], $0x1770  }
0x35: {  	[sflag:s25] =	ssyncset.done $0x0  }
0x36: {  	s22 =	simm.s32 $0x2880;
	[sflag:s25] =	ssyncadd.s32 $0xFFFFE890  }
0x37: {  	[spmem:s1] =	stream.indirect.scatter.add.f32 [tilespmem:s19], [sflag:$0x5], $0x30, s22, s16, $0xb8;
	[tilespmem:$0x122F0] =	vst v63  }
0x38: {  	_ =	swait.ge [sflag:s13], $0x1770  }
0x39: {  	[sflag:s13] =	ssyncset.done $0x0  }
0x3a: {  	s20 =	simm.s32 $0x280;
	[sflag:s13] =	ssyncadd.s32 $0xFFFFE890  }
0x3b: {  	[tilespmem:s19], [sflag:$0x2] =	stream.indirect.gather [hbm4b:s3+s16], $0x30, s20, s16, $0xb8;
	[tilespmem:$0x122F0] =	vst v63  }
0x3c: {  	_ =	swait.ge [sflag:s26], $0x1770  }
0x3d: {  	[sflag:s26] =	ssyncset.done $0x0  }
0x3e: {  	s22 =	simm.s32 $0x2900;
	[sflag:s26] =	ssyncadd.s32 $0xFFFFE890  }
0x3f: {  	[spmem:s1] =	stream.indirect.scatter.add.f32 [tilespmem:s21], [sflag:$0x5], $0x30, s22, s16, $0xb8;
	[tilespmem:$0x122F0] =	vst v63  }
0x40: {  	_ =	swait.ge [sflag:s13], $0x1770  }
0x41: {  	[sflag:s13] =	ssyncset.done $0x0  }
0x42: {  	s20 =	simm.s32 $0x300;
	[sflag:s13] =	ssyncadd.s32 $0xFFFFE890  }
0x43: {  	[tilespmem:s21], [sflag:$0x3] =	stream.indirect.gather [hbm4b:s3+s16], $0x30, s20, s16, $0xb8;
	[tilespmem:$0x122F0] =	vst v63  }
0x44: {  	_ =	swait.ge [sflag:s28], $0x1770  }
0x45: {  	[sflag:s28] =	ssyncset.done $0x0  }
0x46: {  	s22 =	simm.s32 $0x2980;
	[sflag:s28] =	ssyncadd.s32 $0xFFFFE890  }
0x47: {  	[spmem:s1] =	stream.indirect.scatter.add.f32 [tilespmem:s23], [sflag:$0x5], $0x30, s22, s16, $0xb8;
	[tilespmem:$0x122F0] =	vst v63  }
0x48: {  	_ =	swait.ge [sflag:s13], $0x1770  }
0x49: {  	[sflag:s13] =	ssyncset.done $0x0  }
0x4a: {  	s18 =	simm.s32 $0x800;
	s20 =	simm.s32 $0x380;
	[sflag:s13] =	ssyncadd.s32 $0xFFFFE890  }
.LBB2_2:
0x4b: {  	[tilespmem:s23], [sflag:$0x4] =	stream.indirect.gather [hbm4b:s3+s16], $0x30, s20, s16, $0xb8;
	[tilespmem:$0x122F0] =	vst v63  }
0x4c: {  	s20 =	smov.u32 s18  }
0x4d: {  	p1 =	sne.s32 s18, $0x9000;
	s18 =	sadd.s32 $0x800, s18;
	_ =	swait.ge [sflag:s24], $0x1770  }
0x4e: {  	s20 =	sshra.s32 s20, $0x2;
	[sflag:s24] =	ssyncset.done $0x0  }
0x4f: {  	s22 =	sadd.s32 $0x2800, s20;
	[sflag:s24] =	ssyncadd.s32 $0xFFFFE890  }
0x50: {  	[spmem:s1] =	stream.indirect.scatter.add.f32 [tilespmem:s17], [sflag:$0x5], $0x30, s22, s16, $0xb8;
	[tilespmem:$0x122F0] =	vst v63  }
0x51: {  	_ =	swait.ge [sflag:s13], $0x1770  }
0x52: {  	[sflag:s13] =	ssyncset.done $0x0  }
0x53: {  	s22 =	sadd.s32 $0x200, s20;
	[sflag:s13] =	ssyncadd.s32 $0xFFFFE890  }
0x54: {  	[tilespmem:s17], [sflag:$0x1] =	stream.indirect.gather [hbm4b:s3+s16], $0x30, s22, s16, $0xb8;
	[tilespmem:$0x122F0] =	vst v63  }
0x55: {  	_ =	swait.ge [sflag:s25], $0x1770  }
0x56: {  	[sflag:s25] =	ssyncset.done $0x0  }
0x57: {  	s22 =	sadd.s32 $0x2880, s20;
	[sflag:s25] =	ssyncadd.s32 $0xFFFFE890  }
0x58: {  	[spmem:s1] =	stream.indirect.scatter.add.f32 [tilespmem:s19], [sflag:$0x5], $0x30, s22, s16, $0xb8;
	[tilespmem:$0x122F0] =	vst v63  }
0x59: {  	_ =	swait.ge [sflag:s13], $0x1770  }
0x5a: {  	[sflag:s13] =	ssyncset.done $0x0  }
0x5b: {  	s22 =	sadd.s32 $0x280, s20;
	[sflag:s13] =	ssyncadd.s32 $0xFFFFE890  }
0x5c: {  	[tilespmem:s19], [sflag:$0x2] =	stream.indirect.gather [hbm4b:s3+s16], $0x30, s22, s16, $0xb8;
	[tilespmem:$0x122F0] =	vst v63  }
0x5d: {  	_ =	swait.ge [sflag:s26], $0x1770  }
0x5e: {  	[sflag:s26] =	ssyncset.done $0x0  }
0x5f: {  	s22 =	sadd.s32 $0x2900, s20;
	[sflag:s26] =	ssyncadd.s32 $0xFFFFE890  }
0x60: {  	[spmem:s1] =	stream.indirect.scatter.add.f32 [tilespmem:s21], [sflag:$0x5], $0x30, s22, s16, $0xb8;
	[tilespmem:$0x122F0] =	vst v63  }
0x61: {  	_ =	swait.ge [sflag:s13], $0x1770  }
0x62: {  	[sflag:s13] =	ssyncset.done $0x0  }
0x63: {  	s22 =	sadd.s32 $0x300, s20;
	[sflag:s13] =	ssyncadd.s32 $0xFFFFE890  }
0x64: {  	[tilespmem:s21], [sflag:$0x3] =	stream.indirect.gather [hbm4b:s3+s16], $0x30, s22, s16, $0xb8;
	[tilespmem:$0x122F0] =	vst v63  }
0x65: {  	_ =	swait.ge [sflag:s28], $0x1770  }
0x66: {  	[sflag:s28] =	ssyncset.done $0x0  }
.Ltmp0:
0x67: {  	s22 =	sadd.s32 $0x2980, s20;
	[sflag:s28] =	ssyncadd.s32 $0xFFFFE890;
	(pc) =	sbr.rel @p1 .LBB2_2-.Ltmp0, $4  }
0x68: {  	[spmem:s1] =	stream.indirect.scatter.add.f32 [tilespmem:s23], [sflag:$0x5], $0x30, s22, s16, $0xb8;
	[tilespmem:$0x122F0] =	vst v63  }
0x69: {  	_ =	swait.ge [sflag:s13], $0x1770  }
0x6a: {  	[sflag:s13] =	ssyncset.done $0x0  }
0x6b: {  	s20 =	sadd.s32 $0x380, s20;
	[sflag:s13] =	ssyncadd.s32 $0xFFFFE890  }
0x6c: {  	[tilespmem:s23], [sflag:$0x4] =	stream.indirect.gather [hbm4b:s3+s16], $0x30, s20, s16, $0xb8;
	[tilespmem:$0x122F0] =	vst v63  }
0x6d: {  	_ =	swait.ge [sflag:s24], $0x1770  }
0x6e: {  	[sflag:s24] =	ssyncset.done $0x0  }
0x6f: {  	[sflag:s24] =	ssyncadd.s32 $0xFFFFE890  }
0x70: {  	[spmem:s1] =	stream.indirect.scatter.add.f32 [tilespmem:s17], [sflag:$0x5], $0x30, s29, s16, $0xb8;
	[tilespmem:$0x122F0] =	vst v63  }
0x71: {  	_ =	swait.ge [sflag:s13], $0x1770  }
0x72: {  	[sflag:s13] =	ssyncset.done $0x0  }
0x73: {  	[sflag:s13] =	ssyncadd.s32 $0xFFFFE890  }
0x74: {  	_ =	swait.ge [sflag:s25], $0x1770  }
0x75: {  	[sflag:s25] =	ssyncset.done $0x0  }
0x76: {  	[sflag:s25] =	ssyncadd.s32 $0xFFFFE890  }
0x77: {  	[spmem:s1] =	stream.indirect.scatter.add.f32 [tilespmem:s19], [sflag:$0x5], $0x30, s30, s16, $0xb8;
	[tilespmem:$0x122F0] =	vst v63  }
0x78: {  	_ =	swait.ge [sflag:s13], $0x1770  }
0x79: {  	[sflag:s13] =	ssyncset.done $0x0  }
0x7a: {  	[sflag:s13] =	ssyncadd.s32 $0xFFFFE890  }
0x7b: {  	_ =	swait.ge [sflag:s26], $0x1770  }
0x7c: {  	[sflag:s26] =	ssyncset.done $0x0  }
0x7d: {  	[sflag:s26] =	ssyncadd.s32 $0xFFFFE890  }
0x7e: {  	[spmem:s1] =	stream.indirect.scatter.add.f32 [tilespmem:s21], [sflag:$0x5], $0x30, s31, s16, $0xb8;
	[tilespmem:$0x122F0] =	vst v63  }
0x7f: {  	_ =	swait.ge [sflag:s13], $0x1770  }
0x80: {  	[sflag:s13] =	ssyncset.done $0x0  }
0x81: {  	[sflag:s13] =	ssyncadd.s32 $0xFFFFE890  }
0x82: {  	_ =	swait.ge [sflag:s28], $0x1770  }
0x83: {  	[sflag:s28] =	ssyncset.done $0x0  }
0x84: {  	[sflag:s28] =	ssyncadd.s32 $0xFFFFE890  }
0x85: {  	[spmem:s1] =	stream.indirect.scatter.add.f32 [tilespmem:s23], [sflag:$0x5], $0x30, s0, s16, $0xb8;
	[tilespmem:$0x122F0] =	vst v63  }
0x86: {  	_ =	swait.ge [sflag:s13], $0x1770  }
0x87: {  	[sflag:s13] =	ssyncset.done $0x0  }
0x88: {  	[sflag:s13] =	ssyncadd.s32 $0xFFFFE890  }
0x89: {  	[bflag:$0x0] =	sbarrier.arrive $0xFFFF  }
0x8a: {  	[hbm:s9], [sflag:s5] =	dma.local [spmem:s12], $0xEA0  }
0x8b: {  	s15 =	sadd.s32 $0x1, s15;
	_ =	swait.ge [sflag:s13], $0xEA0  }
0x8c: {  	p1 =	sne.s32 s15, s11;
	[sflag:s13] =	ssyncset.done $0x0  }
.Ltmp1:
0x8d: {  	s18 =	simm.s32 @!p0 $0x5;
	[sflag:s13] =	ssyncadd.s32 $0xFFFFF160;
	(pc) =	sbr.rel @p1 .LBB2_1-.Ltmp1, $4  }
0x8e: {  	[hbm:s10], [sflag:s5] =	dma.local @!p0 [spmem:s14], $0x60  }
0x8f: {  	_ =	swait.ge @!p0 [sflag:s18], $0x60  }
0x90: {  	[sflag:s18] =	ssyncset.done @!p0 $0x0  }
0x91: {  	[sflag:s18] =	ssyncadd.s32 @!p0 $0xFFFFFFA0  }
0x92: {  	_ =	sfence.sel $0x180000  }
0x93: {  	[bflag:$0x0] =	sbarrier.arrive $0xFFFF  }
0x94: {  	_ =	strace $0x90000050  }
0x95: {  	[bflag:$0x2] =	sbarrier.arrive $0xFFFF  }
0x96: {  	s0 =	rddreg [dreg:$0x3]  }
0x97: {  	s0 =	sadd.s32 @!p0 $0x100000, s0  }
0x98: {  	[sflag:s0] =	ssyncadd.tile.s32 @!p0 $0x1;
	_ =	shalt  }
.Lfunc_end2:
_tile_overlayer_lowered:
.L_overlay_start_2:
0x99: {  	(tag) =	ssettag $0x2  }
0x9a: {  	s0 =	rddreg [dreg:$0x0];
	s2 =	stileid.u32  }
0x9b: {  	s1 =	rddreg [dreg:$0x1];
	p0 =	sne.s32 s2, $0x0  }
0x9c: {  	s3 =	rddreg [dreg:$0x2];
	[bflag:$0x3] =	sbarrier.arrive $0xFFFF;
	s2 =	simm.s32 @!p0 $0x1C05  }
0x9d: {  	[timem:s3], [sflag:s2] =	dma.local @!p0 [hbm:s0], s1  }
0x9e: {  	s0 =	simm.s32 @!p0 $0x5  }
0x9f: {  	_ =	swait.ge @!p0 [sflag:s0], s1  }
0xa0: {  	s1 =	ssub.s32 @!p0 $0x0, s1;
	[sflag:s0] =	ssyncset.done @!p0 $0x0  }
0xa1: {  	[sflag:s0] =	ssyncadd.s32 @!p0 s1  }
0xa2: {  	[bflag:$0x3] =	sbarrier.arrive $0xFFFF  }
0xa3: {  	_ =	shalt  }

// kernel: kernel.24.cloned.1.call-start
scs
__scs_entry_jumppad:
0x0: {  	(pc) =	sbr.rel $0x88, $3  }
0x1: {  	(tag) =	ssettag $0x0;
	lr =	simm.s32 $0x1  }
0x2: {  	[smem:$0x3F9B] =	sst lr;
	_ =	strace $0xD0000000  }
0x3: {  	_ = 	snop  }
0x4: {  	_ = 	snop  }
0x5: {  	_ = 	snop  }
0x6: {  	_ = 	snop  }
0x7: {  	_ = 	snop  }
__scs_overlays_trampoline_lowered:
0x8: {  	[smem:$0x3FAA] =	sst s0  }
0x9: {  	[smem:$0x3FAB] =	sst s1  }
0xa: {  	[smem:$0x3FAC] =	sst s2  }
0xb: {  	[smem:$0x3FAD] =	sst s3  }
0xc: {  	[smem:$0x3FAE] =	sst s4  }
0xd: {  	[smem:$0x3FAF] =	sst s5  }
0xe: {  	[smem:$0x3FB0] =	sst s6  }
0xf: {  	[smem:$0x3FB1] =	sst s7  }
0x10: {  	[smem:$0x3FB2] =	sst s8  }
0x11: {  	[smem:$0x3FB3] =	sst s9;
	s0 =	simm.s32 @!p0 $0x0  }
0x12: {  	s1 =	sld [smem:$0x3F99];
	s0 =	simm.s32 @p0 $0x1  }
0x13: {  	[smem:$0x3FB4] =	sst s0;
	s0 =	simm.s32 @!p1 $0x0  }
0x14: {  	s2 =	sld [smem:$0x3F98];
	s0 =	simm.s32 @p1 $0x1  }
0x15: {  	[smem:$0x3FB5] =	sst s0;
	s0 =	simm.s32 @!p2 $0x0  }
0x16: {  	s3 =	sld [smem:$0x3FDB];
	s0 =	simm.s32 @p2 $0x1  }
0x17: {  	s4 =	simm.s32 $0x1BF5;
	[smem:$0x3FB7] =	sst s0  }
0x18: {  	s0 =	sld [smem:$0x3F9A];
	_ =	swait.ge [sflag:s4], $0x0  }
0x19: {  	s7 =	sld [smem:$0x3F9B]  }
0x1a: {  	s8 =	sadd.s32 $0xFFFFE003, lr  }
0x1b: {  	s9 =	sadd.s32 $0xFFFFFEF7, lr;
	s5 =	simm.s32 $0xFFFFFFFF;
	p2 =	slt.u32 s8, $0xFFFFF086  }
0x1c: {  	p1 =	slt.u32 s9, $0xF7A;
	s5 =	simm.s32 @!p2 $0x0  }
0x1d: {  	s5 =	simm.s32 @p1 $0x1;
	p0 =	seq.s32 s7, s2  }
0x1e: {  	s7 =	smul.u32 @!p0 $0xF7A, s2;
	p2 =	seq.s32 @!p0 s5, $0x0  }
0x1f: {  	s9 =	smul.u32 $0xF7A, s1;
	s8 =	simm.s32 @!p0 $0x1BF5;
	p2 =	por !p2, p0  }
0x20: {  	[sflag:s8] =	ssyncset.s32 @!p0 $0xFFFFF086;
	s6 =	sadd.s32 @!p0 s3, s7;
	s7 =	simm.s32 @!p0 $0x108  }
0x21: {  	s3 =	sadd.s32 s3, s9;
	s6 =	sadd.s32 @!p0 $0x88, s6;
	s7 =	simm.s32 @p2 $0x1082  }
0x22: {  	[simem:s7], [sflag:s8] =	dma.local @!p0 [hbm:s6], $0xF7A  }
0x23: {  	s9 =	sor.u32 $0xD0000000, s2;
	s6 =	simm.s32 $0x108;
	_ =	swait.ge @!p0 [sflag:s8], $0x0  }
0x24: {  	s3 =	sadd.s32 $0x88, s3;
	s6 =	simm.s32 @!p1 $0x1082;
	[sflag:s4] =	ssyncset.s32 $0xFFFFF086  }
0x25: {  	[simem:s6], [sflag:s4] =	dma.local [hbm:s3], $0xF7A  }
0x26: {  	[smem:$0x3F9B] =	sst s1;
	(tag) =	ssettag s2;
	_ =	strace s9  }
0x27: {  	s1 =	sld [smem:$0x3FAB]  }
0x28: {  	s2 =	sld [smem:$0x3FAC]  }
0x29: {  	s4 =	sld [smem:$0x3FAE]  }
0x2a: {  	p0 =	seq.s32 s5, $0x0;
	s5 =	sld [smem:$0x3FAF]  }
0x2b: {  	s6 =	sld [smem:$0x3FB0]  }
0x2c: {  	s7 =	sld [smem:$0x3FB1]  }
0x2d: {  	s3 =	simm.s32 $0x108;
	s8 =	sld [smem:$0x3FB2]  }
0x2e: {  	s3 =	simm.s32 @!p0 $0x1082;
	s9 =	sld [smem:$0x3FB3]  }
0x2f: {  	lr =	sadd.s32 s0, s3;
	s0 =	sld [smem:$0x3FAA]  }
0x30: {  	s3 =	sld [smem:$0x3FAD]  }
0x31: {  	[smem:$0x3FB6] =	sst s10  }
0x32: {  	s10 =	sld [smem:$0x3FB4];
	_ =	sdelay $0x3  }
0x33: {  	p0 =	seq.s32 s10, $0x1;
	s10 =	sld [smem:$0x3FB6];
	_ =	sdelay $0x3  }
0x34: {  	[smem:$0x3FB6] =	sst s10  }
0x35: {  	s10 =	sld [smem:$0x3FB5];
	_ =	sdelay $0x3  }
0x36: {  	p1 =	seq.s32 s10, $0x1;
	s10 =	sld [smem:$0x3FB6];
	_ =	sdelay $0x3  }
0x37: {  	[smem:$0x3FB6] =	sst s10  }
0x38: {  	s10 =	sld [smem:$0x3FB7]  }
0x39: {  	_ = 	snop;
	(pc) =	sbr.ind lr, $3  }
0x3a: {  	_ = 	snop  }
0x3b: {  	_ = 	snop  }
0x3c: {  	p2 =	seq.s32 s10, $0x1;
	s10 =	sld [smem:$0x3FB6]  }
0x3d: {  	_ =	shalt  }
0x3e: {  	_ =	shalt  }
0x3f: {  	_ =	shalt  }
0x40: {  	_ =	shalt  }
0x41: {  	_ =	shalt  }
0x42: {  	_ =	shalt  }
0x43: {  	_ =	shalt  }
0x44: {  	_ =	shalt  }
0x45: {  	_ =	shalt  }
0x46: {  	_ =	shalt  }
0x47: {  	_ =	shalt  }
0x48: {  	_ =	shalt  }
0x49: {  	_ =	shalt  }
0x4a: {  	_ =	shalt  }
0x4b: {  	_ =	shalt  }
0x4c: {  	_ =	shalt  }
0x4d: {  	_ =	shalt  }
0x4e: {  	_ =	shalt  }
0x4f: {  	_ =	shalt  }
0x50: {  	_ =	shalt  }
0x51: {  	_ =	shalt  }
0x52: {  	_ =	shalt  }
0x53: {  	_ =	shalt  }
0x54: {  	_ =	shalt  }
0x55: {  	_ =	shalt  }
0x56: {  	_ =	shalt  }
0x57: {  	_ =	shalt  }
0x58: {  	_ =	shalt  }
0x59: {  	_ =	shalt  }
0x5a: {  	_ =	shalt  }
0x5b: {  	_ =	shalt  }
0x5c: {  	_ =	shalt  }
0x5d: {  	_ =	shalt  }
0x5e: {  	_ =	shalt  }
0x5f: {  	_ =	shalt  }
0x60: {  	_ =	shalt  }
0x61: {  	_ =	shalt  }
0x62: {  	_ =	shalt  }
0x63: {  	_ =	shalt  }
0x64: {  	_ =	shalt  }
0x65: {  	_ =	shalt  }
0x66: {  	_ =	shalt  }
0x67: {  	_ =	shalt  }
0x68: {  	_ =	shalt  }
0x69: {  	_ =	shalt  }
0x6a: {  	_ =	shalt  }
0x6b: {  	_ =	shalt  }
0x6c: {  	_ =	shalt  }
0x6d: {  	_ =	shalt  }
0x6e: {  	_ =	shalt  }
0x6f: {  	_ =	shalt  }
0x70: {  	_ =	shalt  }
0x71: {  	_ =	shalt  }
0x72: {  	_ =	shalt  }
0x73: {  	_ =	shalt  }
0x74: {  	_ =	shalt  }
0x75: {  	_ =	shalt  }
0x76: {  	_ =	shalt  }
0x77: {  	_ =	shalt  }
0x78: {  	_ =	shalt  }
0x79: {  	_ =	shalt  }
0x7a: {  	_ =	shalt  }
0x7b: {  	_ =	shalt  }
0x7c: {  	_ =	shalt  }
0x7d: {  	_ =	shalt  }
0x7e: {  	_ =	shalt  }
0x7f: {  	_ =	shalt  }
0x80: {  	_ =	shalt  }
0x81: {  	_ =	shalt  }
0x82: {  	_ =	shalt  }
0x83: {  	_ =	shalt  }
0x84: {  	_ =	shalt  }
0x85: {  	_ =	shalt  }
0x86: {  	_ =	shalt  }
0x87: {  	_ =	shalt  }
.Lfunc_end0:
.L_simem_size_0:
called_computation.4_lowered:
.L_overlay_start_0:
0x88: {  	s2 =	sld [smem:$0x3FD9]  }
0x89: {  	s3 =	sld [smem:$0x3FFE];
	_ =	sdelay $0x1  }
0x8a: {  	s1 =	srdreg.scid  }
0x8b: {  	s0 =	sand.u32 $0x1, s1  }
0x8c: {  	s17 =	sshll.u32 s0, $0xA;
	s2 =	sadd.s32 s3, s2  }
0x8d: {  	s2 =	sadd.s32 s2, s17  }
0x8e: {  	[smem:$0x3FC2] =	sst s2  }
0x8f: {  	_ = 	snop  }
0x90: {  	s2 =	sld [smem:$0x3FD0];
	(tm) =	ssettm $0x1  }
0x91: {  	s18 =	sld [smem:$0x3FFB];
	_ =	sdelay $0x3  }
0x92: {  	_ =	strace s18  }
0x93: {  	s3 =	sld [smem:$0x3FFC];
	_ =	sdelay $0x3  }
0x94: {  	_ =	strace s3  }
0x95: {  	s3 =	sld [smem:$0x3FFD];
	_ =	sdelay $0x3  }
0x96: {  	_ =	strace s3  }
0x97: {  	_ =	strace $0x8FFFFFFF  }
0x98: {  	s19 =	sld [smem:$0x3FDB];
	_ =	sdelay $0x1  }
0x99: {  	s4 =	simm.s32 $_scs_section_size  }
0x9a: {  	s5 =	simm.s32 $_size__tile_overlayer_lowered;
	s6 =	simm.s32 $_tile_overlayer_lowered  }
0x9b: {  	s22 =	simm.s32 $0x1BFF;
	s21 =	sshll.u32 s6, $0x1;
	s3 =	sadd.s32 s4, s19  }
0x9c: {  	s7 =	simm.s32 $0x0;
	s20 =	sshll.u32 s5, $0x1;
	s5 =	sadd.s32 s21, s3  }
0x9d: {  	[timem:s7], [sflag:s22] =	dma.local [hbm:s5], s20  }
0x9e: {  	_ =	swait.ge [sflag:s22], s20  }
0x9f: {  	s4 =	ssub.s32 $0x0, s20;
	[sflag:s22] =	ssyncset.done $0x0  }
0xa0: {  	[sflag:s22] =	ssyncadd.s32 s4;
	_ =	sdelay $0x1  }
0xa1: {  	s23 =	simm.s32 $0x1B8B  }
0xa2: {  	_ =	swait.ge [sflag:s23], $0x1  }
0xa3: {  	[sflag:s23] =	ssyncset.done $0x0  }
0xa4: {  	s25 =	simm.s32 $0x1B8E;
	s24 =	sld [smem:$0x3FFE];
	[sflag:s23] =	ssyncadd.s32 $0xFFFFFFFF  }
0xa5: {  	s26 =	simm.s32 $execute0_lowered;
	[smem:$0x3FD2] =	sst s25  }
0xa6: {  	s5 =	sshll.u32 s26, $0x1;
	_ =	strace $0x80000052;
	[dreg:$0x1] =	wrdreg $0xFFFFFFFF  }
0xa7: {  	s28 =	simm.s32 $_size_execute0_lowered;
	s3 =	sadd.s32 s3, s5;
	[dreg:$0x0] =	wrdreg $0x0  }
0xa8: {  	s5 =	sshll.u32 s28, $0x1;
	[dreg:$0x2] =	wrdreg s3  }
0xa9: {  	[dreg:$0x3] =	wrdreg s5  }
0xaa: {  	[dreg:$0x4] =	wrdreg $0xC0  }
0xab: {  	_ =	task [dreg:s7], $0x5FFFF  }
0xac: {  	[dreg:$0x1] =	wrdreg $0xFFFFFFFF  }
0xad: {  	[dreg:$0x0] =	wrdreg $0x60  }
0xae: {  	[dreg:$0x2] =	wrdreg s24  }
0xaf: {  	[dreg:$0x3] =	wrdreg s2  }
0xb0: {  	[dreg:$0x4] =	wrdreg $0xADC00  }
0xb1: {  	[dreg:$0x5] =	wrdreg $0x9  }
0xb2: {  	_ =	task.clear_ibuf [dreg:s7], $0x6FFFF;
	_ =	strace $0x90000052  }
0xb3: {  	s29 =	simm.s32 $0x9;
	_ =	strace $0x80000054  }
0xb4: {  	_ =	swait.ge [sflag:s29], $0x1  }
0xb5: {  	[sflag:s29] =	ssyncadd.s32 $0xFFFFFFFF  }
0xb6: {  	_ =	strace $0x90000054  }
0xb7: {  	_ =	sfence  }
0xb8: {  	s30 =	sld [smem:$0x0];
	_ =	sdelay $0x2  }
0xb9: {  	s31 =	sshll.u32 s1, $0xD;
	s1 =	sshrl.u32 s1, $0x2  }
0xba: {  	s3 =	sand.u32 $0x4000, s31;
	s1 =	sadd.s32 s1, s30  }
0xbb: {  	s0 =	sor.u32 s3, s0;
	s1 =	sshll.u32 s1, $0x11  }
0xbc: {  	s0 =	sor.u32 s1, s0  }
0xbd: {  	s0 =	sadd.s32 $0x8F2B, s0  }
0xbe: {  	[sflag:s0] =	ssyncadd.remote.s32 $0x1  }
0xbf: {  	_ =	sfence.sel $0xFFFF  }
0xc0: {  	[dreg:$0x0] =	wrdreg $0xFFFFFFFF;
	(pc) =	sbr.abs _section_cstart, $3  }
0xc1: {  	[dreg:$0x1] =	wrdreg $0xFFFFFFFF  }
0xc2: {  	_ =	task.clear_ibuf [dreg:s7], $0x2FFFF;
	_ =	strace $0x9FFFFFFF  }
0xc3: {  	(tm) =	ssettm $0x7FFFFFFF  }
tec
execute0_lowered:
.L_overlay_start_1:
0x0: {  	(tag) =	ssettag $0x1  }
0x1: {  	s0 =	srdreg.scid;
	s6 =	rddreg [dreg:$0x0]  }
0x2: {  	s8 =	rddreg [dreg:$0x1];
	s12 =	stileid.u32  }
0x3: {  	s1 =	rddreg [dreg:$0x2];
	s17 =	simm.s32 $0x5000;
	s19 =	simm.s32 $0x6770  }
0x4: {  	s21 =	simm.s32 $0x7EE0;
	s23 =	simm.s32 $0x9650;
	s24 =	simm.s32 $0x1  }
0x5: {  	s28 =	simm.s32 $0x4;
	s29 =	simm.s32 $0x4E00;
	s30 =	simm.s32 $0x4E80  }
0x6: {  	s31 =	simm.s32 $0x4F00;
	s0 =	sand.u32 $0x1, s0;
	s7 =	smul.u32 $0x7500, s12  }
0x7: {  	s11 =	sadd.s32 $0x2A400, s6;
	s25 =	sshll.u32 s12, $0x6;
	s15 =	sadd.s32 $0x75000, s1  }
0x8: {  	p0 =	sne.s32 s12, $0x0;
	s2 =	sshll.u32 s0, $0x4;
	s5 =	ssub.s32 $0x2, s0  }
0x9: {  	s0 =	smul.u32 $0x75300, s0;
	s3 =	sor.u32 s12, s2;
	s2 =	simm.s32 $0x0  }
0xa: {  	s4 =	sshrl.u32 s7, $0x3;
	s13 =	sshrl.u32 s5, $0x1;
	s14 =	sadd.s32 s7, s1  }
0xb: {  	s9 =	smul.u32 $0x500, s3;
	[smem:$0x7FF] =	sst s2;
	s3 =	sadd.s32 $0xCC00, s6  }
0xc: {  	s4 =	sadd.s32 s4, s6;
	s13 =	ssub.s32 s5, s13;
	s5 =	sor.u32 $0x1C05, s25  }
0xd: {  	s16 =	sadd.s32 s7, s0;
	s0 =	sshrl.u32 s0, $0x3;
	s12 =	sshrl.u32 s14, $0x3  }
0xe: {  	s14 =	sshrl.u32 @!p0 s15, $0x3;
	s25 =	simm.s32 $0x2;
	s15 =	simm.s32 $0x0  }
0xf: {  	_ =	strace $0x80000053;
	s4 =	sadd.s32 $0x1B800, s4;
	s26 =	sshrl.u32 s16, $0x3  }
0x10: {  	s0 =	sadd.s32 s11, s0;
	s16 =	simm.s32 $0x7D;
	s10 =	sadd.s32 s9, s6  }
0x11: {  	s6 =	sadd.s32 $0x2A200, s6;
	s8 =	sadd.s32 s8, s9;
	s9 =	sadd.s32 s11, s26  }
0x12: {  	s11 =	smax.u32 s13, $0x1;
	s13 =	simm.s32 $0x5;
	s26 =	simm.s32 $0x3  }
0x13: {  	s7 =	sadd.s32 $0x2C00, s10;
	s10 =	sadd.s32 $0xEA00, s0;
	s0 =	simm.s32 $0x4F80  }
.LBB2_1:
0x14: {  	[spmem:s12], [sflag:s5] =	dma.local [hbm:s4], $0xEA0  }
0x15: {  	_ =	swait.ge [sflag:s13], $0xEA0  }
0x16: {  	[sflag:s13] =	ssyncset.done $0x0  }
0x17: {  	s18 =	simm.s32 @!p0 $0x5;
	[sflag:s13] =	ssyncadd.s32 $0xFFFFF160  }
0x18: {  	[spmem:s14], [sflag:s5] =	dma.local @!p0 [hbm:s6], $0x60  }
0x19: {  	_ =	swait.ge @!p0 [sflag:s18], $0x60  }
0x1a: {  	[sflag:s18] =	ssyncset.done @!p0 $0x0  }
0x1b: {  	[sflag:s18] =	ssyncadd.s32 @!p0 $0xFFFFFFA0  }
0x1c: {  	[bflag:$0x0] =	sbarrier.arrive $0xFFFF  }
0x1d: {  	[tilespmem:s2], [sflag:$0x5] =	stream.linear.gather [hbm4b:s7+s2], $0x2800, $0x38;
	[tilespmem:$0x122F0] =	vst v63  }
0x1e: {  	_ =	swait.ge [sflag:s13], $0x2800  }
0x1f: {  	[sflag:s13] =	ssyncset.done $0x0  }
0x20: {  	s22 =	simm.s32 $0x2800;
	[sflag:s13] =	ssyncadd.s32 $0xFFFFD800  }
0x21: {  	[tilespmem:s22], [sflag:$0x5] =	stream.linear.gather [hbm4b:s8+s2], $0x2800, $0x38;
	[tilespmem:$0x122F0] =	vst v63  }
0x22: {  	_ =	swait.ge [sflag:s13], $0x2800  }
0x23: {  	[sflag:s13] =	ssyncset.done $0x0  }
0x24: {  	[sflag:s13] =	ssyncadd.s32 $0xFFFFD800  }
0x25: {  	[tilespmem:s17], [sflag:$0x1] =	stream.indirect.gather [hbm4b:s3+s16], $0x30, s2, s16, $0xb8;
	[tilespmem:$0x122F0] =	vst v63  }
0x26: {  	s20 =	simm.s32 $0x80  }
0x27: {  	[tilespmem:s19], [sflag:$0x2] =	stream.indirect.gather [hbm4b:s3+s16], $0x30, s20, s16, $0xb8;
	[tilespmem:$0x122F0] =	vst v63  }
0x28: {  	s22 =	simm.s32 $0x100  }
0x29: {  	[tilespmem:s21], [sflag:$0x3] =	stream.indirect.gather [hbm4b:s3+s16], $0x30, s22, s16, $0xb8;
	[tilespmem:$0x122F0] =	vst v63  }
0x2a: {  	s20 =	simm.s32 $0x180  }
0x2b: {  	[tilespmem:s23], [sflag:$0x4] =	stream.indirect.gather [hbm4b:s3+s16], $0x30, s20, s16, $0xb8;
	[tilespmem:$0x122F0] =	vst v63  }
0x2c: {  	_ =	swait.ge [sflag:s24], $0x1770  }
0x2d: {  	[sflag:s24] =	ssyncset.done $0x0  }
0x2e: {  	s22 =	simm.s32 $0x2800;
	[sflag:s24] =	ssyncadd.s32 $0xFFFFE890  }
0x2f: {  	[spmem:s1] =	stream.indirect.scatter.add.f32 [tilespmem:s17], [sflag:$0x5], $0x30, s22, s16, $0xb8;
	[tilespmem:$0x122F0] =	vst v63  }
0x30: {  	_ =	swait.ge [sflag:s13], $0x1770  }
0x31: {  	[sflag:s13] =	ssyncset.done $0x0  }
0x32: {  	s20 =	simm.s32 $0x200;
	[sflag:s13] =	ssyncadd.s32 $0xFFFFE890  }
0x33: {  	[tilespmem:s17], [sflag:$0x1] =	stream.indirect.gather [hbm4b:s3+s16], $0x30, s20, s16, $0xb8;
	[tilespmem:$0x122F0] =	vst v63  }
0x34: {  	_ =	swait.ge [sflag:s25], $0x1770  }
0x35: {  	[sflag:s25] =	ssyncset.done $0x0  }
0x36: {  	s22 =	simm.s32 $0x2880;
	[sflag:s25] =	ssyncadd.s32 $0xFFFFE890  }
0x37: {  	[spmem:s1] =	stream.indirect.scatter.add.f32 [tilespmem:s19], [sflag:$0x5], $0x30, s22, s16, $0xb8;
	[tilespmem:$0x122F0] =	vst v63  }
0x38: {  	_ =	swait.ge [sflag:s13], $0x1770  }
0x39: {  	[sflag:s13] =	ssyncset.done $0x0  }
0x3a: {  	s20 =	simm.s32 $0x280;
	[sflag:s13] =	ssyncadd.s32 $0xFFFFE890  }
0x3b: {  	[tilespmem:s19], [sflag:$0x2] =	stream.indirect.gather [hbm4b:s3+s16], $0x30, s20, s16, $0xb8;
	[tilespmem:$0x122F0] =	vst v63  }
0x3c: {  	_ =	swait.ge [sflag:s26], $0x1770  }
0x3d: {  	[sflag:s26] =	ssyncset.done $0x0  }
0x3e: {  	s22 =	simm.s32 $0x2900;
	[sflag:s26] =	ssyncadd.s32 $0xFFFFE890  }
0x3f: {  	[spmem:s1] =	stream.indirect.scatter.add.f32 [tilespmem:s21], [sflag:$0x5], $0x30, s22, s16, $0xb8;
	[tilespmem:$0x122F0] =	vst v63  }
0x40: {  	_ =	swait.ge [sflag:s13], $0x1770  }
0x41: {  	[sflag:s13] =	ssyncset.done $0x0  }
0x42: {  	s20 =	simm.s32 $0x300;
	[sflag:s13] =	ssyncadd.s32 $0xFFFFE890  }
0x43: {  	[tilespmem:s21], [sflag:$0x3] =	stream.indirect.gather [hbm4b:s3+s16], $0x30, s20, s16, $0xb8;
	[tilespmem:$0x122F0] =	vst v63  }
0x44: {  	_ =	swait.ge [sflag:s28], $0x1770  }
0x45: {  	[sflag:s28] =	ssyncset.done $0x0  }
0x46: {  	s22 =	simm.s32 $0x2980;
	[sflag:s28] =	ssyncadd.s32 $0xFFFFE890  }
0x47: {  	[spmem:s1] =	stream.indirect.scatter.add.f32 [tilespmem:s23], [sflag:$0x5], $0x30, s22, s16, $0xb8;
	[tilespmem:$0x122F0] =	vst v63  }
0x48: {  	_ =	swait.ge [sflag:s13], $0x1770  }
0x49: {  	[sflag:s13] =	ssyncset.done $0x0  }
0x4a: {  	s18 =	simm.s32 $0x800;
	s20 =	simm.s32 $0x380;
	[sflag:s13] =	ssyncadd.s32 $0xFFFFE890  }
.LBB2_2:
0x4b: {  	[tilespmem:s23], [sflag:$0x4] =	stream.indirect.gather [hbm4b:s3+s16], $0x30, s20, s16, $0xb8;
	[tilespmem:$0x122F0] =	vst v63  }
0x4c: {  	s20 =	smov.u32 s18  }
0x4d: {  	p1 =	sne.s32 s18, $0x9000;
	s18 =	sadd.s32 $0x800, s18;
	_ =	swait.ge [sflag:s24], $0x1770  }
0x4e: {  	s20 =	sshra.s32 s20, $0x2;
	[sflag:s24] =	ssyncset.done $0x0  }
0x4f: {  	s22 =	sadd.s32 $0x2800, s20;
	[sflag:s24] =	ssyncadd.s32 $0xFFFFE890  }
0x50: {  	[spmem:s1] =	stream.indirect.scatter.add.f32 [tilespmem:s17], [sflag:$0x5], $0x30, s22, s16, $0xb8;
	[tilespmem:$0x122F0] =	vst v63  }
0x51: {  	_ =	swait.ge [sflag:s13], $0x1770  }
0x52: {  	[sflag:s13] =	ssyncset.done $0x0  }
0x53: {  	s22 =	sadd.s32 $0x200, s20;
	[sflag:s13] =	ssyncadd.s32 $0xFFFFE890  }
0x54: {  	[tilespmem:s17], [sflag:$0x1] =	stream.indirect.gather [hbm4b:s3+s16], $0x30, s22, s16, $0xb8;
	[tilespmem:$0x122F0] =	vst v63  }
0x55: {  	_ =	swait.ge [sflag:s25], $0x1770  }
0x56: {  	[sflag:s25] =	ssyncset.done $0x0  }
0x57: {  	s22 =	sadd.s32 $0x2880, s20;
	[sflag:s25] =	ssyncadd.s32 $0xFFFFE890  }
0x58: {  	[spmem:s1] =	stream.indirect.scatter.add.f32 [tilespmem:s19], [sflag:$0x5], $0x30, s22, s16, $0xb8;
	[tilespmem:$0x122F0] =	vst v63  }
0x59: {  	_ =	swait.ge [sflag:s13], $0x1770  }
0x5a: {  	[sflag:s13] =	ssyncset.done $0x0  }
0x5b: {  	s22 =	sadd.s32 $0x280, s20;
	[sflag:s13] =	ssyncadd.s32 $0xFFFFE890  }
0x5c: {  	[tilespmem:s19], [sflag:$0x2] =	stream.indirect.gather [hbm4b:s3+s16], $0x30, s22, s16, $0xb8;
	[tilespmem:$0x122F0] =	vst v63  }
0x5d: {  	_ =	swait.ge [sflag:s26], $0x1770  }
0x5e: {  	[sflag:s26] =	ssyncset.done $0x0  }
0x5f: {  	s22 =	sadd.s32 $0x2900, s20;
	[sflag:s26] =	ssyncadd.s32 $0xFFFFE890  }
0x60: {  	[spmem:s1] =	stream.indirect.scatter.add.f32 [tilespmem:s21], [sflag:$0x5], $0x30, s22, s16, $0xb8;
	[tilespmem:$0x122F0] =	vst v63  }
0x61: {  	_ =	swait.ge [sflag:s13], $0x1770  }
0x62: {  	[sflag:s13] =	ssyncset.done $0x0  }
0x63: {  	s22 =	sadd.s32 $0x300, s20;
	[sflag:s13] =	ssyncadd.s32 $0xFFFFE890  }
0x64: {  	[tilespmem:s21], [sflag:$0x3] =	stream.indirect.gather [hbm4b:s3+s16], $0x30, s22, s16, $0xb8;
	[tilespmem:$0x122F0] =	vst v63  }
0x65: {  	_ =	swait.ge [sflag:s28], $0x1770  }
0x66: {  	[sflag:s28] =	ssyncset.done $0x0  }
.Ltmp0:
0x67: {  	s22 =	sadd.s32 $0x2980, s20;
	[sflag:s28] =	ssyncadd.s32 $0xFFFFE890;
	(pc) =	sbr.rel @p1 .LBB2_2-.Ltmp0, $4  }
0x68: {  	[spmem:s1] =	stream.indirect.scatter.add.f32 [tilespmem:s23], [sflag:$0x5], $0x30, s22, s16, $0xb8;
	[tilespmem:$0x122F0] =	vst v63  }
0x69: {  	_ =	swait.ge [sflag:s13], $0x1770  }
0x6a: {  	[sflag:s13] =	ssyncset.done $0x0  }
0x6b: {  	s20 =	sadd.s32 $0x380, s20;
	[sflag:s13] =	ssyncadd.s32 $0xFFFFE890  }
0x6c: {  	[tilespmem:s23], [sflag:$0x4] =	stream.indirect.gather [hbm4b:s3+s16], $0x30, s20, s16, $0xb8;
	[tilespmem:$0x122F0] =	vst v63  }
0x6d: {  	_ =	swait.ge [sflag:s24], $0x1770  }
0x6e: {  	[sflag:s24] =	ssyncset.done $0x0  }
0x6f: {  	[sflag:s24] =	ssyncadd.s32 $0xFFFFE890  }
0x70: {  	[spmem:s1] =	stream.indirect.scatter.add.f32 [tilespmem:s17], [sflag:$0x5], $0x30, s29, s16, $0xb8;
	[tilespmem:$0x122F0] =	vst v63  }
0x71: {  	_ =	swait.ge [sflag:s13], $0x1770  }
0x72: {  	[sflag:s13] =	ssyncset.done $0x0  }
0x73: {  	[sflag:s13] =	ssyncadd.s32 $0xFFFFE890  }
0x74: {  	_ =	swait.ge [sflag:s25], $0x1770  }
0x75: {  	[sflag:s25] =	ssyncset.done $0x0  }
0x76: {  	[sflag:s25] =	ssyncadd.s32 $0xFFFFE890  }
0x77: {  	[spmem:s1] =	stream.indirect.scatter.add.f32 [tilespmem:s19], [sflag:$0x5], $0x30, s30, s16, $0xb8;
	[tilespmem:$0x122F0] =	vst v63  }
0x78: {  	_ =	swait.ge [sflag:s13], $0x1770  }
0x79: {  	[sflag:s13] =	ssyncset.done $0x0  }
0x7a: {  	[sflag:s13] =	ssyncadd.s32 $0xFFFFE890  }
0x7b: {  	_ =	swait.ge [sflag:s26], $0x1770  }
0x7c: {  	[sflag:s26] =	ssyncset.done $0x0  }
0x7d: {  	[sflag:s26] =	ssyncadd.s32 $0xFFFFE890  }
0x7e: {  	[spmem:s1] =	stream.indirect.scatter.add.f32 [tilespmem:s21], [sflag:$0x5], $0x30, s31, s16, $0xb8;
	[tilespmem:$0x122F0] =	vst v63  }
0x7f: {  	_ =	swait.ge [sflag:s13], $0x1770  }
0x80: {  	[sflag:s13] =	ssyncset.done $0x0  }
0x81: {  	[sflag:s13] =	ssyncadd.s32 $0xFFFFE890  }
0x82: {  	_ =	swait.ge [sflag:s28], $0x1770  }
0x83: {  	[sflag:s28] =	ssyncset.done $0x0  }
0x84: {  	[sflag:s28] =	ssyncadd.s32 $0xFFFFE890  }
0x85: {  	[spmem:s1] =	stream.indirect.scatter.add.f32 [tilespmem:s23], [sflag:$0x5], $0x30, s0, s16, $0xb8;
	[tilespmem:$0x122F0] =	vst v63  }
0x86: {  	_ =	swait.ge [sflag:s13], $0x1770  }
0x87: {  	[sflag:s13] =	ssyncset.done $0x0  }
0x88: {  	[sflag:s13] =	ssyncadd.s32 $0xFFFFE890  }
0x89: {  	[bflag:$0x0] =	sbarrier.arrive $0xFFFF  }
0x8a: {  	[hbm:s9], [sflag:s5] =	dma.local [spmem:s12], $0xEA0  }
0x8b: {  	s15 =	sadd.s32 $0x1, s15;
	_ =	swait.ge [sflag:s13], $0xEA0  }
0x8c: {  	p1 =	sne.s32 s15, s11;
	[sflag:s13] =	ssyncset.done $0x0  }
.Ltmp1:
0x8d: {  	s18 =	simm.s32 @!p0 $0x5;
	[sflag:s13] =	ssyncadd.s32 $0xFFFFF160;
	(pc) =	sbr.rel @p1 .LBB2_1-.Ltmp1, $4  }
0x8e: {  	[hbm:s10], [sflag:s5] =	dma.local @!p0 [spmem:s14], $0x60  }
0x8f: {  	_ =	swait.ge @!p0 [sflag:s18], $0x60  }
0x90: {  	[sflag:s18] =	ssyncset.done @!p0 $0x0  }
0x91: {  	[sflag:s18] =	ssyncadd.s32 @!p0 $0xFFFFFFA0  }
0x92: {  	_ =	sfence.sel $0x180000  }
0x93: {  	[bflag:$0x0] =	sbarrier.arrive $0xFFFF  }
0x94: {  	_ =	strace $0x90000053  }
0x95: {  	[bflag:$0x2] =	sbarrier.arrive $0xFFFF  }
0x96: {  	s0 =	rddreg [dreg:$0x3]  }
0x97: {  	s0 =	sadd.s32 @!p0 $0x100000, s0  }
0x98: {  	[sflag:s0] =	ssyncadd.tile.s32 @!p0 $0x1;
	_ =	shalt  }
.Lfunc_end2:
_tile_overlayer_lowered:
.L_overlay_start_2:
0x99: {  	(tag) =	ssettag $0x2  }
0x9a: {  	s0 =	rddreg [dreg:$0x0];
	s2 =	stileid.u32  }
0x9b: {  	s1 =	rddreg [dreg:$0x1];
	p0 =	sne.s32 s2, $0x0  }
0x9c: {  	s3 =	rddreg [dreg:$0x2];
	[bflag:$0x3] =	sbarrier.arrive $0xFFFF;
	s2 =	simm.s32 @!p0 $0x1C05  }
0x9d: {  	[timem:s3], [sflag:s2] =	dma.local @!p0 [hbm:s0], s1  }
0x9e: {  	s0 =	simm.s32 @!p0 $0x5  }
0x9f: {  	_ =	swait.ge @!p0 [sflag:s0], s1  }
0xa0: {  	s1 =	ssub.s32 @!p0 $0x0, s1;
	[sflag:s0] =	ssyncset.done @!p0 $0x0  }
0xa1: {  	[sflag:s0] =	ssyncadd.s32 @!p0 s1  }
0xa2: {  	[bflag:$0x3] =	sbarrier.arrive $0xFFFF  }
0xa3: {  	_ =	shalt  }

</sc_bundles>
